<compile_context>
chip_gen: v7x
topology: tpu7x:2x2x1
jax: 0.10.2.dev20260603
libtpu: 0.0.44.dev20260713+nightly
codegen_flags: <defaults>
</compile_context>

<pallas_src>
import functools

import jax
import jax.numpy as jnp
from jax import lax
from jax.experimental import pallas as pl
from jax.experimental.pallas import tpu as pltpu
from jax.experimental.pallas import tpu_sc as plsc

_B = 1024
_D = 64
_VOC = 1000
_VPAD = 1024
_W = 50
_C = 20
_TOK = _W * _C

_NC = 2
_NS = 16
_L = 16
_NW = _NC * _NS
_RPW = _B // _NW
_GRP = _RPW // _L

_mesh = plsc.VectorSubcoreMesh(core_axis_name="c", subcore_axis_name="s")


def _tr(x_ref, o_ref):
    o_ref[0] = x_ref[0].T


@functools.partial(
    pl.kernel,
    mesh=_mesh,
    out_type=jax.ShapeDtypeStruct((_B, _VPAD), jnp.float32),
    scratch_types=[
        pltpu.VMEM((_C, _RPW, _W), jnp.int32),
        pltpu.VMEM((_RPW, _VPAD), jnp.float32),
        pltpu.SemaphoreType.DMA,
    ],
    compiler_params=pltpu.CompilerParams(needs_layout_passes=False),
)
def _hist(xc_hbm, counts_hbm, idx_v, counts_v, sem):
    wid = lax.axis_index("s") * _NC + lax.axis_index("c")
    rbase = wid * _RPW
    in_dma = pltpu.async_copy(xc_hbm.at[:, pl.ds(rbase, _RPW), :], idx_v, sem)

    lane = lax.iota(jnp.int32, _L)
    zeros = jnp.zeros((_L,), jnp.float32)
    ones = jnp.ones((_L,), jnp.float32)
    rows = [lane + g * _L for g in range(_GRP)]

    @plsc.parallel_loop(0, (_RPW * _VPAD) // _L, unroll=8)
    def _zero(i):
        counts_v[i >> 6, pl.ds((i & 63) * _L, _L)] = zeros

    in_dma.wait()

    for c in range(_C):
        cvec = jnp.full((_L,), c, jnp.int32)

        @plsc.parallel_loop(0, _W, unroll=5)
        def _scat(w):
            wvec = jnp.broadcast_to(w, (_L,))
            for g in range(_GRP):
                vals = plsc.load_gather(idx_v, [cvec, rows[g], wvec])
                plsc.addupdate_scatter(counts_v, [rows[g], vals], ones)

    pltpu.sync_copy(counts_v, counts_hbm.at[pl.ds(rbase, _RPW)])


def _mmT(e_ref, c_ref, o_ref):
    o_ref[...] = lax.dot_general(
        e_ref[...], c_ref[:, :_VOC], (((1,), (1,)), ((), ())),
        preferred_element_type=jnp.float32,
    ) * (1.0 / _TOK)


_BM = 256


def kernel(word_pos, x, unused1, x_char, unused2, embedding_weight):
    xt = x_char.transpose(2, 1, 0)
    xcb = pl.pallas_call(
        _tr,
        grid=(_C,),
        in_specs=[pl.BlockSpec((1, _W, _B), lambda i: (i, 0, 0))],
        out_specs=pl.BlockSpec((1, _B, _W), lambda i: (i, 0, 0)),
        out_shape=jax.ShapeDtypeStruct((_C, _B, _W), jnp.int32),
    )(xt)
    counts = _hist(xcb)
    et = embedding_weight.T
    out_t = pl.pallas_call(
        _mmT,
        grid=(_B // _BM,),
        in_specs=[
            pl.BlockSpec((_D, _VOC), lambda i: (0, 0)),
            pl.BlockSpec((_BM, _VPAD), lambda i: (i, 0)),
        ],
        out_specs=pl.BlockSpec((_D, _BM), lambda i: (0, i)),
        out_shape=jax.ShapeDtypeStruct((_D, _B), jnp.float32),
    )(et, counts)
    return out_t.T

# --- scband reference (transcript-rebuilt; emitter-appended) ---
"""Pipeline reference for scband-model-simple-char-emb-77902116815337 (READ-ONLY COPY).

The authoritative reference and input builder live on the scoring server;
editing this copy changes nothing except your own understanding.
"""

import jax, jax.numpy as jnp
import numpy as np

EMB_DIM = 64
CHAR_VOC = 1000
B, W, C = 1024, 50, 20

def setup_inputs(seed: int = 0) -> dict:
    key = jax.random.key(seed)
    k1, k2, k3, k4, k5, k6 = jax.random.split(key, 6)
    word_pos = jax.random.randint(k1, (B, W), 0, 50, dtype=jnp.int64 if jax.config.read('jax_enable_x64') else jnp.int32)
    x = jax.random.randint(k2, (B, W), 0, CHAR_VOC, dtype=jnp.int32)
    unused1 = jax.random.randint(k3, (B, W), 0, 2, dtype=jnp.int32)
    x_char = jax.random.randint(k4, (B, W, C), 0, CHAR_VOC, dtype=jnp.int32)
    unused2 = jax.random.randint(k5, (B, W), 0, 2, dtype=jnp.int32)
    # learned parameter: embedding table, N(0,1) like nn.Embedding default
    embedding_weight = jax.random.normal(k6, (CHAR_VOC, EMB_DIM), dtype=jnp.float32)
    return {
        'word_pos': word_pos,
        'x': x,
        'unused1': unused1,
        'x_char': x_char,
        'unused2': unused2,
        'embedding_weight': embedding_weight,
    }

def reference(word_pos, x, unused1, x_char, unused2, embedding_weight):
    # src = (word_pos, x, _, x_char, _); only x_char is used
    char_emb = jnp.take(embedding_weight, x_char, axis=0)          # [B, W, C, D]
    char_emb = char_emb.reshape(char_emb.shape[0], -1, EMB_DIM)    # [B, W*C, D]
    cboc = jnp.mean(char_emb, axis=1)                              # [B, D]
    # dropout in eval mode -> identity
    return cboc

if False:  # reference __main__ guard neutralized (emitter)
    inp = setup_inputs()
    out = reference(**inp)
    print(out.shape, out.dtype)

if __name__ == "__main__":
    import jax
    _d = setup_inputs()
    print(jax.jit(kernel)(*tuple(_d.values())))

</pallas_src>

<mosaic_0001>
#map = affine_map<(d0, d1) -> (0, 0, 0)>
#map1 = affine_map<(d0, d1) -> (0, 0)>
module attributes {stable_mosaic.version = 14 : i64} {
  func.func @_hist(%arg0: i32, %arg1: i32, %arg2: memref<20x1024x50xi32, #tpu.memory_space<hbm>>, %arg3: memref<1024x1024xf32, #tpu.memory_space<hbm>>, %arg4: memref<20x32x50xi32, #tpu.memory_space<vmem>>, %arg5: memref<32x1024xf32, #tpu.memory_space<vmem>>, %arg6: memref<!tpu.dma_semaphore, #tpu.memory_space<semaphore_mem>>) attributes {dimension_semantics = [#tpu.dimension_semantics<core_parallel>, #tpu.dimension_semantics<subcore_parallel>], iteration_bounds = array<i64: 2, 16>, scalar_prefetch = 0 : i64, scratch_operands = 3 : i64, tpu.core_type = #tpu.core_type<sc_vector_subcore>, window_params = [{transform_indices = #map}, {transform_indices = #map1}]} {
    %mul3A = arith.constant 2 : i32
    %mul3A_0 = arith.muli %arg1, %mul3A : i32
    %add3A = arith.addi %mul3A_0, %arg0 : i32
    %mul3A_1 = arith.constant 32 : i32
    %mul3A_2 = arith.muli %add3A, %mul3A_1 : i32
    %dma_start3A = arith.constant 0 : i32
    %dma_start3A_3 = arith.constant 0 : i32
    %dma_start3A_4 = tpu.memref_slice %arg2[%dma_start3A, %mul3A_2, %dma_start3A_3] : memref<20x1024x50xi32, #tpu.memory_space<hbm>> -> memref<20x32x50xi32, #tpu.memory_space<hbm>>
    %dma_start3A_5 = arith.constant 0 : i32
    %dma_start3A_6 = arith.constant 0 : i32
    %dma_start3A_7 = tpu.memref_slice %arg2[%dma_start3A_5, %mul3A_2, %dma_start3A_6] : memref<20x1024x50xi32, #tpu.memory_space<hbm>> -> memref<20x32x50xi32, #tpu.memory_space<hbm>>
    tpu.enqueue_dma source(%dma_start3A_7 : memref<20x32x50xi32, #tpu.memory_space<hbm>>) target(%arg4 : memref<20x32x50xi32, #tpu.memory_space<vmem>>) target_semaphore(%arg6 : memref<!tpu.dma_semaphore, #tpu.memory_space<semaphore_mem>>)
    %iota3A = tpu.iota {dimensions = array<i32: 0>} : vector<16xi32>
    %broadcast_in_dim3A = arith.constant 0.000000e+00 : f32
    %broadcast_in_dim3A_8 = vector.broadcast %broadcast_in_dim3A : f32 to vector<16xf32>
    %broadcast_in_dim3A_9 = arith.constant 1.000000e+00 : f32
    %broadcast_in_dim3A_10 = vector.broadcast %broadcast_in_dim3A_9 : f32 to vector<16xf32>
    %add3A_11 = arith.constant 0 : i32
    %add3A_12 = vector.broadcast %add3A_11 : i32 to vector<16xi32>
    %add3A_13 = arith.addi %iota3A, %add3A_12 : vector<16xi32>
    %add3A_14 = arith.constant 16 : i32
    %add3A_15 = vector.broadcast %add3A_14 : i32 to vector<16xi32>
    %add3A_16 = arith.addi %iota3A, %add3A_15 : vector<16xi32>
    %parallel_loop3A = arith.constant 0 : i32
    %parallel_loop3A_17 = arith.constant 2048 : i32
    %parallel_loop3A_18 = arith.constant 1 : i32
    scf.for %parallel_loop3A_124 = %parallel_loop3A to %parallel_loop3A_17 step %parallel_loop3A_18  : i32 {
      %parallel_loop3A_125 = arith.constant 6 : i32
      %parallel_loop3A_126 = arith.shrsi %parallel_loop3A_124, %parallel_loop3A_125 : i32
      %parallel_loop3A_127 = arith.constant 63 : i32
      %parallel_loop3A_128 = arith.andi %parallel_loop3A_124, %parallel_loop3A_127 : i32
      %parallel_loop3A_129 = arith.constant 16 : i32
      %parallel_loop3A_130 = arith.muli %parallel_loop3A_128, %parallel_loop3A_129 : i32
      %parallel_loop3A_131 = arith.index_cast %parallel_loop3A_126 : i32 to index
      %parallel_loop3A_132 = arith.index_cast %parallel_loop3A_130 : i32 to index
      %parallel_loop3A_133 = tpu.vector_load %arg5[%parallel_loop3A_131, %parallel_loop3A_132] {strides = array<i32>} : memref<32x1024xf32, #tpu.memory_space<vmem>>, vector<16xf32>,
      tpu.vector_store %arg5[%parallel_loop3A_131, %parallel_loop3A_132], %broadcast_in_dim3A_8 {strides = array<i32>} : memref<32x1024xf32, #tpu.memory_space<vmem>>, vector<16xf32>,
    } {sc.loop_unroll_factor = 8 : i64, sc.parallel_access}
    %dma_wait3A = arith.constant 0 : i32
    %dma_wait3A_19 = arith.constant 0 : i32
    %dma_wait3A_20 = tpu.memref_slice %arg2[%dma_wait3A, %mul3A_2, %dma_wait3A_19] : memref<20x1024x50xi32, #tpu.memory_space<hbm>> -> memref<20x32x50xi32, #tpu.memory_space<hbm>>
    %dma_wait3A_21 = arith.constant 0 : i32
    %dma_wait3A_22 = arith.constant 0 : i32
    %dma_wait3A_23 = tpu.memref_slice %arg2[%dma_wait3A_21, %mul3A_2, %dma_wait3A_22] : memref<20x1024x50xi32, #tpu.memory_space<hbm>> -> memref<20x32x50xi32, #tpu.memory_space<hbm>>
    tpu.wait_dma2 semaphore(%arg6 : memref<!tpu.dma_semaphore, #tpu.memory_space<semaphore_mem>>) src(%dma_wait3A_23 : memref<20x32x50xi32, #tpu.memory_space<hbm>>) dst(%arg4 : memref<20x32x50xi32, #tpu.memory_space<vmem>>)
    %broadcast_in_dim3A_24 = arith.constant 0 : i32
    %broadcast_in_dim3A_25 = vector.broadcast %broadcast_in_dim3A_24 : i32 to vector<16xi32>
    %parallel_loop3A_26 = arith.constant 0 : i32
    %parallel_loop3A_27 = arith.constant 50 : i32
    %parallel_loop3A_28 = arith.constant 1 : i32
    scf.for %parallel_loop3A_124 = %parallel_loop3A_26 to %parallel_loop3A_27 step %parallel_loop3A_28  : i32 {
      %parallel_loop3A_125 = vector.broadcast %parallel_loop3A_124 : i32 to vector<16xi32>
      %parallel_loop3A_126 = tpu.vector_load_idx %arg4[%broadcast_in_dim3A_25, %add3A_13, %parallel_loop3A_125] : memref<20x32x50xi32, #tpu.memory_space<vmem>>[vector<16xi32>, vector<16xi32>, vector<16xi32>], vector<16xi32>,
      tpu.vector_store_idx %arg5[%add3A_13, %parallel_loop3A_126], %broadcast_in_dim3A_10 {add = true} : memref<32x1024xf32, #tpu.memory_space<vmem>>[vector<16xi32>, vector<16xi32>], vector<16xf32>,
      %parallel_loop3A_127 = tpu.vector_load_idx %arg4[%broadcast_in_dim3A_25, %add3A_16, %parallel_loop3A_125] : memref<20x32x50xi32, #tpu.memory_space<vmem>>[vector<16xi32>, vector<16xi32>, vector<16xi32>], vector<16xi32>,
      tpu.vector_store_idx %arg5[%add3A_16, %parallel_loop3A_127], %broadcast_in_dim3A_10 {add = true} : memref<32x1024xf32, #tpu.memory_space<vmem>>[vector<16xi32>, vector<16xi32>], vector<16xf32>,
    } {sc.loop_unroll_factor = 5 : i64, sc.parallel_access}
    %broadcast_in_dim3A_29 = arith.constant 1 : i32
    %broadcast_in_dim3A_30 = vector.broadcast %broadcast_in_dim3A_29 : i32 to vector<16xi32>
    %parallel_loop3A_31 = arith.constant 0 : i32
    %parallel_loop3A_32 = arith.constant 50 : i32
    %parallel_loop3A_33 = arith.constant 1 : i32
    scf.for %parallel_loop3A_124 = %parallel_loop3A_31 to %parallel_loop3A_32 step %parallel_loop3A_33  : i32 {
      %parallel_loop3A_125 = vector.broadcast %parallel_loop3A_124 : i32 to vector<16xi32>
      %parallel_loop3A_126 = tpu.vector_load_idx %arg4[%broadcast_in_dim3A_30, %add3A_13, %parallel_loop3A_125] : memref<20x32x50xi32, #tpu.memory_space<vmem>>[vector<16xi32>, vector<16xi32>, vector<16xi32>], vector<16xi32>,
      tpu.vector_store_idx %arg5[%add3A_13, %parallel_loop3A_126], %broadcast_in_dim3A_10 {add = true} : memref<32x1024xf32, #tpu.memory_space<vmem>>[vector<16xi32>, vector<16xi32>], vector<16xf32>,
      %parallel_loop3A_127 = tpu.vector_load_idx %arg4[%broadcast_in_dim3A_30, %add3A_16, %parallel_loop3A_125] : memref<20x32x50xi32, #tpu.memory_space<vmem>>[vector<16xi32>, vector<16xi32>, vector<16xi32>], vector<16xi32>,
      tpu.vector_store_idx %arg5[%add3A_16, %parallel_loop3A_127], %broadcast_in_dim3A_10 {add = true} : memref<32x1024xf32, #tpu.memory_space<vmem>>[vector<16xi32>, vector<16xi32>], vector<16xf32>,
    } {sc.loop_unroll_factor = 5 : i64, sc.parallel_access}
    %broadcast_in_dim3A_34 = arith.constant 2 : i32
    %broadcast_in_dim3A_35 = vector.broadcast %broadcast_in_dim3A_34 : i32 to vector<16xi32>
    %parallel_loop3A_36 = arith.constant 0 : i32
    %parallel_loop3A_37 = arith.constant 50 : i32
    %parallel_loop3A_38 = arith.constant 1 : i32
    scf.for %parallel_loop3A_124 = %parallel_loop3A_36 to %parallel_loop3A_37 step %parallel_loop3A_38  : i32 {
      %parallel_loop3A_125 = vector.broadcast %parallel_loop3A_124 : i32 to vector<16xi32>
      %parallel_loop3A_126 = tpu.vector_load_idx %arg4[%broadcast_in_dim3A_35, %add3A_13, %parallel_loop3A_125] : memref<20x32x50xi32, #tpu.memory_space<vmem>>[vector<16xi32>, vector<16xi32>, vector<16xi32>], vector<16xi32>,
      tpu.vector_store_idx %arg5[%add3A_13, %parallel_loop3A_126], %broadcast_in_dim3A_10 {add = true} : memref<32x1024xf32, #tpu.memory_space<vmem>>[vector<16xi32>, vector<16xi32>], vector<16xf32>,
      %parallel_loop3A_127 = tpu.vector_load_idx %arg4[%broadcast_in_dim3A_35, %add3A_16, %parallel_loop3A_125] : memref<20x32x50xi32, #tpu.memory_space<vmem>>[vector<16xi32>, vector<16xi32>, vector<16xi32>], vector<16xi32>,
      tpu.vector_store_idx %arg5[%add3A_16, %parallel_loop3A_127], %broadcast_in_dim3A_10 {add = true} : memref<32x1024xf32, #tpu.memory_space<vmem>>[vector<16xi32>, vector<16xi32>], vector<16xf32>,
    } {sc.loop_unroll_factor = 5 : i64, sc.parallel_access}
    %broadcast_in_dim3A_39 = arith.constant 3 : i32
    %broadcast_in_dim3A_40 = vector.broadcast %broadcast_in_dim3A_39 : i32 to vector<16xi32>
    %parallel_loop3A_41 = arith.constant 0 : i32
    %parallel_loop3A_42 = arith.constant 50 : i32
    %parallel_loop3A_43 = arith.constant 1 : i32
    scf.for %parallel_loop3A_124 = %parallel_loop3A_41 to %parallel_loop3A_42 step %parallel_loop3A_43  : i32 {
      %parallel_loop3A_125 = vector.broadcast %parallel_loop3A_124 : i32 to vector<16xi32>
      %parallel_loop3A_126 = tpu.vector_load_idx %arg4[%broadcast_in_dim3A_40, %add3A_13, %parallel_loop3A_125] : memref<20x32x50xi32, #tpu.memory_space<vmem>>[vector<16xi32>, vector<16xi32>, vector<16xi32>], vector<16xi32>,
      tpu.vector_store_idx %arg5[%add3A_13, %parallel_loop3A_126], %broadcast_in_dim3A_10 {add = true} : memref<32x1024xf32, #tpu.memory_space<vmem>>[vector<16xi32>, vector<16xi32>], vector<16xf32>,
      %parallel_loop3A_127 = tpu.vector_load_idx %arg4[%broadcast_in_dim3A_40, %add3A_16, %parallel_loop3A_125] : memref<20x32x50xi32, #tpu.memory_space<vmem>>[vector<16xi32>, vector<16xi32>, vector<16xi32>], vector<16xi32>,
      tpu.vector_store_idx %arg5[%add3A_16, %parallel_loop3A_127], %broadcast_in_dim3A_10 {add = true} : memref<32x1024xf32, #tpu.memory_space<vmem>>[vector<16xi32>, vector<16xi32>], vector<16xf32>,
    } {sc.loop_unroll_factor = 5 : i64, sc.parallel_access}
    %broadcast_in_dim3A_44 = arith.constant 4 : i32
    %broadcast_in_dim3A_45 = vector.broadcast %broadcast_in_dim3A_44 : i32 to vector<16xi32>
    %parallel_loop3A_46 = arith.constant 0 : i32
    %parallel_loop3A_47 = arith.constant 50 : i32
    %parallel_loop3A_48 = arith.constant 1 : i32
    scf.for %parallel_loop3A_124 = %parallel_loop3A_46 to %parallel_loop3A_47 step %parallel_loop3A_48  : i32 {
      %parallel_loop3A_125 = vector.broadcast %parallel_loop3A_124 : i32 to vector<16xi32>
      %parallel_loop3A_126 = tpu.vector_load_idx %arg4[%broadcast_in_dim3A_45, %add3A_13, %parallel_loop3A_125] : memref<20x32x50xi32, #tpu.memory_space<vmem>>[vector<16xi32>, vector<16xi32>, vector<16xi32>], vector<16xi32>,
      tpu.vector_store_idx %arg5[%add3A_13, %parallel_loop3A_126], %broadcast_in_dim3A_10 {add = true} : memref<32x1024xf32, #tpu.memory_space<vmem>>[vector<16xi32>, vector<16xi32>], vector<16xf32>,
      %parallel_loop3A_127 = tpu.vector_load_idx %arg4[%broadcast_in_dim3A_45, %add3A_16, %parallel_loop3A_125] : memref<20x32x50xi32, #tpu.memory_space<vmem>>[vector<16xi32>, vector<16xi32>, vector<16xi32>], vector<16xi32>,
      tpu.vector_store_idx %arg5[%add3A_16, %parallel_loop3A_127], %broadcast_in_dim3A_10 {add = true} : memref<32x1024xf32, #tpu.memory_space<vmem>>[vector<16xi32>, vector<16xi32>], vector<16xf32>,
    } {sc.loop_unroll_factor = 5 : i64, sc.parallel_access}
    %broadcast_in_dim3A_49 = arith.constant 5 : i32
    %broadcast_in_dim3A_50 = vector.broadcast %broadcast_in_dim3A_49 : i32 to vector<16xi32>
    %parallel_loop3A_51 = arith.constant 0 : i32
    %parallel_loop3A_52 = arith.constant 50 : i32
    %parallel_loop3A_53 = arith.constant 1 : i32
    scf.for %parallel_loop3A_124 = %parallel_loop3A_51 to %parallel_loop3A_52 step %parallel_loop3A_53  : i32 {
      %parallel_loop3A_125 = vector.broadcast %parallel_loop3A_124 : i32 to vector<16xi32>
      %parallel_loop3A_126 = tpu.vector_load_idx %arg4[%broadcast_in_dim3A_50, %add3A_13, %parallel_loop3A_125] : memref<20x32x50xi32, #tpu.memory_space<vmem>>[vector<16xi32>, vector<16xi32>, vector<16xi32>], vector<16xi32>,
      tpu.vector_store_idx %arg5[%add3A_13, %parallel_loop3A_126], %broadcast_in_dim3A_10 {add = true} : memref<32x1024xf32, #tpu.memory_space<vmem>>[vector<16xi32>, vector<16xi32>], vector<16xf32>,
      %parallel_loop3A_127 = tpu.vector_load_idx %arg4[%broadcast_in_dim3A_50, %add3A_16, %parallel_loop3A_125] : memref<20x32x50xi32, #tpu.memory_space<vmem>>[vector<16xi32>, vector<16xi32>, vector<16xi32>], vector<16xi32>,
      tpu.vector_store_idx %arg5[%add3A_16, %parallel_loop3A_127], %broadcast_in_dim3A_10 {add = true} : memref<32x1024xf32, #tpu.memory_space<vmem>>[vector<16xi32>, vector<16xi32>], vector<16xf32>,
    } {sc.loop_unroll_factor = 5 : i64, sc.parallel_access}
    %broadcast_in_dim3A_54 = arith.constant 6 : i32
    %broadcast_in_dim3A_55 = vector.broadcast %broadcast_in_dim3A_54 : i32 to vector<16xi32>
    %parallel_loop3A_56 = arith.constant 0 : i32
    %parallel_loop3A_57 = arith.constant 50 : i32
    %parallel_loop3A_58 = arith.constant 1 : i32
    scf.for %parallel_loop3A_124 = %parallel_loop3A_56 to %parallel_loop3A_57 step %parallel_loop3A_58  : i32 {
      %parallel_loop3A_125 = vector.broadcast %parallel_loop3A_124 : i32 to vector<16xi32>
      %parallel_loop3A_126 = tpu.vector_load_idx %arg4[%broadcast_in_dim3A_55, %add3A_13, %parallel_loop3A_125] : memref<20x32x50xi32, #tpu.memory_space<vmem>>[vector<16xi32>, vector<16xi32>, vector<16xi32>], vector<16xi32>,
      tpu.vector_store_idx %arg5[%add3A_13, %parallel_loop3A_126], %broadcast_in_dim3A_10 {add = true} : memref<32x1024xf32, #tpu.memory_space<vmem>>[vector<16xi32>, vector<16xi32>], vector<16xf32>,
      %parallel_loop3A_127 = tpu.vector_load_idx %arg4[%broadcast_in_dim3A_55, %add3A_16, %parallel_loop3A_125] : memref<20x32x50xi32, #tpu.memory_space<vmem>>[vector<16xi32>, vector<16xi32>, vector<16xi32>], vector<16xi32>,
      tpu.vector_store_idx %arg5[%add3A_16, %parallel_loop3A_127], %broadcast_in_dim3A_10 {add = true} : memref<32x1024xf32, #tpu.memory_space<vmem>>[vector<16xi32>, vector<16xi32>], vector<16xf32>,
    } {sc.loop_unroll_factor = 5 : i64, sc.parallel_access}
    %broadcast_in_dim3A_59 = arith.constant 7 : i32
    %broadcast_in_dim3A_60 = vector.broadcast %broadcast_in_dim3A_59 : i32 to vector<16xi32>
    %parallel_loop3A_61 = arith.constant 0 : i32
    %parallel_loop3A_62 = arith.constant 50 : i32
    %parallel_loop3A_63 = arith.constant 1 : i32
    scf.for %parallel_loop3A_124 = %parallel_loop3A_61 to %parallel_loop3A_62 step %parallel_loop3A_63  : i32 {
      %parallel_loop3A_125 = vector.broadcast %parallel_loop3A_124 : i32 to vector<16xi32>
      %parallel_loop3A_126 = tpu.vector_load_idx %arg4[%broadcast_in_dim3A_60, %add3A_13, %parallel_loop3A_125] : memref<20x32x50xi32, #tpu.memory_space<vmem>>[vector<16xi32>, vector<16xi32>, vector<16xi32>], vector<16xi32>,
      tpu.vector_store_idx %arg5[%add3A_13, %parallel_loop3A_126], %broadcast_in_dim3A_10 {add = true} : memref<32x1024xf32, #tpu.memory_space<vmem>>[vector<16xi32>, vector<16xi32>], vector<16xf32>,
      %parallel_loop3A_127 = tpu.vector_load_idx %arg4[%broadcast_in_dim3A_60, %add3A_16, %parallel_loop3A_125] : memref<20x32x50xi32, #tpu.memory_space<vmem>>[vector<16xi32>, vector<16xi32>, vector<16xi32>], vector<16xi32>,
      tpu.vector_store_idx %arg5[%add3A_16, %parallel_loop3A_127], %broadcast_in_dim3A_10 {add = true} : memref<32x1024xf32, #tpu.memory_space<vmem>>[vector<16xi32>, vector<16xi32>], vector<16xf32>,
    } {sc.loop_unroll_factor = 5 : i64, sc.parallel_access}
    %broadcast_in_dim3A_64 = arith.constant 8 : i32
    %broadcast_in_dim3A_65 = vector.broadcast %broadcast_in_dim3A_64 : i32 to vector<16xi32>
    %parallel_loop3A_66 = arith.constant 0 : i32
    %parallel_loop3A_67 = arith.constant 50 : i32
    %parallel_loop3A_68 = arith.constant 1 : i32
    scf.for %parallel_loop3A_124 = %parallel_loop3A_66 to %parallel_loop3A_67 step %parallel_loop3A_68  : i32 {
      %parallel_loop3A_125 = vector.broadcast %parallel_loop3A_124 : i32 to vector<16xi32>
      %parallel_loop3A_126 = tpu.vector_load_idx %arg4[%broadcast_in_dim3A_65, %add3A_13, %parallel_loop3A_125] : memref<20x32x50xi32, #tpu.memory_space<vmem>>[vector<16xi32>, vector<16xi32>, vector<16xi32>], vector<16xi32>,
      tpu.vector_store_idx %arg5[%add3A_13, %parallel_loop3A_126], %broadcast_in_dim3A_10 {add = true} : memref<32x1024xf32, #tpu.memory_space<vmem>>[vector<16xi32>, vector<16xi32>], vector<16xf32>,
      %parallel_loop3A_127 = tpu.vector_load_idx %arg4[%broadcast_in_dim3A_65, %add3A_16, %parallel_loop3A_125] : memref<20x32x50xi32, #tpu.memory_space<vmem>>[vector<16xi32>, vector<16xi32>, vector<16xi32>], vector<16xi32>,
      tpu.vector_store_idx %arg5[%add3A_16, %parallel_loop3A_127], %broadcast_in_dim3A_10 {add = true} : memref<32x1024xf32, #tpu.memory_space<vmem>>[vector<16xi32>, vector<16xi32>], vector<16xf32>,
    } {sc.loop_unroll_factor = 5 : i64, sc.parallel_access}
    %broadcast_in_dim3A_69 = arith.constant 9 : i32
    %broadcast_in_dim3A_70 = vector.broadcast %broadcast_in_dim3A_69 : i32 to vector<16xi32>
    %parallel_loop3A_71 = arith.constant 0 : i32
    %parallel_loop3A_72 = arith.constant 50 : i32
    %parallel_loop3A_73 = arith.constant 1 : i32
    scf.for %parallel_loop3A_124 = %parallel_loop3A_71 to %parallel_loop3A_72 step %parallel_loop3A_73  : i32 {
      %parallel_loop3A_125 = vector.broadcast %parallel_loop3A_124 : i32 to vector<16xi32>
      %parallel_loop3A_126 = tpu.vector_load_idx %arg4[%broadcast_in_dim3A_70, %add3A_13, %parallel_loop3A_125] : memref<20x32x50xi32, #tpu.memory_space<vmem>>[vector<16xi32>, vector<16xi32>, vector<16xi32>], vector<16xi32>,
      tpu.vector_store_idx %arg5[%add3A_13, %parallel_loop3A_126], %broadcast_in_dim3A_10 {add = true} : memref<32x1024xf32, #tpu.memory_space<vmem>>[vector<16xi32>, vector<16xi32>], vector<16xf32>,
      %parallel_loop3A_127 = tpu.vector_load_idx %arg4[%broadcast_in_dim3A_70, %add3A_16, %parallel_loop3A_125] : memref<20x32x50xi32, #tpu.memory_space<vmem>>[vector<16xi32>, vector<16xi32>, vector<16xi32>], vector<16xi32>,
      tpu.vector_store_idx %arg5[%add3A_16, %parallel_loop3A_127], %broadcast_in_dim3A_10 {add = true} : memref<32x1024xf32, #tpu.memory_space<vmem>>[vector<16xi32>, vector<16xi32>], vector<16xf32>,
    } {sc.loop_unroll_factor = 5 : i64, sc.parallel_access}
    %broadcast_in_dim3A_74 = arith.constant 10 : i32
    %broadcast_in_dim3A_75 = vector.broadcast %broadcast_in_dim3A_74 : i32 to vector<16xi32>
    %parallel_loop3A_76 = arith.constant 0 : i32
    %parallel_loop3A_77 = arith.constant 50 : i32
    %parallel_loop3A_78 = arith.constant 1 : i32
    scf.for %parallel_loop3A_124 = %parallel_loop3A_76 to %parallel_loop3A_77 step %parallel_loop3A_78  : i32 {
      %parallel_loop3A_125 = vector.broadcast %parallel_loop3A_124 : i32 to vector<16xi32>
      %parallel_loop3A_126 = tpu.vector_load_idx %arg4[%broadcast_in_dim3A_75, %add3A_13, %parallel_loop3A_125] : memref<20x32x50xi32, #tpu.memory_space<vmem>>[vector<16xi32>, vector<16xi32>, vector<16xi32>], vector<16xi32>,
      tpu.vector_store_idx %arg5[%add3A_13, %parallel_loop3A_126], %broadcast_in_dim3A_10 {add = true} : memref<32x1024xf32, #tpu.memory_space<vmem>>[vector<16xi32>, vector<16xi32>], vector<16xf32>,
      %parallel_loop3A_127 = tpu.vector_load_idx %arg4[%broadcast_in_dim3A_75, %add3A_16, %parallel_loop3A_125] : memref<20x32x50xi32, #tpu.memory_space<vmem>>[vector<16xi32>, vector<16xi32>, vector<16xi32>], vector<16xi32>,
      tpu.vector_store_idx %arg5[%add3A_16, %parallel_loop3A_127], %broadcast_in_dim3A_10 {add = true} : memref<32x1024xf32, #tpu.memory_space<vmem>>[vector<16xi32>, vector<16xi32>], vector<16xf32>,
    } {sc.loop_unroll_factor = 5 : i64, sc.parallel_access}
    %broadcast_in_dim3A_79 = arith.constant 11 : i32
    %broadcast_in_dim3A_80 = vector.broadcast %broadcast_in_dim3A_79 : i32 to vector<16xi32>
    %parallel_loop3A_81 = arith.constant 0 : i32
    %parallel_loop3A_82 = arith.constant 50 : i32
    %parallel_loop3A_83 = arith.constant 1 : i32
    scf.for %parallel_loop3A_124 = %parallel_loop3A_81 to %parallel_loop3A_82 step %parallel_loop3A_83  : i32 {
      %parallel_loop3A_125 = vector.broadcast %parallel_loop3A_124 : i32 to vector<16xi32>
      %parallel_loop3A_126 = tpu.vector_load_idx %arg4[%broadcast_in_dim3A_80, %add3A_13, %parallel_loop3A_125] : memref<20x32x50xi32, #tpu.memory_space<vmem>>[vector<16xi32>, vector<16xi32>, vector<16xi32>], vector<16xi32>,
      tpu.vector_store_idx %arg5[%add3A_13, %parallel_loop3A_126], %broadcast_in_dim3A_10 {add = true} : memref<32x1024xf32, #tpu.memory_space<vmem>>[vector<16xi32>, vector<16xi32>], vector<16xf32>,
      %parallel_loop3A_127 = tpu.vector_load_idx %arg4[%broadcast_in_dim3A_80, %add3A_16, %parallel_loop3A_125] : memref<20x32x50xi32, #tpu.memory_space<vmem>>[vector<16xi32>, vector<16xi32>, vector<16xi32>], vector<16xi32>,
      tpu.vector_store_idx %arg5[%add3A_16, %parallel_loop3A_127], %broadcast_in_dim3A_10 {add = true} : memref<32x1024xf32, #tpu.memory_space<vmem>>[vector<16xi32>, vector<16xi32>], vector<16xf32>,
    } {sc.loop_unroll_factor = 5 : i64, sc.parallel_access}
    %broadcast_in_dim3A_84 = arith.constant 12 : i32
    %broadcast_in_dim3A_85 = vector.broadcast %broadcast_in_dim3A_84 : i32 to vector<16xi32>
    %parallel_loop3A_86 = arith.constant 0 : i32
    %parallel_loop3A_87 = arith.constant 50 : i32
    %parallel_loop3A_88 = arith.constant 1 : i32
    scf.for %parallel_loop3A_124 = %parallel_loop3A_86 to %parallel_loop3A_87 step %parallel_loop3A_88  : i32 {
      %parallel_loop3A_125 = vector.broadcast %parallel_loop3A_124 : i32 to vector<16xi32>
      %parallel_loop3A_126 = tpu.vector_load_idx %arg4[%broadcast_in_dim3A_85, %add3A_13, %parallel_loop3A_125] : memref<20x32x50xi32, #tpu.memory_space<vmem>>[vector<16xi32>, vector<16xi32>, vector<16xi32>], vector<16xi32>,
      tpu.vector_store_idx %arg5[%add3A_13, %parallel_loop3A_126], %broadcast_in_dim3A_10 {add = true} : memref<32x1024xf32, #tpu.memory_space<vmem>>[vector<16xi32>, vector<16xi32>], vector<16xf32>,
      %parallel_loop3A_127 = tpu.vector_load_idx %arg4[%broadcast_in_dim3A_85, %add3A_16, %parallel_loop3A_125] : memref<20x32x50xi32, #tpu.memory_space<vmem>>[vector<16xi32>, vector<16xi32>, vector<16xi32>], vector<16xi32>,
      tpu.vector_store_idx %arg5[%add3A_16, %parallel_loop3A_127], %broadcast_in_dim3A_10 {add = true} : memref<32x1024xf32, #tpu.memory_space<vmem>>[vector<16xi32>, vector<16xi32>], vector<16xf32>,
    } {sc.loop_unroll_factor = 5 : i64, sc.parallel_access}
    %broadcast_in_dim3A_89 = arith.constant 13 : i32
    %broadcast_in_dim3A_90 = vector.broadcast %broadcast_in_dim3A_89 : i32 to vector<16xi32>
    %parallel_loop3A_91 = arith.constant 0 : i32
    %parallel_loop3A_92 = arith.constant 50 : i32
    %parallel_loop3A_93 = arith.constant 1 : i32
    scf.for %parallel_loop3A_124 = %parallel_loop3A_91 to %parallel_loop3A_92 step %parallel_loop3A_93  : i32 {
      %parallel_loop3A_125 = vector.broadcast %parallel_loop3A_124 : i32 to vector<16xi32>
      %parallel_loop3A_126 = tpu.vector_load_idx %arg4[%broadcast_in_dim3A_90, %add3A_13, %parallel_loop3A_125] : memref<20x32x50xi32, #tpu.memory_space<vmem>>[vector<16xi32>, vector<16xi32>, vector<16xi32>], vector<16xi32>,
      tpu.vector_store_idx %arg5[%add3A_13, %parallel_loop3A_126], %broadcast_in_dim3A_10 {add = true} : memref<32x1024xf32, #tpu.memory_space<vmem>>[vector<16xi32>, vector<16xi32>], vector<16xf32>,
      %parallel_loop3A_127 = tpu.vector_load_idx %arg4[%broadcast_in_dim3A_90, %add3A_16, %parallel_loop3A_125] : memref<20x32x50xi32, #tpu.memory_space<vmem>>[vector<16xi32>, vector<16xi32>, vector<16xi32>], vector<16xi32>,
      tpu.vector_store_idx %arg5[%add3A_16, %parallel_loop3A_127], %broadcast_in_dim3A_10 {add = true} : memref<32x1024xf32, #tpu.memory_space<vmem>>[vector<16xi32>, vector<16xi32>], vector<16xf32>,
    } {sc.loop_unroll_factor = 5 : i64, sc.parallel_access}
    %broadcast_in_dim3A_94 = arith.constant 14 : i32
    %broadcast_in_dim3A_95 = vector.broadcast %broadcast_in_dim3A_94 : i32 to vector<16xi32>
    %parallel_loop3A_96 = arith.constant 0 : i32
    %parallel_loop3A_97 = arith.constant 50 : i32
    %parallel_loop3A_98 = arith.constant 1 : i32
    scf.for %parallel_loop3A_124 = %parallel_loop3A_96 to %parallel_loop3A_97 step %parallel_loop3A_98  : i32 {
      %parallel_loop3A_125 = vector.broadcast %parallel_loop3A_124 : i32 to vector<16xi32>
      %parallel_loop3A_126 = tpu.vector_load_idx %arg4[%broadcast_in_dim3A_95, %add3A_13, %parallel_loop3A_125] : memref<20x32x50xi32, #tpu.memory_space<vmem>>[vector<16xi32>, vector<16xi32>, vector<16xi32>], vector<16xi32>,
      tpu.vector_store_idx %arg5[%add3A_13, %parallel_loop3A_126], %broadcast_in_dim3A_10 {add = true} : memref<32x1024xf32, #tpu.memory_space<vmem>>[vector<16xi32>, vector<16xi32>], vector<16xf32>,
      %parallel_loop3A_127 = tpu.vector_load_idx %arg4[%broadcast_in_dim3A_95, %add3A_16, %parallel_loop3A_125] : memref<20x32x50xi32, #tpu.memory_space<vmem>>[vector<16xi32>, vector<16xi32>, vector<16xi32>], vector<16xi32>,
      tpu.vector_store_idx %arg5[%add3A_16, %parallel_loop3A_127], %broadcast_in_dim3A_10 {add = true} : memref<32x1024xf32, #tpu.memory_space<vmem>>[vector<16xi32>, vector<16xi32>], vector<16xf32>,
    } {sc.loop_unroll_factor = 5 : i64, sc.parallel_access}
    %broadcast_in_dim3A_99 = arith.constant 15 : i32
    %broadcast_in_dim3A_100 = vector.broadcast %broadcast_in_dim3A_99 : i32 to vector<16xi32>
    %parallel_loop3A_101 = arith.constant 0 : i32
    %parallel_loop3A_102 = arith.constant 50 : i32
    %parallel_loop3A_103 = arith.constant 1 : i32
    scf.for %parallel_loop3A_124 = %parallel_loop3A_101 to %parallel_loop3A_102 step %parallel_loop3A_103  : i32 {
      %parallel_loop3A_125 = vector.broadcast %parallel_loop3A_124 : i32 to vector<16xi32>
      %parallel_loop3A_126 = tpu.vector_load_idx %arg4[%broadcast_in_dim3A_100, %add3A_13, %parallel_loop3A_125] : memref<20x32x50xi32, #tpu.memory_space<vmem>>[vector<16xi32>, vector<16xi32>, vector<16xi32>], vector<16xi32>,
      tpu.vector_store_idx %arg5[%add3A_13, %parallel_loop3A_126], %broadcast_in_dim3A_10 {add = true} : memref<32x1024xf32, #tpu.memory_space<vmem>>[vector<16xi32>, vector<16xi32>], vector<16xf32>,
      %parallel_loop3A_127 = tpu.vector_load_idx %arg4[%broadcast_in_dim3A_100, %add3A_16, %parallel_loop3A_125] : memref<20x32x50xi32, #tpu.memory_space<vmem>>[vector<16xi32>, vector<16xi32>, vector<16xi32>], vector<16xi32>,
      tpu.vector_store_idx %arg5[%add3A_16, %parallel_loop3A_127], %broadcast_in_dim3A_10 {add = true} : memref<32x1024xf32, #tpu.memory_space<vmem>>[vector<16xi32>, vector<16xi32>], vector<16xf32>,
    } {sc.loop_unroll_factor = 5 : i64, sc.parallel_access}
    %broadcast_in_dim3A_104 = arith.constant 16 : i32
    %broadcast_in_dim3A_105 = vector.broadcast %broadcast_in_dim3A_104 : i32 to vector<16xi32>
    %parallel_loop3A_106 = arith.constant 0 : i32
    %parallel_loop3A_107 = arith.constant 50 : i32
    %parallel_loop3A_108 = arith.constant 1 : i32
    scf.for %parallel_loop3A_124 = %parallel_loop3A_106 to %parallel_loop3A_107 step %parallel_loop3A_108  : i32 {
      %parallel_loop3A_125 = vector.broadcast %parallel_loop3A_124 : i32 to vector<16xi32>
      %parallel_loop3A_126 = tpu.vector_load_idx %arg4[%broadcast_in_dim3A_105, %add3A_13, %parallel_loop3A_125] : memref<20x32x50xi32, #tpu.memory_space<vmem>>[vector<16xi32>, vector<16xi32>, vector<16xi32>], vector<16xi32>,
      tpu.vector_store_idx %arg5[%add3A_13, %parallel_loop3A_126], %broadcast_in_dim3A_10 {add = true} : memref<32x1024xf32, #tpu.memory_space<vmem>>[vector<16xi32>, vector<16xi32>], vector<16xf32>,
      %parallel_loop3A_127 = tpu.vector_load_idx %arg4[%broadcast_in_dim3A_105, %add3A_16, %parallel_loop3A_125] : memref<20x32x50xi32, #tpu.memory_space<vmem>>[vector<16xi32>, vector<16xi32>, vector<16xi32>], vector<16xi32>,
      tpu.vector_store_idx %arg5[%add3A_16, %parallel_loop3A_127], %broadcast_in_dim3A_10 {add = true} : memref<32x1024xf32, #tpu.memory_space<vmem>>[vector<16xi32>, vector<16xi32>], vector<16xf32>,
    } {sc.loop_unroll_factor = 5 : i64, sc.parallel_access}
    %broadcast_in_dim3A_109 = arith.constant 17 : i32
    %broadcast_in_dim3A_110 = vector.broadcast %broadcast_in_dim3A_109 : i32 to vector<16xi32>
    %parallel_loop3A_111 = arith.constant 0 : i32
    %parallel_loop3A_112 = arith.constant 50 : i32
    %parallel_loop3A_113 = arith.constant 1 : i32
    scf.for %parallel_loop3A_124 = %parallel_loop3A_111 to %parallel_loop3A_112 step %parallel_loop3A_113  : i32 {
      %parallel_loop3A_125 = vector.broadcast %parallel_loop3A_124 : i32 to vector<16xi32>
      %parallel_loop3A_126 = tpu.vector_load_idx %arg4[%broadcast_in_dim3A_110, %add3A_13, %parallel_loop3A_125] : memref<20x32x50xi32, #tpu.memory_space<vmem>>[vector<16xi32>, vector<16xi32>, vector<16xi32>], vector<16xi32>,
      tpu.vector_store_idx %arg5[%add3A_13, %parallel_loop3A_126], %broadcast_in_dim3A_10 {add = true} : memref<32x1024xf32, #tpu.memory_space<vmem>>[vector<16xi32>, vector<16xi32>], vector<16xf32>,
      %parallel_loop3A_127 = tpu.vector_load_idx %arg4[%broadcast_in_dim3A_110, %add3A_16, %parallel_loop3A_125] : memref<20x32x50xi32, #tpu.memory_space<vmem>>[vector<16xi32>, vector<16xi32>, vector<16xi32>], vector<16xi32>,
      tpu.vector_store_idx %arg5[%add3A_16, %parallel_loop3A_127], %broadcast_in_dim3A_10 {add = true} : memref<32x1024xf32, #tpu.memory_space<vmem>>[vector<16xi32>, vector<16xi32>], vector<16xf32>,
    } {sc.loop_unroll_factor = 5 : i64, sc.parallel_access}
    %broadcast_in_dim3A_114 = arith.constant 18 : i32
    %broadcast_in_dim3A_115 = vector.broadcast %broadcast_in_dim3A_114 : i32 to vector<16xi32>
    %parallel_loop3A_116 = arith.constant 0 : i32
    %parallel_loop3A_117 = arith.constant 50 : i32
    %parallel_loop3A_118 = arith.constant 1 : i32
    scf.for %parallel_loop3A_124 = %parallel_loop3A_116 to %parallel_loop3A_117 step %parallel_loop3A_118  : i32 {
      %parallel_loop3A_125 = vector.broadcast %parallel_loop3A_124 : i32 to vector<16xi32>
      %parallel_loop3A_126 = tpu.vector_load_idx %arg4[%broadcast_in_dim3A_115, %add3A_13, %parallel_loop3A_125] : memref<20x32x50xi32, #tpu.memory_space<vmem>>[vector<16xi32>, vector<16xi32>, vector<16xi32>], vector<16xi32>,
      tpu.vector_store_idx %arg5[%add3A_13, %parallel_loop3A_126], %broadcast_in_dim3A_10 {add = true} : memref<32x1024xf32, #tpu.memory_space<vmem>>[vector<16xi32>, vector<16xi32>], vector<16xf32>,
      %parallel_loop3A_127 = tpu.vector_load_idx %arg4[%broadcast_in_dim3A_115, %add3A_16, %parallel_loop3A_125] : memref<20x32x50xi32, #tpu.memory_space<vmem>>[vector<16xi32>, vector<16xi32>, vector<16xi32>], vector<16xi32>,
      tpu.vector_store_idx %arg5[%add3A_16, %parallel_loop3A_127], %broadcast_in_dim3A_10 {add = true} : memref<32x1024xf32, #tpu.memory_space<vmem>>[vector<16xi32>, vector<16xi32>], vector<16xf32>,
    } {sc.loop_unroll_factor = 5 : i64, sc.parallel_access}
    %broadcast_in_dim3A_119 = arith.constant 19 : i32
    %broadcast_in_dim3A_120 = vector.broadcast %broadcast_in_dim3A_119 : i32 to vector<16xi32>
    %parallel_loop3A_121 = arith.constant 0 : i32
    %parallel_loop3A_122 = arith.constant 50 : i32
    %parallel_loop3A_123 = arith.constant 1 : i32
    scf.for %parallel_loop3A_124 = %parallel_loop3A_121 to %parallel_loop3A_122 step %parallel_loop3A_123  : i32 {
      %parallel_loop3A_125 = vector.broadcast %parallel_loop3A_124 : i32 to vector<16xi32>
      %parallel_loop3A_126 = tpu.vector_load_idx %arg4[%broadcast_in_dim3A_120, %add3A_13, %parallel_loop3A_125] : memref<20x32x50xi32, #tpu.memory_space<vmem>>[vector<16xi32>, vector<16xi32>, vector<16xi32>], vector<16xi32>,
      tpu.vector_store_idx %arg5[%add3A_13, %parallel_loop3A_126], %broadcast_in_dim3A_10 {add = true} : memref<32x1024xf32, #tpu.memory_space<vmem>>[vector<16xi32>, vector<16xi32>], vector<16xf32>,
      %parallel_loop3A_127 = tpu.vector_load_idx %arg4[%broadcast_in_dim3A_120, %add3A_16, %parallel_loop3A_125] : memref<20x32x50xi32, #tpu.memory_space<vmem>>[vector<16xi32>, vector<16xi32>, vector<16xi32>], vector<16xi32>,
      tpu.vector_store_idx %arg5[%add3A_16, %parallel_loop3A_127], %broadcast_in_dim3A_10 {add = true} : memref<32x1024xf32, #tpu.memory_space<vmem>>[vector<16xi32>, vector<16xi32>], vector<16xf32>,
    } {sc.loop_unroll_factor = 5 : i64, sc.parallel_access}
    "tpu.region"() ({
      %run_scoped3A = tpu.sem_alloc : memref<!tpu.dma_semaphore, #tpu.memory_space<semaphore_mem>>
      %dma_start3A_124 = arith.constant 0 : i32
      %dma_start3A_125 = tpu.memref_slice %arg3[%mul3A_2, %dma_start3A_124] : memref<1024x1024xf32, #tpu.memory_space<hbm>> -> memref<32x1024xf32, #tpu.memory_space<hbm>>
      %dma_start3A_126 = arith.constant 0 : i32
      %dma_start3A_127 = tpu.memref_slice %arg3[%mul3A_2, %dma_start3A_126] : memref<1024x1024xf32, #tpu.memory_space<hbm>> -> memref<32x1024xf32, #tpu.memory_space<hbm>>
      tpu.enqueue_dma source(%arg5 : memref<32x1024xf32, #tpu.memory_space<vmem>>) target(%dma_start3A_127 : memref<32x1024xf32, #tpu.memory_space<hbm>>) target_semaphore(%run_scoped3A : memref<!tpu.dma_semaphore, #tpu.memory_space<semaphore_mem>>)
      %dma_wait3A_128 = arith.constant 0 : i32
      %dma_wait3A_129 = tpu.memref_slice %arg3[%mul3A_2, %dma_wait3A_128] : memref<1024x1024xf32, #tpu.memory_space<hbm>> -> memref<32x1024xf32, #tpu.memory_space<hbm>>
      %dma_wait3A_130 = arith.constant 0 : i32
      %dma_wait3A_131 = tpu.memref_slice %arg3[%mul3A_2, %dma_wait3A_130] : memref<1024x1024xf32, #tpu.memory_space<hbm>> -> memref<32x1024xf32, #tpu.memory_space<hbm>>
      tpu.wait_dma2 semaphore(%run_scoped3A : memref<!tpu.dma_semaphore, #tpu.memory_space<semaphore_mem>>) src(%arg5 : memref<32x1024xf32, #tpu.memory_space<vmem>>) dst(%dma_wait3A_131 : memref<32x1024xf32, #tpu.memory_space<hbm>>)
      tpu.yield
    }) : () -> ()
    return
  }
}

module attributes {stable_mosaic.version = 14 : i64} {
  func.func @_tr(%arg0: i32, %arg1: memref<1x50x1024xi32, #tpu.memory_space<vmem>>, %arg2: memref<1x1024x50xi32, #tpu.memory_space<vmem>>) attributes {dimension_semantics = [#tpu.dimension_semantics<arbitrary>], iteration_bounds = array<i64: 20>, scalar_prefetch = 0 : i64, scratch_operands = 0 : i64, tpu.core_type = #tpu.core_type<tc>, window_params = [{transform_indices = @transform_0, window_bounds = array<i64: 1, 50, 1024>}, {transform_indices = @transform_1, window_bounds = array<i64: 1, 1024, 50>}]} {
    %get3A = arith.constant 0 : index
    %get3A_0 = arith.constant 0 : index
    %get3A_1 = arith.constant 0 : index
    %get3A_2 = vector.load %arg1[%get3A, %get3A_0, %get3A_1] : memref<1x50x1024xi32, #tpu.memory_space<vmem>>, vector<1x50x1024xi32>
    %get3A_3 = vector.shape_cast %get3A_2 : vector<1x50x1024xi32> to vector<50x1024xi32>
    %transpose3A = tpu.transpose %get3A_3, [1, 0] : vector<50x1024xi32> -> vector<1024x50xi32>
    %swap3A = arith.constant 0 : index
    %swap3A_4 = arith.constant 0 : index
    %swap3A_5 = arith.constant 0 : index
    %swap3A_6 = vector.load %arg2[%swap3A, %swap3A_4, %swap3A_5] : memref<1x1024x50xi32, #tpu.memory_space<vmem>>, vector<1x1024x50xi32>
    %swap3A_7 = vector.shape_cast %swap3A_6 : vector<1x1024x50xi32> to vector<1024x50xi32>
    %swap3A_8 = vector.shape_cast %transpose3A : vector<1024x50xi32> to vector<1x1024x50xi32>
    tpu.vector_store %arg2[%swap3A, %swap3A_4, %swap3A_5], %swap3A_8 {strides = array<i32>} : memref<1x1024x50xi32, #tpu.memory_space<vmem>>, vector<1x1024x50xi32>,
    return
  }
  func.func @transform_0(%arg0: i32) -> (i32, i32, i32) {
    %c0_i32 = arith.constant 0 : i32
    %c0_i32_0 = arith.constant 0 : i32
    %c0_i32_1 = arith.constant 0 : i32
    return %arg0, %c0_i32, %c0_i32_0 : i32, i32, i32
  }
  func.func @transform_1(%arg0: i32) -> (i32, i32, i32) {
    %c0_i32 = arith.constant 0 : i32
    %c0_i32_0 = arith.constant 0 : i32
    %c0_i32_1 = arith.constant 0 : i32
    return %arg0, %c0_i32, %c0_i32_0 : i32, i32, i32
  }
}

module attributes {stable_mosaic.version = 14 : i64} {
  func.func @_mmT(%arg0: i32, %arg1: memref<64x1000xf32, #tpu.memory_space<vmem>>, %arg2: memref<256x1024xf32, #tpu.memory_space<vmem>>, %arg3: memref<64x256xf32, #tpu.memory_space<vmem>>) attributes {dimension_semantics = [#tpu.dimension_semantics<arbitrary>], iteration_bounds = array<i64: 4>, scalar_prefetch = 0 : i64, scratch_operands = 0 : i64, tpu.core_type = #tpu.core_type<tc>, window_params = [{pipeline_mode = #tpu.pipeline_mode<synchronous>, transform_indices = @transform_0, window_bounds = array<i64: 64, 1000>}, {transform_indices = @transform_1, window_bounds = array<i64: 256, 1024>}, {transform_indices = @transform_2, window_bounds = array<i64: 64, 256>}]} {
    %get3A = arith.constant 0 : index
    %get3A_0 = arith.constant 0 : index
    %get3A_1 = vector.load %arg1[%get3A, %get3A_0] : memref<64x1000xf32, #tpu.memory_space<vmem>>, vector<64x1000xf32>
    %get3A_2 = arith.constant 0 : index
    %get3A_3 = arith.constant 0 : index
    %get3A_4 = vector.load %arg2[%get3A_2, %get3A_3] : memref<256x1024xf32, #tpu.memory_space<vmem>>, vector<256x1000xf32>
    %dot_general3A = arith.constant dense<0.000000e+00> : vector<64x256xf32>
    %dot_general3A_5 = tpu.matmul %get3A_1, %get3A_4, %dot_general3A {dimension_numbers = #tpu.dot_dimension_numbers<[1], [1], [0], [0], [0, 0, 1, 0], [], []>, transpose_lhs_hint = false} : vector<64x1000xf32>, vector<256x1000xf32>, vector<64x256xf32> -> vector<64x256xf32>
    %mul3A = arith.constant 1.000000e-03 : f32
    %mul3A_6 = vector.broadcast %mul3A : f32 to vector<64x256xf32>
    %mul3A_7 = arith.mulf %dot_general3A_5, %mul3A_6 : vector<64x256xf32>
    %swap3A = arith.constant 0 : index
    %swap3A_8 = arith.constant 0 : index
    %swap3A_9 = vector.load %arg3[%swap3A, %swap3A_8] : memref<64x256xf32, #tpu.memory_space<vmem>>, vector<64x256xf32>
    tpu.vector_store %arg3[%swap3A, %swap3A_8], %mul3A_7 {strides = array<i32>} : memref<64x256xf32, #tpu.memory_space<vmem>>, vector<64x256xf32>,
    return
  }
  func.func @transform_0(%arg0: i32) -> (i32, i32) {
    %c0_i32 = arith.constant 0 : i32
    %c0_i32_0 = arith.constant 0 : i32
    %c0_i32_1 = arith.constant 0 : i32
    return %c0_i32, %c0_i32_0 : i32, i32
  }
  func.func @transform_1(%arg0: i32) -> (i32, i32) {
    %c0_i32 = arith.constant 0 : i32
    %c0_i32_0 = arith.constant 0 : i32
    return %arg0, %c0_i32 : i32, i32
  }
  func.func @transform_2(%arg0: i32) -> (i32, i32) {
    %c0_i32 = arith.constant 0 : i32
    %c0_i32_0 = arith.constant 0 : i32
    return %c0_i32, %arg0 : i32, i32
  }
}

</mosaic_0001>

<sc_bundles>
// kernel: kernel.5.cloned.1.call-start
scs
__scs_entry_jumppad:
0x0: {  	(pc) =	sbr.rel $0x88, $3  }
0x1: {  	(tag) =	ssettag $0x0;
	lr =	simm.s32 $0x1  }
0x2: {  	[smem:$0x3F9F] =	sst lr;
	_ =	strace $0xD0000000  }
0x3: {  	_ = 	snop  }
0x4: {  	_ = 	snop  }
0x5: {  	_ = 	snop  }
0x6: {  	_ = 	snop  }
0x7: {  	_ = 	snop  }
__scs_overlays_trampoline_lowered:
0x8: {  	[smem:$0x3FAE] =	sst s0  }
0x9: {  	[smem:$0x3FAF] =	sst s1  }
0xa: {  	[smem:$0x3FB0] =	sst s2  }
0xb: {  	[smem:$0x3FB1] =	sst s3  }
0xc: {  	[smem:$0x3FB2] =	sst s4  }
0xd: {  	[smem:$0x3FB3] =	sst s5  }
0xe: {  	[smem:$0x3FB4] =	sst s6  }
0xf: {  	[smem:$0x3FB5] =	sst s7  }
0x10: {  	[smem:$0x3FB6] =	sst s8  }
0x11: {  	[smem:$0x3FB7] =	sst s9;
	s0 =	simm.s32 @!p0 $0x0  }
0x12: {  	s1 =	sld [smem:$0x3F9D];
	s0 =	simm.s32 @p0 $0x1  }
0x13: {  	[smem:$0x3FB8] =	sst s0;
	s0 =	simm.s32 @!p1 $0x0  }
0x14: {  	s2 =	sld [smem:$0x3F9C];
	s0 =	simm.s32 @p1 $0x1  }
0x15: {  	[smem:$0x3FB9] =	sst s0;
	s0 =	simm.s32 @!p2 $0x0  }
0x16: {  	s3 =	sld [smem:$0x3FDB];
	s0 =	simm.s32 @p2 $0x1  }
0x17: {  	s4 =	simm.s32 $0x1BF5;
	[smem:$0x3FBB] =	sst s0  }
0x18: {  	s0 =	sld [smem:$0x3F9E];
	_ =	swait.ge [sflag:s4], $0x0  }
0x19: {  	s7 =	sld [smem:$0x3F9F]  }
0x1a: {  	s8 =	sadd.s32 $0xFFFFE003, lr  }
0x1b: {  	s9 =	sadd.s32 $0xFFFFFEF7, lr;
	s5 =	simm.s32 $0xFFFFFFFF;
	p2 =	slt.u32 s8, $0xFFFFF086  }
0x1c: {  	p1 =	slt.u32 s9, $0xF7A;
	s5 =	simm.s32 @!p2 $0x0  }
0x1d: {  	s5 =	simm.s32 @p1 $0x1;
	p0 =	seq.s32 s7, s2  }
0x1e: {  	s7 =	smul.u32 @!p0 $0xF7A, s2;
	p2 =	seq.s32 @!p0 s5, $0x0  }
0x1f: {  	s9 =	smul.u32 $0xF7A, s1;
	s8 =	simm.s32 @!p0 $0x1BF5;
	p2 =	por !p2, p0  }
0x20: {  	[sflag:s8] =	ssyncset.s32 @!p0 $0xFFFFF086;
	s6 =	sadd.s32 @!p0 s3, s7;
	s7 =	simm.s32 @!p0 $0x108  }
0x21: {  	s3 =	sadd.s32 s3, s9;
	s6 =	sadd.s32 @!p0 $0x88, s6;
	s7 =	simm.s32 @p2 $0x1082  }
0x22: {  	[simem:s7], [sflag:s8] =	dma.local @!p0 [hbm:s6], $0xF7A  }
0x23: {  	s9 =	sor.u32 $0xD0000000, s2;
	s6 =	simm.s32 $0x108;
	_ =	swait.ge @!p0 [sflag:s8], $0x0  }
0x24: {  	s3 =	sadd.s32 $0x88, s3;
	s6 =	simm.s32 @!p1 $0x1082;
	[sflag:s4] =	ssyncset.s32 $0xFFFFF086  }
0x25: {  	[simem:s6], [sflag:s4] =	dma.local [hbm:s3], $0xF7A  }
0x26: {  	[smem:$0x3F9F] =	sst s1;
	(tag) =	ssettag s2;
	_ =	strace s9  }
0x27: {  	s1 =	sld [smem:$0x3FAF]  }
0x28: {  	s2 =	sld [smem:$0x3FB0]  }
0x29: {  	s4 =	sld [smem:$0x3FB2]  }
0x2a: {  	p0 =	seq.s32 s5, $0x0;
	s5 =	sld [smem:$0x3FB3]  }
0x2b: {  	s6 =	sld [smem:$0x3FB4]  }
0x2c: {  	s7 =	sld [smem:$0x3FB5]  }
0x2d: {  	s3 =	simm.s32 $0x108;
	s8 =	sld [smem:$0x3FB6]  }
0x2e: {  	s3 =	simm.s32 @!p0 $0x1082;
	s9 =	sld [smem:$0x3FB7]  }
0x2f: {  	lr =	sadd.s32 s0, s3;
	s0 =	sld [smem:$0x3FAE]  }
0x30: {  	s3 =	sld [smem:$0x3FB1]  }
0x31: {  	[smem:$0x3FBA] =	sst s10  }
0x32: {  	s10 =	sld [smem:$0x3FB8];
	_ =	sdelay $0x3  }
0x33: {  	p0 =	seq.s32 s10, $0x1;
	s10 =	sld [smem:$0x3FBA];
	_ =	sdelay $0x3  }
0x34: {  	[smem:$0x3FBA] =	sst s10  }
0x35: {  	s10 =	sld [smem:$0x3FB9];
	_ =	sdelay $0x3  }
0x36: {  	p1 =	seq.s32 s10, $0x1;
	s10 =	sld [smem:$0x3FBA];
	_ =	sdelay $0x3  }
0x37: {  	[smem:$0x3FBA] =	sst s10  }
0x38: {  	s10 =	sld [smem:$0x3FBB]  }
0x39: {  	_ = 	snop;
	(pc) =	sbr.ind lr, $3  }
0x3a: {  	_ = 	snop  }
0x3b: {  	_ = 	snop  }
0x3c: {  	p2 =	seq.s32 s10, $0x1;
	s10 =	sld [smem:$0x3FBA]  }
0x3d: {  	_ =	shalt  }
0x3e: {  	_ =	shalt  }
0x3f: {  	_ =	shalt  }
0x40: {  	_ =	shalt  }
0x41: {  	_ =	shalt  }
0x42: {  	_ =	shalt  }
0x43: {  	_ =	shalt  }
0x44: {  	_ =	shalt  }
0x45: {  	_ =	shalt  }
0x46: {  	_ =	shalt  }
0x47: {  	_ =	shalt  }
0x48: {  	_ =	shalt  }
0x49: {  	_ =	shalt  }
0x4a: {  	_ =	shalt  }
0x4b: {  	_ =	shalt  }
0x4c: {  	_ =	shalt  }
0x4d: {  	_ =	shalt  }
0x4e: {  	_ =	shalt  }
0x4f: {  	_ =	shalt  }
0x50: {  	_ =	shalt  }
0x51: {  	_ =	shalt  }
0x52: {  	_ =	shalt  }
0x53: {  	_ =	shalt  }
0x54: {  	_ =	shalt  }
0x55: {  	_ =	shalt  }
0x56: {  	_ =	shalt  }
0x57: {  	_ =	shalt  }
0x58: {  	_ =	shalt  }
0x59: {  	_ =	shalt  }
0x5a: {  	_ =	shalt  }
0x5b: {  	_ =	shalt  }
0x5c: {  	_ =	shalt  }
0x5d: {  	_ =	shalt  }
0x5e: {  	_ =	shalt  }
0x5f: {  	_ =	shalt  }
0x60: {  	_ =	shalt  }
0x61: {  	_ =	shalt  }
0x62: {  	_ =	shalt  }
0x63: {  	_ =	shalt  }
0x64: {  	_ =	shalt  }
0x65: {  	_ =	shalt  }
0x66: {  	_ =	shalt  }
0x67: {  	_ =	shalt  }
0x68: {  	_ =	shalt  }
0x69: {  	_ =	shalt  }
0x6a: {  	_ =	shalt  }
0x6b: {  	_ =	shalt  }
0x6c: {  	_ =	shalt  }
0x6d: {  	_ =	shalt  }
0x6e: {  	_ =	shalt  }
0x6f: {  	_ =	shalt  }
0x70: {  	_ =	shalt  }
0x71: {  	_ =	shalt  }
0x72: {  	_ =	shalt  }
0x73: {  	_ =	shalt  }
0x74: {  	_ =	shalt  }
0x75: {  	_ =	shalt  }
0x76: {  	_ =	shalt  }
0x77: {  	_ =	shalt  }
0x78: {  	_ =	shalt  }
0x79: {  	_ =	shalt  }
0x7a: {  	_ =	shalt  }
0x7b: {  	_ =	shalt  }
0x7c: {  	_ =	shalt  }
0x7d: {  	_ =	shalt  }
0x7e: {  	_ =	shalt  }
0x7f: {  	_ =	shalt  }
0x80: {  	_ =	shalt  }
0x81: {  	_ =	shalt  }
0x82: {  	_ =	shalt  }
0x83: {  	_ =	shalt  }
0x84: {  	_ =	shalt  }
0x85: {  	_ =	shalt  }
0x86: {  	_ =	shalt  }
0x87: {  	_ =	shalt  }
.Lfunc_end0:
.L_simem_size_0:
called_computation_lowered:
.L_overlay_start_0:
0x88: {  	s2 =	sld [smem:$0x3FD9]  }
0x89: {  	s3 =	sld [smem:$0x3FFE];
	_ =	sdelay $0x1  }
0x8a: {  	s1 =	srdreg.scid  }
0x8b: {  	s0 =	sand.u32 $0x1, s1  }
0x8c: {  	s16 =	sshll.u32 s0, $0xA;
	s2 =	sadd.s32 s3, s2  }
0x8d: {  	s2 =	sadd.s32 s2, s16  }
0x8e: {  	[smem:$0x3FC6] =	sst s2  }
0x8f: {  	_ = 	snop  }
0x90: {  	(tm) =	ssettm $0x1  }
0x91: {  	s17 =	sld [smem:$0x3FFB];
	_ =	sdelay $0x3  }
0x92: {  	_ =	strace s17  }
0x93: {  	s2 =	sld [smem:$0x3FFC];
	_ =	sdelay $0x3  }
0x94: {  	_ =	strace s2  }
0x95: {  	s2 =	sld [smem:$0x3FFD];
	_ =	sdelay $0x3  }
0x96: {  	_ =	strace s2  }
0x97: {  	_ =	strace $0x8FFFFFFF  }
0x98: {  	s18 =	sld [smem:$0x3FDB];
	_ =	sdelay $0x1  }
0x99: {  	s19 =	simm.s32 $_scs_section_size  }
0x9a: {  	s4 =	simm.s32 $_size__tile_overlayer_lowered;
	s5 =	simm.s32 $_tile_overlayer_lowered  }
0x9b: {  	s22 =	simm.s32 $0x1BFF;
	s21 =	sshll.u32 s5, $0x1;
	s2 =	sadd.s32 s19, s18  }
0x9c: {  	s6 =	simm.s32 $0x0;
	s20 =	sshll.u32 s4, $0x1;
	s4 =	sadd.s32 s21, s2  }
0x9d: {  	[timem:s6], [sflag:s22] =	dma.local [hbm:s4], s20  }
0x9e: {  	_ =	swait.ge [sflag:s22], s20  }
0x9f: {  	s3 =	ssub.s32 $0x0, s20;
	[sflag:s22] =	ssyncset.done $0x0  }
0xa0: {  	[sflag:s22] =	ssyncadd.s32 s3;
	_ =	sdelay $0x1  }
0xa1: {  	s23 =	simm.s32 $0x1B8B  }
0xa2: {  	_ =	swait.ge [sflag:s23], $0x1  }
0xa3: {  	[sflag:s23] =	ssyncset.done $0x0  }
0xa4: {  	s25 =	simm.s32 $0x1B8E;
	s24 =	sld [smem:$0x3FFE];
	[sflag:s23] =	ssyncadd.s32 $0xFFFFFFFF  }
0xa5: {  	s26 =	simm.s32 $execute0_lowered;
	[smem:$0x3FD2] =	sst s25  }
0xa6: {  	s4 =	sshll.u32 s26, $0x1;
	_ =	strace $0x80000046;
	[dreg:$0x1] =	wrdreg $0xFFFFFFFF  }
0xa7: {  	s28 =	simm.s32 $_size_execute0_lowered;
	s2 =	sadd.s32 s2, s4;
	[dreg:$0x0] =	wrdreg $0x0  }
0xa8: {  	s4 =	sshll.u32 s28, $0x1;
	[dreg:$0x2] =	wrdreg s2  }
0xa9: {  	[dreg:$0x3] =	wrdreg s4  }
0xaa: {  	[dreg:$0x4] =	wrdreg $0xC0  }
0xab: {  	_ =	task [dreg:s6], $0x5FFFF  }
0xac: {  	[dreg:$0x1] =	wrdreg $0xFFFFFFFF  }
0xad: {  	[dreg:$0x0] =	wrdreg $0x60  }
0xae: {  	[dreg:$0x2] =	wrdreg s24  }
0xaf: {  	[dreg:$0x3] =	wrdreg $0x9  }
0xb0: {  	_ =	task.clear_ibuf [dreg:s6], $0x4FFFF;
	_ =	strace $0x90000046  }
0xb1: {  	s29 =	simm.s32 $0x9;
	_ =	strace $0x80000048  }
0xb2: {  	_ =	swait.ge [sflag:s29], $0x1  }
0xb3: {  	[sflag:s29] =	ssyncadd.s32 $0xFFFFFFFF  }
0xb4: {  	_ =	strace $0x90000048  }
0xb5: {  	_ =	sfence  }
0xb6: {  	s30 =	sld [smem:$0x0];
	_ =	sdelay $0x2  }
0xb7: {  	s31 =	sshll.u32 s1, $0xD;
	s1 =	sshrl.u32 s1, $0x2  }
0xb8: {  	s3 =	sand.u32 $0x4000, s31;
	s1 =	sadd.s32 s1, s30  }
0xb9: {  	s0 =	sor.u32 s3, s0;
	s1 =	sshll.u32 s1, $0x11  }
0xba: {  	s0 =	sor.u32 s1, s0  }
0xbb: {  	s0 =	sadd.s32 $0x8F2B, s0  }
0xbc: {  	[sflag:s0] =	ssyncadd.remote.s32 $0x1  }
0xbd: {  	_ =	sfence.sel $0xFFFF  }
0xbe: {  	[dreg:$0x0] =	wrdreg $0xFFFFFFFF;
	(pc) =	sbr.abs _section_cstart, $3  }
0xbf: {  	[dreg:$0x1] =	wrdreg $0xFFFFFFFF  }
0xc0: {  	_ =	task.clear_ibuf [dreg:s6], $0x2FFFF;
	_ =	strace $0x9FFFFFFF  }
0xc1: {  	(tm) =	ssettm $0x7FFFFFFF  }
tec
execute0_lowered:
.L_overlay_start_1:
0x0: {  	(tag) =	ssettag $0x1  }
0x1: {  	v0 =	vlaneseq.u32  }
0x2: {  	v1 =	vimm.s32 $0x2380;
	vm0 =	vcmask $0x300;
	vm1 =	vcmask $0x704  }
0x3: {  	v2 =	vimm.s32 $0x6380;
	vm2 =	vcmask $0xB08;
	vm4 =	vcmask $0xF0C  }
0x4: {  	vm5 =	vcmask $0x1310;
	vm6 =	vcmask $0x1714;
	vm7 =	vcmask $0x1B18  }
0x5: {  	vm8 =	vcmask $0x1F1C;
	vm9 =	vcmask $0x2320;
	v1 =	vsel vm0, $0x0, v1  }
0x6: {  	vm10 =	vcmask $0x2724;
	v2 =	vsel vm0, $0x4000, v2;
	v1 =	vsel vm1, $0x80, v1  }
0x7: {  	vm11 =	vcmask $0x2B28;
	v2 =	vsel vm1, $0x4080, v2;
	v1 =	vsel vm2, $0x100, v1  }
0x8: {  	vm12 =	vcmask $0x2F2C;
	v2 =	vsel vm2, $0x4100, v2;
	v1 =	vsel vm4, $0x180, v1  }
0x9: {  	vm13 =	vcmask $0x3330;
	v2 =	vsel vm4, $0x4180, v2;
	v1 =	vsel vm5, $0x200, v1  }
0xa: {  	vm14 =	vcmask $0x3734;
	v2 =	vsel vm5, $0x4200, v2;
	v1 =	vsel vm6, $0x280, v1  }
0xb: {  	s3 =	rddreg [dreg:$0x0];
	v0 =	vmul.u32 $0x80, v0;
	v2 =	vsel vm6, $0x4280, v2;
	v1 =	vsel vm7, $0x300, v1  }
0xc: {  	s0 =	rddreg [dreg:$0x1];
	s4 =	srdreg.scid;
	vm15 =	vcmask $0x3B38;
	v2 =	vsel vm7, $0x4300, v2;
	v1 =	vsel vm8, $0x380, v1  }
0xd: {  	s2 =	simm.s32 $0x0;
	s1 =	stileid.u32;
	s8 =	simm.s32 $0x1;
	v6 =	vor.u32 $0x1000, v0;
	v2 =	vsel vm8, $0x4380, v2;
	v1 =	vsel vm9, $0x2000, v1  }
0xe: {  	s9 =	simm.s32 $0x14000;
	s10 =	simm.s32 $0x2;
	s4 =	sand.u32 $0x1, s4;
	v7 =	vor.u32 $0x1800, v0;
	v2 =	vsel vm9, $0x6000, v2;
	v1 =	vsel vm10, $0x2080, v1  }
0xf: {  	[smem:$0x7FF] =	sst s2;
	s5 =	sshll.u32 s1, $0x6;
	s6 =	sshll.u32 s4, $0x5;
	v8 =	vor.u32 $0x2000, v0;
	v2 =	vsel vm10, $0x6080, v2;
	v1 =	vsel vm11, $0x2100, v1  }
0x10: {  	s11 =	simm.s32 $0x0;
	_ =	strace $0x80000047;
	s5 =	sor.u32 s6, s5;
	v9 =	vor.u32 $0x2800, v0;
	v2 =	vsel vm11, $0x6100, v2;
	v1 =	vsel vm12, $0x2180, v1  }
0x11: {  	s4 =	ssub.s32 $0x2, s4;
	v10 =	vor.u32 $0x3000, v0;
	s6 =	sshll.u32 s5, $0x4;
	s5 =	sshll.u32 s5, $0x7;
	v2 =	vsel vm12, $0x6180, v2;
	v1 =	vsel vm13, $0x2200, v1  }
0x12: {  	s7 =	sshrl.u32 s4, $0x1;
	v11 =	vor.u32 $0x3800, v0;
	s6 =	sadd.s32 s6, s3;
	s5 =	sadd.s32 s5, s3;
	v4 =	vsel vm13, $0x6200, v2;
	v3 =	vsel vm14, $0x2280, v1  }
0x13: {  	s7 =	ssub.s32 s4, s7;
	s3 =	sadd.s32 $0xC00, s6;
	s4 =	sadd.s32 $0x50C00, s5;
	v1 =	vimm.f32 $0.0e+00;
	v5 =	vsel vm14, $0x6280, v4;
	v4 =	vor.u32 $0x800, v0  }
0x14: {  	s5 =	smax.u32 s7, $0x1;
	s6 =	simm.s32 $0x1000;
	s7 =	simm.s32 $0x20000;
	v2 =	vsel vm15, $0x2300, v3;
	v3 =	vimm.f32 $1.000000000e+00;
	v5 =	vsel vm15, $0x6300, v5  }
.LBB2_1:
0x15: {  	[tilespmem:s2], [sflag:$0x1] =	stream.strided.gather [hbm4b:s3+s6], $0x14000, s7, s6, $0x38;
	[tilespmem:$0x1C000] =	vst v63  }
0x16: {  	s12 =	simm.s32 $0x0  }
0x17: {  	s13 =	sand.u32 $0x1C00, s2;
	s14 =	simm.s32 $0x0;
	s12 =	sand.u32 $0x6000, s12  }
0x18: {  	s14 =	sand.u32 $0x380, s14;
	s12 =	sor.u32 s13, s12  }
0x19: {  	s13 =	sor.u32 s14, s12  }
0x1a: {  	s12 =	sadd.s32 $0x14000, s13;
	[tilespmem:s13+$0x14000] =	vst v1  }
0x1b: {  	[tilespmem:s12+$0x70] =	vst v1  }
0x1c: {  	s14 =	simm.s32 $0x0;
	s13 =	simm.s32 $0x0;
	[tilespmem:s12+$0x10] =	vst v1  }
.LBB2_2:
0x1d: {  	s13 =	sadd.s32 $0x8, s13;
	[tilespmem:s12+$0x20] =	vst v1  }
0x1e: {  	s14 =	sadd.s32 $0x400, s14;
	s15 =	sshll.u32 s13, $0x4;
	p0 =	slt.u32 s13, $0x7F8;
	[tilespmem:s12+$0x30] =	vst v1  }
0x1f: {  	s16 =	sand.u32 $0x1C00, s14;
	s17 =	sshll.u32 s13, $0x1;
	s15 =	sand.u32 $0x6000, s15;
	[tilespmem:s12+$0x40] =	vst v1  }
.Ltmp0:
0x20: {  	s17 =	sand.u32 $0x380, s17;
	s15 =	sor.u32 s16, s15;
	[tilespmem:s12+$0x50] =	vst v1;
	(pc) =	sbr.rel @p0 .LBB2_2-.Ltmp0, $4  }
0x21: {  	s15 =	sor.u32 s17, s15;
	[tilespmem:s12+$0x60] =	vst v1  }
0x22: {  	s12 =	sadd.s32 $0x14000, s15;
	[tilespmem:s15+$0x14000] =	vst v1  }
0x23: {  	[tilespmem:s12+$0x70] =	vst v1  }
0x24: {  	[tilespmem:s12+$0x10] =	vst v1  }
0x25: {  	s13 =	simm.s32 $0x1  }
0x26: {  	v12 =	vmov s13  }
0x27: {  	[tilespmem:s12+$0x20] =	vst v1;
	s22 =	simm.s32 $0x2;
	v12 =	vand.u32 $0x7F, v12  }
0x28: {  	[tilespmem:s12+$0x30] =	vst v1;
	v13 =	vmov s22;
	v15 =	vbroadcast v12, $0x0  }
0x29: {  	[tilespmem:s12+$0x40] =	vst v1;
	s23 =	simm.s32 $0x3;
	v12 =	vand.u32 $0x7F, v13  }
0x2a: {  	[tilespmem:s12+$0x50] =	vst v1;
	s24 =	simm.s32 $0x4;
	v16 =	vbroadcast v12, $0x0;
	v12 =	vmov s23;
	v13 =	vor.u32 v0, v15  }
0x2b: {  	[tilespmem:s12+$0x60] =	vst v1;
	v18 =	vmov s24;
	v12 =	vand.u32 $0x7F, v12  }
0x2c: {  	_ =	swait.ge [sflag:s8], $0x14000;
	v17 =	vor.u32 v0, v16;
	v14 =	vbroadcast v12, $0x0;
	v12 =	vand.u32 $0x7F, v18  }
0x2d: {  	[sflag:s8] =	ssyncset.done $0x0;
	v19 =	vbroadcast v12, $0x0  }
0x2e: {  	s12 =	simm.s32 $0x0;
	[sflag:s8] =	ssyncadd.s32 $0xFFFEC000;
	v12 =	vor.u32 v0, v14  }
0x2f: {  	s29 =	simm.s32 $0x5;
	s31 =	simm.s32 $0xC;
	v18 =	vmov s12;
	v20 =	vor.u32 v0, v19;
	v13 =	vld.idx.msk [tilespmem:v13+s12+$0x0], $0xffff  }
0x30: {  	s25 =	simm.s32 $0x6;
	s15 =	simm.s32 $0xE;
	v41 =	vmov s29;
	v56 =	vmov s31;
	v18 =	vand.u32 $0x7F, v18  }
0x31: {  	v57 =	vmov s15;
	v21 =	vld.idx.msk [tilespmem:v17+s12+$0x0], $0xffff;
	v17 =	vbroadcast v18, $0x0;
	v18 =	vmov s25  }
0x32: {  	v23 =	vor.u32 v4, v15;
	v25 =	vor.u32 v4, v16;
	v18 =	vand.u32 $0x7F, v18  }
0x33: {  	v28 =	vor.u32 v4, v14;
	v22 =	vor.u32 v0, v17;
	v26 =	vld.idx.msk [tilespmem:v12+s12+$0x0], $0xffff;
	v18 =	vbroadcast v18, $0x0  }
0x34: {  	v31 =	vor.u32 v4, v19;
	v63 =	vor.u32 v4, v17;
	v27 =	vld.idx.msk [tilespmem:v20+s12+$0x0], $0xffff;
	v12 =	vshll.u32 v13, $0x3  }
0x35: {  	v13 =	vand.u32 $0x7F, v13;
	v32 =	vor.u32 v0, v18;
	v12 =	vand.u32 $0xFFFFFC00, v12  }
0x36: {  	s26 =	simm.s32 $0x7;
	v42 =	vor.u32 v4, v18;
	v29 =	vand.u32 $0x7F, v21;
	v12 =	vor.u32 v13, v12  }
0x37: {  	s28 =	simm.s32 $0x8;
	v13 =	vshll.u32 v21, $0x3;
	v24 =	vadd.s32 v2, v12;
	v12 =	vmov s26  }
0x38: {  	v30 =	vld.idx.msk [tilespmem:v22+s12+$0x0], $0xffff;
	v13 =	vand.u32 $0xFFFFFC00, v13;
	v21 =	vshll.u32 v26, $0x3;
	v22 =	vmov s28  }
0x39: {  	v26 =	vand.u32 $0x7F, v26;
	v12 =	vand.u32 $0x7F, v12;
	v33 =	vshll.u32 v27, $0x3  }
0x3a: {  	v22 =	vand.u32 $0x7F, v22;
	v36 =	vand.u32 $0xFFFFFC00, v21;
	v29 =	vor.u32 v29, v13  }
0x3b: {  	s14 =	simm.s32 $0x9;
	v13 =	vand.u32 $0x7F, v41;
	v27 =	vand.u32 $0x7F, v27;
	v20 =	vbroadcast v12, $0x0  }
0x3c: {  	v12 =	vmov s14;
	v33 =	vand.u32 $0xFFFFFC00, v33;
	v13 =	vbroadcast v13, $0x0  }
0x3d: {  	v26 =	vor.u32 v26, v36;
	v29 =	vadd.s32 v2, v29;
	v34 =	vand.u32 $0x7F, v12  }
0x3e: {  	v32 =	vld.idx.msk [tilespmem:v32+s12+$0x0], $0xffff;
	v12 =	vbroadcast v22, $0x0;
	v27 =	vor.u32 v27, v33;
	v26 =	vadd.s32 v2, v26  }
0x3f: {  	v35 =	vor.u32 v0, v20;
	v21 =	vbroadcast v34, $0x0;
	v49 =	vor.u32 v0, v13  }
0x40: {  	v43 =	vadd.s32 v2, v27;
	v37 =	vand.u32 $0x7F, v30;
	v39 =	vor.u32 v0, v12  }
0x41: {  	[tilespmem:v24+s9+$0x0] =	vst.idx.add.f32.msk $0xffff, v3;
	v24 =	vor.u32 v4, v20;
	v22 =	vor.u32 v4, v12;
	v30 =	vshll.u32 v30, $0x3  }
0x42: {  	v38 =	vld.idx.msk [tilespmem:v23+s12+$0x0], $0xffff;
	v40 =	vor.u32 v0, v21;
	v23 =	vor.u32 v4, v21;
	v30 =	vand.u32 $0xFFFFFC00, v30  }
0x43: {  	s30 =	simm.s32 $0xB;
	v30 =	vor.u32 v37, v30;
	v50 =	vshll.u32 v32, $0x3;
	v32 =	vand.u32 $0x7F, v32;
	[tilespmem:v29+s9+$0x0] =	vst.idx.add.f32.msk $0xffff, v3  }
0x44: {  	v29 =	vmov s30;
	v51 =	vand.u32 $0xFFFFFC00, v50;
	v30 =	vadd.s32 v2, v30;
	[tilespmem:v26+s9+$0x0] =	vst.idx.add.f32.msk $0xffff, v3  }
0x45: {  	v29 =	vand.u32 $0x7F, v29;
	v46 =	vld.idx.msk [tilespmem:v25+s12+$0x0], $0xffff;
	v25 =	vand.u32 $0x7F, v56;
	v27 =	vor.u32 v32, v51  }
0x46: {  	v35 =	vld.idx.msk [tilespmem:v35+s12+$0x0], $0xffff;
	v29 =	vbroadcast v29, $0x0;
	v60 =	vbroadcast v25, $0x0;
	v33 =	vadd.s32 v2, v27  }
0x47: {  	v54 =	vld.idx.msk [tilespmem:v49+s12+$0x0], $0xffff;
	v48 =	vand.u32 $0x7F, v38;
	v26 =	vshll.u32 v38, $0x3;
	v38 =	vand.u32 $0x7F, v57  }
0x48: {  	s13 =	simm.s32 $0xA;
	v61 =	vld.idx.msk [tilespmem:v28+s12+$0x0], $0xffff;
	v59 =	vor.u32 v0, v29;
	v28 =	vor.u32 v4, v60;
	v29 =	vor.u32 v4, v29  }
0x49: {  	s16 =	simm.s32 $0xD;
	v39 =	vld.idx.msk [tilespmem:v39+s12+$0x0], $0xffff;
	v57 =	vmov s13;
	v26 =	vand.u32 $0xFFFFFC00, v26;
	v38 =	vbroadcast v38, $0x0  }
0x4a: {  	[tilespmem:v30+s9+$0x0] =	vst.idx.add.f32.msk $0xffff, v3;
	v30 =	vmov s16;
	v26 =	vor.u32 v48, v26;
	v48 =	vor.u32 v0, v60  }
0x4b: {  	v40 =	vld.idx.msk [tilespmem:v40+s12+$0x0], $0xffff;
	v50 =	vand.u32 $0x7F, v46;
	v56 =	vshll.u32 v46, $0x3;
	v52 =	vand.u32 $0x7F, v35  }
0x4c: {  	v53 =	vshll.u32 v35, $0x3;
	v58 =	vand.u32 $0x7F, v30;
	v47 =	vand.u32 $0x7F, v54  }
0x4d: {  	[tilespmem:v43+s9+$0x0] =	vst.idx.add.f32.msk $0xffff, v3;
	v25 =	vor.u32 v4, v38;
	v41 =	vadd.s32 v5, v26;
	v35 =	vshll.u32 v54, $0x3  }
0x4e: {  	v46 =	vld.idx.msk [tilespmem:v31+s12+$0x0], $0xffff;
	v51 =	vand.u32 $0xFFFFFC00, v56;
	v27 =	vshll.u32 v39, $0x3;
	v32 =	vand.u32 $0xFFFFFC00, v53  }
0x4f: {  	v34 =	vld.idx.msk [tilespmem:v63+s12+$0x0], $0xffff;
	v37 =	vbroadcast v58, $0x0;
	v58 =	vand.u32 $0x7F, v57;
	v60 =	vand.u32 $0xFFFFFC00, v35  }
0x50: {  	[tilespmem:v33+s9+$0x0] =	vst.idx.add.f32.msk $0xffff, v3;
	v55 =	vshll.u32 v40, $0x3;
	v44 =	vand.u32 $0xFFFFFC00, v27;
	v27 =	vor.u32 v4, v13  }
0x51: {  	v30 =	vld.idx.msk [tilespmem:v42+s12+$0x0], $0xffff;
	v42 =	vor.u32 v0, v38;
	v36 =	vor.u32 v52, v32;
	v63 =	vand.u32 $0x7F, v40  }
0x52: {  	v52 =	vld.idx.msk [tilespmem:v59+s12+$0x0], $0xffff;
	v59 =	vshll.u32 v61, $0x3;
	v53 =	vor.u32 v47, v60;
	v61 =	vand.u32 $0x7F, v61  }
0x53: {  	v45 =	vand.u32 $0xFFFFFC00, v55;
	v49 =	vor.u32 v0, v37;
	v26 =	vor.u32 v4, v37  }
0x54: {  	v37 =	vbroadcast v58, $0x0;
	v40 =	vand.u32 $0xFFFFFC00, v59;
	v54 =	vadd.s32 v2, v36  }
0x55: {  	v40 =	vor.u32 v61, v40;
	v43 =	vor.u32 v63, v45;
	v63 =	vshll.u32 v46, $0x3  }
0x56: {  	v48 =	vld.idx.msk [tilespmem:v48+s12+$0x0], $0xffff;
	v57 =	vand.u32 $0x7F, v46;
	v46 =	vadd.s32 v2, v53;
	v62 =	vshll.u32 v34, $0x3  }
0x57: {  	v34 =	vand.u32 $0x7F, v34;
	v35 =	vand.u32 $0xFFFFFC00, v62;
	v62 =	vand.u32 $0x7F, v39;
	v33 =	vld.idx.msk [tilespmem:v42+s12+$0x0], $0xffff  }
0x58: {  	v38 =	vor.u32 v0, v37;
	v58 =	vand.u32 $0xFFFFFC00, v63;
	v39 =	vor.u32 v62, v44;
	v32 =	vld.idx.msk [tilespmem:v49+s12+$0x0], $0xffff  }
0x59: {  	v47 =	vadd.s32 v2, v43;
	v56 =	vshll.u32 v52, $0x3;
	v45 =	vadd.s32 v2, v39  }
0x5a: {  	v36 =	vor.u32 v57, v58;
	v59 =	vand.u32 $0x7F, v52;
	v42 =	vand.u32 $0xFFFFFC00, v56  }
0x5b: {  	[tilespmem:v41+s9+$0x0] =	vst.idx.add.f32.msk $0xffff, v3;
	v31 =	vand.u32 $0x7F, v30;
	v41 =	vadd.s32 v5, v36;
	v60 =	vor.u32 v59, v42  }
0x5c: {  	[tilespmem:v54+s9+$0x0] =	vst.idx.add.f32.msk $0xffff, v3;
	v39 =	vand.u32 $0x7F, v48;
	v61 =	vshll.u32 v48, $0x3;
	v44 =	vadd.s32 v2, v60  }
0x5d: {  	v43 =	vld.idx.msk [tilespmem:v38+s12+$0x0], $0xffff;
	v42 =	vand.u32 $0xFFFFFC00, v61;
	v63 =	vshll.u32 v33, $0x3;
	v62 =	vshll.u32 v32, $0x3  }
0x5e: {  	s14 =	simm.s32 $0xF;
	[tilespmem:v45+s9+$0x0] =	vst.idx.add.f32.msk $0xffff, v3;
	v36 =	vand.u32 $0xFFFFFC00, v63;
	v45 =	vor.u32 v50, v51;
	v38 =	vand.u32 $0xFFFFFC00, v62  }
.LBB2_4:
0x5f: {  	s16 =	sadd.s32 $0x1, s14  }
0x60: {  	s17 =	sadd.s32 $0x2, s14;
	s18 =	sadd.s32 $0x3, s14;
	v37 =	vor.u32 v4, v37;
	v30 =	vshll.u32 v30, $0x3;
	[tilespmem:v47+s9+$0x0] =	vst.idx.add.f32.msk $0xffff, v3;
	v40 =	vadd.s32 v5, v40;
	s15 =	smov.u32 s14  }
0x61: {  	p0 =	slt.u32 s14, $0x2D;
	s14 =	sadd.s32 $0x5, s14;
	v34 =	vor.u32 v34, v35;
	v47 =	vmov s16;
	v48 =	vmov s17;
	s16 =	sadd.s32 $0x4, s15;
	[tilespmem:v46+s9+$0x0] =	vst.idx.add.f32.msk $0xffff, v3  }
0x62: {  	v34 =	vadd.s32 v5, v34;
	v35 =	vand.u32 $0x7F, v47;
	v46 =	vmov s16;
	v47 =	vld.idx.msk [tilespmem:v24+s12+$0x0], $0xffff;
	v24 =	vmovc v28  }
0x63: {  	v45 =	vadd.s32 v5, v45;
	v28 =	vmov s18;
	v46 =	vand.u32 $0x7F, v46;
	[tilespmem:v41+s9+$0x0] =	vst.idx.add.f32.msk $0xffff, v3  }
0x64: {  	v30 =	vand.u32 $0xFFFFFC00, v30;
	v35 =	vbroadcast v35, $0x0;
	v41 =	vand.u32 $0x7F, v48;
	v48 =	vld.idx.msk [tilespmem:v27+s12+$0x0], $0xffff;
	v27 =	vmovc v37  }
0x65: {  	v31 =	vor.u32 v31, v30;
	v28 =	vand.u32 $0x7F, v28;
	v37 =	vbroadcast v46, $0x0;
	[tilespmem:v44+s9+$0x0] =	vst.idx.add.f32.msk $0xffff, v3  }
0x66: {  	v41 =	vbroadcast v41, $0x0;
	v46 =	vand.u32 $0x7F, v43;
	v44 =	vor.u32 v0, v35;
	v30 =	vld.idx.msk [tilespmem:v29+s12+$0x0], $0xffff  }
0x67: {  	v29 =	vbroadcast v28, $0x0;
	v49 =	vor.u32 v0, v37;
	v37 =	vor.u32 v4, v37;
	v50 =	vld.idx.msk [tilespmem:v22+s12+$0x0], $0xffff;
	v22 =	vmovc v26  }
0x68: {  	v51 =	vor.u32 v0, v41;
	v28 =	vor.u32 v4, v41;
	v41 =	vadd.s32 v5, v31;
	v52 =	vld.idx.msk [tilespmem:v23+s12+$0x0], $0xffff  }
0x69: {  	v43 =	vshll.u32 v43, $0x3;
	v53 =	vor.u32 v0, v29;
	v26 =	vor.u32 v4, v29;
	[tilespmem:v40+s9+$0x0] =	vst.idx.add.f32.msk $0xffff, v3  }
0x6a: {  	v39 =	vor.u32 v39, v42;
	v29 =	vor.u32 v4, v35;
	v35 =	vshll.u32 v48, $0x3;
	[tilespmem:v45+s9+$0x0] =	vst.idx.add.f32.msk $0xffff, v3  }
0x6b: {  	v42 =	vand.u32 $0x7F, v33;
	v33 =	vshll.u32 v47, $0x3;
	v23 =	vmovc v25;
	v25 =	vmovc v37;
	v45 =	vand.u32 $0x7F, v47;
	[tilespmem:v34+s9+$0x0] =	vst.idx.add.f32.msk $0xffff, v3  }
0x6c: {  	v54 =	vand.u32 $0xFFFFFC00, v33;
	v34 =	vmov s15;
	v31 =	vand.u32 $0x7F, v30;
	v44 =	vld.idx.msk [tilespmem:v44+s12+$0x0], $0xffff  }
0x6d: {  	v33 =	vand.u32 $0x7F, v34;
	v34 =	vand.u32 $0x7F, v48;
	v40 =	vshll.u32 v50, $0x3;
	[tilespmem:v41+s9+$0x0] =	vst.idx.add.f32.msk $0xffff, v3  }
0x6e: {  	v37 =	vbroadcast v33, $0x0;
	v33 =	vand.u32 $0xFFFFFC00, v43;
	v40 =	vand.u32 $0xFFFFFC00, v40;
	v41 =	vld.idx.msk [tilespmem:v51+s12+$0x0], $0xffff  }
0x6f: {  	v35 =	vand.u32 $0xFFFFFC00, v35;
	v43 =	vor.u32 v46, v33;
	v33 =	vand.u32 $0x7F, v50  }
0x70: {  	v46 =	vand.u32 $0x7F, v32;
	v48 =	vor.u32 v0, v37;
	v40 =	vor.u32 v33, v40;
	v32 =	vld.idx.msk [tilespmem:v53+s12+$0x0], $0xffff  }
0x71: {  	v36 =	vor.u32 v42, v36;
	v42 =	vshll.u32 v52, $0x3;
	v38 =	vor.u32 v46, v38;
	v33 =	vld.idx.msk [tilespmem:v49+s12+$0x0], $0xffff  }
0x72: {  	v38 =	vadd.s32 v2, v38;
	v46 =	vshll.u32 v44, $0x3;
	v49 =	vand.u32 $0x7F, v52  }
0x73: {  	v50 =	vadd.s32 v2, v39;
	v51 =	vand.u32 $0xFFFFFC00, v42;
	v46 =	vand.u32 $0xFFFFFC00, v46  }
.Ltmp1:
0x74: {  	v47 =	vadd.s32 v2, v36;
	v42 =	vand.u32 $0x7F, v44;
	v39 =	vand.u32 $0x7F, v41;
	(pc) =	sbr.rel @p0 .LBB2_4-.Ltmp1, $4  }
0x75: {  	v36 =	vor.u32 v42, v46;
	v41 =	vshll.u32 v41, $0x3;
	v46 =	vadd.s32 v2, v43  }
0x76: {  	v44 =	vadd.s32 v2, v36;
	v42 =	vand.u32 $0xFFFFFC00, v41;
	v36 =	vor.u32 v49, v51;
	v43 =	vld.idx.msk [tilespmem:v48+s12+$0x0], $0xffff  }
0x77: {  	v41 =	vadd.s32 v5, v36;
	v48 =	vshll.u32 v32, $0x3;
	v49 =	vshll.u32 v33, $0x3;
	[tilespmem:v38+s9+$0x0] =	vst.idx.add.f32.msk $0xffff, v3  }
0x78: {  	v45 =	vor.u32 v45, v54;
	v38 =	vand.u32 $0xFFFFFC00, v48;
	v36 =	vand.u32 $0xFFFFFC00, v49;
	[tilespmem:v50+s9+$0x0] =	vst.idx.add.f32.msk $0xffff, v3  }
0x79: {  	_ =	sdelay $0x3  }
0x7a: {  	[tilespmem:v46+s9+$0x0] =	vst.idx.add.f32.msk $0xffff, v3  }
0x7b: {  	v32 =	vand.u32 $0x7F, v32;
	v24 =	vld.idx.msk [tilespmem:v24+s12+$0x0], $0xffff;
	v63 =	vor.u32 v39, v42  }
0x7c: {  	v33 =	vand.u32 $0x7F, v33;
	[tilespmem:v44+s9+$0x0] =	vst.idx.add.f32.msk $0xffff, v3;
	v37 =	vor.u32 v4, v37;
	v32 =	vor.u32 v32, v38  }
0x7d: {  	v30 =	vshll.u32 v30, $0x3;
	v22 =	vld.idx.msk [tilespmem:v22+s12+$0x0], $0xffff;
	v33 =	vor.u32 v33, v36;
	v32 =	vadd.s32 v2, v32  }
0x7e: {  	v27 =	vld.idx.msk [tilespmem:v27+s12+$0x0], $0xffff;
	v61 =	vand.u32 $0x7F, v43;
	v62 =	vshll.u32 v43, $0x3;
	v43 =	vadd.s32 v2, v63  }
0x7f: {  	v46 =	vadd.s32 v5, v40;
	v34 =	vor.u32 v34, v35;
	v29 =	vld.idx.msk [tilespmem:v29+s12+$0x0], $0xffff;
	v33 =	vadd.s32 v2, v33  }
0x80: {  	[tilespmem:v47+s9+$0x0] =	vst.idx.add.f32.msk $0xffff, v3;
	v30 =	vand.u32 $0xFFFFFC00, v30;
	v34 =	vadd.s32 v5, v34;
	v42 =	vand.u32 $0xFFFFFC00, v62  }
0x81: {  	v23 =	vld.idx.msk [tilespmem:v23+s12+$0x0], $0xffff;
	v30 =	vor.u32 v31, v30;
	v31 =	vadd.s32 v5, v45;
	v44 =	vor.u32 v61, v42  }
0x82: {  	v30 =	vadd.s32 v5, v30;
	v38 =	vadd.s32 v2, v44;
	[tilespmem:v32+s9+$0x0] =	vst.idx.add.f32.msk $0xffff, v3  }
0x83: {  	v48 =	vand.u32 $0x7F, v24;
	v24 =	vshll.u32 v24, $0x3;
	v50 =	vshll.u32 v22, $0x3;
	[tilespmem:v43+s9+$0x0] =	vst.idx.add.f32.msk $0xffff, v3  }
0x84: {  	v22 =	vand.u32 $0x7F, v22;
	v47 =	vshll.u32 v27, $0x3;
	v49 =	vand.u32 $0x7F, v29;
	[tilespmem:v33+s9+$0x0] =	vst.idx.add.f32.msk $0xffff, v3  }
0x85: {  	v24 =	vand.u32 $0xFFFFFC00, v24;
	v27 =	vand.u32 $0x7F, v27;
	v36 =	vand.u32 $0xFFFFFC00, v50;
	v28 =	vld.idx.msk [tilespmem:v28+s12+$0x0], $0xffff  }
0x86: {  	v51 =	vshll.u32 v23, $0x3;
	v23 =	vand.u32 $0x7F, v23;
	v29 =	vshll.u32 v29, $0x3;
	v25 =	vld.idx.msk [tilespmem:v25+s12+$0x0], $0xffff  }
0x87: {  	v32 =	vand.u32 $0xFFFFFC00, v47;
	v22 =	vor.u32 v22, v36;
	v24 =	vor.u32 v48, v24;
	v26 =	vld.idx.msk [tilespmem:v26+s12+$0x0], $0xffff  }
0x88: {  	[tilespmem:v41+s9+$0x0] =	vst.idx.add.f32.msk $0xffff, v3;
	v29 =	vand.u32 $0xFFFFFC00, v29;
	v22 =	vadd.s32 v5, v22;
	v27 =	vor.u32 v27, v32  }
0x89: {  	v24 =	vadd.s32 v5, v24;
	v29 =	vor.u32 v49, v29;
	[tilespmem:v38+s9+$0x0] =	vst.idx.add.f32.msk $0xffff, v3;
	v38 =	vand.u32 $0xFFFFFC00, v51  }
0x8a: {  	v27 =	vadd.s32 v5, v27;
	v29 =	vadd.s32 v5, v29;
	v37 =	vld.idx.msk [tilespmem:v37+s12+$0x0], $0xffff;
	v23 =	vor.u32 v23, v38  }
0x8b: {  	[tilespmem:v46+s9+$0x0] =	vst.idx.add.f32.msk $0xffff, v3;
	v23 =	vadd.s32 v5, v23;
	v53 =	vshll.u32 v28, $0x3;
	v28 =	vand.u32 $0x7F, v28  }
0x8c: {  	[tilespmem:v34+s9+$0x0] =	vst.idx.add.f32.msk $0xffff, v3;
	v54 =	vshll.u32 v25, $0x3;
	v55 =	vshll.u32 v26, $0x3;
	v25 =	vand.u32 $0x7F, v25  }
0x8d: {  	[tilespmem:v30+s9+$0x0] =	vst.idx.add.f32.msk $0xffff, v3;
	v26 =	vand.u32 $0x7F, v26;
	v33 =	vand.u32 $0xFFFFFC00, v54;
	v30 =	vand.u32 $0xFFFFFC00, v55  }
0x8e: {  	[tilespmem:v31+s9+$0x0] =	vst.idx.add.f32.msk $0xffff, v3;
	v31 =	vand.u32 $0xFFFFFC00, v53;
	v25 =	vor.u32 v25, v33;
	v26 =	vor.u32 v26, v30  }
0x8f: {  	[tilespmem:v22+s9+$0x0] =	vst.idx.add.f32.msk $0xffff, v3;
	v28 =	vor.u32 v28, v31;
	v52 =	vshll.u32 v37, $0x3;
	v25 =	vadd.s32 v5, v25  }
0x90: {  	v26 =	vadd.s32 v5, v26;
	[tilespmem:v23+s9+$0x0] =	vst.idx.add.f32.msk $0xffff, v3;
	v23 =	vand.u32 $0x7F, v37;
	v22 =	vand.u32 $0xFFFFFC00, v52  }
0x91: {  	[tilespmem:v24+s9+$0x0] =	vst.idx.add.f32.msk $0xffff, v3;
	v22 =	vor.u32 v23, v22;
	v23 =	vadd.s32 v5, v28  }
0x92: {  	[tilespmem:v27+s9+$0x0] =	vst.idx.add.f32.msk $0xffff, v3;
	v22 =	vadd.s32 v5, v22  }
0x93: {  	v24 =	vor.u32 v6, v15;
	[tilespmem:v29+s9+$0x0] =	vst.idx.add.f32.msk $0xffff, v3  }
0x94: {  	[tilespmem:v25+s9+$0x0] =	vst.idx.add.f32.msk $0xffff, v3  }
0x95: {  	[tilespmem:v26+s9+$0x0] =	vst.idx.add.f32.msk $0xffff, v3  }
0x96: {  	[tilespmem:v23+s9+$0x0] =	vst.idx.add.f32.msk $0xffff, v3  }
0x97: {  	s12 =	simm.s32 $0x0;
	[tilespmem:v22+s9+$0x0] =	vst.idx.add.f32.msk $0xffff, v3  }
0x98: {  	v22 =	vor.u32 v6, v16;
	v23 =	vld.idx.msk [tilespmem:v24+s12+$0x0], $0xffff  }
0x99: {  	v25 =	vor.u32 v6, v14  }
0x9a: {  	v26 =	vor.u32 v6, v17;
	_ =	sdelay $0x2  }
0x9b: {  	v22 =	vld.idx.msk [tilespmem:v22+s12+$0x0], $0xffff;
	v27 =	vshll.u32 v23, $0x3  }
0x9c: {  	v24 =	vor.u32 v6, v19;
	v25 =	vld.idx.msk [tilespmem:v25+s12+$0x0], $0xffff;
	v23 =	vand.u32 $0x7F, v23;
	v27 =	vand.u32 $0xFFFFFC00, v27  }
0x9d: {  	v29 =	vor.u32 v6, v18;
	v26 =	vld.idx.msk [tilespmem:v26+s12+$0x0], $0xffff;
	v23 =	vor.u32 v23, v27  }
0x9e: {  	v56 =	vor.u32 v6, v20;
	v23 =	vadd.s32 v2, v23  }
0x9f: {  	v58 =	vor.u32 v7, v17;
	v31 =	vor.u32 v6, v21;
	v27 =	vor.u32 v7, v15  }
0xa0: {  	v15 =	vor.u32 v7, v16;
	v16 =	vand.u32 $0x7F, v22;
	v22 =	vshll.u32 v22, $0x3  }
0xa1: {  	v24 =	vld.idx.msk [tilespmem:v24+s12+$0x0], $0xffff;
	v30 =	vand.u32 $0x7F, v25;
	v25 =	vshll.u32 v25, $0x3;
	v22 =	vand.u32 $0xFFFFFC00, v22  }
0xa2: {  	v59 =	vld.idx.msk [tilespmem:v29+s12+$0x0], $0xffff;
	v22 =	vor.u32 v16, v22;
	v16 =	vshll.u32 v26, $0x3;
	v26 =	vand.u32 $0x7F, v26  }
0xa3: {  	v57 =	vand.u32 $0xFFFFFC00, v16;
	[tilespmem:v23+s9+$0x0] =	vst.idx.add.f32.msk $0xffff, v3;
	v23 =	vand.u32 $0xFFFFFC00, v25;
	v25 =	vor.u32 v6, v12  }
0xa4: {  	v17 =	vor.u32 v7, v20;
	v20 =	vld.idx.msk [tilespmem:v31+s12+$0x0], $0xffff;
	v16 =	vor.u32 v7, v21;
	v21 =	vor.u32 v26, v57  }
0xa5: {  	v60 =	vor.u32 v6, v13;
	v27 =	vld.idx.msk [tilespmem:v27+s12+$0x0], $0xffff;
	v21 =	vadd.s32 v2, v21  }
0xa6: {  	v19 =	vor.u32 v7, v19;
	v61 =	vld.idx.msk [tilespmem:v56+s12+$0x0], $0xffff;
	v29 =	vor.u32 v7, v14;
	v28 =	vshll.u32 v24, $0x3  }
0xa7: {  	v14 =	vor.u32 v7, v18;
	v24 =	vand.u32 $0x7F, v24;
	v28 =	vand.u32 $0xFFFFFC00, v28  }
0xa8: {  	v31 =	vand.u32 $0x7F, v59;
	v24 =	vor.u32 v24, v28;
	v23 =	vor.u32 v30, v23;
	v30 =	vld.idx.msk [tilespmem:v25+s12+$0x0], $0xffff  }
0xa9: {  	v62 =	vshll.u32 v20, $0x3;
	v26 =	vadd.s32 v2, v24;
	v28 =	vadd.s32 v2, v23  }
0xaa: {  	v25 =	vshll.u32 v59, $0x3;
	v23 =	vshll.u32 v27, $0x3;
	v24 =	vand.u32 $0x7F, v27;
	[tilespmem:v21+s9+$0x0] =	vst.idx.add.f32.msk $0xffff, v3  }
0xab: {  	v32 =	vand.u32 $0xFFFFFC00, v25;
	v21 =	vshll.u32 v61, $0x3;
	v23 =	vand.u32 $0xFFFFFC00, v23;
	v25 =	vld.idx.msk [tilespmem:v58+s12+$0x0], $0xffff  }
0xac: {  	v18 =	vor.u32 v24, v23;
	v23 =	vand.u32 $0x7F, v61;
	v24 =	vand.u32 $0xFFFFFC00, v21  }
0xad: {  	v18 =	vadd.s32 v5, v18;
	v21 =	vand.u32 $0x7F, v30;
	v63 =	vshll.u32 v30, $0x3  }
0xae: {  	s14 =	simm.s32 $0x0;
	v27 =	vld.idx.msk [tilespmem:v60+s12+$0x0], $0xffff;
	v30 =	vor.u32 v23, v24;
	v23 =	vand.u32 $0xFFFFFC00, v62;
	v24 =	vand.u32 $0xFFFFFC00, v63  }
.LBB2_6:
0xaf: {  	s15 =	sadd.s32 $0x1, s13;
	v31 =	vor.u32 v31, v32  }
0xb0: {  	s16 =	sadd.s32 $0x2, s13;
	s17 =	sadd.s32 $0x3, s13;
	v32 =	vshll.u32 v25, $0x3;
	v33 =	vadd.s32 v2, v22;
	[tilespmem:v28+s9+$0x0] =	vst.idx.add.f32.msk $0xffff, v3;
	v22 =	vmov v30;
	s18 =	smov.u32 s13  }
0xb1: {  	p0 =	slt.u32 s13, $0x2D;
	s13 =	sadd.s32 $0x5, s13;
	v34 =	vor.u32 v7, v13;
	v28 =	vmov s15;
	v30 =	vmov s16;
	s15 =	sadd.s32 $0x4, s18;
	v13 =	vld.idx.msk [tilespmem:v29+s14+$0x0], $0xffff  }
0xb2: {  	v32 =	vand.u32 $0xFFFFFC00, v32;
	v28 =	vand.u32 $0x7F, v28;
	v29 =	vmov s15;
	[tilespmem:v26+s9+$0x0] =	vst.idx.add.f32.msk $0xffff, v3  }
0xb3: {  	v31 =	vadd.s32 v2, v31;
	v26 =	vmov s17;
	v29 =	vand.u32 $0x7F, v29;
	v35 =	vld.idx.msk [tilespmem:v19+s14+$0x0], $0xffff;
	v19 =	vmovc v16  }
0xb4: {  	v16 =	vand.u32 $0x7F, v30;
	v26 =	vand.u32 $0x7F, v26;
	v30 =	vshll.u32 v27, $0x3;
	[tilespmem:v18+s9+$0x0] =	vst.idx.add.f32.msk $0xffff, v3  }
0xb5: {  	v25 =	vand.u32 $0x7F, v25;
	v18 =	vbroadcast v16, $0x0;
	v16 =	vbroadcast v29, $0x0;
	[tilespmem:v33+s9+$0x0] =	vst.idx.add.f32.msk $0xffff, v3  }
0xb6: {  	v25 =	vor.u32 v25, v32;
	v36 =	vbroadcast v26, $0x0;
	v33 =	vbroadcast v28, $0x0;
	v26 =	vld.idx.msk [tilespmem:v15+s14+$0x0], $0xffff;
	v15 =	vmovc v17;
	s14 =	smov.u32 s12  }
0xb7: {  	v28 =	vor.u32 v6, v16;
	v16 =	vor.u32 v7, v16;
	v17 =	vshll.u32 v13, $0x3  }
0xb8: {  	v32 =	vor.u32 v6, v36;
	v37 =	vand.u32 $0x7F, v13;
	v29 =	vor.u32 v6, v33  }
0xb9: {  	v27 =	vand.u32 $0x7F, v27;
	v13 =	vmov s18;
	v38 =	vor.u32 v6, v18  }
0xba: {  	v30 =	vand.u32 $0xFFFFFC00, v30;
	v13 =	vand.u32 $0x7F, v13;
	v39 =	vshll.u32 v35, $0x3  }
0xbb: {  	v27 =	vor.u32 v27, v30;
	v30 =	vand.u32 $0xFFFFFC00, v17;
	[tilespmem:v31+s9+$0x0] =	vst.idx.add.f32.msk $0xffff, v3;
	v31 =	vand.u32 $0xFFFFFC00, v39  }
0xbc: {  	v17 =	vor.u32 v7, v18;
	v18 =	vadd.s32 v2, v27;
	v13 =	vbroadcast v13, $0x0;
	v14 =	vld.idx.msk [tilespmem:v14+s14+$0x0], $0xffff  }
0xbd: {  	v35 =	vand.u32 $0x7F, v35;
	v27 =	vld.idx.msk [tilespmem:v28+s12+$0x0], $0xffff;
	v28 =	vand.u32 $0x7F, v26;
	v26 =	vshll.u32 v26, $0x3  }
0xbe: {  	v41 =	vadd.s32 v5, v25;
	v39 =	vor.u32 v6, v13;
	v40 =	vld.idx.msk [tilespmem:v29+s12+$0x0], $0xffff;
	v25 =	vand.u32 $0xFFFFFC00, v26  }
0xbf: {  	v20 =	vand.u32 $0x7F, v20;
	v29 =	vor.u32 v35, v31;
	v25 =	vor.u32 v28, v25  }
0xc0: {  	v21 =	vor.u32 v21, v24;
	v20 =	vor.u32 v20, v23;
	v23 =	vor.u32 v37, v30;
	v35 =	vld.idx.msk [tilespmem:v38+s12+$0x0], $0xffff  }
0xc1: {  	v26 =	vadd.s32 v2, v20;
	v28 =	vadd.s32 v2, v21;
	v21 =	vadd.s32 v5, v25;
	v24 =	vld.idx.msk [tilespmem:v32+s12+$0x0], $0xffff  }
0xc2: {  	v37 =	vadd.s32 v5, v23;
	v23 =	vadd.s32 v5, v29;
	[tilespmem:v18+s9+$0x0] =	vst.idx.add.f32.msk $0xffff, v3;
	v18 =	vshll.u32 v14, $0x3  }
0xc3: {  	v29 =	vor.u32 v7, v12;
	v12 =	vmovc v36;
	v30 =	vand.u32 $0x7F, v14;
	v20 =	vmovc v27;
	v25 =	vld.idx.msk [tilespmem:v34+s14+$0x0], $0xffff;
	v18 =	vand.u32 $0xFFFFFC00, v18  }
.Ltmp2:
0xc4: {  	v14 =	vor.u32 v7, v33;
	v32 =	vshll.u32 v40, $0x3;
	v18 =	vor.u32 v30, v18;
	[tilespmem:v41+s9+$0x0] =	vst.idx.add.f32.msk $0xffff, v3;
	(pc) =	sbr.rel @p0 .LBB2_6-.Ltmp2, $4  }
0xc5: {  	v31 =	vand.u32 $0x7F, v40;
	v32 =	vand.u32 $0xFFFFFC00, v32;
	v27 =	vld.idx.msk [tilespmem:v39+s12+$0x0], $0xffff;
	v18 =	vadd.s32 v5, v18  }
0xc6: {  	v34 =	vshll.u32 v20, $0x3;
	v30 =	vand.u32 $0x7F, v35;
	v33 =	vshll.u32 v35, $0x3;
	[tilespmem:v21+s9+$0x0] =	vst.idx.add.f32.msk $0xffff, v3  }
0xc7: {  	v33 =	vand.u32 $0xFFFFFC00, v33;
	v21 =	vand.u32 $0x7F, v24;
	v24 =	vshll.u32 v24, $0x3;
	[tilespmem:v23+s9+$0x0] =	vst.idx.add.f32.msk $0xffff, v3  }
0xc8: {  	v30 =	vor.u32 v30, v33;
	v24 =	vand.u32 $0xFFFFFC00, v24;
	v23 =	vand.u32 $0xFFFFFC00, v34;
	[tilespmem:v37+s9+$0x0] =	vst.idx.add.f32.msk $0xffff, v3  }
0xc9: {  	_ =	sdelay $0x3  }
0xca: {  	v22 =	vadd.s32 v2, v22;
	[tilespmem:v28+s9+$0x0] =	vst.idx.add.f32.msk $0xffff, v3  }
0xcb: {  	v31 =	vor.u32 v31, v32;
	[tilespmem:v26+s9+$0x0] =	vst.idx.add.f32.msk $0xffff, v3  }
0xcc: {  	v21 =	vor.u32 v21, v24;
	[tilespmem:v18+s9+$0x0] =	vst.idx.add.f32.msk $0xffff, v3;
	v31 =	vadd.s32 v2, v31  }
0xcd: {  	v20 =	vand.u32 $0x7F, v20;
	v28 =	vshll.u32 v27, $0x3;
	v29 =	vld.idx.msk [tilespmem:v29+s14+$0x0], $0xffff;
	v21 =	vadd.s32 v2, v21  }
0xce: {  	v27 =	vand.u32 $0x7F, v27;
	v19 =	vld.idx.msk [tilespmem:v19+s14+$0x0], $0xffff;
	v20 =	vor.u32 v20, v23;
	v28 =	vand.u32 $0xFFFFFC00, v28  }
0xcf: {  	v20 =	vadd.s32 v2, v20;
	v26 =	vor.u32 v27, v28;
	[tilespmem:v22+s9+$0x0] =	vst.idx.add.f32.msk $0xffff, v3  }
0xd0: {  	v26 =	vadd.s32 v2, v26;
	v15 =	vld.idx.msk [tilespmem:v15+s14+$0x0], $0xffff  }
0xd1: {  	v13 =	vor.u32 v7, v13;
	[tilespmem:v31+s9+$0x0] =	vst.idx.add.f32.msk $0xffff, v3  }
0xd2: {  	v12 =	vor.u32 v7, v12;
	v22 =	vshll.u32 v25, $0x3;
	[tilespmem:v21+s9+$0x0] =	vst.idx.add.f32.msk $0xffff, v3  }
0xd3: {  	v23 =	vand.u32 $0x7F, v25;
	v22 =	vand.u32 $0xFFFFFC00, v22;
	v14 =	vld.idx.msk [tilespmem:v14+s12+$0x0], $0xffff  }
0xd4: {  	s13 =	simm.s32 $0x1;
	v24 =	vshll.u32 v29, $0x3;
	v22 =	vor.u32 v23, v22;
	v23 =	vadd.s32 v2, v30;
	[tilespmem:v20+s9+$0x0] =	vst.idx.add.f32.msk $0xffff, v3  }
0xd5: {  	v18 =	vmov s13;
	v25 =	vand.u32 $0x7F, v29;
	v21 =	vand.u32 $0xFFFFFC00, v24;
	[tilespmem:v26+s9+$0x0] =	vst.idx.add.f32.msk $0xffff, v3  }
0xd6: {  	v20 =	vadd.s32 v5, v22;
	v21 =	vor.u32 v25, v21;
	v26 =	vshll.u32 v19, $0x3;
	v13 =	vld.idx.msk [tilespmem:v13+s12+$0x0], $0xffff  }
0xd7: {  	v12 =	vld.idx.msk [tilespmem:v12+s12+$0x0], $0xffff;
	v19 =	vand.u32 $0x7F, v19;
	v21 =	vadd.s32 v5, v21;
	v24 =	vand.u32 $0xFFFFFC00, v26  }
0xd8: {  	v16 =	vld.idx.msk [tilespmem:v16+s12+$0x0], $0xffff;
	v26 =	vshll.u32 v15, $0x3;
	v15 =	vand.u32 $0x7F, v15;
	v19 =	vor.u32 v19, v24  }
0xd9: {  	v26 =	vand.u32 $0xFFFFFC00, v26;
	[tilespmem:v23+s9+$0x0] =	vst.idx.add.f32.msk $0xffff, v3;
	v22 =	vshll.u32 v14, $0x3;
	v19 =	vadd.s32 v5, v19  }
0xda: {  	v14 =	vand.u32 $0x7F, v14;
	v15 =	vor.u32 v15, v26;
	v17 =	vld.idx.msk [tilespmem:v17+s12+$0x0], $0xffff;
	v22 =	vand.u32 $0xFFFFFC00, v22  }
0xdb: {  	v15 =	vadd.s32 v5, v15;
	v14 =	vor.u32 v14, v22;
	v23 =	vshll.u32 v13, $0x3  }
0xdc: {  	v13 =	vand.u32 $0x7F, v13;
	v14 =	vadd.s32 v5, v14;
	v22 =	vand.u32 $0xFFFFFC00, v23  }
0xdd: {  	v23 =	vshll.u32 v16, $0x3;
	v16 =	vand.u32 $0x7F, v16;
	v13 =	vor.u32 v13, v22  }
0xde: {  	v22 =	vshll.u32 v12, $0x3;
	v12 =	vand.u32 $0x7F, v12;
	v23 =	vand.u32 $0xFFFFFC00, v23  }
0xdf: {  	v22 =	vand.u32 $0xFFFFFC00, v22;
	v24 =	vand.u32 $0x7F, v17;
	v17 =	vshll.u32 v17, $0x3  }
0xe0: {  	[tilespmem:v20+s9+$0x0] =	vst.idx.add.f32.msk $0xffff, v3;
	v13 =	vadd.s32 v5, v13;
	v16 =	vor.u32 v16, v23;
	v17 =	vand.u32 $0xFFFFFC00, v17  }
0xe1: {  	[tilespmem:v15+s9+$0x0] =	vst.idx.add.f32.msk $0xffff, v3;
	v12 =	vor.u32 v12, v22;
	v15 =	vand.u32 $0x7F, v18;
	v18 =	vadd.s32 v5, v16  }
0xe2: {  	[tilespmem:v21+s9+$0x0] =	vst.idx.add.f32.msk $0xffff, v3;
	v17 =	vor.u32 v24, v17;
	v15 =	vbroadcast v15, $0x0;
	v12 =	vadd.s32 v5, v12  }
0xe3: {  	s21 =	simm.s32 $0x2;
	[tilespmem:v19+s9+$0x0] =	vst.idx.add.f32.msk $0xffff, v3;
	v17 =	vadd.s32 v5, v17  }
0xe4: {  	s22 =	simm.s32 $0x3;
	v16 =	vmov s21;
	[tilespmem:v14+s9+$0x0] =	vst.idx.add.f32.msk $0xffff, v3;
	v20 =	vor.u32 v8, v15  }
0xe5: {  	v16 =	vand.u32 $0x7F, v16;
	[tilespmem:v13+s9+$0x0] =	vst.idx.add.f32.msk $0xffff, v3;
	v13 =	vmov s22  }
0xe6: {  	s23 =	simm.s32 $0x4;
	v16 =	vbroadcast v16, $0x0;
	v13 =	vand.u32 $0x7F, v13;
	[tilespmem:v18+s9+$0x0] =	vst.idx.add.f32.msk $0xffff, v3  }
0xe7: {  	v18 =	vmov s23;
	v14 =	vbroadcast v13, $0x0;
	[tilespmem:v12+s9+$0x0] =	vst.idx.add.f32.msk $0xffff, v3  }
0xe8: {  	v12 =	vand.u32 $0x7F, v18;
	[tilespmem:v17+s9+$0x0] =	vst.idx.add.f32.msk $0xffff, v3;
	v17 =	vor.u32 v8, v16  }
0xe9: {  	s29 =	simm.s32 $0x5;
	s31 =	simm.s32 $0xC;
	v19 =	vbroadcast v12, $0x0;
	v12 =	vor.u32 v8, v14;
	v13 =	vld.idx.msk [tilespmem:v20+s12+$0x0], $0xffff  }
0xea: {  	s15 =	simm.s32 $0xE;
	v41 =	vmov s29;
	v56 =	vmov s31  }
0xeb: {  	v57 =	vmov s15;
	v18 =	vmov s12;
	v20 =	vor.u32 v8, v19  }
0xec: {  	s24 =	simm.s32 $0x6;
	v23 =	vor.u32 v9, v15;
	v25 =	vor.u32 v9, v16;
	v18 =	vand.u32 $0x7F, v18  }
0xed: {  	v28 =	vor.u32 v9, v14;
	v21 =	vld.idx.msk [tilespmem:v17+s12+$0x0], $0xffff;
	v17 =	vbroadcast v18, $0x0;
	v18 =	vmov s24  }
0xee: {  	v31 =	vor.u32 v9, v19;
	v26 =	vld.idx.msk [tilespmem:v12+s12+$0x0], $0xffff;
	v12 =	vshll.u32 v13, $0x3;
	v18 =	vand.u32 $0x7F, v18  }
0xef: {  	v13 =	vand.u32 $0x7F, v13;
	v12 =	vand.u32 $0xFFFFFC00, v12;
	v18 =	vbroadcast v18, $0x0  }
0xf0: {  	s25 =	simm.s32 $0x7;
	v22 =	vor.u32 v8, v17;
	v27 =	vld.idx.msk [tilespmem:v20+s12+$0x0], $0xffff;
	v63 =	vor.u32 v9, v17;
	v12 =	vor.u32 v13, v12  }
0xf1: {  	v24 =	vadd.s32 v2, v12;
	v12 =	vmov s25;
	v62 =	vor.u32 v8, v18  }
0xf2: {  	v42 =	vor.u32 v9, v18;
	v29 =	vand.u32 $0x7F, v21;
	v13 =	vshll.u32 v21, $0x3  }
0xf3: {  	s28 =	simm.s32 $0x9;
	v12 =	vand.u32 $0x7F, v12;
	v13 =	vand.u32 $0xFFFFFC00, v13;
	v21 =	vshll.u32 v26, $0x3  }
0xf4: {  	s26 =	simm.s32 $0x8;
	v20 =	vbroadcast v12, $0x0;
	v12 =	vmov s28;
	v26 =	vand.u32 $0x7F, v26  }
0xf5: {  	v30 =	vld.idx.msk [tilespmem:v22+s12+$0x0], $0xffff;
	v22 =	vmov s26;
	v33 =	vshll.u32 v27, $0x3;
	v34 =	vand.u32 $0x7F, v12  }
0xf6: {  	v36 =	vand.u32 $0xFFFFFC00, v21;
	v29 =	vor.u32 v29, v13;
	v13 =	vand.u32 $0x7F, v41  }
0xf7: {  	v27 =	vand.u32 $0x7F, v27;
	v22 =	vand.u32 $0x7F, v22;
	v35 =	vor.u32 v8, v20  }
0xf8: {  	v33 =	vand.u32 $0xFFFFFC00, v33;
	v21 =	vbroadcast v34, $0x0;
	v13 =	vbroadcast v13, $0x0;
	[tilespmem:v24+s9+$0x0] =	vst.idx.add.f32.msk $0xffff, v3  }
0xf9: {  	v26 =	vor.u32 v26, v36;
	v29 =	vadd.s32 v2, v29;
	v12 =	vbroadcast v22, $0x0;
	v32 =	vld.idx.msk [tilespmem:v62+s12+$0x0], $0xffff  }
0xfa: {  	v24 =	vor.u32 v9, v20;
	v27 =	vor.u32 v27, v33;
	v26 =	vadd.s32 v2, v26  }
0xfb: {  	v38 =	vld.idx.msk [tilespmem:v23+s12+$0x0], $0xffff;
	v40 =	vor.u32 v8, v21;
	v23 =	vor.u32 v9, v21;
	v49 =	vor.u32 v8, v13  }
0xfc: {  	v43 =	vadd.s32 v2, v27;
	v37 =	vand.u32 $0x7F, v30;
	v30 =	vshll.u32 v30, $0x3  }
0xfd: {  	s30 =	simm.s32 $0xB;
	v39 =	vor.u32 v8, v12;
	v22 =	vor.u32 v9, v12;
	v30 =	vand.u32 $0xFFFFFC00, v30  }
0xfe: {  	[tilespmem:v29+s9+$0x0] =	vst.idx.add.f32.msk $0xffff, v3;
	v29 =	vmov s30;
	v30 =	vor.u32 v37, v30;
	v50 =	vshll.u32 v32, $0x3  }
0xff: {  	v32 =	vand.u32 $0x7F, v32;
	v29 =	vand.u32 $0x7F, v29;
	v46 =	vld.idx.msk [tilespmem:v25+s12+$0x0], $0xffff;
	v25 =	vand.u32 $0x7F, v56  }
0x100: {  	v35 =	vld.idx.msk [tilespmem:v35+s12+$0x0], $0xffff;
	v48 =	vand.u32 $0x7F, v38;
	v51 =	vand.u32 $0xFFFFFC00, v50;
	v30 =	vadd.s32 v2, v30  }
0x101: {  	s13 =	simm.s32 $0xA;
	[tilespmem:v26+s9+$0x0] =	vst.idx.add.f32.msk $0xffff, v3;
	v26 =	vshll.u32 v38, $0x3;
	v38 =	vand.u32 $0x7F, v57;
	v29 =	vbroadcast v29, $0x0  }
0x102: {  	v40 =	vld.idx.msk [tilespmem:v40+s12+$0x0], $0xffff;
	v60 =	vbroadcast v25, $0x0;
	v57 =	vmov s13;
	v27 =	vor.u32 v32, v51  }
0x103: {  	v54 =	vld.idx.msk [tilespmem:v49+s12+$0x0], $0xffff;
	v26 =	vand.u32 $0xFFFFFC00, v26;
	v38 =	vbroadcast v38, $0x0;
	v33 =	vadd.s32 v2, v27  }
0x104: {  	v61 =	vld.idx.msk [tilespmem:v28+s12+$0x0], $0xffff;
	v26 =	vor.u32 v48, v26;
	v59 =	vor.u32 v8, v29;
	v48 =	vor.u32 v8, v60  }
0x105: {  	v39 =	vld.idx.msk [tilespmem:v39+s12+$0x0], $0xffff;
	v28 =	vor.u32 v9, v60;
	v29 =	vor.u32 v9, v29;
	v52 =	vand.u32 $0x7F, v35  }
0x106: {  	v53 =	vshll.u32 v35, $0x3;
	v25 =	vor.u32 v9, v38;
	v41 =	vadd.s32 v5, v26  }
0x107: {  	s16 =	simm.s32 $0xD;
	[tilespmem:v43+s9+$0x0] =	vst.idx.add.f32.msk $0xffff, v3;
	v32 =	vand.u32 $0xFFFFFC00, v53;
	v50 =	vand.u32 $0x7F, v46;
	v56 =	vshll.u32 v46, $0x3  }
0x108: {  	v55 =	vshll.u32 v40, $0x3;
	[tilespmem:v30+s9+$0x0] =	vst.idx.add.f32.msk $0xffff, v3;
	v30 =	vmov s16;
	v47 =	vand.u32 $0x7F, v54  }
0x109: {  	v46 =	vld.idx.msk [tilespmem:v31+s12+$0x0], $0xffff;
	v35 =	vshll.u32 v54, $0x3;
	v36 =	vor.u32 v52, v32;
	v51 =	vand.u32 $0xFFFFFC00, v56  }
0x10a: {  	v27 =	vshll.u32 v39, $0x3;
	v45 =	vand.u32 $0xFFFFFC00, v55;
	v34 =	vld.idx.msk [tilespmem:v63+s12+$0x0], $0xffff;
	v58 =	vand.u32 $0x7F, v30  }
0x10b: {  	v63 =	vand.u32 $0x7F, v40;
	v60 =	vand.u32 $0xFFFFFC00, v35;
	v54 =	vadd.s32 v2, v36;
	[tilespmem:v33+s9+$0x0] =	vst.idx.add.f32.msk $0xffff, v3  }
0x10c: {  	v44 =	vand.u32 $0xFFFFFC00, v27;
	v27 =	vor.u32 v9, v13;
	v37 =	vbroadcast v58, $0x0;
	v52 =	vld.idx.msk [tilespmem:v59+s12+$0x0], $0xffff  }
0x10d: {  	v58 =	vand.u32 $0x7F, v57;
	v59 =	vshll.u32 v61, $0x3;
	v30 =	vld.idx.msk [tilespmem:v42+s12+$0x0], $0xffff;
	v42 =	vor.u32 v8, v38  }
0x10e: {  	v53 =	vor.u32 v47, v60;
	v43 =	vor.u32 v63, v45;
	v49 =	vor.u32 v8, v37  }
0x10f: {  	v61 =	vand.u32 $0x7F, v61;
	v40 =	vand.u32 $0xFFFFFC00, v59;
	v47 =	vadd.s32 v2, v43  }
0x110: {  	v48 =	vld.idx.msk [tilespmem:v48+s12+$0x0], $0xffff;
	v26 =	vor.u32 v9, v37;
	v37 =	vbroadcast v58, $0x0;
	v40 =	vor.u32 v61, v40  }
0x111: {  	v63 =	vshll.u32 v46, $0x3;
	v57 =	vand.u32 $0x7F, v46;
	v62 =	vshll.u32 v34, $0x3  }
0x112: {  	v46 =	vadd.s32 v2, v53;
	v35 =	vand.u32 $0xFFFFFC00, v62;
	v62 =	vand.u32 $0x7F, v39;
	v33 =	vld.idx.msk [tilespmem:v42+s12+$0x0], $0xffff  }
0x113: {  	v58 =	vand.u32 $0xFFFFFC00, v63;
	v38 =	vor.u32 v8, v37;
	v39 =	vor.u32 v62, v44;
	v32 =	vld.idx.msk [tilespmem:v49+s12+$0x0], $0xffff  }
0x114: {  	v34 =	vand.u32 $0x7F, v34;
	v36 =	vor.u32 v57, v58;
	v45 =	vadd.s32 v2, v39  }
0x115: {  	v56 =	vshll.u32 v52, $0x3;
	v59 =	vand.u32 $0x7F, v52;
	v61 =	vshll.u32 v48, $0x3  }
0x116: {  	[tilespmem:v41+s9+$0x0] =	vst.idx.add.f32.msk $0xffff, v3;
	v41 =	vadd.s32 v5, v36;
	v31 =	vand.u32 $0x7F, v30;
	v42 =	vand.u32 $0xFFFFFC00, v56  }
0x117: {  	[tilespmem:v54+s9+$0x0] =	vst.idx.add.f32.msk $0xffff, v3;
	v39 =	vand.u32 $0x7F, v48;
	v60 =	vor.u32 v59, v42;
	v42 =	vand.u32 $0xFFFFFC00, v61  }
0x118: {  	v44 =	vadd.s32 v2, v60;
	v43 =	vld.idx.msk [tilespmem:v38+s12+$0x0], $0xffff;
	v63 =	vshll.u32 v33, $0x3;
	v62 =	vshll.u32 v32, $0x3  }
0x119: {  	s14 =	simm.s32 $0xF;
	[tilespmem:v45+s9+$0x0] =	vst.idx.add.f32.msk $0xffff, v3;
	v36 =	vand.u32 $0xFFFFFC00, v63;
	v45 =	vor.u32 v50, v51;
	v38 =	vand.u32 $0xFFFFFC00, v62  }
.LBB2_8:
0x11a: {  	s16 =	sadd.s32 $0x1, s14  }
0x11b: {  	s17 =	sadd.s32 $0x2, s14;
	s18 =	sadd.s32 $0x3, s14;
	v37 =	vor.u32 v9, v37;
	v30 =	vshll.u32 v30, $0x3;
	[tilespmem:v47+s9+$0x0] =	vst.idx.add.f32.msk $0xffff, v3;
	v40 =	vadd.s32 v5, v40;
	s15 =	smov.u32 s14  }
0x11c: {  	p0 =	slt.u32 s14, $0x2D;
	s14 =	sadd.s32 $0x5, s14;
	v34 =	vor.u32 v34, v35;
	v47 =	vmov s16;
	v48 =	vmov s17;
	s16 =	sadd.s32 $0x4, s15;
	[tilespmem:v46+s9+$0x0] =	vst.idx.add.f32.msk $0xffff, v3  }
0x11d: {  	v34 =	vadd.s32 v5, v34;
	v35 =	vand.u32 $0x7F, v47;
	v46 =	vmov s16;
	v47 =	vld.idx.msk [tilespmem:v24+s12+$0x0], $0xffff;
	v24 =	vmovc v28  }
0x11e: {  	v45 =	vadd.s32 v5, v45;
	v28 =	vmov s18;
	v46 =	vand.u32 $0x7F, v46;
	[tilespmem:v41+s9+$0x0] =	vst.idx.add.f32.msk $0xffff, v3  }
0x11f: {  	v30 =	vand.u32 $0xFFFFFC00, v30;
	v35 =	vbroadcast v35, $0x0;
	v41 =	vand.u32 $0x7F, v48;
	v48 =	vld.idx.msk [tilespmem:v27+s12+$0x0], $0xffff;
	v27 =	vmovc v37  }
0x120: {  	v31 =	vor.u32 v31, v30;
	v28 =	vand.u32 $0x7F, v28;
	v37 =	vbroadcast v46, $0x0;
	[tilespmem:v44+s9+$0x0] =	vst.idx.add.f32.msk $0xffff, v3  }
0x121: {  	v41 =	vbroadcast v41, $0x0;
	v46 =	vand.u32 $0x7F, v43;
	v44 =	vor.u32 v8, v35;
	v30 =	vld.idx.msk [tilespmem:v29+s12+$0x0], $0xffff  }
0x122: {  	v29 =	vbroadcast v28, $0x0;
	v49 =	vor.u32 v8, v37;
	v37 =	vor.u32 v9, v37;
	v50 =	vld.idx.msk [tilespmem:v22+s12+$0x0], $0xffff;
	v22 =	vmovc v26  }
0x123: {  	v51 =	vor.u32 v8, v41;
	v28 =	vor.u32 v9, v41;
	v41 =	vadd.s32 v5, v31;
	v52 =	vld.idx.msk [tilespmem:v23+s12+$0x0], $0xffff  }
0x124: {  	v43 =	vshll.u32 v43, $0x3;
	v53 =	vor.u32 v8, v29;
	v26 =	vor.u32 v9, v29;
	[tilespmem:v40+s9+$0x0] =	vst.idx.add.f32.msk $0xffff, v3  }
0x125: {  	v39 =	vor.u32 v39, v42;
	v29 =	vor.u32 v9, v35;
	v35 =	vshll.u32 v48, $0x3;
	[tilespmem:v45+s9+$0x0] =	vst.idx.add.f32.msk $0xffff, v3  }
0x126: {  	v42 =	vand.u32 $0x7F, v33;
	v33 =	vshll.u32 v47, $0x3;
	v23 =	vmovc v25;
	v25 =	vmovc v37;
	v45 =	vand.u32 $0x7F, v47;
	[tilespmem:v34+s9+$0x0] =	vst.idx.add.f32.msk $0xffff, v3  }
0x127: {  	v54 =	vand.u32 $0xFFFFFC00, v33;
	v34 =	vmov s15;
	v31 =	vand.u32 $0x7F, v30;
	v44 =	vld.idx.msk [tilespmem:v44+s12+$0x0], $0xffff  }
0x128: {  	v33 =	vand.u32 $0x7F, v34;
	v34 =	vand.u32 $0x7F, v48;
	v40 =	vshll.u32 v50, $0x3;
	[tilespmem:v41+s9+$0x0] =	vst.idx.add.f32.msk $0xffff, v3  }
0x129: {  	v37 =	vbroadcast v33, $0x0;
	v33 =	vand.u32 $0xFFFFFC00, v43;
	v40 =	vand.u32 $0xFFFFFC00, v40;
	v41 =	vld.idx.msk [tilespmem:v51+s12+$0x0], $0xffff  }
0x12a: {  	v35 =	vand.u32 $0xFFFFFC00, v35;
	v43 =	vor.u32 v46, v33;
	v33 =	vand.u32 $0x7F, v50  }
0x12b: {  	v46 =	vand.u32 $0x7F, v32;
	v48 =	vor.u32 v8, v37;
	v40 =	vor.u32 v33, v40;
	v32 =	vld.idx.msk [tilespmem:v53+s12+$0x0], $0xffff  }
0x12c: {  	v36 =	vor.u32 v42, v36;
	v42 =	vshll.u32 v52, $0x3;
	v38 =	vor.u32 v46, v38;
	v33 =	vld.idx.msk [tilespmem:v49+s12+$0x0], $0xffff  }
0x12d: {  	v38 =	vadd.s32 v2, v38;
	v46 =	vshll.u32 v44, $0x3;
	v49 =	vand.u32 $0x7F, v52  }
0x12e: {  	v50 =	vadd.s32 v2, v39;
	v51 =	vand.u32 $0xFFFFFC00, v42;
	v46 =	vand.u32 $0xFFFFFC00, v46  }
.Ltmp3:
0x12f: {  	v47 =	vadd.s32 v2, v36;
	v42 =	vand.u32 $0x7F, v44;
	v39 =	vand.u32 $0x7F, v41;
	(pc) =	sbr.rel @p0 .LBB2_8-.Ltmp3, $4  }
0x130: {  	v36 =	vor.u32 v42, v46;
	v41 =	vshll.u32 v41, $0x3;
	v46 =	vadd.s32 v2, v43  }
0x131: {  	v44 =	vadd.s32 v2, v36;
	v42 =	vand.u32 $0xFFFFFC00, v41;
	v36 =	vor.u32 v49, v51;
	v43 =	vld.idx.msk [tilespmem:v48+s12+$0x0], $0xffff  }
0x132: {  	v41 =	vadd.s32 v5, v36;
	v48 =	vshll.u32 v32, $0x3;
	v49 =	vshll.u32 v33, $0x3;
	[tilespmem:v38+s9+$0x0] =	vst.idx.add.f32.msk $0xffff, v3  }
0x133: {  	v45 =	vor.u32 v45, v54;
	v38 =	vand.u32 $0xFFFFFC00, v48;
	v36 =	vand.u32 $0xFFFFFC00, v49;
	[tilespmem:v50+s9+$0x0] =	vst.idx.add.f32.msk $0xffff, v3  }
0x134: {  	_ =	sdelay $0x3  }
0x135: {  	[tilespmem:v46+s9+$0x0] =	vst.idx.add.f32.msk $0xffff, v3  }
0x136: {  	v32 =	vand.u32 $0x7F, v32;
	v24 =	vld.idx.msk [tilespmem:v24+s12+$0x0], $0xffff;
	v63 =	vor.u32 v39, v42  }
0x137: {  	v33 =	vand.u32 $0x7F, v33;
	[tilespmem:v44+s9+$0x0] =	vst.idx.add.f32.msk $0xffff, v3;
	v37 =	vor.u32 v9, v37;
	v32 =	vor.u32 v32, v38  }
0x138: {  	v30 =	vshll.u32 v30, $0x3;
	v22 =	vld.idx.msk [tilespmem:v22+s12+$0x0], $0xffff;
	v33 =	vor.u32 v33, v36;
	v32 =	vadd.s32 v2, v32  }
0x139: {  	v27 =	vld.idx.msk [tilespmem:v27+s12+$0x0], $0xffff;
	v61 =	vand.u32 $0x7F, v43;
	v62 =	vshll.u32 v43, $0x3;
	v43 =	vadd.s32 v2, v63  }
0x13a: {  	v46 =	vadd.s32 v5, v40;
	v34 =	vor.u32 v34, v35;
	v29 =	vld.idx.msk [tilespmem:v29+s12+$0x0], $0xffff;
	v33 =	vadd.s32 v2, v33  }
0x13b: {  	[tilespmem:v47+s9+$0x0] =	vst.idx.add.f32.msk $0xffff, v3;
	v30 =	vand.u32 $0xFFFFFC00, v30;
	v34 =	vadd.s32 v5, v34;
	v42 =	vand.u32 $0xFFFFFC00, v62  }
0x13c: {  	v23 =	vld.idx.msk [tilespmem:v23+s12+$0x0], $0xffff;
	v30 =	vor.u32 v31, v30;
	v31 =	vadd.s32 v5, v45;
	v44 =	vor.u32 v61, v42  }
0x13d: {  	v30 =	vadd.s32 v5, v30;
	v38 =	vadd.s32 v2, v44;
	[tilespmem:v32+s9+$0x0] =	vst.idx.add.f32.msk $0xffff, v3  }
0x13e: {  	v48 =	vand.u32 $0x7F, v24;
	v24 =	vshll.u32 v24, $0x3;
	v50 =	vshll.u32 v22, $0x3;
	[tilespmem:v43+s9+$0x0] =	vst.idx.add.f32.msk $0xffff, v3  }
0x13f: {  	v22 =	vand.u32 $0x7F, v22;
	v47 =	vshll.u32 v27, $0x3;
	v49 =	vand.u32 $0x7F, v29;
	[tilespmem:v33+s9+$0x0] =	vst.idx.add.f32.msk $0xffff, v3  }
0x140: {  	v24 =	vand.u32 $0xFFFFFC00, v24;
	v27 =	vand.u32 $0x7F, v27;
	v36 =	vand.u32 $0xFFFFFC00, v50;
	v28 =	vld.idx.msk [tilespmem:v28+s12+$0x0], $0xffff  }
0x141: {  	v51 =	vshll.u32 v23, $0x3;
	v23 =	vand.u32 $0x7F, v23;
	v29 =	vshll.u32 v29, $0x3;
	v25 =	vld.idx.msk [tilespmem:v25+s12+$0x0], $0xffff  }
0x142: {  	v32 =	vand.u32 $0xFFFFFC00, v47;
	v22 =	vor.u32 v22, v36;
	v24 =	vor.u32 v48, v24;
	v26 =	vld.idx.msk [tilespmem:v26+s12+$0x0], $0xffff  }
0x143: {  	[tilespmem:v41+s9+$0x0] =	vst.idx.add.f32.msk $0xffff, v3;
	v29 =	vand.u32 $0xFFFFFC00, v29;
	v22 =	vadd.s32 v5, v22;
	v27 =	vor.u32 v27, v32  }
0x144: {  	v24 =	vadd.s32 v5, v24;
	v29 =	vor.u32 v49, v29;
	[tilespmem:v38+s9+$0x0] =	vst.idx.add.f32.msk $0xffff, v3;
	v38 =	vand.u32 $0xFFFFFC00, v51  }
0x145: {  	v27 =	vadd.s32 v5, v27;
	v29 =	vadd.s32 v5, v29;
	v37 =	vld.idx.msk [tilespmem:v37+s12+$0x0], $0xffff;
	v23 =	vor.u32 v23, v38  }
0x146: {  	[tilespmem:v46+s9+$0x0] =	vst.idx.add.f32.msk $0xffff, v3;
	v23 =	vadd.s32 v5, v23;
	v53 =	vshll.u32 v28, $0x3;
	v28 =	vand.u32 $0x7F, v28  }
0x147: {  	[tilespmem:v34+s9+$0x0] =	vst.idx.add.f32.msk $0xffff, v3;
	v54 =	vshll.u32 v25, $0x3;
	v55 =	vshll.u32 v26, $0x3;
	v25 =	vand.u32 $0x7F, v25  }
0x148: {  	[tilespmem:v30+s9+$0x0] =	vst.idx.add.f32.msk $0xffff, v3;
	v26 =	vand.u32 $0x7F, v26;
	v33 =	vand.u32 $0xFFFFFC00, v54;
	v30 =	vand.u32 $0xFFFFFC00, v55  }
0x149: {  	[tilespmem:v31+s9+$0x0] =	vst.idx.add.f32.msk $0xffff, v3;
	v31 =	vand.u32 $0xFFFFFC00, v53;
	v25 =	vor.u32 v25, v33;
	v26 =	vor.u32 v26, v30  }
0x14a: {  	[tilespmem:v22+s9+$0x0] =	vst.idx.add.f32.msk $0xffff, v3;
	v28 =	vor.u32 v28, v31;
	v52 =	vshll.u32 v37, $0x3;
	v25 =	vadd.s32 v5, v25  }
0x14b: {  	v26 =	vadd.s32 v5, v26;
	[tilespmem:v23+s9+$0x0] =	vst.idx.add.f32.msk $0xffff, v3;
	v23 =	vand.u32 $0x7F, v37;
	v22 =	vand.u32 $0xFFFFFC00, v52  }
0x14c: {  	[tilespmem:v24+s9+$0x0] =	vst.idx.add.f32.msk $0xffff, v3;
	v22 =	vor.u32 v23, v22;
	v23 =	vadd.s32 v5, v28  }
0x14d: {  	[tilespmem:v27+s9+$0x0] =	vst.idx.add.f32.msk $0xffff, v3;
	v22 =	vadd.s32 v5, v22  }
0x14e: {  	v24 =	vor.u32 v10, v15;
	[tilespmem:v29+s9+$0x0] =	vst.idx.add.f32.msk $0xffff, v3  }
0x14f: {  	[tilespmem:v25+s9+$0x0] =	vst.idx.add.f32.msk $0xffff, v3  }
0x150: {  	[tilespmem:v26+s9+$0x0] =	vst.idx.add.f32.msk $0xffff, v3  }
0x151: {  	[tilespmem:v23+s9+$0x0] =	vst.idx.add.f32.msk $0xffff, v3  }
0x152: {  	s12 =	simm.s32 $0x0;
	[tilespmem:v22+s9+$0x0] =	vst.idx.add.f32.msk $0xffff, v3  }
0x153: {  	v22 =	vor.u32 v10, v16;
	v23 =	vld.idx.msk [tilespmem:v24+s12+$0x0], $0xffff  }
0x154: {  	v25 =	vor.u32 v10, v14  }
0x155: {  	v26 =	vor.u32 v10, v17;
	_ =	sdelay $0x2  }
0x156: {  	v22 =	vld.idx.msk [tilespmem:v22+s12+$0x0], $0xffff;
	v27 =	vshll.u32 v23, $0x3  }
0x157: {  	v24 =	vor.u32 v10, v19;
	v25 =	vld.idx.msk [tilespmem:v25+s12+$0x0], $0xffff;
	v23 =	vand.u32 $0x7F, v23;
	v27 =	vand.u32 $0xFFFFFC00, v27  }
0x158: {  	v29 =	vor.u32 v10, v18;
	v26 =	vld.idx.msk [tilespmem:v26+s12+$0x0], $0xffff;
	v23 =	vor.u32 v23, v27  }
0x159: {  	v56 =	vor.u32 v10, v20;
	v23 =	vadd.s32 v2, v23  }
0x15a: {  	v58 =	vor.u32 v11, v17;
	v31 =	vor.u32 v10, v21;
	v27 =	vor.u32 v11, v15  }
0x15b: {  	v15 =	vor.u32 v11, v16;
	v16 =	vand.u32 $0x7F, v22;
	v22 =	vshll.u32 v22, $0x3  }
0x15c: {  	v24 =	vld.idx.msk [tilespmem:v24+s12+$0x0], $0xffff;
	v30 =	vand.u32 $0x7F, v25;
	v25 =	vshll.u32 v25, $0x3;
	v22 =	vand.u32 $0xFFFFFC00, v22  }
0x15d: {  	v59 =	vld.idx.msk [tilespmem:v29+s12+$0x0], $0xffff;
	v22 =	vor.u32 v16, v22;
	v16 =	vshll.u32 v26, $0x3;
	v26 =	vand.u32 $0x7F, v26  }
0x15e: {  	v57 =	vand.u32 $0xFFFFFC00, v16;
	[tilespmem:v23+s9+$0x0] =	vst.idx.add.f32.msk $0xffff, v3;
	v23 =	vand.u32 $0xFFFFFC00, v25;
	v25 =	vor.u32 v10, v12  }
0x15f: {  	v17 =	vor.u32 v11, v20;
	v20 =	vld.idx.msk [tilespmem:v31+s12+$0x0], $0xffff;
	v16 =	vor.u32 v11, v21;
	v21 =	vor.u32 v26, v57  }
0x160: {  	v60 =	vor.u32 v10, v13;
	v27 =	vld.idx.msk [tilespmem:v27+s12+$0x0], $0xffff;
	v21 =	vadd.s32 v2, v21  }
0x161: {  	v19 =	vor.u32 v11, v19;
	v61 =	vld.idx.msk [tilespmem:v56+s12+$0x0], $0xffff;
	v29 =	vor.u32 v11, v14;
	v28 =	vshll.u32 v24, $0x3  }
0x162: {  	v14 =	vor.u32 v11, v18;
	v24 =	vand.u32 $0x7F, v24;
	v28 =	vand.u32 $0xFFFFFC00, v28  }
0x163: {  	v31 =	vand.u32 $0x7F, v59;
	v24 =	vor.u32 v24, v28;
	v23 =	vor.u32 v30, v23;
	v30 =	vld.idx.msk [tilespmem:v25+s12+$0x0], $0xffff  }
0x164: {  	v62 =	vshll.u32 v20, $0x3;
	v26 =	vadd.s32 v2, v24;
	v28 =	vadd.s32 v2, v23  }
0x165: {  	v25 =	vshll.u32 v59, $0x3;
	v23 =	vshll.u32 v27, $0x3;
	v24 =	vand.u32 $0x7F, v27;
	[tilespmem:v21+s9+$0x0] =	vst.idx.add.f32.msk $0xffff, v3  }
0x166: {  	v32 =	vand.u32 $0xFFFFFC00, v25;
	v21 =	vshll.u32 v61, $0x3;
	v23 =	vand.u32 $0xFFFFFC00, v23;
	v25 =	vld.idx.msk [tilespmem:v58+s12+$0x0], $0xffff  }
0x167: {  	v18 =	vor.u32 v24, v23;
	v23 =	vand.u32 $0x7F, v61;
	v24 =	vand.u32 $0xFFFFFC00, v21  }
0x168: {  	v18 =	vadd.s32 v5, v18;
	v21 =	vand.u32 $0x7F, v30;
	v63 =	vshll.u32 v30, $0x3  }
0x169: {  	s14 =	simm.s32 $0x0;
	v27 =	vld.idx.msk [tilespmem:v60+s12+$0x0], $0xffff;
	v30 =	vor.u32 v23, v24;
	v23 =	vand.u32 $0xFFFFFC00, v62;
	v24 =	vand.u32 $0xFFFFFC00, v63  }
.LBB2_10:
0x16a: {  	s15 =	sadd.s32 $0x1, s13;
	v31 =	vor.u32 v31, v32  }
0x16b: {  	s16 =	sadd.s32 $0x2, s13;
	s17 =	sadd.s32 $0x3, s13;
	v32 =	vshll.u32 v25, $0x3;
	v33 =	vadd.s32 v2, v22;
	[tilespmem:v28+s9+$0x0] =	vst.idx.add.f32.msk $0xffff, v3;
	v22 =	vmov v30;
	s18 =	smov.u32 s13  }
0x16c: {  	p0 =	slt.u32 s13, $0x2D;
	s13 =	sadd.s32 $0x5, s13;
	v34 =	vor.u32 v11, v13;
	v28 =	vmov s15;
	v30 =	vmov s16;
	s15 =	sadd.s32 $0x4, s18;
	v13 =	vld.idx.msk [tilespmem:v29+s14+$0x0], $0xffff  }
0x16d: {  	v32 =	vand.u32 $0xFFFFFC00, v32;
	v28 =	vand.u32 $0x7F, v28;
	v29 =	vmov s15;
	[tilespmem:v26+s9+$0x0] =	vst.idx.add.f32.msk $0xffff, v3  }
0x16e: {  	v31 =	vadd.s32 v2, v31;
	v26 =	vmov s17;
	v29 =	vand.u32 $0x7F, v29;
	v35 =	vld.idx.msk [tilespmem:v19+s14+$0x0], $0xffff;
	v19 =	vmovc v16  }
0x16f: {  	v16 =	vand.u32 $0x7F, v30;
	v26 =	vand.u32 $0x7F, v26;
	v30 =	vshll.u32 v27, $0x3;
	[tilespmem:v18+s9+$0x0] =	vst.idx.add.f32.msk $0xffff, v3  }
0x170: {  	v25 =	vand.u32 $0x7F, v25;
	v18 =	vbroadcast v16, $0x0;
	v16 =	vbroadcast v29, $0x0;
	[tilespmem:v33+s9+$0x0] =	vst.idx.add.f32.msk $0xffff, v3  }
0x171: {  	v25 =	vor.u32 v25, v32;
	v36 =	vbroadcast v26, $0x0;
	v33 =	vbroadcast v28, $0x0;
	v26 =	vld.idx.msk [tilespmem:v15+s14+$0x0], $0xffff;
	v15 =	vmovc v17;
	s14 =	smov.u32 s12  }
0x172: {  	v28 =	vor.u32 v10, v16;
	v16 =	vor.u32 v11, v16;
	v17 =	vshll.u32 v13, $0x3  }
0x173: {  	v32 =	vor.u32 v10, v36;
	v37 =	vand.u32 $0x7F, v13;
	v29 =	vor.u32 v10, v33  }
0x174: {  	v27 =	vand.u32 $0x7F, v27;
	v13 =	vmov s18;
	v38 =	vor.u32 v10, v18  }
0x175: {  	v30 =	vand.u32 $0xFFFFFC00, v30;
	v13 =	vand.u32 $0x7F, v13;
	v39 =	vshll.u32 v35, $0x3  }
0x176: {  	v27 =	vor.u32 v27, v30;
	v30 =	vand.u32 $0xFFFFFC00, v17;
	[tilespmem:v31+s9+$0x0] =	vst.idx.add.f32.msk $0xffff, v3;
	v31 =	vand.u32 $0xFFFFFC00, v39  }
0x177: {  	v17 =	vor.u32 v11, v18;
	v18 =	vadd.s32 v2, v27;
	v13 =	vbroadcast v13, $0x0;
	v14 =	vld.idx.msk [tilespmem:v14+s14+$0x0], $0xffff  }
0x178: {  	v35 =	vand.u32 $0x7F, v35;
	v27 =	vld.idx.msk [tilespmem:v28+s12+$0x0], $0xffff;
	v28 =	vand.u32 $0x7F, v26;
	v26 =	vshll.u32 v26, $0x3  }
0x179: {  	v41 =	vadd.s32 v5, v25;
	v39 =	vor.u32 v10, v13;
	v40 =	vld.idx.msk [tilespmem:v29+s12+$0x0], $0xffff;
	v25 =	vand.u32 $0xFFFFFC00, v26  }
0x17a: {  	v20 =	vand.u32 $0x7F, v20;
	v29 =	vor.u32 v35, v31;
	v25 =	vor.u32 v28, v25  }
0x17b: {  	v21 =	vor.u32 v21, v24;
	v20 =	vor.u32 v20, v23;
	v23 =	vor.u32 v37, v30;
	v35 =	vld.idx.msk [tilespmem:v38+s12+$0x0], $0xffff  }
0x17c: {  	v26 =	vadd.s32 v2, v20;
	v28 =	vadd.s32 v2, v21;
	v21 =	vadd.s32 v5, v25;
	v24 =	vld.idx.msk [tilespmem:v32+s12+$0x0], $0xffff  }
0x17d: {  	v37 =	vadd.s32 v5, v23;
	v23 =	vadd.s32 v5, v29;
	[tilespmem:v18+s9+$0x0] =	vst.idx.add.f32.msk $0xffff, v3;
	v18 =	vshll.u32 v14, $0x3  }
0x17e: {  	v29 =	vor.u32 v11, v12;
	v12 =	vmovc v36;
	v30 =	vand.u32 $0x7F, v14;
	v20 =	vmovc v27;
	v25 =	vld.idx.msk [tilespmem:v34+s14+$0x0], $0xffff;
	v18 =	vand.u32 $0xFFFFFC00, v18  }
.Ltmp4:
0x17f: {  	v14 =	vor.u32 v11, v33;
	v32 =	vshll.u32 v40, $0x3;
	v18 =	vor.u32 v30, v18;
	[tilespmem:v41+s9+$0x0] =	vst.idx.add.f32.msk $0xffff, v3;
	(pc) =	sbr.rel @p0 .LBB2_10-.Ltmp4, $4  }
0x180: {  	v31 =	vand.u32 $0x7F, v40;
	v32 =	vand.u32 $0xFFFFFC00, v32;
	v27 =	vld.idx.msk [tilespmem:v39+s12+$0x0], $0xffff;
	v18 =	vadd.s32 v5, v18  }
0x181: {  	v34 =	vshll.u32 v20, $0x3;
	v30 =	vand.u32 $0x7F, v35;
	v33 =	vshll.u32 v35, $0x3;
	[tilespmem:v21+s9+$0x0] =	vst.idx.add.f32.msk $0xffff, v3  }
0x182: {  	v33 =	vand.u32 $0xFFFFFC00, v33;
	v21 =	vand.u32 $0x7F, v24;
	v24 =	vshll.u32 v24, $0x3;
	[tilespmem:v23+s9+$0x0] =	vst.idx.add.f32.msk $0xffff, v3  }
0x183: {  	v30 =	vor.u32 v30, v33;
	v24 =	vand.u32 $0xFFFFFC00, v24;
	v23 =	vand.u32 $0xFFFFFC00, v34;
	[tilespmem:v37+s9+$0x0] =	vst.idx.add.f32.msk $0xffff, v3  }
0x184: {  	_ =	sdelay $0x2  }
0x185: {  	v22 =	vadd.s32 v2, v22  }
0x186: {  	[tilespmem:v28+s9+$0x0] =	vst.idx.add.f32.msk $0xffff, v3;
	v21 =	vor.u32 v21, v24;
	v24 =	vadd.s32 v2, v30  }
0x187: {  	v31 =	vor.u32 v31, v32;
	[tilespmem:v26+s9+$0x0] =	vst.idx.add.f32.msk $0xffff, v3  }
0x188: {  	v29 =	vld.idx.msk [tilespmem:v29+s14+$0x0], $0xffff;
	v31 =	vadd.s32 v2, v31  }
0x189: {  	v19 =	vld.idx.msk [tilespmem:v19+s14+$0x0], $0xffff;
	v21 =	vadd.s32 v2, v21  }
0x18a: {  	v20 =	vand.u32 $0x7F, v20;
	v28 =	vshll.u32 v27, $0x3;
	[tilespmem:v22+s9+$0x0] =	vst.idx.add.f32.msk $0xffff, v3  }
0x18b: {  	v27 =	vand.u32 $0x7F, v27;
	v20 =	vor.u32 v20, v23;
	v28 =	vand.u32 $0xFFFFFC00, v28;
	[tilespmem:v24+s9+$0x0] =	vst.idx.add.f32.msk $0xffff, v3  }
0x18c: {  	v20 =	vadd.s32 v2, v20;
	v26 =	vor.u32 v27, v28;
	v15 =	vld.idx.msk [tilespmem:v15+s14+$0x0], $0xffff  }
0x18d: {  	v26 =	vadd.s32 v2, v26;
	[tilespmem:v31+s9+$0x0] =	vst.idx.add.f32.msk $0xffff, v3  }
0x18e: {  	v13 =	vor.u32 v11, v13;
	v12 =	vor.u32 v11, v12;
	v22 =	vshll.u32 v25, $0x3;
	[tilespmem:v21+s9+$0x0] =	vst.idx.add.f32.msk $0xffff, v3  }
0x18f: {  	v23 =	vand.u32 $0x7F, v25;
	v22 =	vand.u32 $0xFFFFFC00, v22;
	v25 =	vand.u32 $0x7F, v29;
	v17 =	vld.idx.msk [tilespmem:v17+s12+$0x0], $0xffff  }
0x190: {  	v21 =	vshll.u32 v19, $0x3;
	v14 =	vld.idx.msk [tilespmem:v14+s12+$0x0], $0xffff;
	v22 =	vor.u32 v23, v22;
	v23 =	vshll.u32 v29, $0x3  }
0x191: {  	v19 =	vand.u32 $0x7F, v19;
	v21 =	vand.u32 $0xFFFFFC00, v21;
	[tilespmem:v20+s9+$0x0] =	vst.idx.add.f32.msk $0xffff, v3;
	v23 =	vand.u32 $0xFFFFFC00, v23  }
0x192: {  	v19 =	vor.u32 v19, v21;
	[tilespmem:v26+s9+$0x0] =	vst.idx.add.f32.msk $0xffff, v3;
	v21 =	vor.u32 v25, v23  }
0x193: {  	v20 =	vadd.s32 v5, v22;
	v19 =	vadd.s32 v5, v19;
	v13 =	vld.idx.msk [tilespmem:v13+s12+$0x0], $0xffff;
	v21 =	vadd.s32 v5, v21  }
0x194: {  	[tilespmem:v18+s9+$0x0] =	vst.idx.add.f32.msk $0xffff, v3;
	v26 =	vshll.u32 v15, $0x3;
	v15 =	vand.u32 $0x7F, v15;
	v24 =	vshll.u32 v17, $0x3  }
0x195: {  	v16 =	vld.idx.msk [tilespmem:v16+s12+$0x0], $0xffff;
	v17 =	vand.u32 $0x7F, v17;
	v26 =	vand.u32 $0xFFFFFC00, v26;
	v22 =	vshll.u32 v14, $0x3  }
0x196: {  	v12 =	vld.idx.msk [tilespmem:v12+s12+$0x0], $0xffff;
	v14 =	vand.u32 $0x7F, v14;
	v18 =	vand.u32 $0xFFFFFC00, v24;
	v15 =	vor.u32 v15, v26  }
0x197: {  	s13 =	simm.s32 $0x4;
	v22 =	vand.u32 $0xFFFFFC00, v22;
	v17 =	vor.u32 v17, v18;
	v15 =	vadd.s32 v5, v15  }
0x198: {  	v18 =	vmov s13;
	v14 =	vor.u32 v14, v22;
	v23 =	vshll.u32 v13, $0x3  }
0x199: {  	v13 =	vand.u32 $0x7F, v13;
	v14 =	vadd.s32 v5, v14;
	v22 =	vand.u32 $0xFFFFFC00, v23  }
0x19a: {  	v23 =	vshll.u32 v16, $0x3;
	v16 =	vand.u32 $0x7F, v16;
	v13 =	vor.u32 v13, v22  }
0x19b: {  	v22 =	vshll.u32 v12, $0x3;
	v12 =	vand.u32 $0x7F, v12;
	v23 =	vand.u32 $0xFFFFFC00, v23  }
0x19c: {  	v22 =	vand.u32 $0xFFFFFC00, v22;
	v13 =	vadd.s32 v5, v13;
	[tilespmem:v15+s9+$0x0] =	vst.idx.add.f32.msk $0xffff, v3;
	v15 =	vor.u32 v16, v23  }
0x19d: {  	s18 =	simm.s32 $0x1;
	[tilespmem:v20+s9+$0x0] =	vst.idx.add.f32.msk $0xffff, v3;
	v16 =	vadd.s32 v5, v17;
	v17 =	vand.u32 $0x7F, v18;
	v18 =	vor.u32 v12, v22  }
0x19e: {  	[tilespmem:v19+s9+$0x0] =	vst.idx.add.f32.msk $0xffff, v3;
	v19 =	vadd.s32 v5, v15;
	v12 =	vbroadcast v17, $0x0;
	v15 =	vmov s18  }
0x19f: {  	s20 =	simm.s32 $0x3;
	v27 =	vor.u32 $0x4000, v0;
	v18 =	vadd.s32 v5, v18;
	[tilespmem:v14+s9+$0x0] =	vst.idx.add.f32.msk $0xffff, v3;
	v14 =	vand.u32 $0x7F, v15  }
0x1a0: {  	s19 =	simm.s32 $0x2;
	[tilespmem:v21+s9+$0x0] =	vst.idx.add.f32.msk $0xffff, v3;
	v20 =	vor.u32 v27, v12;
	v15 =	vbroadcast v14, $0x0;
	v14 =	vmov s20  }
0x1a1: {  	[tilespmem:v13+s9+$0x0] =	vst.idx.add.f32.msk $0xffff, v3;
	v13 =	vmov s19;
	v14 =	vand.u32 $0x7F, v14  }
0x1a2: {  	[tilespmem:v16+s9+$0x0] =	vst.idx.add.f32.msk $0xffff, v3;
	v13 =	vand.u32 $0x7F, v13;
	v16 =	vmov s12;
	v14 =	vbroadcast v14, $0x0  }
0x1a3: {  	[tilespmem:v19+s9+$0x0] =	vst.idx.add.f32.msk $0xffff, v3;
	v17 =	vbroadcast v13, $0x0;
	v13 =	vor.u32 v27, v15;
	v16 =	vand.u32 $0x7F, v16  }
0x1a4: {  	[tilespmem:v18+s9+$0x0] =	vst.idx.add.f32.msk $0xffff, v3;
	v19 =	vbroadcast v16, $0x0;
	v16 =	vor.u32 v27, v14  }
0x1a5: {  	v20 =	vld.idx.msk [tilespmem:v20+s12+$0x0], $0xffff  }
0x1a6: {  	v21 =	vor.u32 v27, v19  }
0x1a7: {  	s23 =	simm.s32 $0x5  }
0x1a8: {  	s25 =	simm.s32 $0x8;
	s26 =	simm.s32 $0xA;
	s29 =	simm.s32 $0xC;
	v33 =	vmov s23;
	v13 =	vld.idx.msk [tilespmem:v13+s12+$0x0], $0xffff  }
0x1a9: {  	v35 =	vmov s25;
	v53 =	vmov s26;
	v43 =	vmov s29;
	v16 =	vld.idx.msk [tilespmem:v16+s12+$0x0], $0xffff  }
0x1aa: {  	s22 =	simm.s32 $0x6;
	v28 =	vor.u32 $0x4800, v0;
	v18 =	vor.u32 v27, v17;
	v22 =	vshll.u32 v20, $0x3  }
0x1ab: {  	v20 =	vand.u32 $0x7F, v20;
	v22 =	vand.u32 $0xFFFFFC00, v22;
	v23 =	vld.idx.msk [tilespmem:v21+s12+$0x0], $0xffff;
	v21 =	vmov s22  }
0x1ac: {  	s21 =	simm.s32 $0x9;
	v30 =	vor.u32 v28, v12;
	v20 =	vor.u32 v20, v22;
	v21 =	vand.u32 $0x7F, v21  }
0x1ad: {  	v22 =	vshll.u32 v13, $0x3;
	v24 =	vand.u32 $0x7F, v13;
	v13 =	vmov s21  }
0x1ae: {  	s24 =	simm.s32 $0x7;
	v20 =	vadd.s32 v2, v20;
	v13 =	vand.u32 $0x7F, v13;
	v29 =	vand.u32 $0x7F, v16  }
0x1af: {  	v18 =	vld.idx.msk [tilespmem:v18+s12+$0x0], $0xffff;
	v31 =	vshll.u32 v16, $0x3;
	v16 =	vbroadcast v21, $0x0;
	v21 =	vmov s24  }
0x1b0: {  	v22 =	vand.u32 $0xFFFFFC00, v22;
	v13 =	vbroadcast v13, $0x0;
	v21 =	vand.u32 $0x7F, v21  }
0x1b1: {  	v22 =	vor.u32 v24, v22;
	v31 =	vand.u32 $0xFFFFFC00, v31;
	v36 =	vor.u32 v27, v16  }
0x1b2: {  	v34 =	vand.u32 $0x7F, v23;
	v21 =	vbroadcast v21, $0x0;
	v22 =	vadd.s32 v2, v22  }
0x1b3: {  	v23 =	vshll.u32 v23, $0x3;
	v29 =	vor.u32 v29, v31;
	v59 =	vor.u32 v27, v13  }
0x1b4: {  	v25 =	vand.u32 $0x7F, v18;
	v29 =	vadd.s32 v2, v29;
	v23 =	vand.u32 $0xFFFFFC00, v23;
	[tilespmem:v20+s9+$0x0] =	vst.idx.add.f32.msk $0xffff, v3  }
0x1b5: {  	v18 =	vshll.u32 v18, $0x3;
	v24 =	vor.u32 v27, v21;
	v23 =	vor.u32 v34, v23;
	v30 =	vld.idx.msk [tilespmem:v30+s12+$0x0], $0xffff  }
0x1b6: {  	v37 =	vand.u32 $0xFFFFFC00, v18;
	v18 =	vand.u32 $0x7F, v35;
	v23 =	vadd.s32 v2, v23;
	v31 =	vld.idx.msk [tilespmem:v36+s12+$0x0], $0xffff  }
0x1b7: {  	v60 =	vor.u32 v28, v14;
	v26 =	vor.u32 v28, v19;
	v18 =	vbroadcast v18, $0x0;
	[tilespmem:v22+s9+$0x0] =	vst.idx.add.f32.msk $0xffff, v3  }
0x1b8: {  	v52 =	vor.u32 v28, v17;
	v25 =	vor.u32 v25, v37;
	v20 =	vand.u32 $0x7F, v33;
	v32 =	vld.idx.msk [tilespmem:v59+s12+$0x0], $0xffff  }
0x1b9: {  	v42 =	vor.u32 v28, v13;
	v20 =	vbroadcast v20, $0x0;
	v61 =	vor.u32 v27, v18;
	[tilespmem:v29+s9+$0x0] =	vst.idx.add.f32.msk $0xffff, v3  }
0x1ba: {  	v63 =	vadd.s32 v2, v25;
	v24 =	vld.idx.msk [tilespmem:v24+s12+$0x0], $0xffff;
	v25 =	vand.u32 $0x7F, v30;
	v30 =	vshll.u32 v30, $0x3  }
0x1bb: {  	s28 =	simm.s32 $0xB;
	s31 =	simm.s32 $0xE;
	v46 =	vor.u32 v28, v18;
	v62 =	vor.u32 v27, v20;
	[tilespmem:v23+s9+$0x0] =	vst.idx.add.f32.msk $0xffff, v3;
	v30 =	vand.u32 $0xFFFFFC00, v30  }
0x1bc: {  	v22 =	vmov s31;
	v40 =	vld.idx.msk [tilespmem:v26+s12+$0x0], $0xffff;
	v26 =	vmov s28;
	v25 =	vor.u32 v25, v30  }
0x1bd: {  	v35 =	vld.idx.msk [tilespmem:v60+s12+$0x0], $0xffff;
	v51 =	vshll.u32 v31, $0x3;
	v31 =	vand.u32 $0x7F, v31;
	v45 =	vand.u32 $0x7F, v26  }
0x1be: {  	v33 =	vld.idx.msk [tilespmem:v61+s12+$0x0], $0xffff;
	v26 =	vand.u32 $0x7F, v22;
	v22 =	vand.u32 $0x7F, v43;
	v50 =	vshll.u32 v32, $0x3  }
0x1bf: {  	v32 =	vand.u32 $0x7F, v32;
	v38 =	vadd.s32 v5, v25;
	v34 =	vand.u32 $0xFFFFFC00, v50  }
0x1c0: {  	v25 =	vand.u32 $0xFFFFFC00, v51;
	v29 =	vand.u32 $0x7F, v24;
	v30 =	vor.u32 v32, v34  }
0x1c1: {  	v24 =	vshll.u32 v24, $0x3;
	v34 =	vadd.s32 v2, v30;
	v30 =	vor.u32 v28, v15  }
0x1c2: {  	v50 =	vor.u32 v28, v20;
	v48 =	vor.u32 v31, v25;
	v61 =	vand.u32 $0x7F, v35  }
0x1c3: {  	s30 =	simm.s32 $0xD;
	v35 =	vshll.u32 v35, $0x3;
	v39 =	vand.u32 $0x7F, v33;
	v23 =	vshll.u32 v33, $0x3  }
0x1c4: {  	v37 =	vld.idx.msk [tilespmem:v62+s12+$0x0], $0xffff;
	v44 =	vand.u32 $0xFFFFFC00, v24;
	v24 =	vmov s30;
	v48 =	vadd.s32 v2, v48  }
0x1c5: {  	[tilespmem:v63+s9+$0x0] =	vst.idx.add.f32.msk $0xffff, v3;
	v25 =	vand.u32 $0x7F, v24;
	v24 =	vbroadcast v22, $0x0;
	v22 =	vbroadcast v45, $0x0  }
0x1c6: {  	v35 =	vand.u32 $0xFFFFFC00, v35;
	v54 =	vand.u32 $0xFFFFFC00, v23;
	v47 =	vld.idx.msk [tilespmem:v30+s12+$0x0], $0xffff;
	v30 =	vbroadcast v26, $0x0  }
0x1c7: {  	v32 =	vld.idx.msk [tilespmem:v52+s12+$0x0], $0xffff;
	v36 =	vand.u32 $0x7F, v40;
	v23 =	vand.u32 $0x7F, v53;
	v49 =	vor.u32 v27, v22  }
0x1c8: {  	v44 =	vor.u32 v29, v44;
	v35 =	vor.u32 v61, v35;
	v59 =	vor.u32 v27, v30  }
0x1c9: {  	v41 =	vand.u32 $0x7F, v37;
	v55 =	vshll.u32 v37, $0x3;
	v56 =	vor.u32 v27, v24  }
0x1ca: {  	v23 =	vbroadcast v23, $0x0;
	v31 =	vbroadcast v25, $0x0;
	v39 =	vor.u32 v39, v54;
	[tilespmem:v34+s9+$0x0] =	vst.idx.add.f32.msk $0xffff, v3  }
0x1cb: {  	v44 =	vadd.s32 v2, v44;
	v39 =	vadd.s32 v2, v39;
	v33 =	vand.u32 $0xFFFFFC00, v55;
	v60 =	vld.idx.msk [tilespmem:v42+s12+$0x0], $0xffff  }
0x1cc: {  	v51 =	vor.u32 v27, v31;
	v58 =	vand.u32 $0x7F, v32;
	v32 =	vshll.u32 v32, $0x3;
	v49 =	vld.idx.msk [tilespmem:v49+s12+$0x0], $0xffff  }
0x1cd: {  	v63 =	vor.u32 v27, v23;
	v33 =	vor.u32 v41, v33;
	v32 =	vand.u32 $0xFFFFFC00, v32;
	v34 =	vld.idx.msk [tilespmem:v59+s12+$0x0], $0xffff  }
0x1ce: {  	v35 =	vadd.s32 v5, v35;
	v33 =	vadd.s32 v2, v33;
	v32 =	vor.u32 v58, v32;
	v52 =	vld.idx.msk [tilespmem:v56+s12+$0x0], $0xffff  }
0x1cf: {  	[tilespmem:v38+s9+$0x0] =	vst.idx.add.f32.msk $0xffff, v3;
	v42 =	vor.u32 v28, v21;
	v62 =	vshll.u32 v47, $0x3;
	v29 =	vand.u32 $0x7F, v47  }
0x1d0: {  	[tilespmem:v39+s9+$0x0] =	vst.idx.add.f32.msk $0xffff, v3;
	v45 =	vand.u32 $0xFFFFFC00, v62;
	v57 =	vand.u32 $0x7F, v60;
	v37 =	vshll.u32 v60, $0x3  }
0x1d1: {  	v51 =	vld.idx.msk [tilespmem:v51+s12+$0x0], $0xffff;
	v29 =	vor.u32 v29, v45;
	v59 =	vshll.u32 v40, $0x3;
	v37 =	vand.u32 $0xFFFFFC00, v37  }
0x1d2: {  	v39 =	vld.idx.msk [tilespmem:v63+s12+$0x0], $0xffff;
	v63 =	vshll.u32 v49, $0x3;
	v47 =	vand.u32 $0x7F, v49;
	v60 =	vshll.u32 v34, $0x3  }
0x1d3: {  	[tilespmem:v48+s9+$0x0] =	vst.idx.add.f32.msk $0xffff, v3;
	v43 =	vand.u32 $0x7F, v52;
	v34 =	vand.u32 $0x7F, v34;
	v40 =	vand.u32 $0xFFFFFC00, v60  }
0x1d4: {  	[tilespmem:v35+s9+$0x0] =	vst.idx.add.f32.msk $0xffff, v3;
	v48 =	vshll.u32 v52, $0x3;
	v62 =	vor.u32 v34, v40;
	v40 =	vadd.s32 v5, v32  }
0x1d5: {  	[tilespmem:v44+s9+$0x0] =	vst.idx.add.f32.msk $0xffff, v3;
	v29 =	vadd.s32 v5, v29;
	v61 =	vand.u32 $0xFFFFFC00, v59;
	v37 =	vor.u32 v57, v37  }
0x1d6: {  	v35 =	vmovc v22;
	v45 =	vand.u32 $0xFFFFFC00, v63;
	v36 =	vor.u32 v36, v61;
	v34 =	vld.idx.msk [tilespmem:v46+s12+$0x0], $0xffff;
	v46 =	vor.u32 v28, v16  }
0x1d7: {  	[tilespmem:v33+s9+$0x0] =	vst.idx.add.f32.msk $0xffff, v3;
	v33 =	vmovc v24;
	v44 =	vand.u32 $0x7F, v51;
	v49 =	vshll.u32 v51, $0x3;
	v36 =	vadd.s32 v5, v36  }
0x1d8: {  	s13 =	simm.s32 $0xF;
	v38 =	vadd.s32 v5, v37;
	v37 =	vld.idx.msk [tilespmem:v50+s12+$0x0], $0xffff;
	v32 =	vor.u32 v28, v23;
	v41 =	vadd.s32 v2, v62  }
.LBB2_12:
0x1d9: {  	v50 =	vmov s13;
	s14 =	sadd.s32 $0x1, s13;
	s15 =	sadd.s32 $0x2, s13;
	s16 =	sadd.s32 $0x3, s13;
	v51 =	vand.u32 $0x7F, v39;
	v52 =	vor.u32 v28, v30;
	[tilespmem:v40+s9+$0x0] =	vst.idx.add.f32.msk $0xffff, v3  }
0x1da: {  	p0 =	slt.u32 s13, $0x2D;
	v48 =	vand.u32 $0xFFFFFC00, v48;
	v30 =	vmov s14;
	v40 =	vmov s15;
	s14 =	sadd.s32 $0x4, s13;
	s13 =	sadd.s32 $0x5, s13;
	[tilespmem:v29+s9+$0x0] =	vst.idx.add.f32.msk $0xffff, v3  }
0x1db: {  	v53 =	vor.u32 v28, v31;
	v29 =	vand.u32 $0x7F, v30;
	v30 =	vmov s14;
	v46 =	vld.idx.msk [tilespmem:v46+s12+$0x0], $0xffff  }
0x1dc: {  	v45 =	vor.u32 v47, v45;
	v31 =	vmov s16;
	v30 =	vand.u32 $0x7F, v30;
	[tilespmem:v36+s9+$0x0] =	vst.idx.add.f32.msk $0xffff, v3  }
0x1dd: {  	v36 =	vand.u32 $0x7F, v40;
	v40 =	vand.u32 $0xFFFFFC00, v49;
	[tilespmem:v38+s9+$0x0] =	vst.idx.add.f32.msk $0xffff, v3  }
0x1de: {  	v31 =	vand.u32 $0x7F, v31;
	v30 =	vbroadcast v30, $0x0;
	v38 =	vand.u32 $0x7F, v37;
	[tilespmem:v41+s9+$0x0] =	vst.idx.add.f32.msk $0xffff, v3  }
0x1df: {  	v47 =	vbroadcast v36, $0x0;
	v36 =	vshll.u32 v39, $0x3;
	v41 =	vand.u32 $0x7F, v50;
	v39 =	vld.idx.msk [tilespmem:v52+s12+$0x0], $0xffff  }
0x1e0: {  	v49 =	vbroadcast v29, $0x0;
	v50 =	vand.u32 $0x7F, v34;
	v29 =	vor.u32 v27, v30  }
0x1e1: {  	v31 =	vbroadcast v31, $0x0;
	v52 =	vbroadcast v41, $0x0;
	v41 =	vshll.u32 v46, $0x3;
	v42 =	vld.idx.msk [tilespmem:v42+s12+$0x0], $0xffff  }
0x1e2: {  	v43 =	vor.u32 v43, v48;
	v54 =	vor.u32 v27, v49;
	v46 =	vand.u32 $0x7F, v46  }
0x1e3: {  	v55 =	vor.u32 v27, v31;
	v48 =	vor.u32 v27, v52;
	v41 =	vand.u32 $0xFFFFFC00, v41  }
0x1e4: {  	v56 =	vadd.s32 v2, v45;
	v40 =	vor.u32 v44, v40;
	v41 =	vor.u32 v46, v41  }
0x1e5: {  	v40 =	vadd.s32 v2, v40;
	v44 =	vor.u32 v27, v47;
	v45 =	vld.idx.msk [tilespmem:v29+s12+$0x0], $0xffff;
	v29 =	vadd.s32 v5, v41  }
0x1e6: {  	v57 =	vadd.s32 v2, v43;
	v34 =	vshll.u32 v34, $0x3;
	v41 =	vand.u32 $0x7F, v39  }
0x1e7: {  	v34 =	vand.u32 $0xFFFFFC00, v34;
	v43 =	vand.u32 $0x7F, v42;
	v42 =	vshll.u32 v42, $0x3  }
0x1e8: {  	v36 =	vand.u32 $0xFFFFFC00, v36;
	v34 =	vor.u32 v50, v34;
	v42 =	vand.u32 $0xFFFFFC00, v42;
	v54 =	vld.idx.msk [tilespmem:v54+s12+$0x0], $0xffff  }
0x1e9: {  	v36 =	vor.u32 v51, v36;
	v46 =	vadd.s32 v5, v34;
	v39 =	vshll.u32 v39, $0x3;
	v50 =	vld.idx.msk [tilespmem:v55+s12+$0x0], $0xffff  }
0x1ea: {  	v51 =	vadd.s32 v2, v36;
	v36 =	vshll.u32 v37, $0x3;
	v34 =	vand.u32 $0xFFFFFC00, v39;
	[tilespmem:v40+s9+$0x0] =	vst.idx.add.f32.msk $0xffff, v3  }
0x1eb: {  	v40 =	vshll.u32 v45, $0x3;
	v37 =	vld.idx.msk [tilespmem:v44+s12+$0x0], $0xffff;
	v44 =	vor.u32 v41, v34;
	v34 =	vand.u32 $0xFFFFFC00, v36  }
0x1ec: {  	v36 =	vand.u32 $0x7F, v45;
	v40 =	vand.u32 $0xFFFFFC00, v40;
	v39 =	vld.idx.msk [tilespmem:v48+s12+$0x0], $0xffff;
	v38 =	vor.u32 v38, v34  }
0x1ed: {  	v40 =	vor.u32 v36, v40;
	v34 =	vld.idx.msk [tilespmem:v53+s12+$0x0], $0xffff;
	v36 =	vadd.s32 v5, v38;
	v38 =	vor.u32 v43, v42  }
.Ltmp5:
0x1ee: {  	v42 =	vshll.u32 v54, $0x3;
	v41 =	vadd.s32 v2, v40;
	v40 =	vadd.s32 v5, v38;
	[tilespmem:v46+s9+$0x0] =	vst.idx.add.f32.msk $0xffff, v3;
	(pc) =	sbr.rel @p0 .LBB2_12-.Ltmp5, $4  }
0x1ef: {  	v46 =	vor.u32 v28, v35;
	v38 =	vadd.s32 v5, v44;
	v35 =	vmov v49;
	[tilespmem:v51+s9+$0x0] =	vst.idx.add.f32.msk $0xffff, v3  }
0x1f0: {  	v45 =	vand.u32 $0xFFFFFC00, v42;
	v42 =	vor.u32 v28, v33;
	v33 =	vmov v47;
	[tilespmem:v56+s9+$0x0] =	vst.idx.add.f32.msk $0xffff, v3  }
0x1f1: {  	v47 =	vand.u32 $0x7F, v54;
	v43 =	vand.u32 $0x7F, v37;
	v48 =	vshll.u32 v37, $0x3;
	[tilespmem:v57+s9+$0x0] =	vst.idx.add.f32.msk $0xffff, v3  }
0x1f2: {  	v44 =	vand.u32 $0x7F, v50;
	v49 =	vshll.u32 v50, $0x3;
	v37 =	vld.idx.msk [tilespmem:v32+s12+$0x0], $0xffff;
	v32 =	vor.u32 v28, v52  }
0x1f3: {  	_ =	sdelay $0x1  }
0x1f4: {  	v27 =	vor.u32 v28, v30;
	v30 =	vand.u32 $0xFFFFFC00, v49;
	v45 =	vor.u32 v47, v45  }
0x1f5: {  	v61 =	vand.u32 $0xFFFFFC00, v48;
	v30 =	vor.u32 v44, v30;
	v63 =	vadd.s32 v2, v45  }
0x1f6: {  	v46 =	vld.idx.msk [tilespmem:v46+s12+$0x0], $0xffff;
	v62 =	vor.u32 v43, v61;
	v30 =	vadd.s32 v2, v30  }
0x1f7: {  	v58 =	vshll.u32 v39, $0x3;
	[tilespmem:v41+s9+$0x0] =	vst.idx.add.f32.msk $0xffff, v3;
	v41 =	vadd.s32 v2, v62  }
0x1f8: {  	v59 =	vand.u32 $0x7F, v39;
	v42 =	vld.idx.msk [tilespmem:v42+s12+$0x0], $0xffff;
	v35 =	vor.u32 v28, v35;
	v60 =	vand.u32 $0xFFFFFC00, v58  }
0x1f9: {  	v31 =	vor.u32 v28, v31;
	v39 =	vor.u32 v59, v60;
	v27 =	vld.idx.msk [tilespmem:v27+s12+$0x0], $0xffff  }
0x1fa: {  	v52 =	vshll.u32 v34, $0x3;
	v39 =	vadd.s32 v2, v39;
	[tilespmem:v63+s9+$0x0] =	vst.idx.add.f32.msk $0xffff, v3  }
0x1fb: {  	v28 =	vor.u32 v28, v33;
	v50 =	vand.u32 $0x7F, v34;
	v34 =	vand.u32 $0xFFFFFC00, v52;
	[tilespmem:v30+s9+$0x0] =	vst.idx.add.f32.msk $0xffff, v3  }
0x1fc: {  	v34 =	vor.u32 v50, v34;
	[tilespmem:v41+s9+$0x0] =	vst.idx.add.f32.msk $0xffff, v3  }
0x1fd: {  	v34 =	vadd.s32 v5, v34;
	v49 =	vand.u32 $0x7F, v37;
	v35 =	vld.idx.msk [tilespmem:v35+s12+$0x0], $0xffff  }
0x1fe: {  	v54 =	vshll.u32 v37, $0x3;
	v53 =	vand.u32 $0x7F, v42;
	v42 =	vshll.u32 v42, $0x3;
	v31 =	vld.idx.msk [tilespmem:v31+s12+$0x0], $0xffff  }
0x1ff: {  	v48 =	vand.u32 $0x7F, v46;
	v37 =	vand.u32 $0xFFFFFC00, v54;
	v42 =	vand.u32 $0xFFFFFC00, v42;
	[tilespmem:v39+s9+$0x0] =	vst.idx.add.f32.msk $0xffff, v3  }
0x200: {  	v33 =	vor.u32 v49, v37;
	v30 =	vshll.u32 v46, $0x3;
	v55 =	vor.u32 v53, v42;
	v28 =	vld.idx.msk [tilespmem:v28+s12+$0x0], $0xffff  }
0x201: {  	v30 =	vand.u32 $0xFFFFFC00, v30;
	v32 =	vld.idx.msk [tilespmem:v32+s12+$0x0], $0xffff;
	v51 =	vand.u32 $0x7F, v27;
	v27 =	vshll.u32 v27, $0x3  }
0x202: {  	v33 =	vadd.s32 v5, v33;
	v30 =	vor.u32 v48, v30;
	v27 =	vand.u32 $0xFFFFFC00, v27  }
0x203: {  	v37 =	vadd.s32 v5, v55;
	v30 =	vadd.s32 v5, v30;
	v27 =	vor.u32 v51, v27  }
0x204: {  	[tilespmem:v29+s9+$0x0] =	vst.idx.add.f32.msk $0xffff, v3;
	v29 =	vshll.u32 v35, $0x3;
	v35 =	vand.u32 $0x7F, v35;
	v56 =	vadd.s32 v5, v27  }
0x205: {  	[tilespmem:v40+s9+$0x0] =	vst.idx.add.f32.msk $0xffff, v3;
	v57 =	vand.u32 $0x7F, v31;
	v31 =	vshll.u32 v31, $0x3;
	v29 =	vand.u32 $0xFFFFFC00, v29  }
0x206: {  	[tilespmem:v36+s9+$0x0] =	vst.idx.add.f32.msk $0xffff, v3;
	v58 =	vshll.u32 v28, $0x3;
	v28 =	vand.u32 $0x7F, v28;
	v27 =	vand.u32 $0x7F, v32  }
0x207: {  	[tilespmem:v38+s9+$0x0] =	vst.idx.add.f32.msk $0xffff, v3;
	v31 =	vand.u32 $0xFFFFFC00, v31;
	v36 =	vand.u32 $0xFFFFFC00, v58;
	v29 =	vor.u32 v35, v29  }
0x208: {  	[tilespmem:v34+s9+$0x0] =	vst.idx.add.f32.msk $0xffff, v3;
	v32 =	vshll.u32 v32, $0x3;
	v31 =	vor.u32 v57, v31;
	v29 =	vadd.s32 v5, v29  }
0x209: {  	[tilespmem:v33+s9+$0x0] =	vst.idx.add.f32.msk $0xffff, v3;
	v28 =	vor.u32 v28, v36;
	v32 =	vand.u32 $0xFFFFFC00, v32;
	v31 =	vadd.s32 v5, v31  }
0x20a: {  	[tilespmem:v37+s9+$0x0] =	vst.idx.add.f32.msk $0xffff, v3;
	v28 =	vadd.s32 v5, v28;
	v27 =	vor.u32 v27, v32  }
0x20b: {  	[tilespmem:v30+s9+$0x0] =	vst.idx.add.f32.msk $0xffff, v3;
	v30 =	vadd.s32 v5, v27;
	v27 =	vor.u32 $0x5000, v0  }
0x20c: {  	[tilespmem:v56+s9+$0x0] =	vst.idx.add.f32.msk $0xffff, v3;
	v59 =	vor.u32 v27, v17  }
0x20d: {  	[tilespmem:v29+s9+$0x0] =	vst.idx.add.f32.msk $0xffff, v3  }
0x20e: {  	[tilespmem:v31+s9+$0x0] =	vst.idx.add.f32.msk $0xffff, v3  }
0x20f: {  	[tilespmem:v28+s9+$0x0] =	vst.idx.add.f32.msk $0xffff, v3;
	v31 =	vor.u32 v27, v12  }
0x210: {  	s12 =	simm.s32 $0x0;
	v29 =	vor.u32 v27, v19;
	[tilespmem:v30+s9+$0x0] =	vst.idx.add.f32.msk $0xffff, v3  }
0x211: {  	v30 =	vor.u32 v27, v15;
	v28 =	vld.idx.msk [tilespmem:v59+s12+$0x0], $0xffff;
	_ =	sdelay $0x2  }
0x212: {  	v31 =	vld.idx.msk [tilespmem:v31+s12+$0x0], $0xffff  }
0x213: {  	v25 =	vbroadcast v25, $0x0;
	v29 =	vld.idx.msk [tilespmem:v29+s12+$0x0], $0xffff  }
0x214: {  	v60 =	vor.u32 v27, v14;
	v63 =	vor.u32 v27, v21;
	v30 =	vld.idx.msk [tilespmem:v30+s12+$0x0], $0xffff;
	v32 =	vshll.u32 v28, $0x3  }
0x215: {  	v40 =	vor.u32 v27, v13;
	v28 =	vand.u32 $0x7F, v28;
	v32 =	vand.u32 $0xFFFFFC00, v32  }
0x216: {  	v42 =	vor.u32 v27, v20;
	v43 =	vor.u32 v27, v16;
	v28 =	vor.u32 v28, v32  }
0x217: {  	v32 =	vadd.s32 v2, v28;
	v28 =	vor.u32 $0x5800, v0;
	v41 =	vshll.u32 v31, $0x3  }
0x218: {  	v31 =	vand.u32 $0x7F, v31;
	v17 =	vor.u32 v28, v17;
	v61 =	vor.u32 v28, v12  }
0x219: {  	v12 =	vshll.u32 v29, $0x3;
	v62 =	vshll.u32 v30, $0x3;
	v30 =	vand.u32 $0x7F, v30  }
0x21a: {  	v33 =	vld.idx.msk [tilespmem:v60+s12+$0x0], $0xffff;
	v29 =	vand.u32 $0x7F, v29;
	v35 =	vand.u32 $0xFFFFFC00, v62;
	v12 =	vand.u32 $0xFFFFFC00, v12  }
0x21b: {  	v37 =	vand.u32 $0xFFFFFC00, v41;
	v30 =	vor.u32 v30, v35;
	v12 =	vor.u32 v29, v12  }
0x21c: {  	v30 =	vadd.s32 v2, v30;
	v29 =	vadd.s32 v2, v12;
	v12 =	vor.u32 v31, v37;
	v31 =	vld.idx.msk [tilespmem:v63+s12+$0x0], $0xffff  }
0x21d: {  	v46 =	vor.u32 v27, v18;
	v56 =	vor.u32 v27, v23;
	v57 =	vor.u32 v27, v22;
	v35 =	vld.idx.msk [tilespmem:v42+s12+$0x0], $0xffff  }
0x21e: {  	v53 =	vbroadcast v26, $0x0;
	v58 =	vor.u32 v27, v24;
	v15 =	vor.u32 v28, v15;
	[tilespmem:v32+s9+$0x0] =	vst.idx.add.f32.msk $0xffff, v3  }
0x21f: {  	v44 =	vshll.u32 v33, $0x3;
	v33 =	vand.u32 $0x7F, v33;
	v19 =	vor.u32 v28, v19;
	v17 =	vld.idx.msk [tilespmem:v17+s12+$0x0], $0xffff  }
0x220: {  	v36 =	vld.idx.msk [tilespmem:v40+s12+$0x0], $0xffff;
	v14 =	vor.u32 v28, v14;
	v37 =	vand.u32 $0xFFFFFC00, v44;
	v12 =	vadd.s32 v2, v12  }
0x221: {  	v48 =	vor.u32 v28, v16;
	[tilespmem:v30+s9+$0x0] =	vst.idx.add.f32.msk $0xffff, v3;
	v30 =	vor.u32 v33, v37;
	v47 =	vshll.u32 v31, $0x3  }
0x222: {  	v32 =	vld.idx.msk [tilespmem:v43+s12+$0x0], $0xffff;
	v16 =	vand.u32 $0x7F, v31;
	v30 =	vadd.s32 v2, v30;
	v31 =	vand.u32 $0xFFFFFC00, v47  }
0x223: {  	v21 =	vor.u32 v28, v21;
	v49 =	vor.u32 v28, v20;
	v15 =	vld.idx.msk [tilespmem:v15+s12+$0x0], $0xffff;
	v16 =	vor.u32 v16, v31  }
0x224: {  	v50 =	vshll.u32 v35, $0x3;
	[tilespmem:v29+s9+$0x0] =	vst.idx.add.f32.msk $0xffff, v3;
	v45 =	vshll.u32 v17, $0x3;
	v16 =	vadd.s32 v2, v16  }
0x225: {  	v34 =	vand.u32 $0xFFFFFC00, v50;
	[tilespmem:v12+s9+$0x0] =	vst.idx.add.f32.msk $0xffff, v3;
	v17 =	vand.u32 $0x7F, v17;
	v38 =	vand.u32 $0xFFFFFC00, v45  }
0x226: {  	v12 =	vor.u32 v28, v18;
	v31 =	vor.u32 v28, v13;
	v13 =	vld.idx.msk [tilespmem:v61+s12+$0x0], $0xffff;
	v17 =	vor.u32 v17, v38  }
0x227: {  	v18 =	vand.u32 $0x7F, v36;
	v52 =	vshll.u32 v32, $0x3;
	v17 =	vadd.s32 v5, v17;
	[tilespmem:v30+s9+$0x0] =	vst.idx.add.f32.msk $0xffff, v3  }
0x228: {  	v32 =	vand.u32 $0x7F, v32;
	v20 =	vshll.u32 v15, $0x3;
	v30 =	vshll.u32 v36, $0x3;
	v14 =	vld.idx.msk [tilespmem:v14+s12+$0x0], $0xffff  }
0x229: {  	v51 =	vand.u32 $0x7F, v15;
	v15 =	vand.u32 $0x7F, v35;
	v35 =	vand.u32 $0xFFFFFC00, v52;
	[tilespmem:v16+s9+$0x0] =	vst.idx.add.f32.msk $0xffff, v3  }
0x22a: {  	v15 =	vor.u32 v15, v34;
	v26 =	vand.u32 $0xFFFFFC00, v30;
	v30 =	vor.u32 v32, v35;
	v21 =	vld.idx.msk [tilespmem:v21+s12+$0x0], $0xffff  }
0x22b: {  	v19 =	vld.idx.msk [tilespmem:v19+s12+$0x0], $0xffff;
	v55 =	vshll.u32 v13, $0x3;
	v54 =	vadd.s32 v2, v15;
	v16 =	vor.u32 v27, v53  }
0x22c: {  	v13 =	vand.u32 $0x7F, v13;
	[tilespmem:v17+s9+$0x0] =	vst.idx.add.f32.msk $0xffff, v3;
	v17 =	vor.u32 v18, v26;
	v18 =	vadd.s32 v2, v30  }
0x22d: {  	v30 =	vadd.s32 v2, v17;
	v29 =	vand.u32 $0x7F, v14;
	v15 =	vshll.u32 v14, $0x3  }
0x22e: {  	v59 =	vld.idx.msk [tilespmem:v56+s12+$0x0], $0xffff;
	v14 =	vor.u32 v27, v25;
	v26 =	vand.u32 $0xFFFFFC00, v15;
	v15 =	vor.u32 v28, v24  }
0x22f: {  	v24 =	vld.idx.msk [tilespmem:v46+s12+$0x0], $0xffff;
	v17 =	vor.u32 v29, v26;
	v26 =	vshll.u32 v21, $0x3;
	v21 =	vand.u32 $0x7F, v21  }
0x230: {  	v29 =	vld.idx.msk [tilespmem:v16+s12+$0x0], $0xffff;
	v16 =	vadd.s32 v5, v17;
	v17 =	vand.u32 $0xFFFFFC00, v55;
	v26 =	vand.u32 $0xFFFFFC00, v26  }
0x231: {  	v60 =	vld.idx.msk [tilespmem:v58+s12+$0x0], $0xffff;
	v13 =	vor.u32 v13, v17;
	v17 =	vor.u32 v21, v26;
	v21 =	vshll.u32 v19, $0x3  }
0x232: {  	[tilespmem:v18+s9+$0x0] =	vst.idx.add.f32.msk $0xffff, v3;
	v61 =	vadd.s32 v5, v13;
	v13 =	vand.u32 $0x7F, v19;
	v18 =	vand.u32 $0xFFFFFC00, v21  }
0x233: {  	[tilespmem:v54+s9+$0x0] =	vst.idx.add.f32.msk $0xffff, v3;
	v19 =	vand.u32 $0xFFFFFC00, v20;
	v20 =	vadd.s32 v5, v17;
	v13 =	vor.u32 v13, v18  }
0x234: {  	v38 =	vld.idx.msk [tilespmem:v48+s12+$0x0], $0xffff;
	v17 =	vor.u32 v51, v19;
	v18 =	vshll.u32 v24, $0x3;
	v19 =	vor.u32 v28, v22  }
0x235: {  	v26 =	vld.idx.msk [tilespmem:v57+s12+$0x0], $0xffff;
	v21 =	vand.u32 $0x7F, v24;
	v63 =	vadd.s32 v5, v17;
	v22 =	vand.u32 $0xFFFFFC00, v18  }
0x236: {  	v32 =	vshll.u32 v59, $0x3;
	[tilespmem:v30+s9+$0x0] =	vst.idx.add.f32.msk $0xffff, v3;
	v62 =	vadd.s32 v5, v13;
	v21 =	vor.u32 v21, v22  }
0x237: {  	v30 =	vand.u32 $0x7F, v59;
	v24 =	vor.u32 v28, v25;
	v18 =	vld.idx.msk [tilespmem:v49+s12+$0x0], $0xffff;
	v33 =	vadd.s32 v2, v21  }
0x238: {  	v13 =	vor.u32 v28, v23;
	v23 =	vld.idx.msk [tilespmem:v31+s12+$0x0], $0xffff;
	v25 =	vand.u32 $0x7F, v29;
	v22 =	vshll.u32 v60, $0x3  }
0x239: {  	v29 =	vshll.u32 v29, $0x3;
	v21 =	vand.u32 $0x7F, v60;
	v22 =	vand.u32 $0xFFFFFC00, v22;
	[tilespmem:v61+s9+$0x0] =	vst.idx.add.f32.msk $0xffff, v3  }
0x23a: {  	v17 =	vor.u32 v28, v53;
	v29 =	vand.u32 $0xFFFFFC00, v29;
	v31 =	vor.u32 v21, v22;
	[tilespmem:v63+s9+$0x0] =	vst.idx.add.f32.msk $0xffff, v3  }
0x23b: {  	s14 =	simm.s32 $0xF;
	s13 =	simm.s32 $0x0;
	v21 =	vshll.u32 v38, $0x3;
	v22 =	vand.u32 $0x7F, v38;
	v31 =	vadd.s32 v2, v31;
	[tilespmem:v62+s9+$0x0] =	vst.idx.add.f32.msk $0xffff, v3  }
.LBB2_14:
0x23c: {  	v34 =	vmov s14;
	s15 =	sadd.s32 $0x1, s14;
	s16 =	sadd.s32 $0x2, s14;
	s17 =	sadd.s32 $0x3, s14;
	v35 =	vshll.u32 v26, $0x3;
	[tilespmem:v33+s9+$0x0] =	vst.idx.add.f32.msk $0xffff, v3  }
0x23d: {  	p0 =	slt.u32 s14, $0x2D;
	v26 =	vand.u32 $0x7F, v26;
	v33 =	vmov s15;
	v36 =	vmov s16;
	s15 =	sadd.s32 $0x4, s14;
	s14 =	sadd.s32 $0x5, s14;
	[tilespmem:v16+s9+$0x0] =	vst.idx.add.f32.msk $0xffff, v3  }
0x23e: {  	v32 =	vand.u32 $0xFFFFFC00, v32;
	v16 =	vand.u32 $0x7F, v33;
	v33 =	vmov s15;
	v37 =	vld.idx.msk [tilespmem:v12+s13+$0x0], $0xffff;
	v12 =	vmovc v24;
	s13 =	smov.u32 s12  }
0x23f: {  	v35 =	vand.u32 $0xFFFFFC00, v35;
	v24 =	vmov s17;
	v33 =	vand.u32 $0x7F, v33;
	[tilespmem:v20+s9+$0x0] =	vst.idx.add.f32.msk $0xffff, v3  }
0x240: {  	v26 =	vor.u32 v26, v35;
	v20 =	vand.u32 $0x7F, v36  }
0x241: {  	v34 =	vand.u32 $0x7F, v34;
	v30 =	vor.u32 v30, v32;
	v33 =	vbroadcast v33, $0x0  }
0x242: {  	v32 =	vbroadcast v34, $0x0;
	v30 =	vadd.s32 v2, v30;
	v24 =	vand.u32 $0x7F, v24;
	[tilespmem:v31+s9+$0x0] =	vst.idx.add.f32.msk $0xffff, v3  }
0x243: {  	v35 =	vshll.u32 v23, $0x3;
	v31 =	vbroadcast v16, $0x0;
	v16 =	vor.u32 v27, v33;
	v34 =	vld.idx.msk [tilespmem:v15+s13+$0x0], $0xffff  }
0x244: {  	v24 =	vbroadcast v24, $0x0;
	v15 =	vbroadcast v20, $0x0;
	v20 =	vand.u32 $0x7F, v37  }
0x245: {  	v36 =	vor.u32 v27, v32;
	v37 =	vshll.u32 v37, $0x3;
	v38 =	vor.u32 v27, v31  }
0x246: {  	v25 =	vor.u32 v25, v29;
	v40 =	vor.u32 v27, v24;
	v39 =	vor.u32 v27, v15  }
0x247: {  	v26 =	vadd.s32 v2, v26;
	v29 =	vand.u32 $0xFFFFFC00, v37;
	v15 =	vor.u32 v28, v15  }
0x248: {  	v25 =	vadd.s32 v2, v25;
	v23 =	vand.u32 $0x7F, v23;
	v20 =	vor.u32 v20, v29;
	v37 =	vld.idx.msk [tilespmem:v14+s13+$0x0], $0xffff;
	v14 =	vmovc v40  }
0x249: {  	v40 =	vshll.u32 v34, $0x3;
	v29 =	vld.idx.msk [tilespmem:v16+s12+$0x0], $0xffff;
	v16 =	vadd.s32 v5, v20;
	v20 =	vand.u32 $0xFFFFFC00, v35  }
0x24a: {  	v34 =	vand.u32 $0x7F, v34;
	v35 =	vld.idx.msk [tilespmem:v36+s12+$0x0], $0xffff;
	v36 =	vand.u32 $0xFFFFFC00, v40;
	v20 =	vor.u32 v23, v20  }
0x24b: {  	v23 =	vld.idx.msk [tilespmem:v39+s12+$0x0], $0xffff;
	v34 =	vor.u32 v34, v36;
	v36 =	vshll.u32 v18, $0x3;
	v39 =	vadd.s32 v5, v20  }
0x24c: {  	v21 =	vand.u32 $0xFFFFFC00, v21;
	v18 =	vand.u32 $0x7F, v18;
	[tilespmem:v26+s9+$0x0] =	vst.idx.add.f32.msk $0xffff, v3;
	v26 =	vand.u32 $0xFFFFFC00, v36  }
0x24d: {  	v20 =	vadd.s32 v5, v34;
	v36 =	vld.idx.msk [tilespmem:v19+s13+$0x0], $0xffff;
	v18 =	vor.u32 v18, v26;
	v19 =	vor.u32 v22, v21  }
0x24e: {  	v21 =	vshll.u32 v37, $0x3;
	v26 =	vld.idx.msk [tilespmem:v38+s12+$0x0], $0xffff;
	v34 =	vadd.s32 v5, v18;
	v38 =	vadd.s32 v5, v19  }
0x24f: {  	v22 =	vand.u32 $0x7F, v37;
	v19 =	vor.u32 v28, v31;
	v21 =	vand.u32 $0xFFFFFC00, v21;
	[tilespmem:v30+s9+$0x0] =	vst.idx.add.f32.msk $0xffff, v3  }
0x250: {  	v30 =	vor.u32 v28, v33;
	v21 =	vor.u32 v22, v21;
	v18 =	vld.idx.msk [tilespmem:v13+s13+$0x0], $0xffff;
	v13 =	vor.u32 v28, v32  }
.Ltmp6:
0x251: {  	v24 =	vor.u32 v28, v24;
	v22 =	vshll.u32 v23, $0x3;
	v33 =	vadd.s32 v2, v21;
	[tilespmem:v25+s9+$0x0] =	vst.idx.add.f32.msk $0xffff, v3;
	(pc) =	sbr.rel @p0 .LBB2_14-.Ltmp6, $4  }
0x252: {  	v21 =	vand.u32 $0x7F, v23;
	v22 =	vand.u32 $0xFFFFFC00, v22;
	v23 =	vld.idx.msk [tilespmem:v17+s13+$0x0], $0xffff;
	v17 =	vmov v30  }
0x253: {  	v25 =	vand.u32 $0x7F, v29;
	v31 =	vor.u32 v21, v22;
	v21 =	vshll.u32 v36, $0x3;
	[tilespmem:v39+s9+$0x0] =	vst.idx.add.f32.msk $0xffff, v3  }
0x254: {  	v32 =	vshll.u32 v35, $0x3;
	v29 =	vshll.u32 v29, $0x3;
	v22 =	vand.u32 $0x7F, v36;
	[tilespmem:v38+s9+$0x0] =	vst.idx.add.f32.msk $0xffff, v3  }
0x255: {  	v30 =	vand.u32 $0x7F, v35;
	v29 =	vand.u32 $0xFFFFFC00, v29;
	v31 =	vadd.s32 v2, v31;
	[tilespmem:v34+s9+$0x0] =	vst.idx.add.f32.msk $0xffff, v3  }
0x256: {  	_ =	sdelay $0x3  }
0x257: {  	v14 =	vld.idx.msk [tilespmem:v14+s12+$0x0], $0xffff  }
0x258: {  	v27 =	vshll.u32 v26, $0x3  }
0x259: {  	v26 =	vand.u32 $0x7F, v26;
	v27 =	vand.u32 $0xFFFFFC00, v27  }
0x25a: {  	[tilespmem:v33+s9+$0x0] =	vst.idx.add.f32.msk $0xffff, v3;
	v26 =	vor.u32 v26, v27  }
0x25b: {  	v25 =	vor.u32 v25, v29;
	v12 =	vld.idx.msk [tilespmem:v12+s13+$0x0], $0xffff;
	v26 =	vadd.s32 v2, v26  }
0x25c: {  	[tilespmem:v31+s9+$0x0] =	vst.idx.add.f32.msk $0xffff, v3;
	v25 =	vadd.s32 v2, v25;
	v27 =	vshll.u32 v14, $0x3  }
0x25d: {  	v15 =	vld.idx.msk [tilespmem:v15+s12+$0x0], $0xffff;
	v14 =	vand.u32 $0x7F, v14;
	v27 =	vand.u32 $0xFFFFFC00, v27  }
0x25e: {  	v14 =	vor.u32 v14, v27;
	v27 =	vand.u32 $0xFFFFFC00, v32  }
0x25f: {  	v14 =	vadd.s32 v2, v14;
	v27 =	vor.u32 v30, v27  }
0x260: {  	v21 =	vand.u32 $0xFFFFFC00, v21;
	[tilespmem:v26+s9+$0x0] =	vst.idx.add.f32.msk $0xffff, v3;
	v26 =	vadd.s32 v2, v27;
	v27 =	vshll.u32 v12, $0x3  }
0x261: {  	v28 =	vshll.u32 v23, $0x3;
	[tilespmem:v25+s9+$0x0] =	vst.idx.add.f32.msk $0xffff, v3;
	v12 =	vand.u32 $0x7F, v12;
	v27 =	vand.u32 $0xFFFFFC00, v27  }
0x262: {  	v23 =	vand.u32 $0x7F, v23;
	v25 =	vshll.u32 v15, $0x3;
	v19 =	vld.idx.msk [tilespmem:v19+s12+$0x0], $0xffff;
	v12 =	vor.u32 v12, v27  }
0x263: {  	v15 =	vand.u32 $0x7F, v15;
	v17 =	vld.idx.msk [tilespmem:v17+s12+$0x0], $0xffff;
	v27 =	vadd.s32 v5, v12;
	v12 =	vand.u32 $0xFFFFFC00, v28  }
0x264: {  	[tilespmem:v14+s9+$0x0] =	vst.idx.add.f32.msk $0xffff, v3;
	v14 =	vand.u32 $0xFFFFFC00, v25;
	v12 =	vor.u32 v23, v12;
	v23 =	vshll.u32 v18, $0x3  }
0x265: {  	v14 =	vor.u32 v15, v14;
	v15 =	vand.u32 $0x7F, v18;
	v18 =	vand.u32 $0xFFFFFC00, v23;
	[tilespmem:v26+s9+$0x0] =	vst.idx.add.f32.msk $0xffff, v3  }
0x266: {  	v24 =	vld.idx.msk [tilespmem:v24+s12+$0x0], $0xffff;
	v12 =	vadd.s32 v5, v12;
	v15 =	vor.u32 v15, v18;
	v14 =	vadd.s32 v5, v14  }
0x267: {  	v13 =	vld.idx.msk [tilespmem:v13+s12+$0x0], $0xffff;
	v18 =	vor.u32 v22, v21;
	v21 =	vshll.u32 v19, $0x3;
	v19 =	vand.u32 $0x7F, v19  }
0x268: {  	v22 =	vshll.u32 v17, $0x3;
	v17 =	vand.u32 $0x7F, v17;
	v18 =	vadd.s32 v5, v18  }
0x269: {  	[tilespmem:v20+s9+$0x0] =	vst.idx.add.f32.msk $0xffff, v3;
	s29 =	simm.s32 $0x4;
	v15 =	vadd.s32 v5, v15;
	v22 =	vand.u32 $0xFFFFFC00, v22;
	v20 =	vand.u32 $0xFFFFFC00, v21  }
0x26a: {  	[tilespmem:v16+s9+$0x0] =	vst.idx.add.f32.msk $0xffff, v3;
	v17 =	vor.u32 v17, v22;
	v19 =	vor.u32 v19, v20;
	v20 =	vmov s29  }
0x26b: {  	v17 =	vadd.s32 v5, v17;
	v23 =	vand.u32 $0x7F, v24;
	v24 =	vshll.u32 v24, $0x3;
	[tilespmem:v12+s9+$0x0] =	vst.idx.add.f32.msk $0xffff, v3  }
0x26c: {  	s31 =	simm.s32 $0x2;
	v19 =	vadd.s32 v5, v19;
	v24 =	vand.u32 $0xFFFFFC00, v24;
	v22 =	vshll.u32 v13, $0x3;
	[tilespmem:v14+s9+$0x0] =	vst.idx.add.f32.msk $0xffff, v3  }
0x26d: {  	s30 =	simm.s32 $0x1;
	v13 =	vand.u32 $0x7F, v13;
	v14 =	vmov s31;
	v16 =	vor.u32 v23, v24;
	[tilespmem:v18+s9+$0x0] =	vst.idx.add.f32.msk $0xffff, v3  }
0x26e: {  	v12 =	vand.u32 $0xFFFFFC00, v22;
	[tilespmem:v15+s9+$0x0] =	vst.idx.add.f32.msk $0xffff, v3;
	v15 =	vmov s30;
	v18 =	vor.u32 $0x6000, v0  }
0x26f: {  	v12 =	vor.u32 v13, v12;
	v13 =	vand.u32 $0x7F, v20;
	v16 =	vadd.s32 v5, v16  }
0x270: {  	s14 =	simm.s32 $0x3;
	v20 =	vadd.s32 v5, v12;
	v12 =	vbroadcast v13, $0x0;
	v13 =	vand.u32 $0x7F, v15  }
0x271: {  	v14 =	vand.u32 $0x7F, v14;
	v15 =	vmov s14;
	v13 =	vbroadcast v13, $0x0  }
0x272: {  	[tilespmem:v17+s9+$0x0] =	vst.idx.add.f32.msk $0xffff, v3;
	v17 =	vand.u32 $0x7F, v15;
	v15 =	vbroadcast v14, $0x0;
	v21 =	vor.u32 v18, v12  }
0x273: {  	[tilespmem:v19+s9+$0x0] =	vst.idx.add.f32.msk $0xffff, v3;
	v19 =	vor.u32 v18, v13  }
0x274: {  	[tilespmem:v27+s9+$0x0] =	vst.idx.add.f32.msk $0xffff, v3;
	v14 =	vbroadcast v17, $0x0;
	v17 =	vor.u32 v18, v15  }
0x275: {  	[tilespmem:v16+s9+$0x0] =	vst.idx.add.f32.msk $0xffff, v3  }
0x276: {  	[tilespmem:v20+s9+$0x0] =	vst.idx.add.f32.msk $0xffff, v3  }
0x277: {  	v20 =	vor.u32 v18, v14;
	v21 =	vld.idx.msk [tilespmem:v21+s12+$0x0], $0xffff  }
0x278: {  	v16 =	vmov s12;
	v19 =	vld.idx.msk [tilespmem:v19+s12+$0x0], $0xffff  }
0x279: {  	v16 =	vand.u32 $0x7F, v16;
	v22 =	vld.idx.msk [tilespmem:v17+s12+$0x0], $0xffff  }
0x27a: {  	v16 =	vbroadcast v16, $0x0;
	_ =	sdelay $0x1  }
0x27b: {  	p1 =	por $0x1, $0x1;
	v23 =	vor.u32 v18, v16;
	v24 =	vld.idx.msk [tilespmem:v20+s12+$0x0], $0xffff  }
.Ltmp7:
0x27c: {  	v17 =	vshll.u32 v21, $0x3;
	v20 =	vand.u32 $0x7F, v21;
	(pc) =	sbr.rel @!p1 .LBB2_16-.Ltmp7, $4  }
0x27d: {  	v17 =	vand.u32 $0xFFFFFC00, v17;
	v35 =	vand.u32 $0x7F, v19;
	v27 =	vand.u32 $0x7F, v22  }
0x27e: {  	v38 =	vshll.u32 v22, $0x3;
	v17 =	vor.u32 v20, v17;
	v20 =	vshll.u32 v19, $0x3  }
0x27f: {  	v30 =	vadd.s32 v2, v17;
	v17 =	vor.u32 $0x6800, v0;
	v33 =	vand.u32 $0xFFFFFC00, v20  }
0x280: {  	p2 =	por $0x0, $0x0;
	p0 =	por $0x0, $0x0;
	s13 =	simm.s32 $0x5;
	v23 =	vld.idx.msk [tilespmem:v23+s12+$0x0], $0xffff;
	v34 =	vand.u32 $0x7F, v24;
	v41 =	vshll.u32 v24, $0x3;
	v20 =	vor.u32 v17, v16  }
0x281: {  	s14 =	simm.s32 $0x9  }
0x282: {  	s31 =	simm.s32 $0x6;
	v19 =	vmov s14  }
0x283: {  	s16 =	simm.s32 $0x8;
	v22 =	vor.u32 v17, v12;
	v21 =	vmov s31;
	v19 =	vand.u32 $0x7F, v19  }
0x284: {  	s15 =	simm.s32 $0x7;
	v25 =	vmov s16;
	v21 =	vand.u32 $0x7F, v21;
	v19 =	vbroadcast v19, $0x0  }
0x285: {  	v24 =	vmov s15;
	v25 =	vand.u32 $0x7F, v25;
	v31 =	vbroadcast v21, $0x0  }
0x286: {  	v24 =	vand.u32 $0x7F, v24;
	v21 =	vbroadcast v25, $0x0;
	v26 =	vor.u32 v18, v19  }
0x287: {  	v32 =	vbroadcast v24, $0x0;
	v29 =	vor.u32 v18, v31  }
0x288: {  	v28 =	vmov s13;
	v25 =	vand.u32 $0xFFFFFC00, v41;
	v24 =	vor.u32 v18, v21  }
0x289: {  	[tilespmem:v30+s9+$0x0] =	vst.idx.add.f32.msk $0xffff, v3;
	v37 =	vand.u32 $0xFFFFFC00, v38;
	v25 =	vor.u32 v34, v25;
	v61 =	vor.u32 v18, v32  }
0x28a: {  	v33 =	vor.u32 v35, v33;
	v28 =	vand.u32 $0x7F, v28;
	v22 =	vld.idx.msk [tilespmem:v22+s12+$0x0], $0xffff;
	v25 =	vadd.s32 v2, v25  }
0x28b: {  	v27 =	vor.u32 v27, v37;
	v63 =	vadd.s32 v2, v33;
	v28 =	vbroadcast v28, $0x0;
	v26 =	vld.idx.msk [tilespmem:v26+s12+$0x0], $0xffff  }
0x28c: {  	v39 =	vadd.s32 v2, v27;
	v30 =	vshll.u32 v23, $0x3;
	v29 =	vld.idx.msk [tilespmem:v29+s12+$0x0], $0xffff  }
0x28d: {  	v23 =	vand.u32 $0x7F, v23;
	v36 =	vor.u32 v18, v28;
	v30 =	vand.u32 $0xFFFFFC00, v30;
	v24 =	vld.idx.msk [tilespmem:v24+s12+$0x0], $0xffff  }
0x28e: {  	v23 =	vor.u32 v23, v30;
	v30 =	vor.u32 v17, v14;
	v34 =	vld.idx.msk [tilespmem:v61+s12+$0x0], $0xffff  }
0x28f: {  	v62 =	vadd.s32 v2, v23;
	[tilespmem:v25+s9+$0x0] =	vst.idx.add.f32.msk $0xffff, v3;
	v25 =	vand.u32 $0x7F, v22;
	v22 =	vshll.u32 v22, $0x3  }
0x290: {  	v40 =	vor.u32 v17, v13;
	p3 =	por $0x1, $0x1;
	v37 =	vor.u32 v17, v15;
	[tilespmem:v63+s9+$0x0] =	vst.idx.add.f32.msk $0xffff, v3;
	v22 =	vand.u32 $0xFFFFFC00, v22  }
.Ltmp8:
0x291: {  	v42 =	vor.u32 v17, v28;
	[tilespmem:v39+s9+$0x0] =	vst.idx.add.f32.msk $0xffff, v3;
	v25 =	vor.u32 v25, v22;
	v27 =	vshll.u32 v26, $0x3;
	(pc) =	sbr.rel @!p3 .LBB2_18-.Ltmp8, $4  }
0x292: {  	v23 =	vld.idx.msk [tilespmem:v36+s12+$0x0], $0xffff;
	v25 =	vadd.s32 v5, v25;
	v26 =	vand.u32 $0x7F, v26;
	v27 =	vand.u32 $0xFFFFFC00, v27  }
0x293: {  	v22 =	vld.idx.msk [tilespmem:v30+s12+$0x0], $0xffff;
	v35 =	vand.u32 $0x7F, v29;
	v38 =	vshll.u32 v34, $0x3;
	v26 =	vor.u32 v26, v27  }
0x294: {  	[tilespmem:v62+s9+$0x0] =	vst.idx.add.f32.msk $0xffff, v3;
	v41 =	vshll.u32 v24, $0x3;
	v27 =	vshll.u32 v29, $0x3;
	v30 =	vadd.s32 v2, v26  }
0x295: {  	p2 =	por $0x1, $0x1;
	s14 =	simm.s32 $0xA;
	v33 =	vand.u32 $0xFFFFFC00, v27;
	v27 =	vand.u32 $0x7F, v34;
	v34 =	vand.u32 $0x7F, v24;
	v24 =	vld.idx.msk [tilespmem:v20+s12+$0x0], $0xffff  }
0x296: {  	v20 =	vmov s14;
	v26 =	vor.u32 v17, v19;
	v38 =	vand.u32 $0xFFFFFC00, v38  }
0x297: {  	s29 =	simm.s32 $0xB;
	s15 =	simm.s32 $0xC;
	v39 =	vor.u32 v17, v21;
	v33 =	vor.u32 v35, v33;
	v62 =	vand.u32 $0xFFFFFC00, v41  }
0x298: {  	s30 =	simm.s32 $0xD;
	v36 =	vand.u32 $0x7F, v23;
	v19 =	vmov s29;
	v28 =	vmov s15  }
0x299: {  	v21 =	vmov s30;
	v20 =	vand.u32 $0x7F, v20;
	v23 =	vshll.u32 v23, $0x3  }
0x29a: {  	s31 =	simm.s32 $0xE;
	v27 =	vor.u32 v27, v38;
	v47 =	vadd.s32 v2, v33;
	v54 =	vor.u32 v34, v62  }
0x29b: {  	v29 =	vand.u32 $0x7F, v19;
	v19 =	vmov s31;
	v28 =	vand.u32 $0x7F, v28  }
0x29c: {  	v21 =	vand.u32 $0x7F, v21;
	v44 =	vand.u32 $0x7F, v22;
	v20 =	vbroadcast v20, $0x0  }
0x29d: {  	v33 =	vadd.s32 v2, v54;
	v48 =	vadd.s32 v2, v27;
	v22 =	vshll.u32 v22, $0x3  }
0x29e: {  	v40 =	vld.idx.msk [tilespmem:v40+s12+$0x0], $0xffff;
	v19 =	vand.u32 $0x7F, v19;
	v28 =	vbroadcast v28, $0x0;
	v29 =	vbroadcast v29, $0x0  }
0x29f: {  	v37 =	vld.idx.msk [tilespmem:v37+s12+$0x0], $0xffff;
	v23 =	vand.u32 $0xFFFFFC00, v23;
	v21 =	vbroadcast v21, $0x0;
	v19 =	vbroadcast v19, $0x0  }
0x2a0: {  	[tilespmem:v30+s9+$0x0] =	vst.idx.add.f32.msk $0xffff, v3;
	v22 =	vand.u32 $0xFFFFFC00, v22;
	v23 =	vor.u32 v36, v23;
	v45 =	vor.u32 v18, v29  }
0x2a1: {  	[tilespmem:v25+s9+$0x0] =	vst.idx.add.f32.msk $0xffff, v3;
	v63 =	vand.u32 $0x7F, v24;
	v53 =	vor.u32 v18, v20;
	v30 =	vor.u32 v18, v19  }
0x2a2: {  	v22 =	vor.u32 v44, v22;
	v60 =	vadd.s32 v2, v23;
	v43 =	vld.idx.msk [tilespmem:v26+s12+$0x0], $0xffff;
	v55 =	vor.u32 v18, v28  }
0x2a3: {  	v23 =	vshll.u32 v24, $0x3;
	v20 =	vor.u32 v17, v20;
	v46 =	vor.u32 v18, v21;
	[tilespmem:v47+s9+$0x0] =	vst.idx.add.f32.msk $0xffff, v3  }
0x2a4: {  	v26 =	vshll.u32 v40, $0x3;
	v52 =	vand.u32 $0x7F, v40;
	v27 =	vand.u32 $0x7F, v37;
	[tilespmem:v33+s9+$0x0] =	vst.idx.add.f32.msk $0xffff, v3  }
0x2a5: {  	v56 =	vshll.u32 v37, $0x3;
	v59 =	vadd.s32 v5, v22;
	v62 =	vand.u32 $0xFFFFFC00, v23;
	v57 =	vld.idx.msk [tilespmem:v45+s12+$0x0], $0xffff  }
0x2a6: {  	v40 =	vor.u32 v17, v31;
	v37 =	vor.u32 v17, v32;
	v26 =	vand.u32 $0xFFFFFC00, v26;
	v30 =	vld.idx.msk [tilespmem:v30+s12+$0x0], $0xffff  }
0x2a7: {  	v35 =	vand.u32 $0xFFFFFC00, v56;
	v34 =	vor.u32 v63, v62;
	v22 =	vshll.u32 v43, $0x3;
	v24 =	vld.idx.msk [tilespmem:v55+s12+$0x0], $0xffff  }
0x2a8: {  	v26 =	vor.u32 v52, v26;
	v25 =	vand.u32 $0x7F, v43;
	v58 =	vld.idx.msk [tilespmem:v46+s12+$0x0], $0xffff;
	v22 =	vand.u32 $0xFFFFFC00, v22  }
0x2a9: {  	p4 =	por $0x1, $0x1;
	v36 =	vadd.s32 v5, v34;
	v27 =	vor.u32 v27, v35;
	v23 =	vld.idx.msk [tilespmem:v53+s12+$0x0], $0xffff;
	v25 =	vor.u32 v25, v22  }
.Ltmp9:
0x2aa: {  	v26 =	vadd.s32 v5, v26;
	v22 =	vld.idx.msk [tilespmem:v39+s12+$0x0], $0xffff;
	v39 =	vadd.s32 v5, v27;
	v25 =	vadd.s32 v5, v25;
	(pc) =	sbr.rel @!p4 .LBB2_20-.Ltmp9, $4  }
0x2ab: {  	[tilespmem:v48+s9+$0x0] =	vst.idx.add.f32.msk $0xffff, v3;
	v63 =	vshll.u32 v57, $0x3;
	v35 =	vand.u32 $0x7F, v57;
	v61 =	vshll.u32 v30, $0x3  }
0x2ac: {  	[tilespmem:v60+s9+$0x0] =	vst.idx.add.f32.msk $0xffff, v3;
	v27 =	vand.u32 $0x7F, v24;
	v30 =	vand.u32 $0x7F, v30;
	v33 =	vand.u32 $0xFFFFFC00, v61  }
0x2ad: {  	[tilespmem:v59+s9+$0x0] =	vst.idx.add.f32.msk $0xffff, v3;
	v38 =	vshll.u32 v24, $0x3;
	v34 =	vand.u32 $0x7F, v58;
	v30 =	vor.u32 v30, v33  }
0x2ae: {  	s14 =	simm.s32 $0xF;
	p3 =	por $0x1, $0x1;
	v41 =	vshll.u32 v58, $0x3;
	v24 =	vld.idx.msk [tilespmem:v42+s12+$0x0], $0xffff;
	v33 =	vand.u32 $0xFFFFFC00, v63;
	v30 =	vadd.s32 v2, v30  }
.LBB2_21:
0x2af: {  	v31 =	vmov s14;
	s15 =	sadd.s32 $0x1, s14;
	s16 =	sadd.s32 $0x2, s14;
	s17 =	sadd.s32 $0x3, s14;
	v32 =	vand.u32 $0x7F, v23;
	v42 =	vor.u32 v17, v19;
	[tilespmem:v39+s9+$0x0] =	vst.idx.add.f32.msk $0xffff, v3  }
0x2b0: {  	p4 =	slt.u32 s14, $0x2D;
	v38 =	vand.u32 $0xFFFFFC00, v38;
	v19 =	vmov s15;
	v39 =	vmov s16;
	s15 =	sadd.s32 $0x4, s14;
	s14 =	sadd.s32 $0x5, s14;
	[tilespmem:v26+s9+$0x0] =	vst.idx.add.f32.msk $0xffff, v3  }
0x2b1: {  	v43 =	vor.u32 v17, v21;
	v26 =	vand.u32 $0x7F, v19;
	v19 =	vmov s15;
	v40 =	vld.idx.msk [tilespmem:v40+s12+$0x0], $0xffff  }
0x2b2: {  	v33 =	vor.u32 v35, v33;
	v21 =	vmov s17;
	v19 =	vand.u32 $0x7F, v19;
	[tilespmem:v36+s9+$0x0] =	vst.idx.add.f32.msk $0xffff, v3  }
0x2b3: {  	v35 =	vand.u32 $0x7F, v39;
	v36 =	vand.u32 $0xFFFFFC00, v41;
	[tilespmem:v25+s9+$0x0] =	vst.idx.add.f32.msk $0xffff, v3  }
0x2b4: {  	v21 =	vand.u32 $0x7F, v21;
	v19 =	vbroadcast v19, $0x0;
	v25 =	vand.u32 $0x7F, v24;
	[tilespmem:v30+s9+$0x0] =	vst.idx.add.f32.msk $0xffff, v3  }
0x2b5: {  	v23 =	vshll.u32 v23, $0x3;
	v30 =	vand.u32 $0x7F, v31;
	v31 =	vbroadcast v35, $0x0;
	v35 =	vld.idx.msk [tilespmem:v42+s12+$0x0], $0xffff  }
0x2b6: {  	v39 =	vand.u32 $0x7F, v22;
	v41 =	vbroadcast v26, $0x0;
	v26 =	vor.u32 v18, v19  }
0x2b7: {  	v21 =	vbroadcast v21, $0x0;
	v42 =	vbroadcast v30, $0x0;
	v30 =	vshll.u32 v40, $0x3;
	v37 =	vld.idx.msk [tilespmem:v37+s12+$0x0], $0xffff  }
0x2b8: {  	v27 =	vor.u32 v27, v38;
	v44 =	vor.u32 v18, v41;
	v38 =	vand.u32 $0x7F, v40  }
0x2b9: {  	v45 =	vor.u32 v18, v21;
	v40 =	vor.u32 v18, v42;
	v30 =	vand.u32 $0xFFFFFC00, v30  }
0x2ba: {  	v46 =	vadd.s32 v2, v33;
	v33 =	vor.u32 v34, v36;
	v30 =	vor.u32 v38, v30  }
0x2bb: {  	v33 =	vadd.s32 v2, v33;
	v34 =	vor.u32 v18, v31;
	v36 =	vld.idx.msk [tilespmem:v26+s12+$0x0], $0xffff;
	v26 =	vadd.s32 v5, v30  }
0x2bc: {  	v47 =	vadd.s32 v2, v27;
	v22 =	vshll.u32 v22, $0x3;
	v27 =	vand.u32 $0x7F, v35  }
0x2bd: {  	v22 =	vand.u32 $0xFFFFFC00, v22;
	v30 =	vand.u32 $0x7F, v37;
	v37 =	vshll.u32 v37, $0x3  }
0x2be: {  	v23 =	vand.u32 $0xFFFFFC00, v23;
	v22 =	vor.u32 v39, v22;
	v37 =	vand.u32 $0xFFFFFC00, v37;
	v38 =	vld.idx.msk [tilespmem:v44+s12+$0x0], $0xffff  }
0x2bf: {  	v23 =	vor.u32 v32, v23;
	v32 =	vshll.u32 v35, $0x3;
	v35 =	vadd.s32 v5, v22;
	v44 =	vld.idx.msk [tilespmem:v45+s12+$0x0], $0xffff  }
0x2c0: {  	v22 =	vand.u32 $0xFFFFFC00, v32;
	v45 =	vadd.s32 v2, v23;
	v23 =	vshll.u32 v24, $0x3;
	[tilespmem:v33+s9+$0x0] =	vst.idx.add.f32.msk $0xffff, v3  }
0x2c1: {  	v27 =	vor.u32 v27, v22;
	v32 =	vshll.u32 v36, $0x3;
	v22 =	vand.u32 $0xFFFFFC00, v23;
	v24 =	vld.idx.msk [tilespmem:v34+s12+$0x0], $0xffff  }
0x2c2: {  	v33 =	vand.u32 $0x7F, v36;
	v32 =	vand.u32 $0xFFFFFC00, v32;
	v25 =	vor.u32 v25, v22;
	v23 =	vld.idx.msk [tilespmem:v40+s12+$0x0], $0xffff  }
0x2c3: {  	v32 =	vor.u32 v33, v32;
	v36 =	vadd.s32 v5, v25;
	v25 =	vor.u32 v30, v37;
	v22 =	vld.idx.msk [tilespmem:v43+s12+$0x0], $0xffff  }
.Ltmp10:
0x2c4: {  	v33 =	vshll.u32 v38, $0x3;
	v30 =	vadd.s32 v2, v32;
	v39 =	vadd.s32 v5, v25;
	[tilespmem:v35+s9+$0x0] =	vst.idx.add.f32.msk $0xffff, v3;
	(pc) =	sbr.rel @p4 .LBB2_21-.Ltmp10, $4  }
0x2c5: {  	v40 =	vor.u32 v17, v29;
	v29 =	vmov v41;
	v25 =	vadd.s32 v5, v27;
	[tilespmem:v45+s9+$0x0] =	vst.idx.add.f32.msk $0xffff, v3  }
0x2c6: {  	v37 =	vor.u32 v17, v28;
	v28 =	vmov v31;
	v33 =	vand.u32 $0xFFFFFC00, v33;
	[tilespmem:v46+s9+$0x0] =	vst.idx.add.f32.msk $0xffff, v3  }
0x2c7: {  	v35 =	vand.u32 $0x7F, v38;
	v27 =	vand.u32 $0x7F, v24;
	v38 =	vshll.u32 v24, $0x3;
	[tilespmem:v47+s9+$0x0] =	vst.idx.add.f32.msk $0xffff, v3  }
0x2c8: {  	v34 =	vand.u32 $0x7F, v44;
	v41 =	vshll.u32 v44, $0x3;
	v24 =	vld.idx.msk [tilespmem:v20+s12+$0x0], $0xffff;
	v20 =	vor.u32 v17, v42  }
0x2c9: {  	v31 =	vmov v29;
	v32 =	vmov v28  }
.LBB2_23:
0x2ca: {  	_ = 	snop  }
0x2cb: {  	v18 =	vor.u32 v17, v19;
	v19 =	vand.u32 $0xFFFFFC00, v41  }
0x2cc: {  	v28 =	vshll.u32 v23, $0x3;
	v19 =	vor.u32 v34, v19  }
0x2cd: {  	v58 =	vand.u32 $0x7F, v23;
	v28 =	vand.u32 $0xFFFFFC00, v28;
	v19 =	vadd.s32 v2, v19  }
0x2ce: {  	v29 =	vld.idx.msk @p2 [tilespmem:v40+s12+$0x0], $0xffff;
	v21 =	vor.u32 v17, v21;
	v23 =	vor.u32 v58, v28  }
0x2cf: {  	v33 =	vor.u32 v35, v33;
	[tilespmem:v30+s9+$0x0] =	vst.idx.add.f32.msk $0xffff, v3;
	v28 =	vand.u32 $0xFFFFFC00, v38;
	v23 =	vadd.s32 v2, v23  }
0x2d0: {  	v30 =	vld.idx.msk @p2 [tilespmem:v37+s12+$0x0], $0xffff;
	v27 =	vor.u32 v27, v28;
	v28 =	vadd.s32 v2, v33  }
0x2d1: {  	v27 =	vadd.s32 v2, v27;
	v18 =	vld.idx.msk [tilespmem:v18+s12+$0x0], $0xffff  }
0x2d2: {  	v33 =	vand.u32 @p2 $0x7F, v24;
	v24 =	vshll.u32 @p2 v24, $0x3;
	[tilespmem:v19+s9+$0x0] =	vst.idx.add.f32.msk $0xffff, v3  }
0x2d3: {  	v31 =	vor.u32 v17, v31;
	v17 =	vor.u32 v17, v32;
	v24 =	vand.u32 @p2 $0xFFFFFC00, v24;
	v21 =	vld.idx.msk [tilespmem:v21+s12+$0x0], $0xffff  }
0x2d4: {  	v34 =	vshll.u32 @p2 v29, $0x3;
	v24 =	vor.u32 @p2 v33, v24;
	v19 =	vand.u32 @p2 $0x7F, v29;
	[tilespmem:v23+s9+$0x0] =	vst.idx.add.f32.msk $0xffff, v3  }
0x2d5: {  	v29 =	vand.u32 @p2 $0xFFFFFC00, v34;
	v34 =	vand.u32 @p2 $0x7F, v22;
	v22 =	vshll.u32 @p2 v22, $0x3;
	[tilespmem:v28+s9+$0x0] =	vst.idx.add.f32.msk $0xffff, v3  }
0x2d6: {  	v19 =	vor.u32 @p2 v19, v29;
	v28 =	vand.u32 @p2 $0x7F, v30;
	v29 =	vshll.u32 @p2 v30, $0x3;
	[tilespmem:v27+s9+$0x0] =	vst.idx.add.f32.msk $0xffff, v3  }
0x2d7: {  	v22 =	vand.u32 @p2 $0xFFFFFC00, v22;
	v23 =	vadd.s32 @p2 v5, v24;
	v19 =	vadd.s32 @p2 v5, v19;
	v20 =	vld.idx.msk [tilespmem:v20+s12+$0x0], $0xffff  }
0x2d8: {  	v27 =	vand.u32 @p2 $0xFFFFFC00, v29;
	v22 =	vor.u32 @p2 v34, v22;
	v29 =	vld.idx.msk [tilespmem:v31+s12+$0x0], $0xffff;
	v23 =	vpsel p2, v23, v0  }
0x2d9: {  	v59 =	vand.u32 $0x7F, v18;
	v18 =	vshll.u32 v18, $0x3;
	v27 =	vor.u32 @p2 v28, v27  }
0x2da: {  	v22 =	vadd.s32 @p2 v5, v22;
	v17 =	vld.idx.msk [tilespmem:v17+s12+$0x0], $0xffff;
	v18 =	vand.u32 $0xFFFFFC00, v18;
	v24 =	vadd.s32 @p2 v5, v27  }
0x2db: {  	v19 =	vpsel p2, v19, v0;
	v18 =	vor.u32 v59, v18;
	v24 =	vpsel p2, v24, v0  }
0x2dc: {  	[tilespmem:v39+s9+$0x0] =	vst.idx.add.f32.msk @p3 $0xffff, v3;
	v18 =	vadd.s32 v5, v18;
	v28 =	vand.u32 $0x7F, v21;
	v21 =	vshll.u32 v21, $0x3  }
0x2dd: {  	[tilespmem:v26+s9+$0x0] =	vst.idx.add.f32.msk @p3 $0xffff, v3;
	v27 =	vand.u32 $0x7F, v20;
	v26 =	vshll.u32 v29, $0x3;
	v29 =	vand.u32 $0x7F, v29  }
0x2de: {  	[tilespmem:v36+s9+$0x0] =	vst.idx.add.f32.msk @p3 $0xffff, v3;
	v21 =	vand.u32 $0xFFFFFC00, v21;
	v20 =	vshll.u32 v20, $0x3;
	v26 =	vand.u32 $0xFFFFFC00, v26  }
0x2df: {  	[tilespmem:v25+s9+$0x0] =	vst.idx.add.f32.msk @p2 $0xffff, v3;
	v30 =	vshll.u32 v17, $0x3;
	v17 =	vand.u32 $0x7F, v17;
	v21 =	vor.u32 v28, v21  }
0x2e0: {  	[tilespmem:v23+s9+$0x0] =	vst.idx.add.f32.msk @p2 $0xffff, v3;
	v25 =	vand.u32 $0xFFFFFC00, v30;
	v21 =	vadd.s32 v5, v21;
	v60 =	vor.u32 v29, v26  }
0x2e1: {  	v20 =	vand.u32 $0xFFFFFC00, v20;
	[tilespmem:v19+s9+$0x0] =	vst.idx.add.f32.msk @p2 $0xffff, v3;
	v17 =	vor.u32 v17, v25;
	v19 =	vadd.s32 v5, v60  }
0x2e2: {  	[tilespmem:v24+s9+$0x0] =	vst.idx.add.f32.msk @p2 $0xffff, v3;
	v24 =	vadd.s32 v5, v17;
	v17 =	vor.u32 v27, v20  }
0x2e3: {  	[tilespmem:v22+s9+$0x0] =	vst.idx.add.f32.msk @p2 $0xffff, v3;
	v20 =	vadd.s32 v5, v17;
	v17 =	vor.u32 $0x7000, v0  }
0x2e4: {  	[tilespmem:v18+s9+$0x0] =	vst.idx.add.f32.msk $0xffff, v3;
	v18 =	vor.u32 v17, v15  }
0x2e5: {  	[tilespmem:v21+s9+$0x0] =	vst.idx.add.f32.msk $0xffff, v3  }
0x2e6: {  	v61 =	vor.u32 v17, v12;
	[tilespmem:v19+s9+$0x0] =	vst.idx.add.f32.msk $0xffff, v3  }
0x2e7: {  	v19 =	vor.u32 v17, v16;
	[tilespmem:v24+s9+$0x0] =	vst.idx.add.f32.msk $0xffff, v3  }
0x2e8: {  	s12 =	simm.s32 $0x0;
	[tilespmem:v20+s9+$0x0] =	vst.idx.add.f32.msk $0xffff, v3  }
0x2e9: {  	v20 =	vld.idx.msk [tilespmem:v18+s12+$0x0], $0xffff;
	_ =	sdelay $0x1  }
0x2ea: {  	v21 =	vld.idx.msk [tilespmem:v61+s12+$0x0], $0xffff  }
0x2eb: {  	v18 =	vor.u32 $0x7800, v0;
	v62 =	vld.idx.msk [tilespmem:v19+s12+$0x0], $0xffff  }
0x2ec: {  	v63 =	vor.u32 v17, v13;
	v15 =	vor.u32 v18, v15  }
.Ltmp11:
0x2ed: {  	v13 =	vor.u32 v18, v13;
	v16 =	vor.u32 v18, v16;
	v24 =	vshll.u32 v20, $0x3;
	(pc) =	sbr.rel @!p1 .LBB2_24-.Ltmp11, $4  }
0x2ee: {  	v12 =	vor.u32 v18, v12;
	v20 =	vand.u32 $0x7F, v20;
	v25 =	vand.u32 $0xFFFFFC00, v24  }
0x2ef: {  	v19 =	vor.u32 v17, v14;
	v24 =	vor.u32 v18, v14;
	v14 =	vor.u32 v20, v25  }
0x2f0: {  	v25 =	vand.u32 $0x7F, v21;
	v31 =	vshll.u32 v62, $0x3;
	v20 =	vshll.u32 v21, $0x3  }
0x2f1: {  	v29 =	vld.idx.msk [tilespmem:v63+s12+$0x0], $0xffff;
	v30 =	vand.u32 $0x7F, v62;
	v32 =	vadd.s32 v2, v14;
	v28 =	vand.u32 $0xFFFFFC00, v20  }
0x2f2: {  	s14 =	simm.s32 $0x9;
	s15 =	simm.s32 $0x7;
	v20 =	vmov s13  }
0x2f3: {  	s30 =	simm.s32 $0x6;
	v25 =	vor.u32 v25, v28;
	v14 =	vmov s14;
	v21 =	vmov s15  }
0x2f4: {  	v23 =	vmov s30;
	v20 =	vand.u32 $0x7F, v20;
	v14 =	vand.u32 $0x7F, v14  }
0x2f5: {  	v37 =	vadd.s32 v2, v25;
	v21 =	vand.u32 $0x7F, v21;
	v14 =	vbroadcast v14, $0x0  }
0x2f6: {  	[tilespmem:v32+s9+$0x0] =	vst.idx.add.f32.msk $0xffff, v3;
	v21 =	vbroadcast v21, $0x0;
	v22 =	vshll.u32 v29, $0x3;
	v26 =	vand.u32 $0x7F, v29  }
0x2f7: {  	v15 =	vld.idx.msk [tilespmem:v15+s12+$0x0], $0xffff;
	v29 =	vand.u32 $0xFFFFFC00, v31;
	v22 =	vand.u32 $0xFFFFFC00, v22;
	v27 =	vor.u32 v17, v14  }
0x2f8: {  	v31 =	vbroadcast v20, $0x0;
	v22 =	vor.u32 v26, v22;
	v26 =	vor.u32 v17, v21  }
0x2f9: {  	v23 =	vand.u32 $0x7F, v23;
	v29 =	vor.u32 v30, v29;
	v20 =	vadd.s32 v2, v22  }
0x2fa: {  	v19 =	vld.idx.msk [tilespmem:v19+s12+$0x0], $0xffff;
	v23 =	vbroadcast v23, $0x0;
	v30 =	vadd.s32 v2, v29;
	v29 =	vor.u32 v17, v31  }
0x2fb: {  	[tilespmem:v37+s9+$0x0] =	vst.idx.add.f32.msk $0xffff, v3  }
0x2fc: {  	s31 =	simm.s32 $0x8;
	v63 =	vor.u32 v17, v23;
	v33 =	vshll.u32 v15, $0x3;
	v27 =	vld.idx.msk [tilespmem:v27+s12+$0x0], $0xffff  }
0x2fd: {  	v15 =	vand.u32 $0x7F, v15;
	v22 =	vmov s31;
	v28 =	vand.u32 $0xFFFFFC00, v33;
	v26 =	vld.idx.msk [tilespmem:v26+s12+$0x0], $0xffff  }
0x2fe: {  	v22 =	vand.u32 $0x7F, v22;
	v28 =	vor.u32 v15, v28;
	v15 =	vor.u32 v18, v21;
	[tilespmem:v20+s9+$0x0] =	vst.idx.add.f32.msk $0xffff, v3  }
0x2ff: {  	v21 =	vshll.u32 v19, $0x3;
	v22 =	vbroadcast v22, $0x0;
	v20 =	vadd.s32 v5, v28;
	v28 =	vld.idx.msk [tilespmem:v29+s12+$0x0], $0xffff  }
0x300: {  	v35 =	vor.u32 v18, v31;
	v19 =	vand.u32 $0x7F, v19;
	v21 =	vand.u32 $0xFFFFFC00, v21;
	v38 =	vld.idx.msk [tilespmem:v13+s12+$0x0], $0xffff  }
0x301: {  	p2 =	por $0x1, $0x1;
	v33 =	vor.u32 v18, v14;
	v14 =	vor.u32 v19, v21;
	v36 =	vor.u32 v17, v22  }
.Ltmp12:
0x302: {  	v21 =	vor.u32 v18, v22;
	v34 =	vadd.s32 v2, v14;
	v13 =	vor.u32 v18, v23;
	(pc) =	sbr.rel @!p2 .LBB2_26-.Ltmp12, $4  }
0x303: {  	[tilespmem:v30+s9+$0x0] =	vst.idx.add.f32.msk $0xffff, v3;
	v25 =	vand.u32 $0x7F, v27;
	v19 =	vshll.u32 v26, $0x3;
	v22 =	vand.u32 $0x7F, v26  }
0x304: {  	v29 =	vld.idx.msk [tilespmem:v63+s12+$0x0], $0xffff;
	v19 =	vand.u32 $0xFFFFFC00, v19;
	v31 =	vshll.u32 v28, $0x3;
	v30 =	vand.u32 $0x7F, v28  }
0x305: {  	v14 =	vld.idx.msk [tilespmem:v16+s12+$0x0], $0xffff;
	v16 =	vor.u32 v22, v19;
	v22 =	vshll.u32 v38, $0x3;
	v19 =	vshll.u32 v27, $0x3  }
0x306: {  	s13 =	simm.s32 $0xA;
	p1 =	por $0x1, $0x1;
	v23 =	vand.u32 $0x7F, v38;
	v27 =	vld.idx.msk [tilespmem:v12+s12+$0x0], $0xffff;
	v32 =	vadd.s32 v2, v16;
	v28 =	vand.u32 $0xFFFFFC00, v19  }
0x307: {  	_ =	sdelay $0x3  }
0x308: {  	s14 =	simm.s32 $0xB;
	v12 =	vmov s13;
	s29 =	simm.s32 $0xC;
	v31 =	vand.u32 $0xFFFFFC00, v31;
	[tilespmem:v20+s9+$0x0] =	vst.idx.add.f32.msk $0xffff, v3;
	v20 =	vor.u32 v25, v28  }
0x309: {  	s30 =	simm.s32 $0xD;
	s31 =	simm.s32 $0xE;
	v22 =	vand.u32 $0xFFFFFC00, v22;
	v19 =	vmov s14;
	v26 =	vmov s29  }
0x30a: {  	v54 =	vmov s31;
	v37 =	vmov s30;
	v12 =	vand.u32 $0x7F, v12  }
0x30b: {  	[tilespmem:v34+s9+$0x0] =	vst.idx.add.f32.msk $0xffff, v3;
	v28 =	vadd.s32 v2, v20;
	v16 =	vshll.u32 v29, $0x3;
	v29 =	vand.u32 $0x7F, v29  }
0x30c: {  	v24 =	vld.idx.msk [tilespmem:v24+s12+$0x0], $0xffff;
	v19 =	vand.u32 $0x7F, v19;
	v34 =	vand.u32 $0x7F, v54;
	v26 =	vand.u32 $0x7F, v26  }
0x30d: {  	[tilespmem:v32+s9+$0x0] =	vst.idx.add.f32.msk $0xffff, v3;
	v12 =	vbroadcast v12, $0x0;
	v16 =	vand.u32 $0xFFFFFC00, v16;
	v34 =	vbroadcast v34, $0x0  }
0x30e: {  	v56 =	vld.idx.msk [tilespmem:v15+s12+$0x0], $0xffff;
	v55 =	vbroadcast v19, $0x0;
	v15 =	vbroadcast v26, $0x0;
	v16 =	vor.u32 v29, v16  }
0x30f: {  	v29 =	vor.u32 v30, v31;
	v30 =	vand.u32 $0x7F, v37;
	v38 =	vshll.u32 v27, $0x3  }
0x310: {  	v39 =	vor.u32 v17, v12;
	v31 =	vadd.s32 v2, v29;
	v29 =	vor.u32 v17, v34  }
0x311: {  	v30 =	vbroadcast v30, $0x0;
	v26 =	vand.u32 $0x7F, v24;
	v24 =	vshll.u32 v24, $0x3  }
0x312: {  	v40 =	vor.u32 v17, v55;
	v41 =	vor.u32 v17, v15;
	v24 =	vand.u32 $0xFFFFFC00, v24  }
0x313: {  	v25 =	vld.idx.msk [tilespmem:v36+s12+$0x0], $0xffff;
	v16 =	vadd.s32 v2, v16;
	v15 =	vor.u32 v18, v15;
	v20 =	vor.u32 v26, v24  }
0x314: {  	s13 =	simm.s32 $0x0;
	[tilespmem:v28+s9+$0x0] =	vst.idx.add.f32.msk $0xffff, v3;
	v24 =	vand.u32 $0x7F, v27;
	v27 =	vshll.u32 v56, $0x3;
	v26 =	vadd.s32 v5, v20  }
0x315: {  	v20 =	vand.u32 $0xFFFFFC00, v38;
	v27 =	vand.u32 $0xFFFFFC00, v27;
	v57 =	vld.idx.msk [tilespmem:v29+s13+$0x0], $0xffff;
	v29 =	vand.u32 $0x7F, v56  }
0x316: {  	v19 =	vor.u32 v17, v30;
	v58 =	vld.idx.msk [tilespmem:v39+s13+$0x0], $0xffff;
	v20 =	vor.u32 v24, v20;
	v24 =	vor.u32 v29, v27  }
0x317: {  	v59 =	vld.idx.msk [tilespmem:v41+s13+$0x0], $0xffff;
	v27 =	vshll.u32 v14, $0x3;
	v60 =	vadd.s32 v5, v20;
	v14 =	vand.u32 $0x7F, v14  }
0x318: {  	[tilespmem:v16+s9+$0x0] =	vst.idx.add.f32.msk $0xffff, v3;
	v16 =	vand.u32 $0xFFFFFC00, v27;
	v20 =	vadd.s32 v5, v24;
	v24 =	vor.u32 v18, v30  }
0x319: {  	v61 =	vld.idx.msk [tilespmem:v13+s12+$0x0], $0xffff;
	v13 =	vor.u32 v14, v16;
	v14 =	vor.u32 v23, v22;
	v16 =	vshll.u32 v25, $0x3  }
0x31a: {  	[tilespmem:v31+s9+$0x0] =	vst.idx.add.f32.msk $0xffff, v3;
	v22 =	vand.u32 $0x7F, v25;
	v42 =	vadd.s32 v5, v14;
	v23 =	vand.u32 $0xFFFFFC00, v16  }
0x31b: {  	p2 =	por $0x1, $0x1;
	v29 =	vld.idx.msk [tilespmem:v40+s13+$0x0], $0xffff;
	v62 =	vadd.s32 v5, v13;
	v13 =	vor.u32 v18, v55;
	v22 =	vor.u32 v22, v23  }
.Ltmp13:
0x31c: {  	v27 =	vld.idx.msk [tilespmem:v33+s12+$0x0], $0xffff;
	v16 =	vor.u32 v18, v12;
	v12 =	vor.u32 v18, v34;
	v34 =	vadd.s32 v2, v22;
	(pc) =	sbr.rel @!p2 .LBB2_28-.Ltmp13, $4  }
0x31d: {  	v14 =	vld.idx.msk [tilespmem:v35+s12+$0x0], $0xffff;
	v31 =	vshll.u32 v58, $0x3;
	v30 =	vand.u32 $0x7F, v58;
	v23 =	vshll.u32 v59, $0x3  }
0x31e: {  	v25 =	vand.u32 $0x7F, v57;
	v22 =	vand.u32 $0x7F, v59;
	v23 =	vand.u32 $0xFFFFFC00, v23;
	[tilespmem:v60+s9+$0x0] =	vst.idx.add.f32.msk $0xffff, v3  }
0x31f: {  	v63 =	vshll.u32 v57, $0x3;
	v28 =	vor.u32 v22, v23;
	v22 =	vshll.u32 v61, $0x3;
	[tilespmem:v42+s9+$0x0] =	vst.idx.add.f32.msk $0xffff, v3  }
0x320: {  	p0 =	por $0x1, $0x1;
	s14 =	simm.s32 $0xF;
	v23 =	vand.u32 $0x7F, v61;
	v32 =	vadd.s32 v2, v28;
	v28 =	vand.u32 $0xFFFFFC00, v63;
	[tilespmem:v62+s9+$0x0] =	vst.idx.add.f32.msk $0xffff, v3  }
.LBB2_29:
0x321: {  	v33 =	vmov s14;
	s15 =	sadd.s32 $0x1, s14;
	s16 =	sadd.s32 $0x2, s14;
	s17 =	sadd.s32 $0x3, s14;
	v35 =	vshll.u32 v29, $0x3;
	[tilespmem:v34+s9+$0x0] =	vst.idx.add.f32.msk $0xffff, v3  }
0x322: {  	p2 =	slt.u32 s14, $0x2D;
	v29 =	vand.u32 $0x7F, v29;
	v34 =	vmov s15;
	v36 =	vmov s16;
	s15 =	sadd.s32 $0x4, s14;
	s14 =	sadd.s32 $0x5, s14;
	[tilespmem:v26+s9+$0x0] =	vst.idx.add.f32.msk $0xffff, v3  }
0x323: {  	v31 =	vand.u32 $0xFFFFFC00, v31;
	v26 =	vand.u32 $0x7F, v34;
	v34 =	vmov s15;
	v37 =	vld.idx.msk [tilespmem:v21+s12+$0x0], $0xffff;
	v21 =	vmovc v24;
	s12 =	smov.u32 s13  }
0x324: {  	v35 =	vand.u32 $0xFFFFFC00, v35;
	v24 =	vmov s17;
	v34 =	vand.u32 $0x7F, v34;
	[tilespmem:v20+s9+$0x0] =	vst.idx.add.f32.msk $0xffff, v3  }
0x325: {  	v29 =	vor.u32 v29, v35;
	v20 =	vand.u32 $0x7F, v36  }
0x326: {  	v33 =	vand.u32 $0x7F, v33;
	v30 =	vor.u32 v30, v31;
	v34 =	vbroadcast v34, $0x0  }
0x327: {  	v31 =	vbroadcast v33, $0x0;
	v30 =	vadd.s32 v2, v30;
	v24 =	vand.u32 $0x7F, v24;
	[tilespmem:v32+s9+$0x0] =	vst.idx.add.f32.msk $0xffff, v3  }
0x328: {  	v35 =	vshll.u32 v27, $0x3;
	v32 =	vbroadcast v26, $0x0;
	v26 =	vor.u32 v17, v34;
	v33 =	vld.idx.msk [tilespmem:v15+s12+$0x0], $0xffff  }
0x329: {  	v24 =	vbroadcast v24, $0x0;
	v15 =	vbroadcast v20, $0x0;
	v20 =	vand.u32 $0x7F, v37  }
0x32a: {  	v36 =	vor.u32 v17, v31;
	v37 =	vshll.u32 v37, $0x3;
	v38 =	vor.u32 v17, v32  }
0x32b: {  	v25 =	vor.u32 v25, v28;
	v40 =	vor.u32 v17, v24;
	v39 =	vor.u32 v17, v15  }
0x32c: {  	v28 =	vadd.s32 v2, v29;
	v29 =	vand.u32 $0xFFFFFC00, v37;
	v15 =	vor.u32 v18, v15  }
0x32d: {  	v25 =	vadd.s32 v2, v25;
	v27 =	vand.u32 $0x7F, v27;
	v20 =	vor.u32 v20, v29;
	v37 =	vld.idx.msk [tilespmem:v19+s12+$0x0], $0xffff;
	v19 =	vmovc v40  }
0x32e: {  	v29 =	vshll.u32 v33, $0x3;
	v40 =	vld.idx.msk [tilespmem:v26+s13+$0x0], $0xffff;
	v26 =	vadd.s32 v5, v20;
	v20 =	vand.u32 $0xFFFFFC00, v35  }
0x32f: {  	v33 =	vand.u32 $0x7F, v33;
	v29 =	vand.u32 $0xFFFFFC00, v29;
	v35 =	vld.idx.msk [tilespmem:v36+s13+$0x0], $0xffff;
	v20 =	vor.u32 v27, v20  }
0x330: {  	v29 =	vor.u32 v33, v29;
	v33 =	vshll.u32 v14, $0x3;
	v27 =	vld.idx.msk [tilespmem:v39+s13+$0x0], $0xffff;
	v36 =	vadd.s32 v5, v20  }
0x331: {  	v22 =	vand.u32 $0xFFFFFC00, v22;
	v14 =	vand.u32 $0x7F, v14;
	[tilespmem:v28+s9+$0x0] =	vst.idx.add.f32.msk $0xffff, v3;
	v28 =	vand.u32 $0xFFFFFC00, v33  }
0x332: {  	v20 =	vadd.s32 v5, v29;
	v33 =	vld.idx.msk [tilespmem:v13+s12+$0x0], $0xffff;
	v13 =	vor.u32 v14, v28;
	v14 =	vor.u32 v23, v22  }
0x333: {  	v22 =	vshll.u32 v37, $0x3;
	v29 =	vld.idx.msk [tilespmem:v38+s13+$0x0], $0xffff;
	v38 =	vadd.s32 v5, v13;
	v28 =	vadd.s32 v5, v14  }
0x334: {  	v23 =	vand.u32 $0x7F, v37;
	v13 =	vor.u32 v18, v32;
	v22 =	vand.u32 $0xFFFFFC00, v22;
	[tilespmem:v30+s9+$0x0] =	vst.idx.add.f32.msk $0xffff, v3  }
0x335: {  	v30 =	vor.u32 v18, v34;
	v22 =	vor.u32 v23, v22;
	v14 =	vld.idx.msk [tilespmem:v16+s12+$0x0], $0xffff;
	v16 =	vor.u32 v18, v31  }
.Ltmp14:
0x336: {  	v24 =	vor.u32 v18, v24;
	v23 =	vshll.u32 v27, $0x3;
	v34 =	vadd.s32 v2, v22;
	[tilespmem:v25+s9+$0x0] =	vst.idx.add.f32.msk $0xffff, v3;
	(pc) =	sbr.rel @p2 .LBB2_29-.Ltmp14, $4  }
0x337: {  	v22 =	vand.u32 $0x7F, v27;
	v23 =	vand.u32 $0xFFFFFC00, v23;
	v27 =	vld.idx.msk [tilespmem:v12+s12+$0x0], $0xffff;
	v12 =	vmov v30  }
0x338: {  	v25 =	vand.u32 $0x7F, v40;
	v32 =	vor.u32 v22, v23;
	v22 =	vshll.u32 v33, $0x3;
	[tilespmem:v36+s9+$0x0] =	vst.idx.add.f32.msk $0xffff, v3  }
0x339: {  	v31 =	vshll.u32 v35, $0x3;
	v23 =	vand.u32 $0x7F, v33;
	v36 =	vshll.u32 v40, $0x3;
	[tilespmem:v28+s9+$0x0] =	vst.idx.add.f32.msk $0xffff, v3  }
0x33a: {  	v30 =	vand.u32 $0x7F, v35;
	v32 =	vadd.s32 v2, v32;
	v28 =	vand.u32 $0xFFFFFC00, v36;
	[tilespmem:v38+s9+$0x0] =	vst.idx.add.f32.msk $0xffff, v3  }
0x33b: {  	s14 =	smov.u32 s12;
	v17 =	vmov v21;
	s12 =	smov.u32 s13  }
.LBB2_31:
0x33c: {  	_ =	sdelay $0x3  }
0x33d: {  	v18 =	vld.idx.msk [tilespmem:v19+s12+$0x0], $0xffff  }
0x33e: {  	v19 =	vshll.u32 v29, $0x3  }
0x33f: {  	v21 =	vand.u32 $0x7F, v29;
	v19 =	vand.u32 $0xFFFFFC00, v19  }
0x340: {  	[tilespmem:v34+s9+$0x0] =	vst.idx.add.f32.msk @p1 $0xffff, v3;
	v19 =	vor.u32 v21, v19  }
0x341: {  	v17 =	vld.idx.msk @p1 [tilespmem:v17+s14+$0x0], $0xffff;
	v21 =	vor.u32 v25, v28;
	v19 =	vadd.s32 v2, v19  }
0x342: {  	[tilespmem:v32+s9+$0x0] =	vst.idx.add.f32.msk $0xffff, v3;
	v21 =	vadd.s32 v2, v21;
	v25 =	vshll.u32 v18, $0x3  }
0x343: {  	v15 =	vld.idx.msk [tilespmem:v15+s12+$0x0], $0xffff;
	v18 =	vand.u32 $0x7F, v18;
	v25 =	vand.u32 $0xFFFFFC00, v25  }
0x344: {  	v18 =	vor.u32 v18, v25  }
0x345: {  	v25 =	vand.u32 $0xFFFFFC00, v31;
	v18 =	vadd.s32 v2, v18  }
0x346: {  	v22 =	vand.u32 @p1 $0xFFFFFC00, v22;
	v28 =	vshll.u32 @p1 v17, $0x3;
	v25 =	vor.u32 v30, v25;
	[tilespmem:v19+s9+$0x0] =	vst.idx.add.f32.msk $0xffff, v3  }
0x347: {  	v17 =	vand.u32 @p1 $0x7F, v17;
	[tilespmem:v21+s9+$0x0] =	vst.idx.add.f32.msk $0xffff, v3;
	v19 =	vadd.s32 v2, v25;
	v25 =	vand.u32 @p1 $0xFFFFFC00, v28  }
0x348: {  	v21 =	vand.u32 @p1 $0x7F, v27;
	v12 =	vld.idx.msk [tilespmem:v12+s12+$0x0], $0xffff;
	v17 =	vor.u32 @p1 v17, v25;
	v25 =	vshll.u32 v15, $0x3  }
0x349: {  	v13 =	vld.idx.msk [tilespmem:v13+s12+$0x0], $0xffff;
	v28 =	vshll.u32 @p1 v27, $0x3;
	v15 =	vand.u32 $0x7F, v15;
	v25 =	vand.u32 $0xFFFFFC00, v25  }
0x34a: {  	v27 =	vand.u32 @p1 $0xFFFFFC00, v28;
	v17 =	vadd.s32 @p1 v5, v17;
	v15 =	vor.u32 v15, v25;
	[tilespmem:v18+s9+$0x0] =	vst.idx.add.f32.msk $0xffff, v3  }
0x34b: {  	v17 =	vpsel p1, v17, v0;
	v18 =	vor.u32 @p1 v21, v27;
	v21 =	vshll.u32 @p1 v14, $0x3;
	v24 =	vld.idx.msk [tilespmem:v24+s12+$0x0], $0xffff  }
0x34c: {  	v14 =	vand.u32 @p1 $0x7F, v14;
	v15 =	vadd.s32 v5, v15;
	v21 =	vand.u32 @p1 $0xFFFFFC00, v21;
	[tilespmem:v19+s9+$0x0] =	vst.idx.add.f32.msk $0xffff, v3  }
0x34d: {  	v18 =	vadd.s32 @p1 v5, v18;
	v19 =	vor.u32 @p1 v23, v22;
	v22 =	vshll.u32 v12, $0x3;
	v16 =	vld.idx.msk [tilespmem:v16+s12+$0x0], $0xffff  }
0x34e: {  	v12 =	vand.u32 $0x7F, v12;
	v14 =	vor.u32 @p1 v14, v21;
	v19 =	vadd.s32 @p1 v5, v19  }
0x34f: {  	v21 =	vshll.u32 v13, $0x3;
	v13 =	vand.u32 $0x7F, v13;
	v22 =	vand.u32 $0xFFFFFC00, v22  }
0x350: {  	v12 =	vor.u32 v12, v22;
	v23 =	vand.u32 $0x7F, v24;
	v24 =	vshll.u32 v24, $0x3  }
0x351: {  	[tilespmem:v20+s9+$0x0] =	vst.idx.add.f32.msk @p1 $0xffff, v3;
	v14 =	vadd.s32 @p1 v5, v14;
	v20 =	vadd.s32 v5, v12;
	v24 =	vand.u32 $0xFFFFFC00, v24  }
0x352: {  	v22 =	vshll.u32 v16, $0x3;
	v12 =	vand.u32 $0x7F, v16;
	v16 =	vand.u32 $0xFFFFFC00, v21  }
0x353: {  	s13 =	sadd.s32 $0x4, s12;
	[tilespmem:v18+s9+$0x0] =	vst.idx.add.f32.msk @p1 $0xffff, v3;
	v23 =	vor.u32 v23, v24;
	v13 =	vor.u32 v13, v16  }
0x354: {  	[tilespmem:v19+s9+$0x0] =	vst.idx.add.f32.msk @p1 $0xffff, v3;
	v18 =	vand.u32 $0xFFFFFC00, v22;
	v16 =	vmov s13;
	v19 =	vadd.s32 v5, v13  }
0x355: {  	s29 =	sadd.s32 $0x1, s12;
	[tilespmem:v17+s9+$0x0] =	vst.idx.add.f32.msk @p1 $0xffff, v3;
	v12 =	vor.u32 v12, v18;
	v13 =	vand.u32 $0x7F, v16;
	v17 =	vadd.s32 v5, v23  }
0x356: {  	s30 =	sadd.s32 $0x2, s12;
	[tilespmem:v14+s9+$0x0] =	vst.idx.add.f32.msk @p1 $0xffff, v3;
	v16 =	vmov s29;
	v14 =	vadd.s32 v5, v12;
	v12 =	vbroadcast v13, $0x0  }
0x357: {  	[tilespmem:v15+s9+$0x0] =	vst.idx.add.f32.msk $0xffff, v3;
	v15 =	vmov s30;
	v18 =	vor.u32 $0x8000, v0;
	v13 =	vand.u32 $0x7F, v16  }
0x358: {  	s31 =	sadd.s32 $0x3, s12;
	v15 =	vand.u32 $0x7F, v15;
	[tilespmem:v20+s9+$0x0] =	vst.idx.add.f32.msk $0xffff, v3;
	v13 =	vbroadcast v13, $0x0;
	v16 =	vor.u32 v18, v12  }
0x359: {  	v15 =	vbroadcast v15, $0x0;
	v20 =	vmov s31;
	[tilespmem:v19+s9+$0x0] =	vst.idx.add.f32.msk $0xffff, v3  }
0x35a: {  	v19 =	vand.u32 $0x7F, v20;
	v20 =	vor.u32 v18, v13;
	[tilespmem:v17+s9+$0x0] =	vst.idx.add.f32.msk $0xffff, v3  }
0x35b: {  	v17 =	vor.u32 v18, v15;
	[tilespmem:v14+s9+$0x0] =	vst.idx.add.f32.msk $0xffff, v3;
	v14 =	vbroadcast v19, $0x0  }
0x35c: {  	[tilespmem:v26+s9+$0x0] =	vst.idx.add.f32.msk @p0 $0xffff, v3  }
0x35d: {  	v19 =	vor.u32 v18, v14;
	v21 =	vld.idx.msk [tilespmem:v16+s12+$0x0], $0xffff  }
0x35e: {  	v16 =	vmov s12  }
0x35f: {  	v16 =	vand.u32 $0x7F, v16;
	v20 =	vld.idx.msk [tilespmem:v20+s12+$0x0], $0xffff  }
0x360: {  	v16 =	vbroadcast v16, $0x0;
	v22 =	vld.idx.msk [tilespmem:v17+s12+$0x0], $0xffff;
	_ =	sdelay $0x1  }
0x361: {  	p1 =	slt.u32 s12, $0x2D;
	v23 =	vor.u32 v18, v16;
	v19 =	vld.idx.msk [tilespmem:v19+s12+$0x0], $0xffff;
	v17 =	vshll.u32 v21, $0x3  }
.Ltmp15:
0x362: {  	v21 =	vand.u32 $0x7F, v21;
	v17 =	vand.u32 $0xFFFFFC00, v17;
	(pc) =	sbr.rel @!p1 .LBB2_32-.Ltmp15, $4  }
0x363: {  	v17 =	vor.u32 v21, v17;
	v21 =	vshll.u32 v20, $0x3  }
0x364: {  	v35 =	vand.u32 $0x7F, v20;
	v27 =	vand.u32 $0x7F, v22;
	v38 =	vshll.u32 v22, $0x3  }
0x365: {  	v30 =	vadd.s32 v2, v17;
	v17 =	vor.u32 $0x8800, v0;
	v33 =	vand.u32 $0xFFFFFC00, v21  }
0x366: {  	p2 =	por $0x0, $0x0;
	p0 =	por $0x0, $0x0;
	s13 =	sadd.s32 $0x5, s12;
	v23 =	vld.idx.msk [tilespmem:v23+s12+$0x0], $0xffff;
	v20 =	vor.u32 v17, v16;
	v34 =	vand.u32 $0x7F, v19;
	v41 =	vshll.u32 v19, $0x3  }
0x367: {  	s14 =	sadd.s32 $0x4, s13  }
0x368: {  	s31 =	sadd.s32 $0x1, s13;
	v19 =	vmov s14  }
0x369: {  	s16 =	sadd.s32 $0x3, s13;
	v22 =	vor.u32 v17, v12;
	v21 =	vmov s31;
	v19 =	vand.u32 $0x7F, v19  }
0x36a: {  	s15 =	sadd.s32 $0x2, s13;
	v25 =	vmov s16;
	v21 =	vand.u32 $0x7F, v21;
	v19 =	vbroadcast v19, $0x0  }
0x36b: {  	v24 =	vmov s15;
	v25 =	vand.u32 $0x7F, v25;
	v31 =	vbroadcast v21, $0x0  }
0x36c: {  	v24 =	vand.u32 $0x7F, v24;
	v21 =	vbroadcast v25, $0x0;
	v26 =	vor.u32 v18, v19  }
0x36d: {  	v32 =	vbroadcast v24, $0x0;
	v29 =	vor.u32 v18, v31  }
0x36e: {  	v28 =	vmov s13;
	v25 =	vand.u32 $0xFFFFFC00, v41;
	v24 =	vor.u32 v18, v21  }
0x36f: {  	[tilespmem:v30+s9+$0x0] =	vst.idx.add.f32.msk $0xffff, v3;
	v37 =	vand.u32 $0xFFFFFC00, v38;
	v25 =	vor.u32 v34, v25;
	v61 =	vor.u32 v18, v32  }
0x370: {  	v33 =	vor.u32 v35, v33;
	v28 =	vand.u32 $0x7F, v28;
	v22 =	vld.idx.msk [tilespmem:v22+s12+$0x0], $0xffff;
	v25 =	vadd.s32 v2, v25  }
0x371: {  	v27 =	vor.u32 v27, v37;
	v63 =	vadd.s32 v2, v33;
	v28 =	vbroadcast v28, $0x0;
	v26 =	vld.idx.msk [tilespmem:v26+s12+$0x0], $0xffff  }
0x372: {  	v39 =	vadd.s32 v2, v27;
	v30 =	vshll.u32 v23, $0x3;
	v29 =	vld.idx.msk [tilespmem:v29+s12+$0x0], $0xffff  }
0x373: {  	v23 =	vand.u32 $0x7F, v23;
	v36 =	vor.u32 v18, v28;
	v30 =	vand.u32 $0xFFFFFC00, v30;
	v24 =	vld.idx.msk [tilespmem:v24+s12+$0x0], $0xffff  }
0x374: {  	v23 =	vor.u32 v23, v30;
	v30 =	vor.u32 v17, v14;
	v34 =	vld.idx.msk [tilespmem:v61+s12+$0x0], $0xffff  }
0x375: {  	v62 =	vadd.s32 v2, v23;
	[tilespmem:v25+s9+$0x0] =	vst.idx.add.f32.msk $0xffff, v3;
	v25 =	vand.u32 $0x7F, v22;
	v22 =	vshll.u32 v22, $0x3  }
0x376: {  	v40 =	vor.u32 v17, v13;
	p3 =	slt.u32 s13, $0x2D;
	v37 =	vor.u32 v17, v15;
	[tilespmem:v63+s9+$0x0] =	vst.idx.add.f32.msk $0xffff, v3;
	v22 =	vand.u32 $0xFFFFFC00, v22  }
.Ltmp16:
0x377: {  	v42 =	vor.u32 v17, v28;
	[tilespmem:v39+s9+$0x0] =	vst.idx.add.f32.msk $0xffff, v3;
	v25 =	vor.u32 v25, v22;
	v27 =	vshll.u32 v26, $0x3;
	(pc) =	sbr.rel @!p3 .LBB2_34-.Ltmp16, $4  }
0x378: {  	v23 =	vld.idx.msk [tilespmem:v36+s12+$0x0], $0xffff;
	v25 =	vadd.s32 v5, v25;
	v26 =	vand.u32 $0x7F, v26;
	v27 =	vand.u32 $0xFFFFFC00, v27  }
0x379: {  	v22 =	vld.idx.msk [tilespmem:v30+s12+$0x0], $0xffff;
	v35 =	vand.u32 $0x7F, v29;
	v38 =	vshll.u32 v34, $0x3;
	v26 =	vor.u32 v26, v27  }
0x37a: {  	[tilespmem:v62+s9+$0x0] =	vst.idx.add.f32.msk $0xffff, v3;
	v41 =	vshll.u32 v24, $0x3;
	v27 =	vshll.u32 v29, $0x3;
	v30 =	vadd.s32 v2, v26  }
0x37b: {  	p2 =	por $0x1, $0x1;
	s14 =	sadd.s32 $0x5, s13;
	v33 =	vand.u32 $0xFFFFFC00, v27;
	v27 =	vand.u32 $0x7F, v34;
	v34 =	vand.u32 $0x7F, v24;
	v24 =	vld.idx.msk [tilespmem:v20+s12+$0x0], $0xffff  }
0x37c: {  	v20 =	vmov s14;
	v26 =	vor.u32 v17, v19;
	v38 =	vand.u32 $0xFFFFFC00, v38  }
0x37d: {  	s15 =	sadd.s32 $0x1, s14;
	s16 =	sadd.s32 $0x2, s14;
	v39 =	vor.u32 v17, v21;
	v33 =	vor.u32 v35, v33;
	v62 =	vand.u32 $0xFFFFFC00, v41  }
0x37e: {  	s30 =	sadd.s32 $0x3, s14;
	v36 =	vand.u32 $0x7F, v23;
	v19 =	vmov s15;
	v28 =	vmov s16  }
0x37f: {  	v21 =	vmov s30;
	v20 =	vand.u32 $0x7F, v20;
	v23 =	vshll.u32 v23, $0x3  }
0x380: {  	s31 =	sadd.s32 $0x4, s14;
	v27 =	vor.u32 v27, v38;
	v47 =	vadd.s32 v2, v33;
	v54 =	vor.u32 v34, v62  }
0x381: {  	v29 =	vand.u32 $0x7F, v19;
	v19 =	vmov s31;
	v28 =	vand.u32 $0x7F, v28  }
0x382: {  	v21 =	vand.u32 $0x7F, v21;
	v44 =	vand.u32 $0x7F, v22;
	v20 =	vbroadcast v20, $0x0  }
0x383: {  	v33 =	vadd.s32 v2, v54;
	v48 =	vadd.s32 v2, v27;
	v22 =	vshll.u32 v22, $0x3  }
0x384: {  	v40 =	vld.idx.msk [tilespmem:v40+s12+$0x0], $0xffff;
	v19 =	vand.u32 $0x7F, v19;
	v28 =	vbroadcast v28, $0x0;
	v29 =	vbroadcast v29, $0x0  }
0x385: {  	v37 =	vld.idx.msk [tilespmem:v37+s12+$0x0], $0xffff;
	v23 =	vand.u32 $0xFFFFFC00, v23;
	v21 =	vbroadcast v21, $0x0;
	v19 =	vbroadcast v19, $0x0  }
0x386: {  	[tilespmem:v30+s9+$0x0] =	vst.idx.add.f32.msk $0xffff, v3;
	v22 =	vand.u32 $0xFFFFFC00, v22;
	v23 =	vor.u32 v36, v23;
	v45 =	vor.u32 v18, v29  }
0x387: {  	[tilespmem:v25+s9+$0x0] =	vst.idx.add.f32.msk $0xffff, v3;
	v63 =	vand.u32 $0x7F, v24;
	v53 =	vor.u32 v18, v20;
	v30 =	vor.u32 v18, v19  }
0x388: {  	v22 =	vor.u32 v44, v22;
	v60 =	vadd.s32 v2, v23;
	v43 =	vld.idx.msk [tilespmem:v26+s12+$0x0], $0xffff;
	v55 =	vor.u32 v18, v28  }
0x389: {  	v23 =	vshll.u32 v24, $0x3;
	v20 =	vor.u32 v17, v20;
	v46 =	vor.u32 v18, v21;
	[tilespmem:v47+s9+$0x0] =	vst.idx.add.f32.msk $0xffff, v3  }
0x38a: {  	v26 =	vshll.u32 v40, $0x3;
	v52 =	vand.u32 $0x7F, v40;
	v27 =	vand.u32 $0x7F, v37;
	[tilespmem:v33+s9+$0x0] =	vst.idx.add.f32.msk $0xffff, v3  }
0x38b: {  	v56 =	vshll.u32 v37, $0x3;
	v59 =	vadd.s32 v5, v22;
	v62 =	vand.u32 $0xFFFFFC00, v23;
	v57 =	vld.idx.msk [tilespmem:v45+s12+$0x0], $0xffff  }
0x38c: {  	v40 =	vor.u32 v17, v31;
	v37 =	vor.u32 v17, v32;
	v26 =	vand.u32 $0xFFFFFC00, v26;
	v30 =	vld.idx.msk [tilespmem:v30+s12+$0x0], $0xffff  }
0x38d: {  	v35 =	vand.u32 $0xFFFFFC00, v56;
	v34 =	vor.u32 v63, v62;
	v22 =	vshll.u32 v43, $0x3;
	v24 =	vld.idx.msk [tilespmem:v55+s12+$0x0], $0xffff  }
0x38e: {  	v26 =	vor.u32 v52, v26;
	v25 =	vand.u32 $0x7F, v43;
	v58 =	vld.idx.msk [tilespmem:v46+s12+$0x0], $0xffff;
	v22 =	vand.u32 $0xFFFFFC00, v22  }
0x38f: {  	p4 =	slt.u32 s14, $0x2D;
	v36 =	vadd.s32 v5, v34;
	v27 =	vor.u32 v27, v35;
	v23 =	vld.idx.msk [tilespmem:v53+s12+$0x0], $0xffff;
	v25 =	vor.u32 v25, v22  }
.Ltmp17:
0x390: {  	v26 =	vadd.s32 v5, v26;
	v22 =	vld.idx.msk [tilespmem:v39+s12+$0x0], $0xffff;
	v39 =	vadd.s32 v5, v27;
	v25 =	vadd.s32 v5, v25;
	(pc) =	sbr.rel @!p4 .LBB2_36-.Ltmp17, $4  }
0x391: {  	[tilespmem:v48+s9+$0x0] =	vst.idx.add.f32.msk $0xffff, v3;
	v63 =	vshll.u32 v57, $0x3;
	v35 =	vand.u32 $0x7F, v57;
	v61 =	vshll.u32 v30, $0x3  }
0x392: {  	[tilespmem:v60+s9+$0x0] =	vst.idx.add.f32.msk $0xffff, v3;
	v27 =	vand.u32 $0x7F, v24;
	v30 =	vand.u32 $0x7F, v30;
	v33 =	vand.u32 $0xFFFFFC00, v61  }
0x393: {  	[tilespmem:v59+s9+$0x0] =	vst.idx.add.f32.msk $0xffff, v3;
	v38 =	vshll.u32 v24, $0x3;
	v34 =	vand.u32 $0x7F, v58;
	v30 =	vor.u32 v30, v33  }
0x394: {  	s14 =	sadd.s32 $0x5, s14;
	p3 =	por $0x1, $0x1;
	v41 =	vshll.u32 v58, $0x3;
	v24 =	vld.idx.msk [tilespmem:v42+s12+$0x0], $0xffff;
	v33 =	vand.u32 $0xFFFFFC00, v63;
	v30 =	vadd.s32 v2, v30  }
.LBB2_37:
0x395: {  	v31 =	vmov s14;
	s15 =	sadd.s32 $0x1, s14;
	s16 =	sadd.s32 $0x2, s14;
	s17 =	sadd.s32 $0x3, s14;
	v32 =	vand.u32 $0x7F, v23;
	v42 =	vor.u32 v17, v19;
	[tilespmem:v39+s9+$0x0] =	vst.idx.add.f32.msk $0xffff, v3  }
0x396: {  	p4 =	slt.u32 s14, $0x2D;
	v38 =	vand.u32 $0xFFFFFC00, v38;
	v19 =	vmov s15;
	v39 =	vmov s16;
	s15 =	sadd.s32 $0x4, s14;
	s14 =	sadd.s32 $0x5, s14;
	[tilespmem:v26+s9+$0x0] =	vst.idx.add.f32.msk $0xffff, v3  }
0x397: {  	v43 =	vor.u32 v17, v21;
	v26 =	vand.u32 $0x7F, v19;
	v19 =	vmov s15;
	v40 =	vld.idx.msk [tilespmem:v40+s12+$0x0], $0xffff  }
0x398: {  	v33 =	vor.u32 v35, v33;
	v21 =	vmov s17;
	v19 =	vand.u32 $0x7F, v19;
	[tilespmem:v36+s9+$0x0] =	vst.idx.add.f32.msk $0xffff, v3  }
0x399: {  	v35 =	vand.u32 $0x7F, v39;
	v36 =	vand.u32 $0xFFFFFC00, v41;
	[tilespmem:v25+s9+$0x0] =	vst.idx.add.f32.msk $0xffff, v3  }
0x39a: {  	v21 =	vand.u32 $0x7F, v21;
	v19 =	vbroadcast v19, $0x0;
	v25 =	vand.u32 $0x7F, v24;
	[tilespmem:v30+s9+$0x0] =	vst.idx.add.f32.msk $0xffff, v3  }
0x39b: {  	v23 =	vshll.u32 v23, $0x3;
	v30 =	vand.u32 $0x7F, v31;
	v31 =	vbroadcast v35, $0x0;
	v35 =	vld.idx.msk [tilespmem:v42+s12+$0x0], $0xffff  }
0x39c: {  	v39 =	vand.u32 $0x7F, v22;
	v41 =	vbroadcast v26, $0x0;
	v26 =	vor.u32 v18, v19  }
0x39d: {  	v21 =	vbroadcast v21, $0x0;
	v42 =	vbroadcast v30, $0x0;
	v30 =	vshll.u32 v40, $0x3;
	v37 =	vld.idx.msk [tilespmem:v37+s12+$0x0], $0xffff  }
0x39e: {  	v27 =	vor.u32 v27, v38;
	v44 =	vor.u32 v18, v41;
	v38 =	vand.u32 $0x7F, v40  }
0x39f: {  	v45 =	vor.u32 v18, v21;
	v40 =	vor.u32 v18, v42;
	v30 =	vand.u32 $0xFFFFFC00, v30  }
0x3a0: {  	v46 =	vadd.s32 v2, v33;
	v33 =	vor.u32 v34, v36;
	v30 =	vor.u32 v38, v30  }
0x3a1: {  	v33 =	vadd.s32 v2, v33;
	v34 =	vor.u32 v18, v31;
	v36 =	vld.idx.msk [tilespmem:v26+s12+$0x0], $0xffff;
	v26 =	vadd.s32 v5, v30  }
0x3a2: {  	v47 =	vadd.s32 v2, v27;
	v22 =	vshll.u32 v22, $0x3;
	v27 =	vand.u32 $0x7F, v35  }
0x3a3: {  	v22 =	vand.u32 $0xFFFFFC00, v22;
	v30 =	vand.u32 $0x7F, v37;
	v37 =	vshll.u32 v37, $0x3  }
0x3a4: {  	v23 =	vand.u32 $0xFFFFFC00, v23;
	v22 =	vor.u32 v39, v22;
	v37 =	vand.u32 $0xFFFFFC00, v37;
	v38 =	vld.idx.msk [tilespmem:v44+s12+$0x0], $0xffff  }
0x3a5: {  	v23 =	vor.u32 v32, v23;
	v32 =	vshll.u32 v35, $0x3;
	v35 =	vadd.s32 v5, v22;
	v44 =	vld.idx.msk [tilespmem:v45+s12+$0x0], $0xffff  }
0x3a6: {  	v22 =	vand.u32 $0xFFFFFC00, v32;
	v45 =	vadd.s32 v2, v23;
	v23 =	vshll.u32 v24, $0x3;
	[tilespmem:v33+s9+$0x0] =	vst.idx.add.f32.msk $0xffff, v3  }
0x3a7: {  	v27 =	vor.u32 v27, v22;
	v32 =	vshll.u32 v36, $0x3;
	v22 =	vand.u32 $0xFFFFFC00, v23;
	v24 =	vld.idx.msk [tilespmem:v34+s12+$0x0], $0xffff  }
0x3a8: {  	v33 =	vand.u32 $0x7F, v36;
	v32 =	vand.u32 $0xFFFFFC00, v32;
	v25 =	vor.u32 v25, v22;
	v23 =	vld.idx.msk [tilespmem:v40+s12+$0x0], $0xffff  }
0x3a9: {  	v32 =	vor.u32 v33, v32;
	v36 =	vadd.s32 v5, v25;
	v25 =	vor.u32 v30, v37;
	v22 =	vld.idx.msk [tilespmem:v43+s12+$0x0], $0xffff  }
.Ltmp18:
0x3aa: {  	v33 =	vshll.u32 v38, $0x3;
	v30 =	vadd.s32 v2, v32;
	v39 =	vadd.s32 v5, v25;
	[tilespmem:v35+s9+$0x0] =	vst.idx.add.f32.msk $0xffff, v3;
	(pc) =	sbr.rel @p4 .LBB2_37-.Ltmp18, $4  }
0x3ab: {  	v40 =	vor.u32 v17, v29;
	v29 =	vmov v41;
	v25 =	vadd.s32 v5, v27;
	[tilespmem:v45+s9+$0x0] =	vst.idx.add.f32.msk $0xffff, v3  }
0x3ac: {  	v37 =	vor.u32 v17, v28;
	v28 =	vmov v31;
	v33 =	vand.u32 $0xFFFFFC00, v33;
	[tilespmem:v46+s9+$0x0] =	vst.idx.add.f32.msk $0xffff, v3  }
0x3ad: {  	v35 =	vand.u32 $0x7F, v38;
	v27 =	vand.u32 $0x7F, v24;
	v38 =	vshll.u32 v24, $0x3;
	[tilespmem:v47+s9+$0x0] =	vst.idx.add.f32.msk $0xffff, v3  }
0x3ae: {  	v34 =	vand.u32 $0x7F, v44;
	v41 =	vshll.u32 v44, $0x3;
	v24 =	vld.idx.msk [tilespmem:v20+s12+$0x0], $0xffff;
	v20 =	vor.u32 v17, v42  }
0x3af: {  	v31 =	vmov v29;
	v32 =	vmov v28  }
.LBB2_39:
0x3b0: {  	_ = 	snop  }
0x3b1: {  	v18 =	vor.u32 v17, v19;
	v19 =	vand.u32 $0xFFFFFC00, v41  }
0x3b2: {  	v28 =	vshll.u32 v23, $0x3;
	v19 =	vor.u32 v34, v19  }
0x3b3: {  	v58 =	vand.u32 $0x7F, v23;
	v28 =	vand.u32 $0xFFFFFC00, v28;
	v19 =	vadd.s32 v2, v19  }
0x3b4: {  	v29 =	vld.idx.msk @p2 [tilespmem:v40+s12+$0x0], $0xffff;
	v21 =	vor.u32 v17, v21;
	v23 =	vor.u32 v58, v28  }
0x3b5: {  	v33 =	vor.u32 v35, v33;
	[tilespmem:v30+s9+$0x0] =	vst.idx.add.f32.msk $0xffff, v3;
	v28 =	vand.u32 $0xFFFFFC00, v38;
	v23 =	vadd.s32 v2, v23  }
0x3b6: {  	v30 =	vld.idx.msk @p2 [tilespmem:v37+s12+$0x0], $0xffff;
	v27 =	vor.u32 v27, v28;
	v28 =	vadd.s32 v2, v33  }
0x3b7: {  	v27 =	vadd.s32 v2, v27;
	v18 =	vld.idx.msk [tilespmem:v18+s12+$0x0], $0xffff  }
0x3b8: {  	v33 =	vand.u32 @p2 $0x7F, v24;
	v24 =	vshll.u32 @p2 v24, $0x3;
	[tilespmem:v19+s9+$0x0] =	vst.idx.add.f32.msk $0xffff, v3  }
0x3b9: {  	v31 =	vor.u32 v17, v31;
	v17 =	vor.u32 v17, v32;
	v24 =	vand.u32 @p2 $0xFFFFFC00, v24;
	v21 =	vld.idx.msk [tilespmem:v21+s12+$0x0], $0xffff  }
0x3ba: {  	v34 =	vshll.u32 @p2 v29, $0x3;
	v24 =	vor.u32 @p2 v33, v24;
	v19 =	vand.u32 @p2 $0x7F, v29;
	[tilespmem:v23+s9+$0x0] =	vst.idx.add.f32.msk $0xffff, v3  }
0x3bb: {  	v29 =	vand.u32 @p2 $0xFFFFFC00, v34;
	v34 =	vand.u32 @p2 $0x7F, v22;
	v22 =	vshll.u32 @p2 v22, $0x3;
	[tilespmem:v28+s9+$0x0] =	vst.idx.add.f32.msk $0xffff, v3  }
0x3bc: {  	v19 =	vor.u32 @p2 v19, v29;
	v28 =	vand.u32 @p2 $0x7F, v30;
	v29 =	vshll.u32 @p2 v30, $0x3;
	[tilespmem:v27+s9+$0x0] =	vst.idx.add.f32.msk $0xffff, v3  }
0x3bd: {  	v22 =	vand.u32 @p2 $0xFFFFFC00, v22;
	v23 =	vadd.s32 @p2 v5, v24;
	v19 =	vadd.s32 @p2 v5, v19;
	v20 =	vld.idx.msk [tilespmem:v20+s12+$0x0], $0xffff  }
0x3be: {  	v27 =	vand.u32 @p2 $0xFFFFFC00, v29;
	v22 =	vor.u32 @p2 v34, v22;
	v29 =	vld.idx.msk [tilespmem:v31+s12+$0x0], $0xffff;
	v23 =	vpsel p2, v23, v0  }
0x3bf: {  	v59 =	vand.u32 $0x7F, v18;
	v18 =	vshll.u32 v18, $0x3;
	v27 =	vor.u32 @p2 v28, v27  }
0x3c0: {  	v22 =	vadd.s32 @p2 v5, v22;
	v17 =	vld.idx.msk [tilespmem:v17+s12+$0x0], $0xffff;
	v18 =	vand.u32 $0xFFFFFC00, v18;
	v24 =	vadd.s32 @p2 v5, v27  }
0x3c1: {  	v19 =	vpsel p2, v19, v0;
	v18 =	vor.u32 v59, v18;
	v24 =	vpsel p2, v24, v0  }
0x3c2: {  	[tilespmem:v39+s9+$0x0] =	vst.idx.add.f32.msk @p3 $0xffff, v3;
	v18 =	vadd.s32 v5, v18;
	v28 =	vand.u32 $0x7F, v21;
	v21 =	vshll.u32 v21, $0x3  }
0x3c3: {  	[tilespmem:v26+s9+$0x0] =	vst.idx.add.f32.msk @p3 $0xffff, v3;
	v27 =	vand.u32 $0x7F, v20;
	v26 =	vshll.u32 v29, $0x3;
	v29 =	vand.u32 $0x7F, v29  }
0x3c4: {  	[tilespmem:v36+s9+$0x0] =	vst.idx.add.f32.msk @p3 $0xffff, v3;
	v21 =	vand.u32 $0xFFFFFC00, v21;
	v20 =	vshll.u32 v20, $0x3;
	v26 =	vand.u32 $0xFFFFFC00, v26  }
0x3c5: {  	[tilespmem:v25+s9+$0x0] =	vst.idx.add.f32.msk @p2 $0xffff, v3;
	v30 =	vshll.u32 v17, $0x3;
	v17 =	vand.u32 $0x7F, v17;
	v21 =	vor.u32 v28, v21  }
0x3c6: {  	[tilespmem:v23+s9+$0x0] =	vst.idx.add.f32.msk @p2 $0xffff, v3;
	v25 =	vand.u32 $0xFFFFFC00, v30;
	v21 =	vadd.s32 v5, v21;
	v60 =	vor.u32 v29, v26  }
0x3c7: {  	v20 =	vand.u32 $0xFFFFFC00, v20;
	[tilespmem:v19+s9+$0x0] =	vst.idx.add.f32.msk @p2 $0xffff, v3;
	v17 =	vor.u32 v17, v25;
	v19 =	vadd.s32 v5, v60  }
0x3c8: {  	[tilespmem:v24+s9+$0x0] =	vst.idx.add.f32.msk @p2 $0xffff, v3;
	v24 =	vadd.s32 v5, v17;
	v17 =	vor.u32 v27, v20  }
0x3c9: {  	[tilespmem:v22+s9+$0x0] =	vst.idx.add.f32.msk @p2 $0xffff, v3;
	v20 =	vadd.s32 v5, v17;
	v17 =	vor.u32 $0x9000, v0  }
0x3ca: {  	[tilespmem:v18+s9+$0x0] =	vst.idx.add.f32.msk $0xffff, v3;
	v18 =	vor.u32 v17, v15  }
0x3cb: {  	[tilespmem:v21+s9+$0x0] =	vst.idx.add.f32.msk $0xffff, v3  }
0x3cc: {  	v61 =	vor.u32 v17, v12;
	[tilespmem:v19+s9+$0x0] =	vst.idx.add.f32.msk $0xffff, v3  }
0x3cd: {  	v19 =	vor.u32 v17, v16;
	[tilespmem:v24+s9+$0x0] =	vst.idx.add.f32.msk $0xffff, v3  }
0x3ce: {  	s12 =	simm.s32 $0x0;
	[tilespmem:v20+s9+$0x0] =	vst.idx.add.f32.msk $0xffff, v3  }
0x3cf: {  	v20 =	vld.idx.msk [tilespmem:v18+s12+$0x0], $0xffff;
	_ =	sdelay $0x1  }
0x3d0: {  	v21 =	vld.idx.msk [tilespmem:v61+s12+$0x0], $0xffff  }
0x3d1: {  	v18 =	vor.u32 $0x9800, v0;
	v62 =	vld.idx.msk [tilespmem:v19+s12+$0x0], $0xffff  }
0x3d2: {  	v63 =	vor.u32 v17, v13;
	v15 =	vor.u32 v18, v15  }
.Ltmp19:
0x3d3: {  	v13 =	vor.u32 v18, v13;
	v16 =	vor.u32 v18, v16;
	v24 =	vshll.u32 v20, $0x3;
	(pc) =	sbr.rel @!p1 .LBB2_40-.Ltmp19, $4  }
0x3d4: {  	v12 =	vor.u32 v18, v12;
	v20 =	vand.u32 $0x7F, v20;
	v25 =	vand.u32 $0xFFFFFC00, v24  }
0x3d5: {  	v19 =	vor.u32 v17, v14;
	v24 =	vor.u32 v18, v14;
	v14 =	vor.u32 v20, v25  }
0x3d6: {  	v25 =	vand.u32 $0x7F, v21;
	v31 =	vshll.u32 v62, $0x3;
	v20 =	vshll.u32 v21, $0x3  }
0x3d7: {  	v29 =	vld.idx.msk [tilespmem:v63+s12+$0x0], $0xffff;
	v30 =	vand.u32 $0x7F, v62;
	v32 =	vadd.s32 v2, v14;
	v28 =	vand.u32 $0xFFFFFC00, v20  }
0x3d8: {  	s14 =	sadd.s32 $0x4, s13;
	s15 =	sadd.s32 $0x2, s13;
	v20 =	vmov s13  }
0x3d9: {  	s30 =	sadd.s32 $0x1, s13;
	v25 =	vor.u32 v25, v28;
	v14 =	vmov s14;
	v21 =	vmov s15  }
0x3da: {  	v23 =	vmov s30;
	v20 =	vand.u32 $0x7F, v20;
	v14 =	vand.u32 $0x7F, v14  }
0x3db: {  	v37 =	vadd.s32 v2, v25;
	v21 =	vand.u32 $0x7F, v21;
	v14 =	vbroadcast v14, $0x0  }
0x3dc: {  	[tilespmem:v32+s9+$0x0] =	vst.idx.add.f32.msk $0xffff, v3;
	v21 =	vbroadcast v21, $0x0;
	v22 =	vshll.u32 v29, $0x3;
	v26 =	vand.u32 $0x7F, v29  }
0x3dd: {  	v15 =	vld.idx.msk [tilespmem:v15+s12+$0x0], $0xffff;
	v29 =	vand.u32 $0xFFFFFC00, v31;
	v22 =	vand.u32 $0xFFFFFC00, v22;
	v27 =	vor.u32 v17, v14  }
0x3de: {  	v31 =	vbroadcast v20, $0x0;
	v22 =	vor.u32 v26, v22;
	v26 =	vor.u32 v17, v21  }
0x3df: {  	v23 =	vand.u32 $0x7F, v23;
	v29 =	vor.u32 v30, v29;
	v20 =	vadd.s32 v2, v22  }
0x3e0: {  	v19 =	vld.idx.msk [tilespmem:v19+s12+$0x0], $0xffff;
	v23 =	vbroadcast v23, $0x0;
	v30 =	vadd.s32 v2, v29;
	v29 =	vor.u32 v17, v31  }
0x3e1: {  	[tilespmem:v37+s9+$0x0] =	vst.idx.add.f32.msk $0xffff, v3  }
0x3e2: {  	s31 =	sadd.s32 $0x3, s13;
	v63 =	vor.u32 v17, v23;
	v33 =	vshll.u32 v15, $0x3;
	v27 =	vld.idx.msk [tilespmem:v27+s12+$0x0], $0xffff  }
0x3e3: {  	v15 =	vand.u32 $0x7F, v15;
	v22 =	vmov s31;
	v28 =	vand.u32 $0xFFFFFC00, v33;
	v26 =	vld.idx.msk [tilespmem:v26+s12+$0x0], $0xffff  }
0x3e4: {  	v22 =	vand.u32 $0x7F, v22;
	v28 =	vor.u32 v15, v28;
	v15 =	vor.u32 v18, v21;
	[tilespmem:v20+s9+$0x0] =	vst.idx.add.f32.msk $0xffff, v3  }
0x3e5: {  	v21 =	vshll.u32 v19, $0x3;
	v22 =	vbroadcast v22, $0x0;
	v20 =	vadd.s32 v5, v28;
	v28 =	vld.idx.msk [tilespmem:v29+s12+$0x0], $0xffff  }
0x3e6: {  	v35 =	vor.u32 v18, v31;
	v19 =	vand.u32 $0x7F, v19;
	v21 =	vand.u32 $0xFFFFFC00, v21;
	v38 =	vld.idx.msk [tilespmem:v13+s12+$0x0], $0xffff  }
0x3e7: {  	p2 =	slt.u32 s13, $0x2D;
	v33 =	vor.u32 v18, v14;
	v14 =	vor.u32 v19, v21;
	v36 =	vor.u32 v17, v22  }
.Ltmp20:
0x3e8: {  	v21 =	vor.u32 v18, v22;
	v34 =	vadd.s32 v2, v14;
	v13 =	vor.u32 v18, v23;
	(pc) =	sbr.rel @!p2 .LBB2_42-.Ltmp20, $4  }
0x3e9: {  	[tilespmem:v30+s9+$0x0] =	vst.idx.add.f32.msk $0xffff, v3;
	v25 =	vand.u32 $0x7F, v27;
	v19 =	vshll.u32 v26, $0x3;
	v22 =	vand.u32 $0x7F, v26  }
0x3ea: {  	v29 =	vld.idx.msk [tilespmem:v63+s12+$0x0], $0xffff;
	v19 =	vand.u32 $0xFFFFFC00, v19;
	v31 =	vshll.u32 v28, $0x3;
	v30 =	vand.u32 $0x7F, v28  }
0x3eb: {  	v14 =	vld.idx.msk [tilespmem:v16+s12+$0x0], $0xffff;
	v16 =	vor.u32 v22, v19;
	v22 =	vshll.u32 v38, $0x3;
	v19 =	vshll.u32 v27, $0x3  }
0x3ec: {  	p1 =	por $0x1, $0x1;
	s14 =	sadd.s32 $0x5, s13;
	v23 =	vand.u32 $0x7F, v38;
	v27 =	vld.idx.msk [tilespmem:v12+s12+$0x0], $0xffff;
	v32 =	vadd.s32 v2, v16;
	v28 =	vand.u32 $0xFFFFFC00, v19  }
0x3ed: {  	_ =	sdelay $0x3  }
0x3ee: {  	s13 =	sadd.s32 $0x1, s14;
	v12 =	vmov s14;
	s15 =	sadd.s32 $0x2, s14;
	v31 =	vand.u32 $0xFFFFFC00, v31;
	[tilespmem:v20+s9+$0x0] =	vst.idx.add.f32.msk $0xffff, v3;
	v20 =	vor.u32 v25, v28  }
0x3ef: {  	s30 =	sadd.s32 $0x3, s14;
	s31 =	sadd.s32 $0x4, s14;
	v22 =	vand.u32 $0xFFFFFC00, v22;
	v19 =	vmov s13;
	v26 =	vmov s15  }
0x3f0: {  	v54 =	vmov s31;
	v37 =	vmov s30;
	v12 =	vand.u32 $0x7F, v12  }
0x3f1: {  	[tilespmem:v34+s9+$0x0] =	vst.idx.add.f32.msk $0xffff, v3;
	v28 =	vadd.s32 v2, v20;
	v16 =	vshll.u32 v29, $0x3;
	v29 =	vand.u32 $0x7F, v29  }
0x3f2: {  	v24 =	vld.idx.msk [tilespmem:v24+s12+$0x0], $0xffff;
	v19 =	vand.u32 $0x7F, v19;
	v34 =	vand.u32 $0x7F, v54;
	v26 =	vand.u32 $0x7F, v26  }
0x3f3: {  	[tilespmem:v32+s9+$0x0] =	vst.idx.add.f32.msk $0xffff, v3;
	v12 =	vbroadcast v12, $0x0;
	v16 =	vand.u32 $0xFFFFFC00, v16;
	v34 =	vbroadcast v34, $0x0  }
0x3f4: {  	v56 =	vld.idx.msk [tilespmem:v15+s12+$0x0], $0xffff;
	v55 =	vbroadcast v19, $0x0;
	v15 =	vbroadcast v26, $0x0;
	v16 =	vor.u32 v29, v16  }
0x3f5: {  	v29 =	vor.u32 v30, v31;
	v30 =	vand.u32 $0x7F, v37;
	v38 =	vshll.u32 v27, $0x3  }
0x3f6: {  	v39 =	vor.u32 v17, v12;
	v31 =	vadd.s32 v2, v29;
	v29 =	vor.u32 v17, v34  }
0x3f7: {  	v30 =	vbroadcast v30, $0x0;
	v26 =	vand.u32 $0x7F, v24;
	v24 =	vshll.u32 v24, $0x3  }
0x3f8: {  	v40 =	vor.u32 v17, v55;
	v41 =	vor.u32 v17, v15;
	v24 =	vand.u32 $0xFFFFFC00, v24  }
0x3f9: {  	v25 =	vld.idx.msk [tilespmem:v36+s12+$0x0], $0xffff;
	v16 =	vadd.s32 v2, v16;
	v15 =	vor.u32 v18, v15;
	v20 =	vor.u32 v26, v24  }
0x3fa: {  	s13 =	simm.s32 $0x0;
	[tilespmem:v28+s9+$0x0] =	vst.idx.add.f32.msk $0xffff, v3;
	v24 =	vand.u32 $0x7F, v27;
	v27 =	vshll.u32 v56, $0x3;
	v26 =	vadd.s32 v5, v20  }
0x3fb: {  	v20 =	vand.u32 $0xFFFFFC00, v38;
	v27 =	vand.u32 $0xFFFFFC00, v27;
	v57 =	vld.idx.msk [tilespmem:v29+s13+$0x0], $0xffff;
	v29 =	vand.u32 $0x7F, v56  }
0x3fc: {  	v19 =	vor.u32 v17, v30;
	v58 =	vld.idx.msk [tilespmem:v39+s13+$0x0], $0xffff;
	v20 =	vor.u32 v24, v20;
	v24 =	vor.u32 v29, v27  }
0x3fd: {  	v59 =	vld.idx.msk [tilespmem:v41+s13+$0x0], $0xffff;
	v27 =	vshll.u32 v14, $0x3;
	v60 =	vadd.s32 v5, v20;
	v14 =	vand.u32 $0x7F, v14  }
0x3fe: {  	[tilespmem:v16+s9+$0x0] =	vst.idx.add.f32.msk $0xffff, v3;
	v16 =	vand.u32 $0xFFFFFC00, v27;
	v20 =	vadd.s32 v5, v24;
	v24 =	vor.u32 v18, v30  }
0x3ff: {  	v61 =	vld.idx.msk [tilespmem:v13+s12+$0x0], $0xffff;
	v13 =	vor.u32 v14, v16;
	v14 =	vor.u32 v23, v22;
	v16 =	vshll.u32 v25, $0x3  }
0x400: {  	[tilespmem:v31+s9+$0x0] =	vst.idx.add.f32.msk $0xffff, v3;
	v22 =	vand.u32 $0x7F, v25;
	v42 =	vadd.s32 v5, v14;
	v23 =	vand.u32 $0xFFFFFC00, v16  }
0x401: {  	p2 =	slt.u32 s14, $0x2D;
	v29 =	vld.idx.msk [tilespmem:v40+s13+$0x0], $0xffff;
	v62 =	vadd.s32 v5, v13;
	v13 =	vor.u32 v18, v55;
	v22 =	vor.u32 v22, v23  }
.Ltmp21:
0x402: {  	v27 =	vld.idx.msk [tilespmem:v33+s12+$0x0], $0xffff;
	v16 =	vor.u32 v18, v12;
	v12 =	vor.u32 v18, v34;
	v34 =	vadd.s32 v2, v22;
	(pc) =	sbr.rel @!p2 .LBB2_44-.Ltmp21, $4  }
0x403: {  	v14 =	vld.idx.msk [tilespmem:v35+s12+$0x0], $0xffff;
	v31 =	vshll.u32 v58, $0x3;
	v30 =	vand.u32 $0x7F, v58;
	v23 =	vshll.u32 v59, $0x3  }
0x404: {  	v25 =	vand.u32 $0x7F, v57;
	v22 =	vand.u32 $0x7F, v59;
	v23 =	vand.u32 $0xFFFFFC00, v23;
	[tilespmem:v60+s9+$0x0] =	vst.idx.add.f32.msk $0xffff, v3  }
0x405: {  	v63 =	vshll.u32 v57, $0x3;
	v28 =	vor.u32 v22, v23;
	v22 =	vshll.u32 v61, $0x3;
	[tilespmem:v42+s9+$0x0] =	vst.idx.add.f32.msk $0xffff, v3  }
0x406: {  	s14 =	sadd.s32 $0x5, s14;
	p0 =	por $0x1, $0x1;
	v23 =	vand.u32 $0x7F, v61;
	v32 =	vadd.s32 v2, v28;
	v28 =	vand.u32 $0xFFFFFC00, v63;
	[tilespmem:v62+s9+$0x0] =	vst.idx.add.f32.msk $0xffff, v3  }
.LBB2_45:
0x407: {  	v33 =	vmov s14;
	s15 =	sadd.s32 $0x1, s14;
	s16 =	sadd.s32 $0x2, s14;
	s17 =	sadd.s32 $0x3, s14;
	v35 =	vshll.u32 v29, $0x3;
	[tilespmem:v34+s9+$0x0] =	vst.idx.add.f32.msk $0xffff, v3  }
0x408: {  	p2 =	slt.u32 s14, $0x2D;
	v29 =	vand.u32 $0x7F, v29;
	v34 =	vmov s15;
	v36 =	vmov s16;
	s15 =	sadd.s32 $0x4, s14;
	s14 =	sadd.s32 $0x5, s14;
	[tilespmem:v26+s9+$0x0] =	vst.idx.add.f32.msk $0xffff, v3  }
0x409: {  	v31 =	vand.u32 $0xFFFFFC00, v31;
	v26 =	vand.u32 $0x7F, v34;
	v34 =	vmov s15;
	v37 =	vld.idx.msk [tilespmem:v21+s12+$0x0], $0xffff;
	v21 =	vmovc v24;
	s12 =	smov.u32 s13  }
0x40a: {  	v35 =	vand.u32 $0xFFFFFC00, v35;
	v24 =	vmov s17;
	v34 =	vand.u32 $0x7F, v34;
	[tilespmem:v20+s9+$0x0] =	vst.idx.add.f32.msk $0xffff, v3  }
0x40b: {  	v29 =	vor.u32 v29, v35;
	v20 =	vand.u32 $0x7F, v36  }
0x40c: {  	v33 =	vand.u32 $0x7F, v33;
	v30 =	vor.u32 v30, v31;
	v34 =	vbroadcast v34, $0x0  }
0x40d: {  	v31 =	vbroadcast v33, $0x0;
	v30 =	vadd.s32 v2, v30;
	v24 =	vand.u32 $0x7F, v24;
	[tilespmem:v32+s9+$0x0] =	vst.idx.add.f32.msk $0xffff, v3  }
0x40e: {  	v35 =	vshll.u32 v27, $0x3;
	v32 =	vbroadcast v26, $0x0;
	v26 =	vor.u32 v17, v34;
	v33 =	vld.idx.msk [tilespmem:v15+s12+$0x0], $0xffff  }
0x40f: {  	v24 =	vbroadcast v24, $0x0;
	v15 =	vbroadcast v20, $0x0;
	v20 =	vand.u32 $0x7F, v37  }
0x410: {  	v36 =	vor.u32 v17, v31;
	v37 =	vshll.u32 v37, $0x3;
	v38 =	vor.u32 v17, v32  }
0x411: {  	v25 =	vor.u32 v25, v28;
	v40 =	vor.u32 v17, v24;
	v39 =	vor.u32 v17, v15  }
0x412: {  	v28 =	vadd.s32 v2, v29;
	v29 =	vand.u32 $0xFFFFFC00, v37;
	v15 =	vor.u32 v18, v15  }
0x413: {  	v25 =	vadd.s32 v2, v25;
	v27 =	vand.u32 $0x7F, v27;
	v20 =	vor.u32 v20, v29;
	v37 =	vld.idx.msk [tilespmem:v19+s12+$0x0], $0xffff;
	v19 =	vmovc v40  }
0x414: {  	v29 =	vshll.u32 v33, $0x3;
	v40 =	vld.idx.msk [tilespmem:v26+s13+$0x0], $0xffff;
	v26 =	vadd.s32 v5, v20;
	v20 =	vand.u32 $0xFFFFFC00, v35  }
0x415: {  	v33 =	vand.u32 $0x7F, v33;
	v29 =	vand.u32 $0xFFFFFC00, v29;
	v35 =	vld.idx.msk [tilespmem:v36+s13+$0x0], $0xffff;
	v20 =	vor.u32 v27, v20  }
0x416: {  	v29 =	vor.u32 v33, v29;
	v33 =	vshll.u32 v14, $0x3;
	v27 =	vld.idx.msk [tilespmem:v39+s13+$0x0], $0xffff;
	v36 =	vadd.s32 v5, v20  }
0x417: {  	v22 =	vand.u32 $0xFFFFFC00, v22;
	v14 =	vand.u32 $0x7F, v14;
	[tilespmem:v28+s9+$0x0] =	vst.idx.add.f32.msk $0xffff, v3;
	v28 =	vand.u32 $0xFFFFFC00, v33  }
0x418: {  	v20 =	vadd.s32 v5, v29;
	v33 =	vld.idx.msk [tilespmem:v13+s12+$0x0], $0xffff;
	v13 =	vor.u32 v14, v28;
	v14 =	vor.u32 v23, v22  }
0x419: {  	v22 =	vshll.u32 v37, $0x3;
	v29 =	vld.idx.msk [tilespmem:v38+s13+$0x0], $0xffff;
	v38 =	vadd.s32 v5, v13;
	v28 =	vadd.s32 v5, v14  }
0x41a: {  	v23 =	vand.u32 $0x7F, v37;
	v13 =	vor.u32 v18, v32;
	v22 =	vand.u32 $0xFFFFFC00, v22;
	[tilespmem:v30+s9+$0x0] =	vst.idx.add.f32.msk $0xffff, v3  }
0x41b: {  	v30 =	vor.u32 v18, v34;
	v22 =	vor.u32 v23, v22;
	v14 =	vld.idx.msk [tilespmem:v16+s12+$0x0], $0xffff;
	v16 =	vor.u32 v18, v31  }
.Ltmp22:
0x41c: {  	v24 =	vor.u32 v18, v24;
	v23 =	vshll.u32 v27, $0x3;
	v34 =	vadd.s32 v2, v22;
	[tilespmem:v25+s9+$0x0] =	vst.idx.add.f32.msk $0xffff, v3;
	(pc) =	sbr.rel @p2 .LBB2_45-.Ltmp22, $4  }
0x41d: {  	v22 =	vand.u32 $0x7F, v27;
	v23 =	vand.u32 $0xFFFFFC00, v23;
	v27 =	vld.idx.msk [tilespmem:v12+s12+$0x0], $0xffff;
	v12 =	vmov v30  }
0x41e: {  	v25 =	vand.u32 $0x7F, v40;
	v32 =	vor.u32 v22, v23;
	v22 =	vshll.u32 v33, $0x3;
	[tilespmem:v36+s9+$0x0] =	vst.idx.add.f32.msk $0xffff, v3  }
0x41f: {  	v31 =	vshll.u32 v35, $0x3;
	v23 =	vand.u32 $0x7F, v33;
	v36 =	vshll.u32 v40, $0x3;
	[tilespmem:v28+s9+$0x0] =	vst.idx.add.f32.msk $0xffff, v3  }
0x420: {  	v30 =	vand.u32 $0x7F, v35;
	v32 =	vadd.s32 v2, v32;
	v28 =	vand.u32 $0xFFFFFC00, v36;
	[tilespmem:v38+s9+$0x0] =	vst.idx.add.f32.msk $0xffff, v3  }
0x421: {  	s14 =	smov.u32 s12;
	v17 =	vmov v21;
	s12 =	smov.u32 s13  }
.LBB2_47:
0x422: {  	_ =	sdelay $0x3  }
0x423: {  	v18 =	vld.idx.msk [tilespmem:v19+s12+$0x0], $0xffff  }
0x424: {  	v19 =	vshll.u32 v29, $0x3  }
0x425: {  	v21 =	vand.u32 $0x7F, v29;
	v19 =	vand.u32 $0xFFFFFC00, v19  }
0x426: {  	[tilespmem:v34+s9+$0x0] =	vst.idx.add.f32.msk @p1 $0xffff, v3;
	v19 =	vor.u32 v21, v19  }
0x427: {  	v17 =	vld.idx.msk @p1 [tilespmem:v17+s14+$0x0], $0xffff;
	v21 =	vor.u32 v25, v28;
	v19 =	vadd.s32 v2, v19  }
0x428: {  	[tilespmem:v32+s9+$0x0] =	vst.idx.add.f32.msk $0xffff, v3;
	v21 =	vadd.s32 v2, v21;
	v25 =	vshll.u32 v18, $0x3  }
0x429: {  	v15 =	vld.idx.msk [tilespmem:v15+s12+$0x0], $0xffff;
	v18 =	vand.u32 $0x7F, v18;
	v25 =	vand.u32 $0xFFFFFC00, v25  }
0x42a: {  	v18 =	vor.u32 v18, v25  }
0x42b: {  	v25 =	vand.u32 $0xFFFFFC00, v31;
	v18 =	vadd.s32 v2, v18  }
0x42c: {  	v22 =	vand.u32 @p1 $0xFFFFFC00, v22;
	v28 =	vshll.u32 @p1 v17, $0x3;
	v25 =	vor.u32 v30, v25;
	[tilespmem:v19+s9+$0x0] =	vst.idx.add.f32.msk $0xffff, v3  }
0x42d: {  	v17 =	vand.u32 @p1 $0x7F, v17;
	[tilespmem:v21+s9+$0x0] =	vst.idx.add.f32.msk $0xffff, v3;
	v19 =	vadd.s32 v2, v25;
	v25 =	vand.u32 @p1 $0xFFFFFC00, v28  }
0x42e: {  	v21 =	vand.u32 @p1 $0x7F, v27;
	v12 =	vld.idx.msk [tilespmem:v12+s12+$0x0], $0xffff;
	v17 =	vor.u32 @p1 v17, v25;
	v25 =	vshll.u32 v15, $0x3  }
0x42f: {  	v13 =	vld.idx.msk [tilespmem:v13+s12+$0x0], $0xffff;
	v28 =	vshll.u32 @p1 v27, $0x3;
	v15 =	vand.u32 $0x7F, v15;
	v25 =	vand.u32 $0xFFFFFC00, v25  }
0x430: {  	v27 =	vand.u32 @p1 $0xFFFFFC00, v28;
	v17 =	vadd.s32 @p1 v5, v17;
	v15 =	vor.u32 v15, v25;
	[tilespmem:v18+s9+$0x0] =	vst.idx.add.f32.msk $0xffff, v3  }
0x431: {  	v17 =	vpsel p1, v17, v0;
	v18 =	vor.u32 @p1 v21, v27;
	v21 =	vshll.u32 @p1 v14, $0x3;
	v24 =	vld.idx.msk [tilespmem:v24+s12+$0x0], $0xffff  }
0x432: {  	v14 =	vand.u32 @p1 $0x7F, v14;
	v15 =	vadd.s32 v5, v15;
	v21 =	vand.u32 @p1 $0xFFFFFC00, v21;
	[tilespmem:v19+s9+$0x0] =	vst.idx.add.f32.msk $0xffff, v3  }
0x433: {  	v18 =	vadd.s32 @p1 v5, v18;
	v19 =	vor.u32 @p1 v23, v22;
	v22 =	vshll.u32 v12, $0x3;
	v16 =	vld.idx.msk [tilespmem:v16+s12+$0x0], $0xffff  }
0x434: {  	v12 =	vand.u32 $0x7F, v12;
	v14 =	vor.u32 @p1 v14, v21;
	v19 =	vadd.s32 @p1 v5, v19  }
0x435: {  	v21 =	vshll.u32 v13, $0x3;
	v13 =	vand.u32 $0x7F, v13;
	v22 =	vand.u32 $0xFFFFFC00, v22  }
0x436: {  	v12 =	vor.u32 v12, v22;
	v23 =	vand.u32 $0x7F, v24;
	v24 =	vshll.u32 v24, $0x3  }
0x437: {  	[tilespmem:v20+s9+$0x0] =	vst.idx.add.f32.msk @p1 $0xffff, v3;
	v14 =	vadd.s32 @p1 v5, v14;
	v20 =	vadd.s32 v5, v12;
	v24 =	vand.u32 $0xFFFFFC00, v24  }
0x438: {  	v22 =	vshll.u32 v16, $0x3;
	v12 =	vand.u32 $0x7F, v16;
	v16 =	vand.u32 $0xFFFFFC00, v21  }
0x439: {  	s13 =	sadd.s32 $0x4, s12;
	[tilespmem:v18+s9+$0x0] =	vst.idx.add.f32.msk @p1 $0xffff, v3;
	v23 =	vor.u32 v23, v24;
	v13 =	vor.u32 v13, v16  }
0x43a: {  	[tilespmem:v19+s9+$0x0] =	vst.idx.add.f32.msk @p1 $0xffff, v3;
	v18 =	vand.u32 $0xFFFFFC00, v22;
	v16 =	vmov s13;
	v19 =	vadd.s32 v5, v13  }
0x43b: {  	s29 =	sadd.s32 $0x1, s12;
	[tilespmem:v17+s9+$0x0] =	vst.idx.add.f32.msk @p1 $0xffff, v3;
	v12 =	vor.u32 v12, v18;
	v13 =	vand.u32 $0x7F, v16;
	v17 =	vadd.s32 v5, v23  }
0x43c: {  	s30 =	sadd.s32 $0x2, s12;
	[tilespmem:v14+s9+$0x0] =	vst.idx.add.f32.msk @p1 $0xffff, v3;
	v16 =	vmov s29;
	v14 =	vadd.s32 v5, v12;
	v12 =	vbroadcast v13, $0x0  }
0x43d: {  	[tilespmem:v15+s9+$0x0] =	vst.idx.add.f32.msk $0xffff, v3;
	v15 =	vmov s30;
	v18 =	vor.u32 $0xA000, v0;
	v13 =	vand.u32 $0x7F, v16  }
0x43e: {  	s31 =	sadd.s32 $0x3, s12;
	v15 =	vand.u32 $0x7F, v15;
	[tilespmem:v20+s9+$0x0] =	vst.idx.add.f32.msk $0xffff, v3;
	v13 =	vbroadcast v13, $0x0;
	v16 =	vor.u32 v18, v12  }
0x43f: {  	v15 =	vbroadcast v15, $0x0;
	v20 =	vmov s31;
	[tilespmem:v19+s9+$0x0] =	vst.idx.add.f32.msk $0xffff, v3  }
0x440: {  	v19 =	vand.u32 $0x7F, v20;
	v20 =	vor.u32 v18, v13;
	[tilespmem:v17+s9+$0x0] =	vst.idx.add.f32.msk $0xffff, v3  }
0x441: {  	v17 =	vor.u32 v18, v15;
	[tilespmem:v14+s9+$0x0] =	vst.idx.add.f32.msk $0xffff, v3;
	v14 =	vbroadcast v19, $0x0  }
0x442: {  	[tilespmem:v26+s9+$0x0] =	vst.idx.add.f32.msk @p0 $0xffff, v3  }
0x443: {  	v19 =	vor.u32 v18, v14;
	v21 =	vld.idx.msk [tilespmem:v16+s12+$0x0], $0xffff  }
0x444: {  	v16 =	vmov s12  }
0x445: {  	v16 =	vand.u32 $0x7F, v16;
	v20 =	vld.idx.msk [tilespmem:v20+s12+$0x0], $0xffff  }
0x446: {  	v16 =	vbroadcast v16, $0x0;
	v22 =	vld.idx.msk [tilespmem:v17+s12+$0x0], $0xffff;
	_ =	sdelay $0x1  }
0x447: {  	p1 =	slt.u32 s12, $0x2D;
	v23 =	vor.u32 v18, v16;
	v19 =	vld.idx.msk [tilespmem:v19+s12+$0x0], $0xffff;
	v17 =	vshll.u32 v21, $0x3  }
.Ltmp23:
0x448: {  	v21 =	vand.u32 $0x7F, v21;
	v17 =	vand.u32 $0xFFFFFC00, v17;
	(pc) =	sbr.rel @!p1 .LBB2_48-.Ltmp23, $4  }
0x449: {  	v17 =	vor.u32 v21, v17;
	v21 =	vshll.u32 v20, $0x3  }
0x44a: {  	v35 =	vand.u32 $0x7F, v20;
	v27 =	vand.u32 $0x7F, v22;
	v38 =	vshll.u32 v22, $0x3  }
0x44b: {  	v30 =	vadd.s32 v2, v17;
	v17 =	vor.u32 $0xA800, v0;
	v33 =	vand.u32 $0xFFFFFC00, v21  }
0x44c: {  	p2 =	por $0x0, $0x0;
	p0 =	por $0x0, $0x0;
	s13 =	sadd.s32 $0x5, s12;
	v23 =	vld.idx.msk [tilespmem:v23+s12+$0x0], $0xffff;
	v20 =	vor.u32 v17, v16;
	v34 =	vand.u32 $0x7F, v19;
	v41 =	vshll.u32 v19, $0x3  }
0x44d: {  	s14 =	sadd.s32 $0x4, s13  }
0x44e: {  	s31 =	sadd.s32 $0x1, s13;
	v19 =	vmov s14  }
0x44f: {  	s16 =	sadd.s32 $0x3, s13;
	v22 =	vor.u32 v17, v12;
	v21 =	vmov s31;
	v19 =	vand.u32 $0x7F, v19  }
0x450: {  	s15 =	sadd.s32 $0x2, s13;
	v25 =	vmov s16;
	v21 =	vand.u32 $0x7F, v21;
	v19 =	vbroadcast v19, $0x0  }
0x451: {  	v24 =	vmov s15;
	v25 =	vand.u32 $0x7F, v25;
	v31 =	vbroadcast v21, $0x0  }
0x452: {  	v24 =	vand.u32 $0x7F, v24;
	v21 =	vbroadcast v25, $0x0;
	v26 =	vor.u32 v18, v19  }
0x453: {  	v32 =	vbroadcast v24, $0x0;
	v29 =	vor.u32 v18, v31  }
0x454: {  	v28 =	vmov s13;
	v25 =	vand.u32 $0xFFFFFC00, v41;
	v24 =	vor.u32 v18, v21  }
0x455: {  	[tilespmem:v30+s9+$0x0] =	vst.idx.add.f32.msk $0xffff, v3;
	v37 =	vand.u32 $0xFFFFFC00, v38;
	v25 =	vor.u32 v34, v25;
	v61 =	vor.u32 v18, v32  }
0x456: {  	v33 =	vor.u32 v35, v33;
	v28 =	vand.u32 $0x7F, v28;
	v22 =	vld.idx.msk [tilespmem:v22+s12+$0x0], $0xffff;
	v25 =	vadd.s32 v2, v25  }
0x457: {  	v27 =	vor.u32 v27, v37;
	v63 =	vadd.s32 v2, v33;
	v28 =	vbroadcast v28, $0x0;
	v26 =	vld.idx.msk [tilespmem:v26+s12+$0x0], $0xffff  }
0x458: {  	v39 =	vadd.s32 v2, v27;
	v30 =	vshll.u32 v23, $0x3;
	v29 =	vld.idx.msk [tilespmem:v29+s12+$0x0], $0xffff  }
0x459: {  	v23 =	vand.u32 $0x7F, v23;
	v36 =	vor.u32 v18, v28;
	v30 =	vand.u32 $0xFFFFFC00, v30;
	v24 =	vld.idx.msk [tilespmem:v24+s12+$0x0], $0xffff  }
0x45a: {  	v23 =	vor.u32 v23, v30;
	v30 =	vor.u32 v17, v14;
	v34 =	vld.idx.msk [tilespmem:v61+s12+$0x0], $0xffff  }
0x45b: {  	v62 =	vadd.s32 v2, v23;
	[tilespmem:v25+s9+$0x0] =	vst.idx.add.f32.msk $0xffff, v3;
	v25 =	vand.u32 $0x7F, v22;
	v22 =	vshll.u32 v22, $0x3  }
0x45c: {  	v40 =	vor.u32 v17, v13;
	p3 =	slt.u32 s13, $0x2D;
	v37 =	vor.u32 v17, v15;
	[tilespmem:v63+s9+$0x0] =	vst.idx.add.f32.msk $0xffff, v3;
	v22 =	vand.u32 $0xFFFFFC00, v22  }
.Ltmp24:
0x45d: {  	v42 =	vor.u32 v17, v28;
	[tilespmem:v39+s9+$0x0] =	vst.idx.add.f32.msk $0xffff, v3;
	v25 =	vor.u32 v25, v22;
	v27 =	vshll.u32 v26, $0x3;
	(pc) =	sbr.rel @!p3 .LBB2_50-.Ltmp24, $4  }
0x45e: {  	v23 =	vld.idx.msk [tilespmem:v36+s12+$0x0], $0xffff;
	v25 =	vadd.s32 v5, v25;
	v26 =	vand.u32 $0x7F, v26;
	v27 =	vand.u32 $0xFFFFFC00, v27  }
0x45f: {  	v22 =	vld.idx.msk [tilespmem:v30+s12+$0x0], $0xffff;
	v35 =	vand.u32 $0x7F, v29;
	v38 =	vshll.u32 v34, $0x3;
	v26 =	vor.u32 v26, v27  }
0x460: {  	[tilespmem:v62+s9+$0x0] =	vst.idx.add.f32.msk $0xffff, v3;
	v41 =	vshll.u32 v24, $0x3;
	v27 =	vshll.u32 v29, $0x3;
	v30 =	vadd.s32 v2, v26  }
0x461: {  	p2 =	por $0x1, $0x1;
	s14 =	sadd.s32 $0x5, s13;
	v33 =	vand.u32 $0xFFFFFC00, v27;
	v27 =	vand.u32 $0x7F, v34;
	v34 =	vand.u32 $0x7F, v24;
	v24 =	vld.idx.msk [tilespmem:v20+s12+$0x0], $0xffff  }
0x462: {  	v20 =	vmov s14;
	v26 =	vor.u32 v17, v19;
	v38 =	vand.u32 $0xFFFFFC00, v38  }
0x463: {  	s15 =	sadd.s32 $0x1, s14;
	s16 =	sadd.s32 $0x2, s14;
	v39 =	vor.u32 v17, v21;
	v33 =	vor.u32 v35, v33;
	v62 =	vand.u32 $0xFFFFFC00, v41  }
0x464: {  	s30 =	sadd.s32 $0x3, s14;
	v36 =	vand.u32 $0x7F, v23;
	v19 =	vmov s15;
	v28 =	vmov s16  }
0x465: {  	v21 =	vmov s30;
	v20 =	vand.u32 $0x7F, v20;
	v23 =	vshll.u32 v23, $0x3  }
0x466: {  	s31 =	sadd.s32 $0x4, s14;
	v27 =	vor.u32 v27, v38;
	v47 =	vadd.s32 v2, v33;
	v54 =	vor.u32 v34, v62  }
0x467: {  	v29 =	vand.u32 $0x7F, v19;
	v19 =	vmov s31;
	v28 =	vand.u32 $0x7F, v28  }
0x468: {  	v21 =	vand.u32 $0x7F, v21;
	v44 =	vand.u32 $0x7F, v22;
	v20 =	vbroadcast v20, $0x0  }
0x469: {  	v33 =	vadd.s32 v2, v54;
	v48 =	vadd.s32 v2, v27;
	v22 =	vshll.u32 v22, $0x3  }
0x46a: {  	v40 =	vld.idx.msk [tilespmem:v40+s12+$0x0], $0xffff;
	v19 =	vand.u32 $0x7F, v19;
	v28 =	vbroadcast v28, $0x0;
	v29 =	vbroadcast v29, $0x0  }
0x46b: {  	v37 =	vld.idx.msk [tilespmem:v37+s12+$0x0], $0xffff;
	v23 =	vand.u32 $0xFFFFFC00, v23;
	v21 =	vbroadcast v21, $0x0;
	v19 =	vbroadcast v19, $0x0  }
0x46c: {  	[tilespmem:v30+s9+$0x0] =	vst.idx.add.f32.msk $0xffff, v3;
	v22 =	vand.u32 $0xFFFFFC00, v22;
	v23 =	vor.u32 v36, v23;
	v45 =	vor.u32 v18, v29  }
0x46d: {  	[tilespmem:v25+s9+$0x0] =	vst.idx.add.f32.msk $0xffff, v3;
	v63 =	vand.u32 $0x7F, v24;
	v53 =	vor.u32 v18, v20;
	v30 =	vor.u32 v18, v19  }
0x46e: {  	v22 =	vor.u32 v44, v22;
	v60 =	vadd.s32 v2, v23;
	v43 =	vld.idx.msk [tilespmem:v26+s12+$0x0], $0xffff;
	v55 =	vor.u32 v18, v28  }
0x46f: {  	v23 =	vshll.u32 v24, $0x3;
	v20 =	vor.u32 v17, v20;
	v46 =	vor.u32 v18, v21;
	[tilespmem:v47+s9+$0x0] =	vst.idx.add.f32.msk $0xffff, v3  }
0x470: {  	v26 =	vshll.u32 v40, $0x3;
	v52 =	vand.u32 $0x7F, v40;
	v27 =	vand.u32 $0x7F, v37;
	[tilespmem:v33+s9+$0x0] =	vst.idx.add.f32.msk $0xffff, v3  }
0x471: {  	v56 =	vshll.u32 v37, $0x3;
	v59 =	vadd.s32 v5, v22;
	v62 =	vand.u32 $0xFFFFFC00, v23;
	v57 =	vld.idx.msk [tilespmem:v45+s12+$0x0], $0xffff  }
0x472: {  	v40 =	vor.u32 v17, v31;
	v37 =	vor.u32 v17, v32;
	v26 =	vand.u32 $0xFFFFFC00, v26;
	v30 =	vld.idx.msk [tilespmem:v30+s12+$0x0], $0xffff  }
0x473: {  	v35 =	vand.u32 $0xFFFFFC00, v56;
	v34 =	vor.u32 v63, v62;
	v22 =	vshll.u32 v43, $0x3;
	v24 =	vld.idx.msk [tilespmem:v55+s12+$0x0], $0xffff  }
0x474: {  	v26 =	vor.u32 v52, v26;
	v25 =	vand.u32 $0x7F, v43;
	v58 =	vld.idx.msk [tilespmem:v46+s12+$0x0], $0xffff;
	v22 =	vand.u32 $0xFFFFFC00, v22  }
0x475: {  	p4 =	slt.u32 s14, $0x2D;
	v36 =	vadd.s32 v5, v34;
	v27 =	vor.u32 v27, v35;
	v23 =	vld.idx.msk [tilespmem:v53+s12+$0x0], $0xffff;
	v25 =	vor.u32 v25, v22  }
.Ltmp25:
0x476: {  	v26 =	vadd.s32 v5, v26;
	v22 =	vld.idx.msk [tilespmem:v39+s12+$0x0], $0xffff;
	v39 =	vadd.s32 v5, v27;
	v25 =	vadd.s32 v5, v25;
	(pc) =	sbr.rel @!p4 .LBB2_52-.Ltmp25, $4  }
0x477: {  	[tilespmem:v48+s9+$0x0] =	vst.idx.add.f32.msk $0xffff, v3;
	v63 =	vshll.u32 v57, $0x3;
	v35 =	vand.u32 $0x7F, v57;
	v61 =	vshll.u32 v30, $0x3  }
0x478: {  	[tilespmem:v60+s9+$0x0] =	vst.idx.add.f32.msk $0xffff, v3;
	v27 =	vand.u32 $0x7F, v24;
	v30 =	vand.u32 $0x7F, v30;
	v33 =	vand.u32 $0xFFFFFC00, v61  }
0x479: {  	[tilespmem:v59+s9+$0x0] =	vst.idx.add.f32.msk $0xffff, v3;
	v38 =	vshll.u32 v24, $0x3;
	v34 =	vand.u32 $0x7F, v58;
	v30 =	vor.u32 v30, v33  }
0x47a: {  	s14 =	sadd.s32 $0x5, s14;
	p3 =	por $0x1, $0x1;
	v41 =	vshll.u32 v58, $0x3;
	v24 =	vld.idx.msk [tilespmem:v42+s12+$0x0], $0xffff;
	v33 =	vand.u32 $0xFFFFFC00, v63;
	v30 =	vadd.s32 v2, v30  }
.LBB2_53:
0x47b: {  	v31 =	vmov s14;
	s15 =	sadd.s32 $0x1, s14;
	s16 =	sadd.s32 $0x2, s14;
	s17 =	sadd.s32 $0x3, s14;
	v32 =	vand.u32 $0x7F, v23;
	v42 =	vor.u32 v17, v19;
	[tilespmem:v39+s9+$0x0] =	vst.idx.add.f32.msk $0xffff, v3  }
0x47c: {  	p4 =	slt.u32 s14, $0x2D;
	v38 =	vand.u32 $0xFFFFFC00, v38;
	v19 =	vmov s15;
	v39 =	vmov s16;
	s15 =	sadd.s32 $0x4, s14;
	s14 =	sadd.s32 $0x5, s14;
	[tilespmem:v26+s9+$0x0] =	vst.idx.add.f32.msk $0xffff, v3  }
0x47d: {  	v43 =	vor.u32 v17, v21;
	v26 =	vand.u32 $0x7F, v19;
	v19 =	vmov s15;
	v40 =	vld.idx.msk [tilespmem:v40+s12+$0x0], $0xffff  }
0x47e: {  	v33 =	vor.u32 v35, v33;
	v21 =	vmov s17;
	v19 =	vand.u32 $0x7F, v19;
	[tilespmem:v36+s9+$0x0] =	vst.idx.add.f32.msk $0xffff, v3  }
0x47f: {  	v35 =	vand.u32 $0x7F, v39;
	v36 =	vand.u32 $0xFFFFFC00, v41;
	[tilespmem:v25+s9+$0x0] =	vst.idx.add.f32.msk $0xffff, v3  }
0x480: {  	v21 =	vand.u32 $0x7F, v21;
	v19 =	vbroadcast v19, $0x0;
	v25 =	vand.u32 $0x7F, v24;
	[tilespmem:v30+s9+$0x0] =	vst.idx.add.f32.msk $0xffff, v3  }
0x481: {  	v23 =	vshll.u32 v23, $0x3;
	v30 =	vand.u32 $0x7F, v31;
	v31 =	vbroadcast v35, $0x0;
	v35 =	vld.idx.msk [tilespmem:v42+s12+$0x0], $0xffff  }
0x482: {  	v39 =	vand.u32 $0x7F, v22;
	v41 =	vbroadcast v26, $0x0;
	v26 =	vor.u32 v18, v19  }
0x483: {  	v21 =	vbroadcast v21, $0x0;
	v42 =	vbroadcast v30, $0x0;
	v30 =	vshll.u32 v40, $0x3;
	v37 =	vld.idx.msk [tilespmem:v37+s12+$0x0], $0xffff  }
0x484: {  	v27 =	vor.u32 v27, v38;
	v44 =	vor.u32 v18, v41;
	v38 =	vand.u32 $0x7F, v40  }
0x485: {  	v45 =	vor.u32 v18, v21;
	v40 =	vor.u32 v18, v42;
	v30 =	vand.u32 $0xFFFFFC00, v30  }
0x486: {  	v46 =	vadd.s32 v2, v33;
	v33 =	vor.u32 v34, v36;
	v30 =	vor.u32 v38, v30  }
0x487: {  	v33 =	vadd.s32 v2, v33;
	v34 =	vor.u32 v18, v31;
	v36 =	vld.idx.msk [tilespmem:v26+s12+$0x0], $0xffff;
	v26 =	vadd.s32 v5, v30  }
0x488: {  	v47 =	vadd.s32 v2, v27;
	v22 =	vshll.u32 v22, $0x3;
	v27 =	vand.u32 $0x7F, v35  }
0x489: {  	v22 =	vand.u32 $0xFFFFFC00, v22;
	v30 =	vand.u32 $0x7F, v37;
	v37 =	vshll.u32 v37, $0x3  }
0x48a: {  	v23 =	vand.u32 $0xFFFFFC00, v23;
	v22 =	vor.u32 v39, v22;
	v37 =	vand.u32 $0xFFFFFC00, v37;
	v38 =	vld.idx.msk [tilespmem:v44+s12+$0x0], $0xffff  }
0x48b: {  	v23 =	vor.u32 v32, v23;
	v32 =	vshll.u32 v35, $0x3;
	v35 =	vadd.s32 v5, v22;
	v44 =	vld.idx.msk [tilespmem:v45+s12+$0x0], $0xffff  }
0x48c: {  	v22 =	vand.u32 $0xFFFFFC00, v32;
	v45 =	vadd.s32 v2, v23;
	v23 =	vshll.u32 v24, $0x3;
	[tilespmem:v33+s9+$0x0] =	vst.idx.add.f32.msk $0xffff, v3  }
0x48d: {  	v27 =	vor.u32 v27, v22;
	v32 =	vshll.u32 v36, $0x3;
	v22 =	vand.u32 $0xFFFFFC00, v23;
	v24 =	vld.idx.msk [tilespmem:v34+s12+$0x0], $0xffff  }
0x48e: {  	v33 =	vand.u32 $0x7F, v36;
	v32 =	vand.u32 $0xFFFFFC00, v32;
	v25 =	vor.u32 v25, v22;
	v23 =	vld.idx.msk [tilespmem:v40+s12+$0x0], $0xffff  }
0x48f: {  	v32 =	vor.u32 v33, v32;
	v36 =	vadd.s32 v5, v25;
	v25 =	vor.u32 v30, v37;
	v22 =	vld.idx.msk [tilespmem:v43+s12+$0x0], $0xffff  }
.Ltmp26:
0x490: {  	v33 =	vshll.u32 v38, $0x3;
	v30 =	vadd.s32 v2, v32;
	v39 =	vadd.s32 v5, v25;
	[tilespmem:v35+s9+$0x0] =	vst.idx.add.f32.msk $0xffff, v3;
	(pc) =	sbr.rel @p4 .LBB2_53-.Ltmp26, $4  }
0x491: {  	v40 =	vor.u32 v17, v29;
	v29 =	vmov v41;
	v25 =	vadd.s32 v5, v27;
	[tilespmem:v45+s9+$0x0] =	vst.idx.add.f32.msk $0xffff, v3  }
0x492: {  	v37 =	vor.u32 v17, v28;
	v28 =	vmov v31;
	v33 =	vand.u32 $0xFFFFFC00, v33;
	[tilespmem:v46+s9+$0x0] =	vst.idx.add.f32.msk $0xffff, v3  }
0x493: {  	v35 =	vand.u32 $0x7F, v38;
	v27 =	vand.u32 $0x7F, v24;
	v38 =	vshll.u32 v24, $0x3;
	[tilespmem:v47+s9+$0x0] =	vst.idx.add.f32.msk $0xffff, v3  }
0x494: {  	v34 =	vand.u32 $0x7F, v44;
	v41 =	vshll.u32 v44, $0x3;
	v24 =	vld.idx.msk [tilespmem:v20+s12+$0x0], $0xffff;
	v20 =	vor.u32 v17, v42  }
0x495: {  	v31 =	vmov v29;
	v32 =	vmov v28  }
.LBB2_55:
0x496: {  	_ = 	snop  }
0x497: {  	v18 =	vor.u32 v17, v19;
	v19 =	vand.u32 $0xFFFFFC00, v41  }
0x498: {  	v28 =	vshll.u32 v23, $0x3;
	v19 =	vor.u32 v34, v19  }
0x499: {  	v58 =	vand.u32 $0x7F, v23;
	v28 =	vand.u32 $0xFFFFFC00, v28;
	v19 =	vadd.s32 v2, v19  }
0x49a: {  	v29 =	vld.idx.msk @p2 [tilespmem:v40+s12+$0x0], $0xffff;
	v21 =	vor.u32 v17, v21;
	v23 =	vor.u32 v58, v28  }
0x49b: {  	v33 =	vor.u32 v35, v33;
	[tilespmem:v30+s9+$0x0] =	vst.idx.add.f32.msk $0xffff, v3;
	v28 =	vand.u32 $0xFFFFFC00, v38;
	v23 =	vadd.s32 v2, v23  }
0x49c: {  	v30 =	vld.idx.msk @p2 [tilespmem:v37+s12+$0x0], $0xffff;
	v27 =	vor.u32 v27, v28;
	v28 =	vadd.s32 v2, v33  }
0x49d: {  	v27 =	vadd.s32 v2, v27;
	v18 =	vld.idx.msk [tilespmem:v18+s12+$0x0], $0xffff  }
0x49e: {  	v33 =	vand.u32 @p2 $0x7F, v24;
	v24 =	vshll.u32 @p2 v24, $0x3;
	[tilespmem:v19+s9+$0x0] =	vst.idx.add.f32.msk $0xffff, v3  }
0x49f: {  	v31 =	vor.u32 v17, v31;
	v17 =	vor.u32 v17, v32;
	v24 =	vand.u32 @p2 $0xFFFFFC00, v24;
	v21 =	vld.idx.msk [tilespmem:v21+s12+$0x0], $0xffff  }
0x4a0: {  	v34 =	vshll.u32 @p2 v29, $0x3;
	v24 =	vor.u32 @p2 v33, v24;
	v19 =	vand.u32 @p2 $0x7F, v29;
	[tilespmem:v23+s9+$0x0] =	vst.idx.add.f32.msk $0xffff, v3  }
0x4a1: {  	v29 =	vand.u32 @p2 $0xFFFFFC00, v34;
	v34 =	vand.u32 @p2 $0x7F, v22;
	v22 =	vshll.u32 @p2 v22, $0x3;
	[tilespmem:v28+s9+$0x0] =	vst.idx.add.f32.msk $0xffff, v3  }
0x4a2: {  	v19 =	vor.u32 @p2 v19, v29;
	v28 =	vand.u32 @p2 $0x7F, v30;
	v29 =	vshll.u32 @p2 v30, $0x3;
	[tilespmem:v27+s9+$0x0] =	vst.idx.add.f32.msk $0xffff, v3  }
0x4a3: {  	v22 =	vand.u32 @p2 $0xFFFFFC00, v22;
	v23 =	vadd.s32 @p2 v5, v24;
	v19 =	vadd.s32 @p2 v5, v19;
	v20 =	vld.idx.msk [tilespmem:v20+s12+$0x0], $0xffff  }
0x4a4: {  	v27 =	vand.u32 @p2 $0xFFFFFC00, v29;
	v22 =	vor.u32 @p2 v34, v22;
	v29 =	vld.idx.msk [tilespmem:v31+s12+$0x0], $0xffff;
	v23 =	vpsel p2, v23, v0  }
0x4a5: {  	v59 =	vand.u32 $0x7F, v18;
	v18 =	vshll.u32 v18, $0x3;
	v27 =	vor.u32 @p2 v28, v27  }
0x4a6: {  	v22 =	vadd.s32 @p2 v5, v22;
	v17 =	vld.idx.msk [tilespmem:v17+s12+$0x0], $0xffff;
	v18 =	vand.u32 $0xFFFFFC00, v18;
	v24 =	vadd.s32 @p2 v5, v27  }
0x4a7: {  	v19 =	vpsel p2, v19, v0;
	v18 =	vor.u32 v59, v18;
	v24 =	vpsel p2, v24, v0  }
0x4a8: {  	[tilespmem:v39+s9+$0x0] =	vst.idx.add.f32.msk @p3 $0xffff, v3;
	v18 =	vadd.s32 v5, v18;
	v28 =	vand.u32 $0x7F, v21;
	v21 =	vshll.u32 v21, $0x3  }
0x4a9: {  	[tilespmem:v26+s9+$0x0] =	vst.idx.add.f32.msk @p3 $0xffff, v3;
	v27 =	vand.u32 $0x7F, v20;
	v26 =	vshll.u32 v29, $0x3;
	v29 =	vand.u32 $0x7F, v29  }
0x4aa: {  	[tilespmem:v36+s9+$0x0] =	vst.idx.add.f32.msk @p3 $0xffff, v3;
	v21 =	vand.u32 $0xFFFFFC00, v21;
	v20 =	vshll.u32 v20, $0x3;
	v26 =	vand.u32 $0xFFFFFC00, v26  }
0x4ab: {  	[tilespmem:v25+s9+$0x0] =	vst.idx.add.f32.msk @p2 $0xffff, v3;
	v30 =	vshll.u32 v17, $0x3;
	v17 =	vand.u32 $0x7F, v17;
	v21 =	vor.u32 v28, v21  }
0x4ac: {  	[tilespmem:v23+s9+$0x0] =	vst.idx.add.f32.msk @p2 $0xffff, v3;
	v25 =	vand.u32 $0xFFFFFC00, v30;
	v21 =	vadd.s32 v5, v21;
	v60 =	vor.u32 v29, v26  }
0x4ad: {  	v20 =	vand.u32 $0xFFFFFC00, v20;
	[tilespmem:v19+s9+$0x0] =	vst.idx.add.f32.msk @p2 $0xffff, v3;
	v17 =	vor.u32 v17, v25;
	v19 =	vadd.s32 v5, v60  }
0x4ae: {  	[tilespmem:v24+s9+$0x0] =	vst.idx.add.f32.msk @p2 $0xffff, v3;
	v24 =	vadd.s32 v5, v17;
	v17 =	vor.u32 v27, v20  }
0x4af: {  	[tilespmem:v22+s9+$0x0] =	vst.idx.add.f32.msk @p2 $0xffff, v3;
	v20 =	vadd.s32 v5, v17;
	v17 =	vor.u32 $0xB000, v0  }
0x4b0: {  	[tilespmem:v18+s9+$0x0] =	vst.idx.add.f32.msk $0xffff, v3;
	v18 =	vor.u32 v17, v15  }
0x4b1: {  	[tilespmem:v21+s9+$0x0] =	vst.idx.add.f32.msk $0xffff, v3  }
0x4b2: {  	v61 =	vor.u32 v17, v12;
	[tilespmem:v19+s9+$0x0] =	vst.idx.add.f32.msk $0xffff, v3  }
0x4b3: {  	v19 =	vor.u32 v17, v16;
	[tilespmem:v24+s9+$0x0] =	vst.idx.add.f32.msk $0xffff, v3  }
0x4b4: {  	s12 =	simm.s32 $0x0;
	[tilespmem:v20+s9+$0x0] =	vst.idx.add.f32.msk $0xffff, v3  }
0x4b5: {  	v20 =	vld.idx.msk [tilespmem:v18+s12+$0x0], $0xffff;
	_ =	sdelay $0x1  }
0x4b6: {  	v21 =	vld.idx.msk [tilespmem:v61+s12+$0x0], $0xffff  }
0x4b7: {  	v18 =	vor.u32 $0xB800, v0;
	v62 =	vld.idx.msk [tilespmem:v19+s12+$0x0], $0xffff  }
0x4b8: {  	v63 =	vor.u32 v17, v13;
	v15 =	vor.u32 v18, v15  }
.Ltmp27:
0x4b9: {  	v13 =	vor.u32 v18, v13;
	v16 =	vor.u32 v18, v16;
	v24 =	vshll.u32 v20, $0x3;
	(pc) =	sbr.rel @!p1 .LBB2_56-.Ltmp27, $4  }
0x4ba: {  	v12 =	vor.u32 v18, v12;
	v20 =	vand.u32 $0x7F, v20;
	v25 =	vand.u32 $0xFFFFFC00, v24  }
0x4bb: {  	v19 =	vor.u32 v17, v14;
	v24 =	vor.u32 v18, v14;
	v14 =	vor.u32 v20, v25  }
0x4bc: {  	v25 =	vand.u32 $0x7F, v21;
	v31 =	vshll.u32 v62, $0x3;
	v20 =	vshll.u32 v21, $0x3  }
0x4bd: {  	v29 =	vld.idx.msk [tilespmem:v63+s12+$0x0], $0xffff;
	v30 =	vand.u32 $0x7F, v62;
	v32 =	vadd.s32 v2, v14;
	v28 =	vand.u32 $0xFFFFFC00, v20  }
0x4be: {  	s14 =	sadd.s32 $0x4, s13;
	s15 =	sadd.s32 $0x2, s13;
	v20 =	vmov s13  }
0x4bf: {  	s30 =	sadd.s32 $0x1, s13;
	v25 =	vor.u32 v25, v28;
	v14 =	vmov s14;
	v21 =	vmov s15  }
0x4c0: {  	v23 =	vmov s30;
	v20 =	vand.u32 $0x7F, v20;
	v14 =	vand.u32 $0x7F, v14  }
0x4c1: {  	v37 =	vadd.s32 v2, v25;
	v21 =	vand.u32 $0x7F, v21;
	v14 =	vbroadcast v14, $0x0  }
0x4c2: {  	[tilespmem:v32+s9+$0x0] =	vst.idx.add.f32.msk $0xffff, v3;
	v21 =	vbroadcast v21, $0x0;
	v22 =	vshll.u32 v29, $0x3;
	v26 =	vand.u32 $0x7F, v29  }
0x4c3: {  	v15 =	vld.idx.msk [tilespmem:v15+s12+$0x0], $0xffff;
	v29 =	vand.u32 $0xFFFFFC00, v31;
	v22 =	vand.u32 $0xFFFFFC00, v22;
	v27 =	vor.u32 v17, v14  }
0x4c4: {  	v31 =	vbroadcast v20, $0x0;
	v22 =	vor.u32 v26, v22;
	v26 =	vor.u32 v17, v21  }
0x4c5: {  	v23 =	vand.u32 $0x7F, v23;
	v29 =	vor.u32 v30, v29;
	v20 =	vadd.s32 v2, v22  }
0x4c6: {  	v19 =	vld.idx.msk [tilespmem:v19+s12+$0x0], $0xffff;
	v23 =	vbroadcast v23, $0x0;
	v30 =	vadd.s32 v2, v29;
	v29 =	vor.u32 v17, v31  }
0x4c7: {  	[tilespmem:v37+s9+$0x0] =	vst.idx.add.f32.msk $0xffff, v3  }
0x4c8: {  	s31 =	sadd.s32 $0x3, s13;
	v63 =	vor.u32 v17, v23;
	v33 =	vshll.u32 v15, $0x3;
	v27 =	vld.idx.msk [tilespmem:v27+s12+$0x0], $0xffff  }
0x4c9: {  	v15 =	vand.u32 $0x7F, v15;
	v22 =	vmov s31;
	v28 =	vand.u32 $0xFFFFFC00, v33;
	v26 =	vld.idx.msk [tilespmem:v26+s12+$0x0], $0xffff  }
0x4ca: {  	v22 =	vand.u32 $0x7F, v22;
	v28 =	vor.u32 v15, v28;
	v15 =	vor.u32 v18, v21;
	[tilespmem:v20+s9+$0x0] =	vst.idx.add.f32.msk $0xffff, v3  }
0x4cb: {  	v21 =	vshll.u32 v19, $0x3;
	v22 =	vbroadcast v22, $0x0;
	v20 =	vadd.s32 v5, v28;
	v28 =	vld.idx.msk [tilespmem:v29+s12+$0x0], $0xffff  }
0x4cc: {  	v35 =	vor.u32 v18, v31;
	v19 =	vand.u32 $0x7F, v19;
	v21 =	vand.u32 $0xFFFFFC00, v21;
	v38 =	vld.idx.msk [tilespmem:v13+s12+$0x0], $0xffff  }
0x4cd: {  	p2 =	slt.u32 s13, $0x2D;
	v33 =	vor.u32 v18, v14;
	v14 =	vor.u32 v19, v21;
	v36 =	vor.u32 v17, v22  }
.Ltmp28:
0x4ce: {  	v21 =	vor.u32 v18, v22;
	v34 =	vadd.s32 v2, v14;
	v13 =	vor.u32 v18, v23;
	(pc) =	sbr.rel @!p2 .LBB2_58-.Ltmp28, $4  }
0x4cf: {  	[tilespmem:v30+s9+$0x0] =	vst.idx.add.f32.msk $0xffff, v3;
	v25 =	vand.u32 $0x7F, v27;
	v19 =	vshll.u32 v26, $0x3;
	v22 =	vand.u32 $0x7F, v26  }
0x4d0: {  	v29 =	vld.idx.msk [tilespmem:v63+s12+$0x0], $0xffff;
	v19 =	vand.u32 $0xFFFFFC00, v19;
	v31 =	vshll.u32 v28, $0x3;
	v30 =	vand.u32 $0x7F, v28  }
0x4d1: {  	v14 =	vld.idx.msk [tilespmem:v16+s12+$0x0], $0xffff;
	v16 =	vor.u32 v22, v19;
	v22 =	vshll.u32 v38, $0x3;
	v19 =	vshll.u32 v27, $0x3  }
0x4d2: {  	p1 =	por $0x1, $0x1;
	s14 =	sadd.s32 $0x5, s13;
	v23 =	vand.u32 $0x7F, v38;
	v27 =	vld.idx.msk [tilespmem:v12+s12+$0x0], $0xffff;
	v32 =	vadd.s32 v2, v16;
	v28 =	vand.u32 $0xFFFFFC00, v19  }
0x4d3: {  	_ =	sdelay $0x3  }
0x4d4: {  	s13 =	sadd.s32 $0x1, s14;
	v12 =	vmov s14;
	s15 =	sadd.s32 $0x2, s14;
	v31 =	vand.u32 $0xFFFFFC00, v31;
	[tilespmem:v20+s9+$0x0] =	vst.idx.add.f32.msk $0xffff, v3;
	v20 =	vor.u32 v25, v28  }
0x4d5: {  	s30 =	sadd.s32 $0x3, s14;
	s31 =	sadd.s32 $0x4, s14;
	v22 =	vand.u32 $0xFFFFFC00, v22;
	v19 =	vmov s13;
	v26 =	vmov s15  }
0x4d6: {  	v54 =	vmov s31;
	v37 =	vmov s30;
	v12 =	vand.u32 $0x7F, v12  }
0x4d7: {  	[tilespmem:v34+s9+$0x0] =	vst.idx.add.f32.msk $0xffff, v3;
	v28 =	vadd.s32 v2, v20;
	v16 =	vshll.u32 v29, $0x3;
	v29 =	vand.u32 $0x7F, v29  }
0x4d8: {  	v24 =	vld.idx.msk [tilespmem:v24+s12+$0x0], $0xffff;
	v19 =	vand.u32 $0x7F, v19;
	v34 =	vand.u32 $0x7F, v54;
	v26 =	vand.u32 $0x7F, v26  }
0x4d9: {  	[tilespmem:v32+s9+$0x0] =	vst.idx.add.f32.msk $0xffff, v3;
	v12 =	vbroadcast v12, $0x0;
	v16 =	vand.u32 $0xFFFFFC00, v16;
	v34 =	vbroadcast v34, $0x0  }
0x4da: {  	v56 =	vld.idx.msk [tilespmem:v15+s12+$0x0], $0xffff;
	v55 =	vbroadcast v19, $0x0;
	v15 =	vbroadcast v26, $0x0;
	v16 =	vor.u32 v29, v16  }
0x4db: {  	v29 =	vor.u32 v30, v31;
	v30 =	vand.u32 $0x7F, v37;
	v38 =	vshll.u32 v27, $0x3  }
0x4dc: {  	v39 =	vor.u32 v17, v12;
	v31 =	vadd.s32 v2, v29;
	v29 =	vor.u32 v17, v34  }
0x4dd: {  	v30 =	vbroadcast v30, $0x0;
	v26 =	vand.u32 $0x7F, v24;
	v24 =	vshll.u32 v24, $0x3  }
0x4de: {  	v40 =	vor.u32 v17, v55;
	v41 =	vor.u32 v17, v15;
	v24 =	vand.u32 $0xFFFFFC00, v24  }
0x4df: {  	v25 =	vld.idx.msk [tilespmem:v36+s12+$0x0], $0xffff;
	v16 =	vadd.s32 v2, v16;
	v15 =	vor.u32 v18, v15;
	v20 =	vor.u32 v26, v24  }
0x4e0: {  	s13 =	simm.s32 $0x0;
	[tilespmem:v28+s9+$0x0] =	vst.idx.add.f32.msk $0xffff, v3;
	v24 =	vand.u32 $0x7F, v27;
	v27 =	vshll.u32 v56, $0x3;
	v26 =	vadd.s32 v5, v20  }
0x4e1: {  	v20 =	vand.u32 $0xFFFFFC00, v38;
	v27 =	vand.u32 $0xFFFFFC00, v27;
	v57 =	vld.idx.msk [tilespmem:v29+s13+$0x0], $0xffff;
	v29 =	vand.u32 $0x7F, v56  }
0x4e2: {  	v19 =	vor.u32 v17, v30;
	v58 =	vld.idx.msk [tilespmem:v39+s13+$0x0], $0xffff;
	v20 =	vor.u32 v24, v20;
	v24 =	vor.u32 v29, v27  }
0x4e3: {  	v59 =	vld.idx.msk [tilespmem:v41+s13+$0x0], $0xffff;
	v27 =	vshll.u32 v14, $0x3;
	v60 =	vadd.s32 v5, v20;
	v14 =	vand.u32 $0x7F, v14  }
0x4e4: {  	[tilespmem:v16+s9+$0x0] =	vst.idx.add.f32.msk $0xffff, v3;
	v16 =	vand.u32 $0xFFFFFC00, v27;
	v20 =	vadd.s32 v5, v24;
	v24 =	vor.u32 v18, v30  }
0x4e5: {  	v61 =	vld.idx.msk [tilespmem:v13+s12+$0x0], $0xffff;
	v13 =	vor.u32 v14, v16;
	v14 =	vor.u32 v23, v22;
	v16 =	vshll.u32 v25, $0x3  }
0x4e6: {  	[tilespmem:v31+s9+$0x0] =	vst.idx.add.f32.msk $0xffff, v3;
	v22 =	vand.u32 $0x7F, v25;
	v42 =	vadd.s32 v5, v14;
	v23 =	vand.u32 $0xFFFFFC00, v16  }
0x4e7: {  	p2 =	slt.u32 s14, $0x2D;
	v29 =	vld.idx.msk [tilespmem:v40+s13+$0x0], $0xffff;
	v62 =	vadd.s32 v5, v13;
	v13 =	vor.u32 v18, v55;
	v22 =	vor.u32 v22, v23  }
.Ltmp29:
0x4e8: {  	v27 =	vld.idx.msk [tilespmem:v33+s12+$0x0], $0xffff;
	v16 =	vor.u32 v18, v12;
	v12 =	vor.u32 v18, v34;
	v34 =	vadd.s32 v2, v22;
	(pc) =	sbr.rel @!p2 .LBB2_60-.Ltmp29, $4  }
0x4e9: {  	v14 =	vld.idx.msk [tilespmem:v35+s12+$0x0], $0xffff;
	v31 =	vshll.u32 v58, $0x3;
	v30 =	vand.u32 $0x7F, v58;
	v23 =	vshll.u32 v59, $0x3  }
0x4ea: {  	v25 =	vand.u32 $0x7F, v57;
	v22 =	vand.u32 $0x7F, v59;
	v23 =	vand.u32 $0xFFFFFC00, v23;
	[tilespmem:v60+s9+$0x0] =	vst.idx.add.f32.msk $0xffff, v3  }
0x4eb: {  	v63 =	vshll.u32 v57, $0x3;
	v28 =	vor.u32 v22, v23;
	v22 =	vshll.u32 v61, $0x3;
	[tilespmem:v42+s9+$0x0] =	vst.idx.add.f32.msk $0xffff, v3  }
0x4ec: {  	s14 =	sadd.s32 $0x5, s14;
	p0 =	por $0x1, $0x1;
	v23 =	vand.u32 $0x7F, v61;
	v32 =	vadd.s32 v2, v28;
	v28 =	vand.u32 $0xFFFFFC00, v63;
	[tilespmem:v62+s9+$0x0] =	vst.idx.add.f32.msk $0xffff, v3  }
.LBB2_61:
0x4ed: {  	v33 =	vmov s14;
	s15 =	sadd.s32 $0x1, s14;
	s16 =	sadd.s32 $0x2, s14;
	s17 =	sadd.s32 $0x3, s14;
	v35 =	vshll.u32 v29, $0x3;
	[tilespmem:v34+s9+$0x0] =	vst.idx.add.f32.msk $0xffff, v3  }
0x4ee: {  	p2 =	slt.u32 s14, $0x2D;
	v29 =	vand.u32 $0x7F, v29;
	v34 =	vmov s15;
	v36 =	vmov s16;
	s15 =	sadd.s32 $0x4, s14;
	s14 =	sadd.s32 $0x5, s14;
	[tilespmem:v26+s9+$0x0] =	vst.idx.add.f32.msk $0xffff, v3  }
0x4ef: {  	v31 =	vand.u32 $0xFFFFFC00, v31;
	v26 =	vand.u32 $0x7F, v34;
	v34 =	vmov s15;
	v37 =	vld.idx.msk [tilespmem:v21+s12+$0x0], $0xffff;
	v21 =	vmovc v24;
	s12 =	smov.u32 s13  }
0x4f0: {  	v35 =	vand.u32 $0xFFFFFC00, v35;
	v24 =	vmov s17;
	v34 =	vand.u32 $0x7F, v34;
	[tilespmem:v20+s9+$0x0] =	vst.idx.add.f32.msk $0xffff, v3  }
0x4f1: {  	v29 =	vor.u32 v29, v35;
	v20 =	vand.u32 $0x7F, v36  }
0x4f2: {  	v33 =	vand.u32 $0x7F, v33;
	v30 =	vor.u32 v30, v31;
	v34 =	vbroadcast v34, $0x0  }
0x4f3: {  	v31 =	vbroadcast v33, $0x0;
	v30 =	vadd.s32 v2, v30;
	v24 =	vand.u32 $0x7F, v24;
	[tilespmem:v32+s9+$0x0] =	vst.idx.add.f32.msk $0xffff, v3  }
0x4f4: {  	v35 =	vshll.u32 v27, $0x3;
	v32 =	vbroadcast v26, $0x0;
	v26 =	vor.u32 v17, v34;
	v33 =	vld.idx.msk [tilespmem:v15+s12+$0x0], $0xffff  }
0x4f5: {  	v24 =	vbroadcast v24, $0x0;
	v15 =	vbroadcast v20, $0x0;
	v20 =	vand.u32 $0x7F, v37  }
0x4f6: {  	v36 =	vor.u32 v17, v31;
	v37 =	vshll.u32 v37, $0x3;
	v38 =	vor.u32 v17, v32  }
0x4f7: {  	v25 =	vor.u32 v25, v28;
	v40 =	vor.u32 v17, v24;
	v39 =	vor.u32 v17, v15  }
0x4f8: {  	v28 =	vadd.s32 v2, v29;
	v29 =	vand.u32 $0xFFFFFC00, v37;
	v15 =	vor.u32 v18, v15  }
0x4f9: {  	v25 =	vadd.s32 v2, v25;
	v27 =	vand.u32 $0x7F, v27;
	v20 =	vor.u32 v20, v29;
	v37 =	vld.idx.msk [tilespmem:v19+s12+$0x0], $0xffff;
	v19 =	vmovc v40  }
0x4fa: {  	v29 =	vshll.u32 v33, $0x3;
	v40 =	vld.idx.msk [tilespmem:v26+s13+$0x0], $0xffff;
	v26 =	vadd.s32 v5, v20;
	v20 =	vand.u32 $0xFFFFFC00, v35  }
0x4fb: {  	v33 =	vand.u32 $0x7F, v33;
	v29 =	vand.u32 $0xFFFFFC00, v29;
	v35 =	vld.idx.msk [tilespmem:v36+s13+$0x0], $0xffff;
	v20 =	vor.u32 v27, v20  }
0x4fc: {  	v29 =	vor.u32 v33, v29;
	v33 =	vshll.u32 v14, $0x3;
	v27 =	vld.idx.msk [tilespmem:v39+s13+$0x0], $0xffff;
	v36 =	vadd.s32 v5, v20  }
0x4fd: {  	v22 =	vand.u32 $0xFFFFFC00, v22;
	v14 =	vand.u32 $0x7F, v14;
	[tilespmem:v28+s9+$0x0] =	vst.idx.add.f32.msk $0xffff, v3;
	v28 =	vand.u32 $0xFFFFFC00, v33  }
0x4fe: {  	v20 =	vadd.s32 v5, v29;
	v33 =	vld.idx.msk [tilespmem:v13+s12+$0x0], $0xffff;
	v13 =	vor.u32 v14, v28;
	v14 =	vor.u32 v23, v22  }
0x4ff: {  	v22 =	vshll.u32 v37, $0x3;
	v29 =	vld.idx.msk [tilespmem:v38+s13+$0x0], $0xffff;
	v38 =	vadd.s32 v5, v13;
	v28 =	vadd.s32 v5, v14  }
0x500: {  	v23 =	vand.u32 $0x7F, v37;
	v13 =	vor.u32 v18, v32;
	v22 =	vand.u32 $0xFFFFFC00, v22;
	[tilespmem:v30+s9+$0x0] =	vst.idx.add.f32.msk $0xffff, v3  }
0x501: {  	v30 =	vor.u32 v18, v34;
	v22 =	vor.u32 v23, v22;
	v14 =	vld.idx.msk [tilespmem:v16+s12+$0x0], $0xffff;
	v16 =	vor.u32 v18, v31  }
.Ltmp30:
0x502: {  	v24 =	vor.u32 v18, v24;
	v23 =	vshll.u32 v27, $0x3;
	v34 =	vadd.s32 v2, v22;
	[tilespmem:v25+s9+$0x0] =	vst.idx.add.f32.msk $0xffff, v3;
	(pc) =	sbr.rel @p2 .LBB2_61-.Ltmp30, $4  }
0x503: {  	v22 =	vand.u32 $0x7F, v27;
	v23 =	vand.u32 $0xFFFFFC00, v23;
	v27 =	vld.idx.msk [tilespmem:v12+s12+$0x0], $0xffff;
	v12 =	vmov v30  }
0x504: {  	v25 =	vand.u32 $0x7F, v40;
	v32 =	vor.u32 v22, v23;
	v22 =	vshll.u32 v33, $0x3;
	[tilespmem:v36+s9+$0x0] =	vst.idx.add.f32.msk $0xffff, v3  }
0x505: {  	v31 =	vshll.u32 v35, $0x3;
	v23 =	vand.u32 $0x7F, v33;
	v36 =	vshll.u32 v40, $0x3;
	[tilespmem:v28+s9+$0x0] =	vst.idx.add.f32.msk $0xffff, v3  }
0x506: {  	v30 =	vand.u32 $0x7F, v35;
	v32 =	vadd.s32 v2, v32;
	v28 =	vand.u32 $0xFFFFFC00, v36;
	[tilespmem:v38+s9+$0x0] =	vst.idx.add.f32.msk $0xffff, v3  }
0x507: {  	s14 =	smov.u32 s12;
	v17 =	vmov v21;
	s12 =	smov.u32 s13  }
.LBB2_63:
0x508: {  	_ =	sdelay $0x3  }
0x509: {  	v18 =	vld.idx.msk [tilespmem:v19+s12+$0x0], $0xffff  }
0x50a: {  	v19 =	vshll.u32 v29, $0x3  }
0x50b: {  	v21 =	vand.u32 $0x7F, v29;
	v19 =	vand.u32 $0xFFFFFC00, v19  }
0x50c: {  	[tilespmem:v34+s9+$0x0] =	vst.idx.add.f32.msk @p1 $0xffff, v3;
	v19 =	vor.u32 v21, v19  }
0x50d: {  	v17 =	vld.idx.msk @p1 [tilespmem:v17+s14+$0x0], $0xffff;
	v21 =	vor.u32 v25, v28;
	v19 =	vadd.s32 v2, v19  }
0x50e: {  	[tilespmem:v32+s9+$0x0] =	vst.idx.add.f32.msk $0xffff, v3;
	v21 =	vadd.s32 v2, v21;
	v25 =	vshll.u32 v18, $0x3  }
0x50f: {  	v15 =	vld.idx.msk [tilespmem:v15+s12+$0x0], $0xffff;
	v18 =	vand.u32 $0x7F, v18;
	v25 =	vand.u32 $0xFFFFFC00, v25  }
0x510: {  	v18 =	vor.u32 v18, v25  }
0x511: {  	v25 =	vand.u32 $0xFFFFFC00, v31;
	v18 =	vadd.s32 v2, v18  }
0x512: {  	v22 =	vand.u32 @p1 $0xFFFFFC00, v22;
	v28 =	vshll.u32 @p1 v17, $0x3;
	v25 =	vor.u32 v30, v25;
	[tilespmem:v19+s9+$0x0] =	vst.idx.add.f32.msk $0xffff, v3  }
0x513: {  	v17 =	vand.u32 @p1 $0x7F, v17;
	[tilespmem:v21+s9+$0x0] =	vst.idx.add.f32.msk $0xffff, v3;
	v19 =	vadd.s32 v2, v25;
	v25 =	vand.u32 @p1 $0xFFFFFC00, v28  }
0x514: {  	v21 =	vand.u32 @p1 $0x7F, v27;
	v12 =	vld.idx.msk [tilespmem:v12+s12+$0x0], $0xffff;
	v17 =	vor.u32 @p1 v17, v25;
	v25 =	vshll.u32 v15, $0x3  }
0x515: {  	v13 =	vld.idx.msk [tilespmem:v13+s12+$0x0], $0xffff;
	v28 =	vshll.u32 @p1 v27, $0x3;
	v15 =	vand.u32 $0x7F, v15;
	v25 =	vand.u32 $0xFFFFFC00, v25  }
0x516: {  	v27 =	vand.u32 @p1 $0xFFFFFC00, v28;
	v17 =	vadd.s32 @p1 v5, v17;
	v15 =	vor.u32 v15, v25;
	[tilespmem:v18+s9+$0x0] =	vst.idx.add.f32.msk $0xffff, v3  }
0x517: {  	v17 =	vpsel p1, v17, v0;
	v18 =	vor.u32 @p1 v21, v27;
	v21 =	vshll.u32 @p1 v14, $0x3;
	v24 =	vld.idx.msk [tilespmem:v24+s12+$0x0], $0xffff  }
0x518: {  	v14 =	vand.u32 @p1 $0x7F, v14;
	v15 =	vadd.s32 v5, v15;
	v21 =	vand.u32 @p1 $0xFFFFFC00, v21;
	[tilespmem:v19+s9+$0x0] =	vst.idx.add.f32.msk $0xffff, v3  }
0x519: {  	v18 =	vadd.s32 @p1 v5, v18;
	v19 =	vor.u32 @p1 v23, v22;
	v22 =	vshll.u32 v12, $0x3;
	v16 =	vld.idx.msk [tilespmem:v16+s12+$0x0], $0xffff  }
0x51a: {  	v12 =	vand.u32 $0x7F, v12;
	v14 =	vor.u32 @p1 v14, v21;
	v19 =	vadd.s32 @p1 v5, v19  }
0x51b: {  	v21 =	vshll.u32 v13, $0x3;
	v13 =	vand.u32 $0x7F, v13;
	v22 =	vand.u32 $0xFFFFFC00, v22  }
0x51c: {  	v12 =	vor.u32 v12, v22;
	v23 =	vand.u32 $0x7F, v24;
	v24 =	vshll.u32 v24, $0x3  }
0x51d: {  	[tilespmem:v20+s9+$0x0] =	vst.idx.add.f32.msk @p1 $0xffff, v3;
	v14 =	vadd.s32 @p1 v5, v14;
	v20 =	vadd.s32 v5, v12;
	v24 =	vand.u32 $0xFFFFFC00, v24  }
0x51e: {  	v22 =	vshll.u32 v16, $0x3;
	v12 =	vand.u32 $0x7F, v16;
	v16 =	vand.u32 $0xFFFFFC00, v21  }
0x51f: {  	s13 =	sadd.s32 $0x4, s12;
	[tilespmem:v18+s9+$0x0] =	vst.idx.add.f32.msk @p1 $0xffff, v3;
	v23 =	vor.u32 v23, v24;
	v13 =	vor.u32 v13, v16  }
0x520: {  	[tilespmem:v19+s9+$0x0] =	vst.idx.add.f32.msk @p1 $0xffff, v3;
	v18 =	vand.u32 $0xFFFFFC00, v22;
	v16 =	vmov s13;
	v19 =	vadd.s32 v5, v13  }
0x521: {  	s29 =	sadd.s32 $0x1, s12;
	[tilespmem:v17+s9+$0x0] =	vst.idx.add.f32.msk @p1 $0xffff, v3;
	v12 =	vor.u32 v12, v18;
	v13 =	vand.u32 $0x7F, v16;
	v17 =	vadd.s32 v5, v23  }
0x522: {  	s30 =	sadd.s32 $0x2, s12;
	[tilespmem:v14+s9+$0x0] =	vst.idx.add.f32.msk @p1 $0xffff, v3;
	v16 =	vmov s29;
	v14 =	vadd.s32 v5, v12;
	v12 =	vbroadcast v13, $0x0  }
0x523: {  	[tilespmem:v15+s9+$0x0] =	vst.idx.add.f32.msk $0xffff, v3;
	v15 =	vmov s30;
	v18 =	vor.u32 $0xC000, v0;
	v13 =	vand.u32 $0x7F, v16  }
0x524: {  	s31 =	sadd.s32 $0x3, s12;
	v15 =	vand.u32 $0x7F, v15;
	[tilespmem:v20+s9+$0x0] =	vst.idx.add.f32.msk $0xffff, v3;
	v13 =	vbroadcast v13, $0x0;
	v16 =	vor.u32 v18, v12  }
0x525: {  	v15 =	vbroadcast v15, $0x0;
	v20 =	vmov s31;
	[tilespmem:v19+s9+$0x0] =	vst.idx.add.f32.msk $0xffff, v3  }
0x526: {  	v19 =	vand.u32 $0x7F, v20;
	v20 =	vor.u32 v18, v13;
	[tilespmem:v17+s9+$0x0] =	vst.idx.add.f32.msk $0xffff, v3  }
0x527: {  	v17 =	vor.u32 v18, v15;
	[tilespmem:v14+s9+$0x0] =	vst.idx.add.f32.msk $0xffff, v3;
	v14 =	vbroadcast v19, $0x0  }
0x528: {  	[tilespmem:v26+s9+$0x0] =	vst.idx.add.f32.msk @p0 $0xffff, v3  }
0x529: {  	v19 =	vor.u32 v18, v14;
	v21 =	vld.idx.msk [tilespmem:v16+s12+$0x0], $0xffff  }
0x52a: {  	v16 =	vmov s12  }
0x52b: {  	v16 =	vand.u32 $0x7F, v16;
	v20 =	vld.idx.msk [tilespmem:v20+s12+$0x0], $0xffff  }
0x52c: {  	v16 =	vbroadcast v16, $0x0;
	v22 =	vld.idx.msk [tilespmem:v17+s12+$0x0], $0xffff;
	_ =	sdelay $0x1  }
0x52d: {  	p1 =	slt.u32 s12, $0x2D;
	v23 =	vor.u32 v18, v16;
	v19 =	vld.idx.msk [tilespmem:v19+s12+$0x0], $0xffff;
	v17 =	vshll.u32 v21, $0x3  }
.Ltmp31:
0x52e: {  	v21 =	vand.u32 $0x7F, v21;
	v17 =	vand.u32 $0xFFFFFC00, v17;
	(pc) =	sbr.rel @!p1 .LBB2_64-.Ltmp31, $4  }
0x52f: {  	v17 =	vor.u32 v21, v17;
	v21 =	vshll.u32 v20, $0x3  }
0x530: {  	v35 =	vand.u32 $0x7F, v20;
	v27 =	vand.u32 $0x7F, v22;
	v38 =	vshll.u32 v22, $0x3  }
0x531: {  	v30 =	vadd.s32 v2, v17;
	v17 =	vor.u32 $0xC800, v0;
	v33 =	vand.u32 $0xFFFFFC00, v21  }
0x532: {  	p2 =	por $0x0, $0x0;
	p0 =	por $0x0, $0x0;
	s13 =	sadd.s32 $0x5, s12;
	v23 =	vld.idx.msk [tilespmem:v23+s12+$0x0], $0xffff;
	v20 =	vor.u32 v17, v16;
	v34 =	vand.u32 $0x7F, v19;
	v41 =	vshll.u32 v19, $0x3  }
0x533: {  	s14 =	sadd.s32 $0x4, s13  }
0x534: {  	s31 =	sadd.s32 $0x1, s13;
	v19 =	vmov s14  }
0x535: {  	s16 =	sadd.s32 $0x3, s13;
	v22 =	vor.u32 v17, v12;
	v21 =	vmov s31;
	v19 =	vand.u32 $0x7F, v19  }
0x536: {  	s15 =	sadd.s32 $0x2, s13;
	v25 =	vmov s16;
	v21 =	vand.u32 $0x7F, v21;
	v19 =	vbroadcast v19, $0x0  }
0x537: {  	v24 =	vmov s15;
	v25 =	vand.u32 $0x7F, v25;
	v31 =	vbroadcast v21, $0x0  }
0x538: {  	v24 =	vand.u32 $0x7F, v24;
	v21 =	vbroadcast v25, $0x0;
	v26 =	vor.u32 v18, v19  }
0x539: {  	v32 =	vbroadcast v24, $0x0;
	v29 =	vor.u32 v18, v31  }
0x53a: {  	v28 =	vmov s13;
	v25 =	vand.u32 $0xFFFFFC00, v41;
	v24 =	vor.u32 v18, v21  }
0x53b: {  	[tilespmem:v30+s9+$0x0] =	vst.idx.add.f32.msk $0xffff, v3;
	v37 =	vand.u32 $0xFFFFFC00, v38;
	v25 =	vor.u32 v34, v25;
	v61 =	vor.u32 v18, v32  }
0x53c: {  	v33 =	vor.u32 v35, v33;
	v28 =	vand.u32 $0x7F, v28;
	v22 =	vld.idx.msk [tilespmem:v22+s12+$0x0], $0xffff;
	v25 =	vadd.s32 v2, v25  }
0x53d: {  	v27 =	vor.u32 v27, v37;
	v63 =	vadd.s32 v2, v33;
	v28 =	vbroadcast v28, $0x0;
	v26 =	vld.idx.msk [tilespmem:v26+s12+$0x0], $0xffff  }
0x53e: {  	v39 =	vadd.s32 v2, v27;
	v30 =	vshll.u32 v23, $0x3;
	v29 =	vld.idx.msk [tilespmem:v29+s12+$0x0], $0xffff  }
0x53f: {  	v23 =	vand.u32 $0x7F, v23;
	v36 =	vor.u32 v18, v28;
	v30 =	vand.u32 $0xFFFFFC00, v30;
	v24 =	vld.idx.msk [tilespmem:v24+s12+$0x0], $0xffff  }
0x540: {  	v23 =	vor.u32 v23, v30;
	v30 =	vor.u32 v17, v14;
	v34 =	vld.idx.msk [tilespmem:v61+s12+$0x0], $0xffff  }
0x541: {  	v62 =	vadd.s32 v2, v23;
	[tilespmem:v25+s9+$0x0] =	vst.idx.add.f32.msk $0xffff, v3;
	v25 =	vand.u32 $0x7F, v22;
	v22 =	vshll.u32 v22, $0x3  }
0x542: {  	v40 =	vor.u32 v17, v13;
	p3 =	slt.u32 s13, $0x2D;
	v37 =	vor.u32 v17, v15;
	[tilespmem:v63+s9+$0x0] =	vst.idx.add.f32.msk $0xffff, v3;
	v22 =	vand.u32 $0xFFFFFC00, v22  }
.Ltmp32:
0x543: {  	v42 =	vor.u32 v17, v28;
	[tilespmem:v39+s9+$0x0] =	vst.idx.add.f32.msk $0xffff, v3;
	v25 =	vor.u32 v25, v22;
	v27 =	vshll.u32 v26, $0x3;
	(pc) =	sbr.rel @!p3 .LBB2_66-.Ltmp32, $4  }
0x544: {  	v23 =	vld.idx.msk [tilespmem:v36+s12+$0x0], $0xffff;
	v25 =	vadd.s32 v5, v25;
	v26 =	vand.u32 $0x7F, v26;
	v27 =	vand.u32 $0xFFFFFC00, v27  }
0x545: {  	v22 =	vld.idx.msk [tilespmem:v30+s12+$0x0], $0xffff;
	v35 =	vand.u32 $0x7F, v29;
	v38 =	vshll.u32 v34, $0x3;
	v26 =	vor.u32 v26, v27  }
0x546: {  	[tilespmem:v62+s9+$0x0] =	vst.idx.add.f32.msk $0xffff, v3;
	v41 =	vshll.u32 v24, $0x3;
	v27 =	vshll.u32 v29, $0x3;
	v30 =	vadd.s32 v2, v26  }
0x547: {  	p2 =	por $0x1, $0x1;
	s14 =	sadd.s32 $0x5, s13;
	v33 =	vand.u32 $0xFFFFFC00, v27;
	v27 =	vand.u32 $0x7F, v34;
	v34 =	vand.u32 $0x7F, v24;
	v24 =	vld.idx.msk [tilespmem:v20+s12+$0x0], $0xffff  }
0x548: {  	v20 =	vmov s14;
	v26 =	vor.u32 v17, v19;
	v38 =	vand.u32 $0xFFFFFC00, v38  }
0x549: {  	s15 =	sadd.s32 $0x1, s14;
	s16 =	sadd.s32 $0x2, s14;
	v39 =	vor.u32 v17, v21;
	v33 =	vor.u32 v35, v33;
	v62 =	vand.u32 $0xFFFFFC00, v41  }
0x54a: {  	s30 =	sadd.s32 $0x3, s14;
	v36 =	vand.u32 $0x7F, v23;
	v19 =	vmov s15;
	v28 =	vmov s16  }
0x54b: {  	v21 =	vmov s30;
	v20 =	vand.u32 $0x7F, v20;
	v23 =	vshll.u32 v23, $0x3  }
0x54c: {  	s31 =	sadd.s32 $0x4, s14;
	v27 =	vor.u32 v27, v38;
	v47 =	vadd.s32 v2, v33;
	v54 =	vor.u32 v34, v62  }
0x54d: {  	v29 =	vand.u32 $0x7F, v19;
	v19 =	vmov s31;
	v28 =	vand.u32 $0x7F, v28  }
0x54e: {  	v21 =	vand.u32 $0x7F, v21;
	v44 =	vand.u32 $0x7F, v22;
	v20 =	vbroadcast v20, $0x0  }
0x54f: {  	v33 =	vadd.s32 v2, v54;
	v48 =	vadd.s32 v2, v27;
	v22 =	vshll.u32 v22, $0x3  }
0x550: {  	v40 =	vld.idx.msk [tilespmem:v40+s12+$0x0], $0xffff;
	v19 =	vand.u32 $0x7F, v19;
	v28 =	vbroadcast v28, $0x0;
	v29 =	vbroadcast v29, $0x0  }
0x551: {  	v37 =	vld.idx.msk [tilespmem:v37+s12+$0x0], $0xffff;
	v23 =	vand.u32 $0xFFFFFC00, v23;
	v21 =	vbroadcast v21, $0x0;
	v19 =	vbroadcast v19, $0x0  }
0x552: {  	[tilespmem:v30+s9+$0x0] =	vst.idx.add.f32.msk $0xffff, v3;
	v22 =	vand.u32 $0xFFFFFC00, v22;
	v23 =	vor.u32 v36, v23;
	v45 =	vor.u32 v18, v29  }
0x553: {  	[tilespmem:v25+s9+$0x0] =	vst.idx.add.f32.msk $0xffff, v3;
	v63 =	vand.u32 $0x7F, v24;
	v53 =	vor.u32 v18, v20;
	v30 =	vor.u32 v18, v19  }
0x554: {  	v22 =	vor.u32 v44, v22;
	v60 =	vadd.s32 v2, v23;
	v43 =	vld.idx.msk [tilespmem:v26+s12+$0x0], $0xffff;
	v55 =	vor.u32 v18, v28  }
0x555: {  	v23 =	vshll.u32 v24, $0x3;
	v20 =	vor.u32 v17, v20;
	v46 =	vor.u32 v18, v21;
	[tilespmem:v47+s9+$0x0] =	vst.idx.add.f32.msk $0xffff, v3  }
0x556: {  	v26 =	vshll.u32 v40, $0x3;
	v52 =	vand.u32 $0x7F, v40;
	v27 =	vand.u32 $0x7F, v37;
	[tilespmem:v33+s9+$0x0] =	vst.idx.add.f32.msk $0xffff, v3  }
0x557: {  	v56 =	vshll.u32 v37, $0x3;
	v59 =	vadd.s32 v5, v22;
	v62 =	vand.u32 $0xFFFFFC00, v23;
	v57 =	vld.idx.msk [tilespmem:v45+s12+$0x0], $0xffff  }
0x558: {  	v40 =	vor.u32 v17, v31;
	v37 =	vor.u32 v17, v32;
	v26 =	vand.u32 $0xFFFFFC00, v26;
	v30 =	vld.idx.msk [tilespmem:v30+s12+$0x0], $0xffff  }
0x559: {  	v35 =	vand.u32 $0xFFFFFC00, v56;
	v34 =	vor.u32 v63, v62;
	v22 =	vshll.u32 v43, $0x3;
	v24 =	vld.idx.msk [tilespmem:v55+s12+$0x0], $0xffff  }
0x55a: {  	v26 =	vor.u32 v52, v26;
	v25 =	vand.u32 $0x7F, v43;
	v58 =	vld.idx.msk [tilespmem:v46+s12+$0x0], $0xffff;
	v22 =	vand.u32 $0xFFFFFC00, v22  }
0x55b: {  	p4 =	slt.u32 s14, $0x2D;
	v36 =	vadd.s32 v5, v34;
	v27 =	vor.u32 v27, v35;
	v23 =	vld.idx.msk [tilespmem:v53+s12+$0x0], $0xffff;
	v25 =	vor.u32 v25, v22  }
.Ltmp33:
0x55c: {  	v26 =	vadd.s32 v5, v26;
	v22 =	vld.idx.msk [tilespmem:v39+s12+$0x0], $0xffff;
	v39 =	vadd.s32 v5, v27;
	v25 =	vadd.s32 v5, v25;
	(pc) =	sbr.rel @!p4 .LBB2_68-.Ltmp33, $4  }
0x55d: {  	[tilespmem:v48+s9+$0x0] =	vst.idx.add.f32.msk $0xffff, v3;
	v63 =	vshll.u32 v57, $0x3;
	v35 =	vand.u32 $0x7F, v57;
	v61 =	vshll.u32 v30, $0x3  }
0x55e: {  	[tilespmem:v60+s9+$0x0] =	vst.idx.add.f32.msk $0xffff, v3;
	v27 =	vand.u32 $0x7F, v24;
	v30 =	vand.u32 $0x7F, v30;
	v33 =	vand.u32 $0xFFFFFC00, v61  }
0x55f: {  	[tilespmem:v59+s9+$0x0] =	vst.idx.add.f32.msk $0xffff, v3;
	v38 =	vshll.u32 v24, $0x3;
	v34 =	vand.u32 $0x7F, v58;
	v30 =	vor.u32 v30, v33  }
0x560: {  	s14 =	sadd.s32 $0x5, s14;
	p3 =	por $0x1, $0x1;
	v41 =	vshll.u32 v58, $0x3;
	v24 =	vld.idx.msk [tilespmem:v42+s12+$0x0], $0xffff;
	v33 =	vand.u32 $0xFFFFFC00, v63;
	v30 =	vadd.s32 v2, v30  }
.LBB2_69:
0x561: {  	v31 =	vmov s14;
	s15 =	sadd.s32 $0x1, s14;
	s16 =	sadd.s32 $0x2, s14;
	s17 =	sadd.s32 $0x3, s14;
	v32 =	vand.u32 $0x7F, v23;
	v42 =	vor.u32 v17, v19;
	[tilespmem:v39+s9+$0x0] =	vst.idx.add.f32.msk $0xffff, v3  }
0x562: {  	p4 =	slt.u32 s14, $0x2D;
	v38 =	vand.u32 $0xFFFFFC00, v38;
	v19 =	vmov s15;
	v39 =	vmov s16;
	s15 =	sadd.s32 $0x4, s14;
	s14 =	sadd.s32 $0x5, s14;
	[tilespmem:v26+s9+$0x0] =	vst.idx.add.f32.msk $0xffff, v3  }
0x563: {  	v43 =	vor.u32 v17, v21;
	v26 =	vand.u32 $0x7F, v19;
	v19 =	vmov s15;
	v40 =	vld.idx.msk [tilespmem:v40+s12+$0x0], $0xffff  }
0x564: {  	v33 =	vor.u32 v35, v33;
	v21 =	vmov s17;
	v19 =	vand.u32 $0x7F, v19;
	[tilespmem:v36+s9+$0x0] =	vst.idx.add.f32.msk $0xffff, v3  }
0x565: {  	v35 =	vand.u32 $0x7F, v39;
	v36 =	vand.u32 $0xFFFFFC00, v41;
	[tilespmem:v25+s9+$0x0] =	vst.idx.add.f32.msk $0xffff, v3  }
0x566: {  	v21 =	vand.u32 $0x7F, v21;
	v19 =	vbroadcast v19, $0x0;
	v25 =	vand.u32 $0x7F, v24;
	[tilespmem:v30+s9+$0x0] =	vst.idx.add.f32.msk $0xffff, v3  }
0x567: {  	v23 =	vshll.u32 v23, $0x3;
	v30 =	vand.u32 $0x7F, v31;
	v31 =	vbroadcast v35, $0x0;
	v35 =	vld.idx.msk [tilespmem:v42+s12+$0x0], $0xffff  }
0x568: {  	v39 =	vand.u32 $0x7F, v22;
	v41 =	vbroadcast v26, $0x0;
	v26 =	vor.u32 v18, v19  }
0x569: {  	v21 =	vbroadcast v21, $0x0;
	v42 =	vbroadcast v30, $0x0;
	v30 =	vshll.u32 v40, $0x3;
	v37 =	vld.idx.msk [tilespmem:v37+s12+$0x0], $0xffff  }
0x56a: {  	v27 =	vor.u32 v27, v38;
	v44 =	vor.u32 v18, v41;
	v38 =	vand.u32 $0x7F, v40  }
0x56b: {  	v45 =	vor.u32 v18, v21;
	v40 =	vor.u32 v18, v42;
	v30 =	vand.u32 $0xFFFFFC00, v30  }
0x56c: {  	v46 =	vadd.s32 v2, v33;
	v33 =	vor.u32 v34, v36;
	v30 =	vor.u32 v38, v30  }
0x56d: {  	v33 =	vadd.s32 v2, v33;
	v34 =	vor.u32 v18, v31;
	v36 =	vld.idx.msk [tilespmem:v26+s12+$0x0], $0xffff;
	v26 =	vadd.s32 v5, v30  }
0x56e: {  	v47 =	vadd.s32 v2, v27;
	v22 =	vshll.u32 v22, $0x3;
	v27 =	vand.u32 $0x7F, v35  }
0x56f: {  	v22 =	vand.u32 $0xFFFFFC00, v22;
	v30 =	vand.u32 $0x7F, v37;
	v37 =	vshll.u32 v37, $0x3  }
0x570: {  	v23 =	vand.u32 $0xFFFFFC00, v23;
	v22 =	vor.u32 v39, v22;
	v37 =	vand.u32 $0xFFFFFC00, v37;
	v38 =	vld.idx.msk [tilespmem:v44+s12+$0x0], $0xffff  }
0x571: {  	v23 =	vor.u32 v32, v23;
	v32 =	vshll.u32 v35, $0x3;
	v35 =	vadd.s32 v5, v22;
	v44 =	vld.idx.msk [tilespmem:v45+s12+$0x0], $0xffff  }
0x572: {  	v22 =	vand.u32 $0xFFFFFC00, v32;
	v45 =	vadd.s32 v2, v23;
	v23 =	vshll.u32 v24, $0x3;
	[tilespmem:v33+s9+$0x0] =	vst.idx.add.f32.msk $0xffff, v3  }
0x573: {  	v27 =	vor.u32 v27, v22;
	v32 =	vshll.u32 v36, $0x3;
	v22 =	vand.u32 $0xFFFFFC00, v23;
	v24 =	vld.idx.msk [tilespmem:v34+s12+$0x0], $0xffff  }
0x574: {  	v33 =	vand.u32 $0x7F, v36;
	v32 =	vand.u32 $0xFFFFFC00, v32;
	v25 =	vor.u32 v25, v22;
	v23 =	vld.idx.msk [tilespmem:v40+s12+$0x0], $0xffff  }
0x575: {  	v32 =	vor.u32 v33, v32;
	v36 =	vadd.s32 v5, v25;
	v25 =	vor.u32 v30, v37;
	v22 =	vld.idx.msk [tilespmem:v43+s12+$0x0], $0xffff  }
.Ltmp34:
0x576: {  	v33 =	vshll.u32 v38, $0x3;
	v30 =	vadd.s32 v2, v32;
	v39 =	vadd.s32 v5, v25;
	[tilespmem:v35+s9+$0x0] =	vst.idx.add.f32.msk $0xffff, v3;
	(pc) =	sbr.rel @p4 .LBB2_69-.Ltmp34, $4  }
0x577: {  	v40 =	vor.u32 v17, v29;
	v29 =	vmov v41;
	v25 =	vadd.s32 v5, v27;
	[tilespmem:v45+s9+$0x0] =	vst.idx.add.f32.msk $0xffff, v3  }
0x578: {  	v37 =	vor.u32 v17, v28;
	v28 =	vmov v31;
	v33 =	vand.u32 $0xFFFFFC00, v33;
	[tilespmem:v46+s9+$0x0] =	vst.idx.add.f32.msk $0xffff, v3  }
0x579: {  	v35 =	vand.u32 $0x7F, v38;
	v27 =	vand.u32 $0x7F, v24;
	v38 =	vshll.u32 v24, $0x3;
	[tilespmem:v47+s9+$0x0] =	vst.idx.add.f32.msk $0xffff, v3  }
0x57a: {  	v34 =	vand.u32 $0x7F, v44;
	v41 =	vshll.u32 v44, $0x3;
	v24 =	vld.idx.msk [tilespmem:v20+s12+$0x0], $0xffff;
	v20 =	vor.u32 v17, v42  }
0x57b: {  	v31 =	vmov v29;
	v32 =	vmov v28  }
.LBB2_71:
0x57c: {  	_ = 	snop  }
0x57d: {  	v18 =	vor.u32 v17, v19;
	v19 =	vand.u32 $0xFFFFFC00, v41  }
0x57e: {  	v28 =	vshll.u32 v23, $0x3;
	v19 =	vor.u32 v34, v19  }
0x57f: {  	v58 =	vand.u32 $0x7F, v23;
	v28 =	vand.u32 $0xFFFFFC00, v28;
	v19 =	vadd.s32 v2, v19  }
0x580: {  	v29 =	vld.idx.msk @p2 [tilespmem:v40+s12+$0x0], $0xffff;
	v21 =	vor.u32 v17, v21;
	v23 =	vor.u32 v58, v28  }
0x581: {  	v33 =	vor.u32 v35, v33;
	[tilespmem:v30+s9+$0x0] =	vst.idx.add.f32.msk $0xffff, v3;
	v28 =	vand.u32 $0xFFFFFC00, v38;
	v23 =	vadd.s32 v2, v23  }
0x582: {  	v30 =	vld.idx.msk @p2 [tilespmem:v37+s12+$0x0], $0xffff;
	v27 =	vor.u32 v27, v28;
	v28 =	vadd.s32 v2, v33  }
0x583: {  	v27 =	vadd.s32 v2, v27;
	v18 =	vld.idx.msk [tilespmem:v18+s12+$0x0], $0xffff  }
0x584: {  	v33 =	vand.u32 @p2 $0x7F, v24;
	v24 =	vshll.u32 @p2 v24, $0x3;
	[tilespmem:v19+s9+$0x0] =	vst.idx.add.f32.msk $0xffff, v3  }
0x585: {  	v31 =	vor.u32 v17, v31;
	v17 =	vor.u32 v17, v32;
	v24 =	vand.u32 @p2 $0xFFFFFC00, v24;
	v21 =	vld.idx.msk [tilespmem:v21+s12+$0x0], $0xffff  }
0x586: {  	v34 =	vshll.u32 @p2 v29, $0x3;
	v24 =	vor.u32 @p2 v33, v24;
	v19 =	vand.u32 @p2 $0x7F, v29;
	[tilespmem:v23+s9+$0x0] =	vst.idx.add.f32.msk $0xffff, v3  }
0x587: {  	v29 =	vand.u32 @p2 $0xFFFFFC00, v34;
	v34 =	vand.u32 @p2 $0x7F, v22;
	v22 =	vshll.u32 @p2 v22, $0x3;
	[tilespmem:v28+s9+$0x0] =	vst.idx.add.f32.msk $0xffff, v3  }
0x588: {  	v19 =	vor.u32 @p2 v19, v29;
	v28 =	vand.u32 @p2 $0x7F, v30;
	v29 =	vshll.u32 @p2 v30, $0x3;
	[tilespmem:v27+s9+$0x0] =	vst.idx.add.f32.msk $0xffff, v3  }
0x589: {  	v22 =	vand.u32 @p2 $0xFFFFFC00, v22;
	v23 =	vadd.s32 @p2 v5, v24;
	v19 =	vadd.s32 @p2 v5, v19;
	v20 =	vld.idx.msk [tilespmem:v20+s12+$0x0], $0xffff  }
0x58a: {  	v27 =	vand.u32 @p2 $0xFFFFFC00, v29;
	v22 =	vor.u32 @p2 v34, v22;
	v29 =	vld.idx.msk [tilespmem:v31+s12+$0x0], $0xffff;
	v23 =	vpsel p2, v23, v0  }
0x58b: {  	v59 =	vand.u32 $0x7F, v18;
	v18 =	vshll.u32 v18, $0x3;
	v27 =	vor.u32 @p2 v28, v27  }
0x58c: {  	v22 =	vadd.s32 @p2 v5, v22;
	v17 =	vld.idx.msk [tilespmem:v17+s12+$0x0], $0xffff;
	v18 =	vand.u32 $0xFFFFFC00, v18;
	v24 =	vadd.s32 @p2 v5, v27  }
0x58d: {  	v19 =	vpsel p2, v19, v0;
	v18 =	vor.u32 v59, v18;
	v24 =	vpsel p2, v24, v0  }
0x58e: {  	[tilespmem:v39+s9+$0x0] =	vst.idx.add.f32.msk @p3 $0xffff, v3;
	v18 =	vadd.s32 v5, v18;
	v28 =	vand.u32 $0x7F, v21;
	v21 =	vshll.u32 v21, $0x3  }
0x58f: {  	[tilespmem:v26+s9+$0x0] =	vst.idx.add.f32.msk @p3 $0xffff, v3;
	v27 =	vand.u32 $0x7F, v20;
	v26 =	vshll.u32 v29, $0x3;
	v29 =	vand.u32 $0x7F, v29  }
0x590: {  	[tilespmem:v36+s9+$0x0] =	vst.idx.add.f32.msk @p3 $0xffff, v3;
	v21 =	vand.u32 $0xFFFFFC00, v21;
	v20 =	vshll.u32 v20, $0x3;
	v26 =	vand.u32 $0xFFFFFC00, v26  }
0x591: {  	[tilespmem:v25+s9+$0x0] =	vst.idx.add.f32.msk @p2 $0xffff, v3;
	v30 =	vshll.u32 v17, $0x3;
	v17 =	vand.u32 $0x7F, v17;
	v21 =	vor.u32 v28, v21  }
0x592: {  	[tilespmem:v23+s9+$0x0] =	vst.idx.add.f32.msk @p2 $0xffff, v3;
	v25 =	vand.u32 $0xFFFFFC00, v30;
	v21 =	vadd.s32 v5, v21;
	v60 =	vor.u32 v29, v26  }
0x593: {  	v20 =	vand.u32 $0xFFFFFC00, v20;
	[tilespmem:v19+s9+$0x0] =	vst.idx.add.f32.msk @p2 $0xffff, v3;
	v17 =	vor.u32 v17, v25;
	v19 =	vadd.s32 v5, v60  }
0x594: {  	[tilespmem:v24+s9+$0x0] =	vst.idx.add.f32.msk @p2 $0xffff, v3;
	v24 =	vadd.s32 v5, v17;
	v17 =	vor.u32 v27, v20  }
0x595: {  	[tilespmem:v22+s9+$0x0] =	vst.idx.add.f32.msk @p2 $0xffff, v3;
	v20 =	vadd.s32 v5, v17;
	v17 =	vor.u32 $0xD000, v0  }
0x596: {  	[tilespmem:v18+s9+$0x0] =	vst.idx.add.f32.msk $0xffff, v3;
	v18 =	vor.u32 v17, v15  }
0x597: {  	[tilespmem:v21+s9+$0x0] =	vst.idx.add.f32.msk $0xffff, v3  }
0x598: {  	v61 =	vor.u32 v17, v12;
	[tilespmem:v19+s9+$0x0] =	vst.idx.add.f32.msk $0xffff, v3  }
0x599: {  	v19 =	vor.u32 v17, v16;
	[tilespmem:v24+s9+$0x0] =	vst.idx.add.f32.msk $0xffff, v3  }
0x59a: {  	s12 =	simm.s32 $0x0;
	[tilespmem:v20+s9+$0x0] =	vst.idx.add.f32.msk $0xffff, v3  }
0x59b: {  	v20 =	vld.idx.msk [tilespmem:v18+s12+$0x0], $0xffff;
	_ =	sdelay $0x1  }
0x59c: {  	v21 =	vld.idx.msk [tilespmem:v61+s12+$0x0], $0xffff  }
0x59d: {  	v18 =	vor.u32 $0xD800, v0;
	v62 =	vld.idx.msk [tilespmem:v19+s12+$0x0], $0xffff  }
0x59e: {  	v63 =	vor.u32 v17, v13;
	v15 =	vor.u32 v18, v15  }
.Ltmp35:
0x59f: {  	v13 =	vor.u32 v18, v13;
	v16 =	vor.u32 v18, v16;
	v24 =	vshll.u32 v20, $0x3;
	(pc) =	sbr.rel @!p1 .LBB2_72-.Ltmp35, $4  }
0x5a0: {  	v12 =	vor.u32 v18, v12;
	v20 =	vand.u32 $0x7F, v20;
	v25 =	vand.u32 $0xFFFFFC00, v24  }
0x5a1: {  	v19 =	vor.u32 v17, v14;
	v24 =	vor.u32 v18, v14;
	v14 =	vor.u32 v20, v25  }
0x5a2: {  	v25 =	vand.u32 $0x7F, v21;
	v31 =	vshll.u32 v62, $0x3;
	v20 =	vshll.u32 v21, $0x3  }
0x5a3: {  	v29 =	vld.idx.msk [tilespmem:v63+s12+$0x0], $0xffff;
	v30 =	vand.u32 $0x7F, v62;
	v32 =	vadd.s32 v2, v14;
	v28 =	vand.u32 $0xFFFFFC00, v20  }
0x5a4: {  	s14 =	sadd.s32 $0x4, s13;
	s15 =	sadd.s32 $0x2, s13;
	v20 =	vmov s13  }
0x5a5: {  	s30 =	sadd.s32 $0x1, s13;
	v25 =	vor.u32 v25, v28;
	v14 =	vmov s14;
	v21 =	vmov s15  }
0x5a6: {  	v23 =	vmov s30;
	v20 =	vand.u32 $0x7F, v20;
	v14 =	vand.u32 $0x7F, v14  }
0x5a7: {  	v37 =	vadd.s32 v2, v25;
	v21 =	vand.u32 $0x7F, v21;
	v14 =	vbroadcast v14, $0x0  }
0x5a8: {  	[tilespmem:v32+s9+$0x0] =	vst.idx.add.f32.msk $0xffff, v3;
	v21 =	vbroadcast v21, $0x0;
	v22 =	vshll.u32 v29, $0x3;
	v26 =	vand.u32 $0x7F, v29  }
0x5a9: {  	v15 =	vld.idx.msk [tilespmem:v15+s12+$0x0], $0xffff;
	v29 =	vand.u32 $0xFFFFFC00, v31;
	v22 =	vand.u32 $0xFFFFFC00, v22;
	v27 =	vor.u32 v17, v14  }
0x5aa: {  	v31 =	vbroadcast v20, $0x0;
	v22 =	vor.u32 v26, v22;
	v26 =	vor.u32 v17, v21  }
0x5ab: {  	v23 =	vand.u32 $0x7F, v23;
	v29 =	vor.u32 v30, v29;
	v20 =	vadd.s32 v2, v22  }
0x5ac: {  	v19 =	vld.idx.msk [tilespmem:v19+s12+$0x0], $0xffff;
	v23 =	vbroadcast v23, $0x0;
	v30 =	vadd.s32 v2, v29;
	v29 =	vor.u32 v17, v31  }
0x5ad: {  	[tilespmem:v37+s9+$0x0] =	vst.idx.add.f32.msk $0xffff, v3  }
0x5ae: {  	s31 =	sadd.s32 $0x3, s13;
	v63 =	vor.u32 v17, v23;
	v33 =	vshll.u32 v15, $0x3;
	v27 =	vld.idx.msk [tilespmem:v27+s12+$0x0], $0xffff  }
0x5af: {  	v15 =	vand.u32 $0x7F, v15;
	v22 =	vmov s31;
	v28 =	vand.u32 $0xFFFFFC00, v33;
	v26 =	vld.idx.msk [tilespmem:v26+s12+$0x0], $0xffff  }
0x5b0: {  	v22 =	vand.u32 $0x7F, v22;
	v28 =	vor.u32 v15, v28;
	v15 =	vor.u32 v18, v21;
	[tilespmem:v20+s9+$0x0] =	vst.idx.add.f32.msk $0xffff, v3  }
0x5b1: {  	v21 =	vshll.u32 v19, $0x3;
	v22 =	vbroadcast v22, $0x0;
	v20 =	vadd.s32 v5, v28;
	v28 =	vld.idx.msk [tilespmem:v29+s12+$0x0], $0xffff  }
0x5b2: {  	v35 =	vor.u32 v18, v31;
	v19 =	vand.u32 $0x7F, v19;
	v21 =	vand.u32 $0xFFFFFC00, v21;
	v38 =	vld.idx.msk [tilespmem:v13+s12+$0x0], $0xffff  }
0x5b3: {  	p2 =	slt.u32 s13, $0x2D;
	v33 =	vor.u32 v18, v14;
	v14 =	vor.u32 v19, v21;
	v36 =	vor.u32 v17, v22  }
.Ltmp36:
0x5b4: {  	v21 =	vor.u32 v18, v22;
	v34 =	vadd.s32 v2, v14;
	v13 =	vor.u32 v18, v23;
	(pc) =	sbr.rel @!p2 .LBB2_74-.Ltmp36, $4  }
0x5b5: {  	[tilespmem:v30+s9+$0x0] =	vst.idx.add.f32.msk $0xffff, v3;
	v25 =	vand.u32 $0x7F, v27;
	v19 =	vshll.u32 v26, $0x3;
	v22 =	vand.u32 $0x7F, v26  }
0x5b6: {  	v29 =	vld.idx.msk [tilespmem:v63+s12+$0x0], $0xffff;
	v19 =	vand.u32 $0xFFFFFC00, v19;
	v31 =	vshll.u32 v28, $0x3;
	v30 =	vand.u32 $0x7F, v28  }
0x5b7: {  	v14 =	vld.idx.msk [tilespmem:v16+s12+$0x0], $0xffff;
	v16 =	vor.u32 v22, v19;
	v22 =	vshll.u32 v38, $0x3;
	v19 =	vshll.u32 v27, $0x3  }
0x5b8: {  	p1 =	por $0x1, $0x1;
	s14 =	sadd.s32 $0x5, s13;
	v23 =	vand.u32 $0x7F, v38;
	v27 =	vld.idx.msk [tilespmem:v12+s12+$0x0], $0xffff;
	v32 =	vadd.s32 v2, v16;
	v28 =	vand.u32 $0xFFFFFC00, v19  }
0x5b9: {  	_ =	sdelay $0x3  }
0x5ba: {  	s13 =	sadd.s32 $0x1, s14;
	v12 =	vmov s14;
	s15 =	sadd.s32 $0x2, s14;
	v31 =	vand.u32 $0xFFFFFC00, v31;
	[tilespmem:v20+s9+$0x0] =	vst.idx.add.f32.msk $0xffff, v3;
	v20 =	vor.u32 v25, v28  }
0x5bb: {  	s30 =	sadd.s32 $0x3, s14;
	s31 =	sadd.s32 $0x4, s14;
	v22 =	vand.u32 $0xFFFFFC00, v22;
	v19 =	vmov s13;
	v26 =	vmov s15  }
0x5bc: {  	v54 =	vmov s31;
	v37 =	vmov s30;
	v12 =	vand.u32 $0x7F, v12  }
0x5bd: {  	[tilespmem:v34+s9+$0x0] =	vst.idx.add.f32.msk $0xffff, v3;
	v28 =	vadd.s32 v2, v20;
	v16 =	vshll.u32 v29, $0x3;
	v29 =	vand.u32 $0x7F, v29  }
0x5be: {  	v24 =	vld.idx.msk [tilespmem:v24+s12+$0x0], $0xffff;
	v19 =	vand.u32 $0x7F, v19;
	v34 =	vand.u32 $0x7F, v54;
	v26 =	vand.u32 $0x7F, v26  }
0x5bf: {  	[tilespmem:v32+s9+$0x0] =	vst.idx.add.f32.msk $0xffff, v3;
	v12 =	vbroadcast v12, $0x0;
	v16 =	vand.u32 $0xFFFFFC00, v16;
	v34 =	vbroadcast v34, $0x0  }
0x5c0: {  	v56 =	vld.idx.msk [tilespmem:v15+s12+$0x0], $0xffff;
	v55 =	vbroadcast v19, $0x0;
	v15 =	vbroadcast v26, $0x0;
	v16 =	vor.u32 v29, v16  }
0x5c1: {  	v29 =	vor.u32 v30, v31;
	v30 =	vand.u32 $0x7F, v37;
	v38 =	vshll.u32 v27, $0x3  }
0x5c2: {  	v39 =	vor.u32 v17, v12;
	v31 =	vadd.s32 v2, v29;
	v29 =	vor.u32 v17, v34  }
0x5c3: {  	v30 =	vbroadcast v30, $0x0;
	v26 =	vand.u32 $0x7F, v24;
	v24 =	vshll.u32 v24, $0x3  }
0x5c4: {  	v40 =	vor.u32 v17, v55;
	v41 =	vor.u32 v17, v15;
	v24 =	vand.u32 $0xFFFFFC00, v24  }
0x5c5: {  	v25 =	vld.idx.msk [tilespmem:v36+s12+$0x0], $0xffff;
	v16 =	vadd.s32 v2, v16;
	v15 =	vor.u32 v18, v15;
	v20 =	vor.u32 v26, v24  }
0x5c6: {  	s13 =	simm.s32 $0x0;
	[tilespmem:v28+s9+$0x0] =	vst.idx.add.f32.msk $0xffff, v3;
	v24 =	vand.u32 $0x7F, v27;
	v27 =	vshll.u32 v56, $0x3;
	v26 =	vadd.s32 v5, v20  }
0x5c7: {  	v20 =	vand.u32 $0xFFFFFC00, v38;
	v27 =	vand.u32 $0xFFFFFC00, v27;
	v57 =	vld.idx.msk [tilespmem:v29+s13+$0x0], $0xffff;
	v29 =	vand.u32 $0x7F, v56  }
0x5c8: {  	v19 =	vor.u32 v17, v30;
	v58 =	vld.idx.msk [tilespmem:v39+s13+$0x0], $0xffff;
	v20 =	vor.u32 v24, v20;
	v24 =	vor.u32 v29, v27  }
0x5c9: {  	v59 =	vld.idx.msk [tilespmem:v41+s13+$0x0], $0xffff;
	v27 =	vshll.u32 v14, $0x3;
	v60 =	vadd.s32 v5, v20;
	v14 =	vand.u32 $0x7F, v14  }
0x5ca: {  	[tilespmem:v16+s9+$0x0] =	vst.idx.add.f32.msk $0xffff, v3;
	v16 =	vand.u32 $0xFFFFFC00, v27;
	v20 =	vadd.s32 v5, v24;
	v24 =	vor.u32 v18, v30  }
0x5cb: {  	v61 =	vld.idx.msk [tilespmem:v13+s12+$0x0], $0xffff;
	v13 =	vor.u32 v14, v16;
	v14 =	vor.u32 v23, v22;
	v16 =	vshll.u32 v25, $0x3  }
0x5cc: {  	[tilespmem:v31+s9+$0x0] =	vst.idx.add.f32.msk $0xffff, v3;
	v22 =	vand.u32 $0x7F, v25;
	v42 =	vadd.s32 v5, v14;
	v23 =	vand.u32 $0xFFFFFC00, v16  }
0x5cd: {  	p2 =	slt.u32 s14, $0x2D;
	v29 =	vld.idx.msk [tilespmem:v40+s13+$0x0], $0xffff;
	v62 =	vadd.s32 v5, v13;
	v13 =	vor.u32 v18, v55;
	v22 =	vor.u32 v22, v23  }
.Ltmp37:
0x5ce: {  	v27 =	vld.idx.msk [tilespmem:v33+s12+$0x0], $0xffff;
	v16 =	vor.u32 v18, v12;
	v12 =	vor.u32 v18, v34;
	v34 =	vadd.s32 v2, v22;
	(pc) =	sbr.rel @!p2 .LBB2_76-.Ltmp37, $4  }
0x5cf: {  	v14 =	vld.idx.msk [tilespmem:v35+s12+$0x0], $0xffff;
	v31 =	vshll.u32 v58, $0x3;
	v30 =	vand.u32 $0x7F, v58;
	v23 =	vshll.u32 v59, $0x3  }
0x5d0: {  	v25 =	vand.u32 $0x7F, v57;
	v22 =	vand.u32 $0x7F, v59;
	v23 =	vand.u32 $0xFFFFFC00, v23;
	[tilespmem:v60+s9+$0x0] =	vst.idx.add.f32.msk $0xffff, v3  }
0x5d1: {  	v63 =	vshll.u32 v57, $0x3;
	v28 =	vor.u32 v22, v23;
	v22 =	vshll.u32 v61, $0x3;
	[tilespmem:v42+s9+$0x0] =	vst.idx.add.f32.msk $0xffff, v3  }
0x5d2: {  	s14 =	sadd.s32 $0x5, s14;
	p0 =	por $0x1, $0x1;
	v23 =	vand.u32 $0x7F, v61;
	v32 =	vadd.s32 v2, v28;
	v28 =	vand.u32 $0xFFFFFC00, v63;
	[tilespmem:v62+s9+$0x0] =	vst.idx.add.f32.msk $0xffff, v3  }
.LBB2_77:
0x5d3: {  	v33 =	vmov s14;
	s15 =	sadd.s32 $0x1, s14;
	s16 =	sadd.s32 $0x2, s14;
	s17 =	sadd.s32 $0x3, s14;
	v35 =	vshll.u32 v29, $0x3;
	[tilespmem:v34+s9+$0x0] =	vst.idx.add.f32.msk $0xffff, v3  }
0x5d4: {  	p2 =	slt.u32 s14, $0x2D;
	v29 =	vand.u32 $0x7F, v29;
	v34 =	vmov s15;
	v36 =	vmov s16;
	s15 =	sadd.s32 $0x4, s14;
	s14 =	sadd.s32 $0x5, s14;
	[tilespmem:v26+s9+$0x0] =	vst.idx.add.f32.msk $0xffff, v3  }
0x5d5: {  	v31 =	vand.u32 $0xFFFFFC00, v31;
	v26 =	vand.u32 $0x7F, v34;
	v34 =	vmov s15;
	v37 =	vld.idx.msk [tilespmem:v21+s12+$0x0], $0xffff;
	v21 =	vmovc v24;
	s12 =	smov.u32 s13  }
0x5d6: {  	v35 =	vand.u32 $0xFFFFFC00, v35;
	v24 =	vmov s17;
	v34 =	vand.u32 $0x7F, v34;
	[tilespmem:v20+s9+$0x0] =	vst.idx.add.f32.msk $0xffff, v3  }
0x5d7: {  	v29 =	vor.u32 v29, v35;
	v20 =	vand.u32 $0x7F, v36  }
0x5d8: {  	v33 =	vand.u32 $0x7F, v33;
	v30 =	vor.u32 v30, v31;
	v34 =	vbroadcast v34, $0x0  }
0x5d9: {  	v31 =	vbroadcast v33, $0x0;
	v30 =	vadd.s32 v2, v30;
	v24 =	vand.u32 $0x7F, v24;
	[tilespmem:v32+s9+$0x0] =	vst.idx.add.f32.msk $0xffff, v3  }
0x5da: {  	v35 =	vshll.u32 v27, $0x3;
	v32 =	vbroadcast v26, $0x0;
	v26 =	vor.u32 v17, v34;
	v33 =	vld.idx.msk [tilespmem:v15+s12+$0x0], $0xffff  }
0x5db: {  	v24 =	vbroadcast v24, $0x0;
	v15 =	vbroadcast v20, $0x0;
	v20 =	vand.u32 $0x7F, v37  }
0x5dc: {  	v36 =	vor.u32 v17, v31;
	v37 =	vshll.u32 v37, $0x3;
	v38 =	vor.u32 v17, v32  }
0x5dd: {  	v25 =	vor.u32 v25, v28;
	v40 =	vor.u32 v17, v24;
	v39 =	vor.u32 v17, v15  }
0x5de: {  	v28 =	vadd.s32 v2, v29;
	v29 =	vand.u32 $0xFFFFFC00, v37;
	v15 =	vor.u32 v18, v15  }
0x5df: {  	v25 =	vadd.s32 v2, v25;
	v27 =	vand.u32 $0x7F, v27;
	v20 =	vor.u32 v20, v29;
	v37 =	vld.idx.msk [tilespmem:v19+s12+$0x0], $0xffff;
	v19 =	vmovc v40  }
0x5e0: {  	v29 =	vshll.u32 v33, $0x3;
	v40 =	vld.idx.msk [tilespmem:v26+s13+$0x0], $0xffff;
	v26 =	vadd.s32 v5, v20;
	v20 =	vand.u32 $0xFFFFFC00, v35  }
0x5e1: {  	v33 =	vand.u32 $0x7F, v33;
	v29 =	vand.u32 $0xFFFFFC00, v29;
	v35 =	vld.idx.msk [tilespmem:v36+s13+$0x0], $0xffff;
	v20 =	vor.u32 v27, v20  }
0x5e2: {  	v29 =	vor.u32 v33, v29;
	v33 =	vshll.u32 v14, $0x3;
	v27 =	vld.idx.msk [tilespmem:v39+s13+$0x0], $0xffff;
	v36 =	vadd.s32 v5, v20  }
0x5e3: {  	v22 =	vand.u32 $0xFFFFFC00, v22;
	v14 =	vand.u32 $0x7F, v14;
	[tilespmem:v28+s9+$0x0] =	vst.idx.add.f32.msk $0xffff, v3;
	v28 =	vand.u32 $0xFFFFFC00, v33  }
0x5e4: {  	v20 =	vadd.s32 v5, v29;
	v33 =	vld.idx.msk [tilespmem:v13+s12+$0x0], $0xffff;
	v13 =	vor.u32 v14, v28;
	v14 =	vor.u32 v23, v22  }
0x5e5: {  	v22 =	vshll.u32 v37, $0x3;
	v29 =	vld.idx.msk [tilespmem:v38+s13+$0x0], $0xffff;
	v38 =	vadd.s32 v5, v13;
	v28 =	vadd.s32 v5, v14  }
0x5e6: {  	v23 =	vand.u32 $0x7F, v37;
	v13 =	vor.u32 v18, v32;
	v22 =	vand.u32 $0xFFFFFC00, v22;
	[tilespmem:v30+s9+$0x0] =	vst.idx.add.f32.msk $0xffff, v3  }
0x5e7: {  	v30 =	vor.u32 v18, v34;
	v22 =	vor.u32 v23, v22;
	v14 =	vld.idx.msk [tilespmem:v16+s12+$0x0], $0xffff;
	v16 =	vor.u32 v18, v31  }
.Ltmp38:
0x5e8: {  	v24 =	vor.u32 v18, v24;
	v23 =	vshll.u32 v27, $0x3;
	v34 =	vadd.s32 v2, v22;
	[tilespmem:v25+s9+$0x0] =	vst.idx.add.f32.msk $0xffff, v3;
	(pc) =	sbr.rel @p2 .LBB2_77-.Ltmp38, $4  }
0x5e9: {  	v22 =	vand.u32 $0x7F, v27;
	v23 =	vand.u32 $0xFFFFFC00, v23;
	v27 =	vld.idx.msk [tilespmem:v12+s12+$0x0], $0xffff;
	v12 =	vmov v30  }
0x5ea: {  	v25 =	vand.u32 $0x7F, v40;
	v32 =	vor.u32 v22, v23;
	v22 =	vshll.u32 v33, $0x3;
	[tilespmem:v36+s9+$0x0] =	vst.idx.add.f32.msk $0xffff, v3  }
0x5eb: {  	v31 =	vshll.u32 v35, $0x3;
	v23 =	vand.u32 $0x7F, v33;
	v36 =	vshll.u32 v40, $0x3;
	[tilespmem:v28+s9+$0x0] =	vst.idx.add.f32.msk $0xffff, v3  }
0x5ec: {  	v30 =	vand.u32 $0x7F, v35;
	v32 =	vadd.s32 v2, v32;
	v28 =	vand.u32 $0xFFFFFC00, v36;
	[tilespmem:v38+s9+$0x0] =	vst.idx.add.f32.msk $0xffff, v3  }
0x5ed: {  	s14 =	smov.u32 s12;
	v17 =	vmov v21;
	s12 =	smov.u32 s13  }
.LBB2_79:
0x5ee: {  	_ =	sdelay $0x3  }
0x5ef: {  	v18 =	vld.idx.msk [tilespmem:v19+s12+$0x0], $0xffff  }
0x5f0: {  	v19 =	vshll.u32 v29, $0x3  }
0x5f1: {  	v21 =	vand.u32 $0x7F, v29;
	v19 =	vand.u32 $0xFFFFFC00, v19  }
0x5f2: {  	[tilespmem:v34+s9+$0x0] =	vst.idx.add.f32.msk @p1 $0xffff, v3;
	v19 =	vor.u32 v21, v19  }
0x5f3: {  	v17 =	vld.idx.msk @p1 [tilespmem:v17+s14+$0x0], $0xffff;
	v21 =	vor.u32 v25, v28;
	v19 =	vadd.s32 v2, v19  }
0x5f4: {  	[tilespmem:v32+s9+$0x0] =	vst.idx.add.f32.msk $0xffff, v3;
	v21 =	vadd.s32 v2, v21;
	v25 =	vshll.u32 v18, $0x3  }
0x5f5: {  	v15 =	vld.idx.msk [tilespmem:v15+s12+$0x0], $0xffff;
	v18 =	vand.u32 $0x7F, v18;
	v25 =	vand.u32 $0xFFFFFC00, v25  }
0x5f6: {  	v18 =	vor.u32 v18, v25  }
0x5f7: {  	v25 =	vand.u32 $0xFFFFFC00, v31;
	v18 =	vadd.s32 v2, v18  }
0x5f8: {  	v22 =	vand.u32 @p1 $0xFFFFFC00, v22;
	v28 =	vshll.u32 @p1 v17, $0x3;
	v25 =	vor.u32 v30, v25;
	[tilespmem:v19+s9+$0x0] =	vst.idx.add.f32.msk $0xffff, v3  }
0x5f9: {  	v17 =	vand.u32 @p1 $0x7F, v17;
	[tilespmem:v21+s9+$0x0] =	vst.idx.add.f32.msk $0xffff, v3;
	v19 =	vadd.s32 v2, v25;
	v25 =	vand.u32 @p1 $0xFFFFFC00, v28  }
0x5fa: {  	v21 =	vand.u32 @p1 $0x7F, v27;
	v12 =	vld.idx.msk [tilespmem:v12+s12+$0x0], $0xffff;
	v17 =	vor.u32 @p1 v17, v25;
	v25 =	vshll.u32 v15, $0x3  }
0x5fb: {  	v13 =	vld.idx.msk [tilespmem:v13+s12+$0x0], $0xffff;
	v28 =	vshll.u32 @p1 v27, $0x3;
	v15 =	vand.u32 $0x7F, v15;
	v25 =	vand.u32 $0xFFFFFC00, v25  }
0x5fc: {  	v27 =	vand.u32 @p1 $0xFFFFFC00, v28;
	v17 =	vadd.s32 @p1 v5, v17;
	v15 =	vor.u32 v15, v25;
	[tilespmem:v18+s9+$0x0] =	vst.idx.add.f32.msk $0xffff, v3  }
0x5fd: {  	v17 =	vpsel p1, v17, v0;
	v18 =	vor.u32 @p1 v21, v27;
	v21 =	vshll.u32 @p1 v14, $0x3;
	v24 =	vld.idx.msk [tilespmem:v24+s12+$0x0], $0xffff  }
0x5fe: {  	v14 =	vand.u32 @p1 $0x7F, v14;
	v15 =	vadd.s32 v5, v15;
	v21 =	vand.u32 @p1 $0xFFFFFC00, v21;
	[tilespmem:v19+s9+$0x0] =	vst.idx.add.f32.msk $0xffff, v3  }
0x5ff: {  	v18 =	vadd.s32 @p1 v5, v18;
	v19 =	vor.u32 @p1 v23, v22;
	v22 =	vshll.u32 v12, $0x3;
	v16 =	vld.idx.msk [tilespmem:v16+s12+$0x0], $0xffff  }
0x600: {  	v12 =	vand.u32 $0x7F, v12;
	v14 =	vor.u32 @p1 v14, v21;
	v19 =	vadd.s32 @p1 v5, v19  }
0x601: {  	v21 =	vshll.u32 v13, $0x3;
	v13 =	vand.u32 $0x7F, v13;
	v22 =	vand.u32 $0xFFFFFC00, v22  }
0x602: {  	v12 =	vor.u32 v12, v22;
	v23 =	vand.u32 $0x7F, v24;
	v24 =	vshll.u32 v24, $0x3  }
0x603: {  	[tilespmem:v20+s9+$0x0] =	vst.idx.add.f32.msk @p1 $0xffff, v3;
	v14 =	vadd.s32 @p1 v5, v14;
	v20 =	vadd.s32 v5, v12;
	v24 =	vand.u32 $0xFFFFFC00, v24  }
0x604: {  	v22 =	vshll.u32 v16, $0x3;
	v12 =	vand.u32 $0x7F, v16;
	v16 =	vand.u32 $0xFFFFFC00, v21  }
0x605: {  	s13 =	sadd.s32 $0x4, s12;
	[tilespmem:v18+s9+$0x0] =	vst.idx.add.f32.msk @p1 $0xffff, v3;
	v23 =	vor.u32 v23, v24;
	v13 =	vor.u32 v13, v16  }
0x606: {  	[tilespmem:v19+s9+$0x0] =	vst.idx.add.f32.msk @p1 $0xffff, v3;
	v18 =	vand.u32 $0xFFFFFC00, v22;
	v16 =	vmov s13;
	v19 =	vadd.s32 v5, v13  }
0x607: {  	s29 =	sadd.s32 $0x1, s12;
	[tilespmem:v17+s9+$0x0] =	vst.idx.add.f32.msk @p1 $0xffff, v3;
	v12 =	vor.u32 v12, v18;
	v13 =	vand.u32 $0x7F, v16;
	v17 =	vadd.s32 v5, v23  }
0x608: {  	s30 =	sadd.s32 $0x2, s12;
	[tilespmem:v14+s9+$0x0] =	vst.idx.add.f32.msk @p1 $0xffff, v3;
	v16 =	vmov s29;
	v14 =	vadd.s32 v5, v12;
	v12 =	vbroadcast v13, $0x0  }
0x609: {  	[tilespmem:v15+s9+$0x0] =	vst.idx.add.f32.msk $0xffff, v3;
	v15 =	vmov s30;
	v18 =	vor.u32 $0xE000, v0;
	v13 =	vand.u32 $0x7F, v16  }
0x60a: {  	s31 =	sadd.s32 $0x3, s12;
	v15 =	vand.u32 $0x7F, v15;
	[tilespmem:v20+s9+$0x0] =	vst.idx.add.f32.msk $0xffff, v3;
	v13 =	vbroadcast v13, $0x0;
	v16 =	vor.u32 v18, v12  }
0x60b: {  	v15 =	vbroadcast v15, $0x0;
	v20 =	vmov s31;
	[tilespmem:v19+s9+$0x0] =	vst.idx.add.f32.msk $0xffff, v3  }
0x60c: {  	v19 =	vand.u32 $0x7F, v20;
	v20 =	vor.u32 v18, v13;
	[tilespmem:v17+s9+$0x0] =	vst.idx.add.f32.msk $0xffff, v3  }
0x60d: {  	v17 =	vor.u32 v18, v15;
	[tilespmem:v14+s9+$0x0] =	vst.idx.add.f32.msk $0xffff, v3;
	v14 =	vbroadcast v19, $0x0  }
0x60e: {  	[tilespmem:v26+s9+$0x0] =	vst.idx.add.f32.msk @p0 $0xffff, v3  }
0x60f: {  	v19 =	vor.u32 v18, v14;
	v21 =	vld.idx.msk [tilespmem:v16+s12+$0x0], $0xffff  }
0x610: {  	v16 =	vmov s12  }
0x611: {  	v16 =	vand.u32 $0x7F, v16;
	v20 =	vld.idx.msk [tilespmem:v20+s12+$0x0], $0xffff  }
0x612: {  	v16 =	vbroadcast v16, $0x0;
	v22 =	vld.idx.msk [tilespmem:v17+s12+$0x0], $0xffff;
	_ =	sdelay $0x1  }
0x613: {  	p1 =	slt.u32 s12, $0x2D;
	v23 =	vor.u32 v18, v16;
	v19 =	vld.idx.msk [tilespmem:v19+s12+$0x0], $0xffff;
	v17 =	vshll.u32 v21, $0x3  }
.Ltmp39:
0x614: {  	v21 =	vand.u32 $0x7F, v21;
	v17 =	vand.u32 $0xFFFFFC00, v17;
	(pc) =	sbr.rel @!p1 .LBB2_80-.Ltmp39, $4  }
0x615: {  	v17 =	vor.u32 v21, v17;
	v21 =	vshll.u32 v20, $0x3  }
0x616: {  	v35 =	vand.u32 $0x7F, v20;
	v27 =	vand.u32 $0x7F, v22;
	v38 =	vshll.u32 v22, $0x3  }
0x617: {  	v30 =	vadd.s32 v2, v17;
	v17 =	vor.u32 $0xE800, v0;
	v33 =	vand.u32 $0xFFFFFC00, v21  }
0x618: {  	p2 =	por $0x0, $0x0;
	p0 =	por $0x0, $0x0;
	s13 =	sadd.s32 $0x5, s12;
	v23 =	vld.idx.msk [tilespmem:v23+s12+$0x0], $0xffff;
	v20 =	vor.u32 v17, v16;
	v34 =	vand.u32 $0x7F, v19;
	v41 =	vshll.u32 v19, $0x3  }
0x619: {  	s14 =	sadd.s32 $0x4, s13  }
0x61a: {  	s31 =	sadd.s32 $0x1, s13;
	v19 =	vmov s14  }
0x61b: {  	s16 =	sadd.s32 $0x3, s13;
	v22 =	vor.u32 v17, v12;
	v21 =	vmov s31;
	v19 =	vand.u32 $0x7F, v19  }
0x61c: {  	s15 =	sadd.s32 $0x2, s13;
	v25 =	vmov s16;
	v21 =	vand.u32 $0x7F, v21;
	v19 =	vbroadcast v19, $0x0  }
0x61d: {  	v24 =	vmov s15;
	v25 =	vand.u32 $0x7F, v25;
	v31 =	vbroadcast v21, $0x0  }
0x61e: {  	v24 =	vand.u32 $0x7F, v24;
	v21 =	vbroadcast v25, $0x0;
	v26 =	vor.u32 v18, v19  }
0x61f: {  	v32 =	vbroadcast v24, $0x0;
	v29 =	vor.u32 v18, v31  }
0x620: {  	v28 =	vmov s13;
	v25 =	vand.u32 $0xFFFFFC00, v41;
	v24 =	vor.u32 v18, v21  }
0x621: {  	[tilespmem:v30+s9+$0x0] =	vst.idx.add.f32.msk $0xffff, v3;
	v37 =	vand.u32 $0xFFFFFC00, v38;
	v25 =	vor.u32 v34, v25;
	v61 =	vor.u32 v18, v32  }
0x622: {  	v33 =	vor.u32 v35, v33;
	v28 =	vand.u32 $0x7F, v28;
	v22 =	vld.idx.msk [tilespmem:v22+s12+$0x0], $0xffff;
	v25 =	vadd.s32 v2, v25  }
0x623: {  	v27 =	vor.u32 v27, v37;
	v63 =	vadd.s32 v2, v33;
	v28 =	vbroadcast v28, $0x0;
	v26 =	vld.idx.msk [tilespmem:v26+s12+$0x0], $0xffff  }
0x624: {  	v39 =	vadd.s32 v2, v27;
	v30 =	vshll.u32 v23, $0x3;
	v29 =	vld.idx.msk [tilespmem:v29+s12+$0x0], $0xffff  }
0x625: {  	v23 =	vand.u32 $0x7F, v23;
	v36 =	vor.u32 v18, v28;
	v30 =	vand.u32 $0xFFFFFC00, v30;
	v24 =	vld.idx.msk [tilespmem:v24+s12+$0x0], $0xffff  }
0x626: {  	v23 =	vor.u32 v23, v30;
	v30 =	vor.u32 v17, v14;
	v34 =	vld.idx.msk [tilespmem:v61+s12+$0x0], $0xffff  }
0x627: {  	v62 =	vadd.s32 v2, v23;
	[tilespmem:v25+s9+$0x0] =	vst.idx.add.f32.msk $0xffff, v3;
	v25 =	vand.u32 $0x7F, v22;
	v22 =	vshll.u32 v22, $0x3  }
0x628: {  	v40 =	vor.u32 v17, v13;
	p3 =	slt.u32 s13, $0x2D;
	v37 =	vor.u32 v17, v15;
	[tilespmem:v63+s9+$0x0] =	vst.idx.add.f32.msk $0xffff, v3;
	v22 =	vand.u32 $0xFFFFFC00, v22  }
.Ltmp40:
0x629: {  	v42 =	vor.u32 v17, v28;
	[tilespmem:v39+s9+$0x0] =	vst.idx.add.f32.msk $0xffff, v3;
	v25 =	vor.u32 v25, v22;
	v27 =	vshll.u32 v26, $0x3;
	(pc) =	sbr.rel @!p3 .LBB2_82-.Ltmp40, $4  }
0x62a: {  	v23 =	vld.idx.msk [tilespmem:v36+s12+$0x0], $0xffff;
	v25 =	vadd.s32 v5, v25;
	v26 =	vand.u32 $0x7F, v26;
	v27 =	vand.u32 $0xFFFFFC00, v27  }
0x62b: {  	v22 =	vld.idx.msk [tilespmem:v30+s12+$0x0], $0xffff;
	v35 =	vand.u32 $0x7F, v29;
	v38 =	vshll.u32 v34, $0x3;
	v26 =	vor.u32 v26, v27  }
0x62c: {  	[tilespmem:v62+s9+$0x0] =	vst.idx.add.f32.msk $0xffff, v3;
	v41 =	vshll.u32 v24, $0x3;
	v27 =	vshll.u32 v29, $0x3;
	v30 =	vadd.s32 v2, v26  }
0x62d: {  	p2 =	por $0x1, $0x1;
	s14 =	sadd.s32 $0x5, s13;
	v33 =	vand.u32 $0xFFFFFC00, v27;
	v27 =	vand.u32 $0x7F, v34;
	v34 =	vand.u32 $0x7F, v24;
	v24 =	vld.idx.msk [tilespmem:v20+s12+$0x0], $0xffff  }
0x62e: {  	v20 =	vmov s14;
	v26 =	vor.u32 v17, v19;
	v38 =	vand.u32 $0xFFFFFC00, v38  }
0x62f: {  	s15 =	sadd.s32 $0x1, s14;
	s16 =	sadd.s32 $0x2, s14;
	v39 =	vor.u32 v17, v21;
	v33 =	vor.u32 v35, v33;
	v62 =	vand.u32 $0xFFFFFC00, v41  }
0x630: {  	s30 =	sadd.s32 $0x3, s14;
	v36 =	vand.u32 $0x7F, v23;
	v19 =	vmov s15;
	v28 =	vmov s16  }
0x631: {  	v21 =	vmov s30;
	v20 =	vand.u32 $0x7F, v20;
	v23 =	vshll.u32 v23, $0x3  }
0x632: {  	s31 =	sadd.s32 $0x4, s14;
	v27 =	vor.u32 v27, v38;
	v47 =	vadd.s32 v2, v33;
	v54 =	vor.u32 v34, v62  }
0x633: {  	v29 =	vand.u32 $0x7F, v19;
	v19 =	vmov s31;
	v28 =	vand.u32 $0x7F, v28  }
0x634: {  	v21 =	vand.u32 $0x7F, v21;
	v44 =	vand.u32 $0x7F, v22;
	v20 =	vbroadcast v20, $0x0  }
0x635: {  	v33 =	vadd.s32 v2, v54;
	v48 =	vadd.s32 v2, v27;
	v22 =	vshll.u32 v22, $0x3  }
0x636: {  	v40 =	vld.idx.msk [tilespmem:v40+s12+$0x0], $0xffff;
	v19 =	vand.u32 $0x7F, v19;
	v28 =	vbroadcast v28, $0x0;
	v29 =	vbroadcast v29, $0x0  }
0x637: {  	v37 =	vld.idx.msk [tilespmem:v37+s12+$0x0], $0xffff;
	v23 =	vand.u32 $0xFFFFFC00, v23;
	v21 =	vbroadcast v21, $0x0;
	v19 =	vbroadcast v19, $0x0  }
0x638: {  	[tilespmem:v30+s9+$0x0] =	vst.idx.add.f32.msk $0xffff, v3;
	v22 =	vand.u32 $0xFFFFFC00, v22;
	v23 =	vor.u32 v36, v23;
	v45 =	vor.u32 v18, v29  }
0x639: {  	[tilespmem:v25+s9+$0x0] =	vst.idx.add.f32.msk $0xffff, v3;
	v63 =	vand.u32 $0x7F, v24;
	v53 =	vor.u32 v18, v20;
	v30 =	vor.u32 v18, v19  }
0x63a: {  	v22 =	vor.u32 v44, v22;
	v60 =	vadd.s32 v2, v23;
	v43 =	vld.idx.msk [tilespmem:v26+s12+$0x0], $0xffff;
	v55 =	vor.u32 v18, v28  }
0x63b: {  	v23 =	vshll.u32 v24, $0x3;
	v20 =	vor.u32 v17, v20;
	v46 =	vor.u32 v18, v21;
	[tilespmem:v47+s9+$0x0] =	vst.idx.add.f32.msk $0xffff, v3  }
0x63c: {  	v26 =	vshll.u32 v40, $0x3;
	v52 =	vand.u32 $0x7F, v40;
	v27 =	vand.u32 $0x7F, v37;
	[tilespmem:v33+s9+$0x0] =	vst.idx.add.f32.msk $0xffff, v3  }
0x63d: {  	v56 =	vshll.u32 v37, $0x3;
	v59 =	vadd.s32 v5, v22;
	v62 =	vand.u32 $0xFFFFFC00, v23;
	v57 =	vld.idx.msk [tilespmem:v45+s12+$0x0], $0xffff  }
0x63e: {  	v40 =	vor.u32 v17, v31;
	v37 =	vor.u32 v17, v32;
	v26 =	vand.u32 $0xFFFFFC00, v26;
	v30 =	vld.idx.msk [tilespmem:v30+s12+$0x0], $0xffff  }
0x63f: {  	v35 =	vand.u32 $0xFFFFFC00, v56;
	v34 =	vor.u32 v63, v62;
	v22 =	vshll.u32 v43, $0x3;
	v24 =	vld.idx.msk [tilespmem:v55+s12+$0x0], $0xffff  }
0x640: {  	v26 =	vor.u32 v52, v26;
	v25 =	vand.u32 $0x7F, v43;
	v58 =	vld.idx.msk [tilespmem:v46+s12+$0x0], $0xffff;
	v22 =	vand.u32 $0xFFFFFC00, v22  }
0x641: {  	p4 =	slt.u32 s14, $0x2D;
	v36 =	vadd.s32 v5, v34;
	v27 =	vor.u32 v27, v35;
	v23 =	vld.idx.msk [tilespmem:v53+s12+$0x0], $0xffff;
	v25 =	vor.u32 v25, v22  }
.Ltmp41:
0x642: {  	v26 =	vadd.s32 v5, v26;
	v22 =	vld.idx.msk [tilespmem:v39+s12+$0x0], $0xffff;
	v39 =	vadd.s32 v5, v27;
	v25 =	vadd.s32 v5, v25;
	(pc) =	sbr.rel @!p4 .LBB2_84-.Ltmp41, $4  }
0x643: {  	[tilespmem:v48+s9+$0x0] =	vst.idx.add.f32.msk $0xffff, v3;
	v63 =	vshll.u32 v57, $0x3;
	v35 =	vand.u32 $0x7F, v57;
	v61 =	vshll.u32 v30, $0x3  }
0x644: {  	[tilespmem:v60+s9+$0x0] =	vst.idx.add.f32.msk $0xffff, v3;
	v27 =	vand.u32 $0x7F, v24;
	v30 =	vand.u32 $0x7F, v30;
	v33 =	vand.u32 $0xFFFFFC00, v61  }
0x645: {  	[tilespmem:v59+s9+$0x0] =	vst.idx.add.f32.msk $0xffff, v3;
	v38 =	vshll.u32 v24, $0x3;
	v34 =	vand.u32 $0x7F, v58;
	v30 =	vor.u32 v30, v33  }
0x646: {  	s14 =	sadd.s32 $0x5, s14;
	p3 =	por $0x1, $0x1;
	v41 =	vshll.u32 v58, $0x3;
	v24 =	vld.idx.msk [tilespmem:v42+s12+$0x0], $0xffff;
	v33 =	vand.u32 $0xFFFFFC00, v63;
	v30 =	vadd.s32 v2, v30  }
.LBB2_85:
0x647: {  	v31 =	vmov s14;
	s15 =	sadd.s32 $0x1, s14;
	s16 =	sadd.s32 $0x2, s14;
	s17 =	sadd.s32 $0x3, s14;
	v32 =	vand.u32 $0x7F, v23;
	v42 =	vor.u32 v17, v19;
	[tilespmem:v39+s9+$0x0] =	vst.idx.add.f32.msk $0xffff, v3  }
0x648: {  	p4 =	slt.u32 s14, $0x2D;
	v38 =	vand.u32 $0xFFFFFC00, v38;
	v19 =	vmov s15;
	v39 =	vmov s16;
	s15 =	sadd.s32 $0x4, s14;
	s14 =	sadd.s32 $0x5, s14;
	[tilespmem:v26+s9+$0x0] =	vst.idx.add.f32.msk $0xffff, v3  }
0x649: {  	v43 =	vor.u32 v17, v21;
	v26 =	vand.u32 $0x7F, v19;
	v19 =	vmov s15;
	v40 =	vld.idx.msk [tilespmem:v40+s12+$0x0], $0xffff  }
0x64a: {  	v33 =	vor.u32 v35, v33;
	v21 =	vmov s17;
	v19 =	vand.u32 $0x7F, v19;
	[tilespmem:v36+s9+$0x0] =	vst.idx.add.f32.msk $0xffff, v3  }
0x64b: {  	v35 =	vand.u32 $0x7F, v39;
	v36 =	vand.u32 $0xFFFFFC00, v41;
	[tilespmem:v25+s9+$0x0] =	vst.idx.add.f32.msk $0xffff, v3  }
0x64c: {  	v21 =	vand.u32 $0x7F, v21;
	v19 =	vbroadcast v19, $0x0;
	v25 =	vand.u32 $0x7F, v24;
	[tilespmem:v30+s9+$0x0] =	vst.idx.add.f32.msk $0xffff, v3  }
0x64d: {  	v23 =	vshll.u32 v23, $0x3;
	v30 =	vand.u32 $0x7F, v31;
	v31 =	vbroadcast v35, $0x0;
	v35 =	vld.idx.msk [tilespmem:v42+s12+$0x0], $0xffff  }
0x64e: {  	v39 =	vand.u32 $0x7F, v22;
	v41 =	vbroadcast v26, $0x0;
	v26 =	vor.u32 v18, v19  }
0x64f: {  	v21 =	vbroadcast v21, $0x0;
	v42 =	vbroadcast v30, $0x0;
	v30 =	vshll.u32 v40, $0x3;
	v37 =	vld.idx.msk [tilespmem:v37+s12+$0x0], $0xffff  }
0x650: {  	v27 =	vor.u32 v27, v38;
	v44 =	vor.u32 v18, v41;
	v38 =	vand.u32 $0x7F, v40  }
0x651: {  	v45 =	vor.u32 v18, v21;
	v40 =	vor.u32 v18, v42;
	v30 =	vand.u32 $0xFFFFFC00, v30  }
0x652: {  	v46 =	vadd.s32 v2, v33;
	v33 =	vor.u32 v34, v36;
	v30 =	vor.u32 v38, v30  }
0x653: {  	v33 =	vadd.s32 v2, v33;
	v34 =	vor.u32 v18, v31;
	v36 =	vld.idx.msk [tilespmem:v26+s12+$0x0], $0xffff;
	v26 =	vadd.s32 v5, v30  }
0x654: {  	v47 =	vadd.s32 v2, v27;
	v22 =	vshll.u32 v22, $0x3;
	v27 =	vand.u32 $0x7F, v35  }
0x655: {  	v22 =	vand.u32 $0xFFFFFC00, v22;
	v30 =	vand.u32 $0x7F, v37;
	v37 =	vshll.u32 v37, $0x3  }
0x656: {  	v23 =	vand.u32 $0xFFFFFC00, v23;
	v22 =	vor.u32 v39, v22;
	v37 =	vand.u32 $0xFFFFFC00, v37;
	v38 =	vld.idx.msk [tilespmem:v44+s12+$0x0], $0xffff  }
0x657: {  	v23 =	vor.u32 v32, v23;
	v32 =	vshll.u32 v35, $0x3;
	v35 =	vadd.s32 v5, v22;
	v44 =	vld.idx.msk [tilespmem:v45+s12+$0x0], $0xffff  }
0x658: {  	v22 =	vand.u32 $0xFFFFFC00, v32;
	v45 =	vadd.s32 v2, v23;
	v23 =	vshll.u32 v24, $0x3;
	[tilespmem:v33+s9+$0x0] =	vst.idx.add.f32.msk $0xffff, v3  }
0x659: {  	v27 =	vor.u32 v27, v22;
	v32 =	vshll.u32 v36, $0x3;
	v22 =	vand.u32 $0xFFFFFC00, v23;
	v24 =	vld.idx.msk [tilespmem:v34+s12+$0x0], $0xffff  }
0x65a: {  	v33 =	vand.u32 $0x7F, v36;
	v32 =	vand.u32 $0xFFFFFC00, v32;
	v25 =	vor.u32 v25, v22;
	v23 =	vld.idx.msk [tilespmem:v40+s12+$0x0], $0xffff  }
0x65b: {  	v32 =	vor.u32 v33, v32;
	v36 =	vadd.s32 v5, v25;
	v25 =	vor.u32 v30, v37;
	v22 =	vld.idx.msk [tilespmem:v43+s12+$0x0], $0xffff  }
.Ltmp42:
0x65c: {  	v33 =	vshll.u32 v38, $0x3;
	v30 =	vadd.s32 v2, v32;
	v39 =	vadd.s32 v5, v25;
	[tilespmem:v35+s9+$0x0] =	vst.idx.add.f32.msk $0xffff, v3;
	(pc) =	sbr.rel @p4 .LBB2_85-.Ltmp42, $4  }
0x65d: {  	v40 =	vor.u32 v17, v29;
	v29 =	vmov v41;
	v25 =	vadd.s32 v5, v27;
	[tilespmem:v45+s9+$0x0] =	vst.idx.add.f32.msk $0xffff, v3  }
0x65e: {  	v37 =	vor.u32 v17, v28;
	v28 =	vmov v31;
	v33 =	vand.u32 $0xFFFFFC00, v33;
	[tilespmem:v46+s9+$0x0] =	vst.idx.add.f32.msk $0xffff, v3  }
0x65f: {  	v35 =	vand.u32 $0x7F, v38;
	v27 =	vand.u32 $0x7F, v24;
	v38 =	vshll.u32 v24, $0x3;
	[tilespmem:v47+s9+$0x0] =	vst.idx.add.f32.msk $0xffff, v3  }
0x660: {  	v34 =	vand.u32 $0x7F, v44;
	v41 =	vshll.u32 v44, $0x3;
	v24 =	vld.idx.msk [tilespmem:v20+s12+$0x0], $0xffff;
	v20 =	vor.u32 v17, v42  }
0x661: {  	v31 =	vmov v29;
	v32 =	vmov v28  }
.LBB2_87:
0x662: {  	_ = 	snop  }
0x663: {  	v18 =	vor.u32 v17, v19;
	v19 =	vand.u32 $0xFFFFFC00, v41  }
0x664: {  	v28 =	vshll.u32 v23, $0x3;
	v19 =	vor.u32 v34, v19  }
0x665: {  	v58 =	vand.u32 $0x7F, v23;
	v28 =	vand.u32 $0xFFFFFC00, v28;
	v19 =	vadd.s32 v2, v19  }
0x666: {  	v29 =	vld.idx.msk @p2 [tilespmem:v40+s12+$0x0], $0xffff;
	v21 =	vor.u32 v17, v21;
	v23 =	vor.u32 v58, v28  }
0x667: {  	v33 =	vor.u32 v35, v33;
	[tilespmem:v30+s9+$0x0] =	vst.idx.add.f32.msk $0xffff, v3;
	v28 =	vand.u32 $0xFFFFFC00, v38;
	v23 =	vadd.s32 v2, v23  }
0x668: {  	v30 =	vld.idx.msk @p2 [tilespmem:v37+s12+$0x0], $0xffff;
	v27 =	vor.u32 v27, v28;
	v28 =	vadd.s32 v2, v33  }
0x669: {  	v27 =	vadd.s32 v2, v27;
	v18 =	vld.idx.msk [tilespmem:v18+s12+$0x0], $0xffff  }
0x66a: {  	v33 =	vand.u32 @p2 $0x7F, v24;
	v24 =	vshll.u32 @p2 v24, $0x3;
	[tilespmem:v19+s9+$0x0] =	vst.idx.add.f32.msk $0xffff, v3  }
0x66b: {  	v31 =	vor.u32 v17, v31;
	v17 =	vor.u32 v17, v32;
	v24 =	vand.u32 @p2 $0xFFFFFC00, v24;
	v21 =	vld.idx.msk [tilespmem:v21+s12+$0x0], $0xffff  }
0x66c: {  	v34 =	vshll.u32 @p2 v29, $0x3;
	v24 =	vor.u32 @p2 v33, v24;
	v19 =	vand.u32 @p2 $0x7F, v29;
	[tilespmem:v23+s9+$0x0] =	vst.idx.add.f32.msk $0xffff, v3  }
0x66d: {  	v29 =	vand.u32 @p2 $0xFFFFFC00, v34;
	v34 =	vand.u32 @p2 $0x7F, v22;
	v22 =	vshll.u32 @p2 v22, $0x3;
	[tilespmem:v28+s9+$0x0] =	vst.idx.add.f32.msk $0xffff, v3  }
0x66e: {  	v19 =	vor.u32 @p2 v19, v29;
	v28 =	vand.u32 @p2 $0x7F, v30;
	v29 =	vshll.u32 @p2 v30, $0x3;
	[tilespmem:v27+s9+$0x0] =	vst.idx.add.f32.msk $0xffff, v3  }
0x66f: {  	v22 =	vand.u32 @p2 $0xFFFFFC00, v22;
	v23 =	vadd.s32 @p2 v5, v24;
	v19 =	vadd.s32 @p2 v5, v19;
	v20 =	vld.idx.msk [tilespmem:v20+s12+$0x0], $0xffff  }
0x670: {  	v27 =	vand.u32 @p2 $0xFFFFFC00, v29;
	v22 =	vor.u32 @p2 v34, v22;
	v29 =	vld.idx.msk [tilespmem:v31+s12+$0x0], $0xffff;
	v23 =	vpsel p2, v23, v0  }
0x671: {  	v59 =	vand.u32 $0x7F, v18;
	v18 =	vshll.u32 v18, $0x3;
	v27 =	vor.u32 @p2 v28, v27  }
0x672: {  	v22 =	vadd.s32 @p2 v5, v22;
	v17 =	vld.idx.msk [tilespmem:v17+s12+$0x0], $0xffff;
	v18 =	vand.u32 $0xFFFFFC00, v18;
	v24 =	vadd.s32 @p2 v5, v27  }
0x673: {  	v19 =	vpsel p2, v19, v0;
	v18 =	vor.u32 v59, v18;
	v24 =	vpsel p2, v24, v0  }
0x674: {  	[tilespmem:v39+s9+$0x0] =	vst.idx.add.f32.msk @p3 $0xffff, v3;
	v18 =	vadd.s32 v5, v18;
	v28 =	vand.u32 $0x7F, v21;
	v21 =	vshll.u32 v21, $0x3  }
0x675: {  	[tilespmem:v26+s9+$0x0] =	vst.idx.add.f32.msk @p3 $0xffff, v3;
	v27 =	vand.u32 $0x7F, v20;
	v26 =	vshll.u32 v29, $0x3;
	v29 =	vand.u32 $0x7F, v29  }
0x676: {  	[tilespmem:v36+s9+$0x0] =	vst.idx.add.f32.msk @p3 $0xffff, v3;
	v21 =	vand.u32 $0xFFFFFC00, v21;
	v20 =	vshll.u32 v20, $0x3;
	v26 =	vand.u32 $0xFFFFFC00, v26  }
0x677: {  	[tilespmem:v25+s9+$0x0] =	vst.idx.add.f32.msk @p2 $0xffff, v3;
	v30 =	vshll.u32 v17, $0x3;
	v17 =	vand.u32 $0x7F, v17;
	v21 =	vor.u32 v28, v21  }
0x678: {  	[tilespmem:v23+s9+$0x0] =	vst.idx.add.f32.msk @p2 $0xffff, v3;
	v25 =	vand.u32 $0xFFFFFC00, v30;
	v21 =	vadd.s32 v5, v21;
	v60 =	vor.u32 v29, v26  }
0x679: {  	v20 =	vand.u32 $0xFFFFFC00, v20;
	[tilespmem:v19+s9+$0x0] =	vst.idx.add.f32.msk @p2 $0xffff, v3;
	v17 =	vor.u32 v17, v25;
	v19 =	vadd.s32 v5, v60  }
0x67a: {  	[tilespmem:v24+s9+$0x0] =	vst.idx.add.f32.msk @p2 $0xffff, v3;
	v24 =	vadd.s32 v5, v17;
	v17 =	vor.u32 v27, v20  }
0x67b: {  	[tilespmem:v22+s9+$0x0] =	vst.idx.add.f32.msk @p2 $0xffff, v3;
	v20 =	vadd.s32 v5, v17;
	v17 =	vor.u32 $0xF000, v0  }
0x67c: {  	[tilespmem:v18+s9+$0x0] =	vst.idx.add.f32.msk $0xffff, v3;
	v18 =	vor.u32 v17, v15  }
0x67d: {  	[tilespmem:v21+s9+$0x0] =	vst.idx.add.f32.msk $0xffff, v3  }
0x67e: {  	v61 =	vor.u32 v17, v12;
	[tilespmem:v19+s9+$0x0] =	vst.idx.add.f32.msk $0xffff, v3  }
0x67f: {  	v19 =	vor.u32 v17, v16;
	[tilespmem:v24+s9+$0x0] =	vst.idx.add.f32.msk $0xffff, v3  }
0x680: {  	s12 =	simm.s32 $0x0;
	[tilespmem:v20+s9+$0x0] =	vst.idx.add.f32.msk $0xffff, v3  }
0x681: {  	v20 =	vld.idx.msk [tilespmem:v18+s12+$0x0], $0xffff;
	_ =	sdelay $0x1  }
0x682: {  	v21 =	vld.idx.msk [tilespmem:v61+s12+$0x0], $0xffff  }
0x683: {  	v18 =	vor.u32 $0xF800, v0;
	v62 =	vld.idx.msk [tilespmem:v19+s12+$0x0], $0xffff  }
0x684: {  	v63 =	vor.u32 v17, v13;
	v15 =	vor.u32 v18, v15  }
.Ltmp43:
0x685: {  	v13 =	vor.u32 v18, v13;
	v16 =	vor.u32 v18, v16;
	v24 =	vshll.u32 v20, $0x3;
	(pc) =	sbr.rel @!p1 .LBB2_88-.Ltmp43, $4  }
0x686: {  	v12 =	vor.u32 v18, v12;
	v20 =	vand.u32 $0x7F, v20;
	v25 =	vand.u32 $0xFFFFFC00, v24  }
0x687: {  	v19 =	vor.u32 v17, v14;
	v24 =	vor.u32 v18, v14;
	v14 =	vor.u32 v20, v25  }
0x688: {  	v25 =	vand.u32 $0x7F, v21;
	v31 =	vshll.u32 v62, $0x3;
	v20 =	vshll.u32 v21, $0x3  }
0x689: {  	v29 =	vld.idx.msk [tilespmem:v63+s12+$0x0], $0xffff;
	v30 =	vand.u32 $0x7F, v62;
	v32 =	vadd.s32 v2, v14;
	v28 =	vand.u32 $0xFFFFFC00, v20  }
0x68a: {  	s14 =	sadd.s32 $0x4, s13;
	s15 =	sadd.s32 $0x2, s13;
	v20 =	vmov s13  }
0x68b: {  	s30 =	sadd.s32 $0x1, s13;
	v25 =	vor.u32 v25, v28;
	v14 =	vmov s14;
	v21 =	vmov s15  }
0x68c: {  	v23 =	vmov s30;
	v20 =	vand.u32 $0x7F, v20;
	v14 =	vand.u32 $0x7F, v14  }
0x68d: {  	v37 =	vadd.s32 v2, v25;
	v21 =	vand.u32 $0x7F, v21;
	v14 =	vbroadcast v14, $0x0  }
0x68e: {  	[tilespmem:v32+s9+$0x0] =	vst.idx.add.f32.msk $0xffff, v3;
	v21 =	vbroadcast v21, $0x0;
	v22 =	vshll.u32 v29, $0x3;
	v26 =	vand.u32 $0x7F, v29  }
0x68f: {  	v15 =	vld.idx.msk [tilespmem:v15+s12+$0x0], $0xffff;
	v29 =	vand.u32 $0xFFFFFC00, v31;
	v22 =	vand.u32 $0xFFFFFC00, v22;
	v27 =	vor.u32 v17, v14  }
0x690: {  	v31 =	vbroadcast v20, $0x0;
	v22 =	vor.u32 v26, v22;
	v26 =	vor.u32 v17, v21  }
0x691: {  	v23 =	vand.u32 $0x7F, v23;
	v29 =	vor.u32 v30, v29;
	v20 =	vadd.s32 v2, v22  }
0x692: {  	v19 =	vld.idx.msk [tilespmem:v19+s12+$0x0], $0xffff;
	v23 =	vbroadcast v23, $0x0;
	v30 =	vadd.s32 v2, v29;
	v29 =	vor.u32 v17, v31  }
0x693: {  	[tilespmem:v37+s9+$0x0] =	vst.idx.add.f32.msk $0xffff, v3  }
0x694: {  	s31 =	sadd.s32 $0x3, s13;
	v63 =	vor.u32 v17, v23;
	v33 =	vshll.u32 v15, $0x3;
	v27 =	vld.idx.msk [tilespmem:v27+s12+$0x0], $0xffff  }
0x695: {  	v15 =	vand.u32 $0x7F, v15;
	v22 =	vmov s31;
	v28 =	vand.u32 $0xFFFFFC00, v33;
	v26 =	vld.idx.msk [tilespmem:v26+s12+$0x0], $0xffff  }
0x696: {  	v22 =	vand.u32 $0x7F, v22;
	v28 =	vor.u32 v15, v28;
	v15 =	vor.u32 v18, v21;
	[tilespmem:v20+s9+$0x0] =	vst.idx.add.f32.msk $0xffff, v3  }
0x697: {  	v21 =	vshll.u32 v19, $0x3;
	v22 =	vbroadcast v22, $0x0;
	v20 =	vadd.s32 v5, v28;
	v28 =	vld.idx.msk [tilespmem:v29+s12+$0x0], $0xffff  }
0x698: {  	v35 =	vor.u32 v18, v31;
	v19 =	vand.u32 $0x7F, v19;
	v21 =	vand.u32 $0xFFFFFC00, v21;
	v38 =	vld.idx.msk [tilespmem:v13+s12+$0x0], $0xffff  }
0x699: {  	p2 =	slt.u32 s13, $0x2D;
	v33 =	vor.u32 v18, v14;
	v14 =	vor.u32 v19, v21;
	v36 =	vor.u32 v17, v22  }
.Ltmp44:
0x69a: {  	v21 =	vor.u32 v18, v22;
	v34 =	vadd.s32 v2, v14;
	v13 =	vor.u32 v18, v23;
	(pc) =	sbr.rel @!p2 .LBB2_90-.Ltmp44, $4  }
0x69b: {  	[tilespmem:v30+s9+$0x0] =	vst.idx.add.f32.msk $0xffff, v3;
	v25 =	vand.u32 $0x7F, v27;
	v19 =	vshll.u32 v26, $0x3;
	v22 =	vand.u32 $0x7F, v26  }
0x69c: {  	v29 =	vld.idx.msk [tilespmem:v63+s12+$0x0], $0xffff;
	v19 =	vand.u32 $0xFFFFFC00, v19;
	v31 =	vshll.u32 v28, $0x3;
	v30 =	vand.u32 $0x7F, v28  }
0x69d: {  	v14 =	vld.idx.msk [tilespmem:v16+s12+$0x0], $0xffff;
	v16 =	vor.u32 v22, v19;
	v22 =	vshll.u32 v38, $0x3;
	v19 =	vshll.u32 v27, $0x3  }
0x69e: {  	p1 =	por $0x1, $0x1;
	s14 =	sadd.s32 $0x5, s13;
	v23 =	vand.u32 $0x7F, v38;
	v27 =	vld.idx.msk [tilespmem:v12+s12+$0x0], $0xffff;
	v32 =	vadd.s32 v2, v16;
	v28 =	vand.u32 $0xFFFFFC00, v19  }
0x69f: {  	_ =	sdelay $0x3  }
0x6a0: {  	s13 =	sadd.s32 $0x1, s14;
	v12 =	vmov s14;
	s15 =	sadd.s32 $0x2, s14;
	v31 =	vand.u32 $0xFFFFFC00, v31;
	[tilespmem:v20+s9+$0x0] =	vst.idx.add.f32.msk $0xffff, v3;
	v20 =	vor.u32 v25, v28  }
0x6a1: {  	s30 =	sadd.s32 $0x3, s14;
	s31 =	sadd.s32 $0x4, s14;
	v22 =	vand.u32 $0xFFFFFC00, v22;
	v19 =	vmov s13;
	v26 =	vmov s15  }
0x6a2: {  	v54 =	vmov s31;
	v37 =	vmov s30;
	v12 =	vand.u32 $0x7F, v12  }
0x6a3: {  	[tilespmem:v34+s9+$0x0] =	vst.idx.add.f32.msk $0xffff, v3;
	v28 =	vadd.s32 v2, v20;
	v16 =	vshll.u32 v29, $0x3;
	v29 =	vand.u32 $0x7F, v29  }
0x6a4: {  	v24 =	vld.idx.msk [tilespmem:v24+s12+$0x0], $0xffff;
	v19 =	vand.u32 $0x7F, v19;
	v34 =	vand.u32 $0x7F, v54;
	v26 =	vand.u32 $0x7F, v26  }
0x6a5: {  	[tilespmem:v32+s9+$0x0] =	vst.idx.add.f32.msk $0xffff, v3;
	v12 =	vbroadcast v12, $0x0;
	v16 =	vand.u32 $0xFFFFFC00, v16;
	v34 =	vbroadcast v34, $0x0  }
0x6a6: {  	v56 =	vld.idx.msk [tilespmem:v15+s12+$0x0], $0xffff;
	v55 =	vbroadcast v19, $0x0;
	v15 =	vbroadcast v26, $0x0;
	v16 =	vor.u32 v29, v16  }
0x6a7: {  	v29 =	vor.u32 v30, v31;
	v30 =	vand.u32 $0x7F, v37;
	v38 =	vshll.u32 v27, $0x3  }
0x6a8: {  	v39 =	vor.u32 v17, v12;
	v31 =	vadd.s32 v2, v29;
	v29 =	vor.u32 v17, v34  }
0x6a9: {  	v30 =	vbroadcast v30, $0x0;
	v26 =	vand.u32 $0x7F, v24;
	v24 =	vshll.u32 v24, $0x3  }
0x6aa: {  	v40 =	vor.u32 v17, v55;
	v41 =	vor.u32 v17, v15;
	v24 =	vand.u32 $0xFFFFFC00, v24  }
0x6ab: {  	v25 =	vld.idx.msk [tilespmem:v36+s12+$0x0], $0xffff;
	v16 =	vadd.s32 v2, v16;
	v15 =	vor.u32 v18, v15;
	v20 =	vor.u32 v26, v24  }
0x6ac: {  	s13 =	simm.s32 $0x0;
	[tilespmem:v28+s9+$0x0] =	vst.idx.add.f32.msk $0xffff, v3;
	v24 =	vand.u32 $0x7F, v27;
	v27 =	vshll.u32 v56, $0x3;
	v26 =	vadd.s32 v5, v20  }
0x6ad: {  	v20 =	vand.u32 $0xFFFFFC00, v38;
	v27 =	vand.u32 $0xFFFFFC00, v27;
	v57 =	vld.idx.msk [tilespmem:v29+s13+$0x0], $0xffff;
	v29 =	vand.u32 $0x7F, v56  }
0x6ae: {  	v19 =	vor.u32 v17, v30;
	v58 =	vld.idx.msk [tilespmem:v39+s13+$0x0], $0xffff;
	v20 =	vor.u32 v24, v20;
	v24 =	vor.u32 v29, v27  }
0x6af: {  	v59 =	vld.idx.msk [tilespmem:v41+s13+$0x0], $0xffff;
	v27 =	vshll.u32 v14, $0x3;
	v60 =	vadd.s32 v5, v20;
	v14 =	vand.u32 $0x7F, v14  }
0x6b0: {  	[tilespmem:v16+s9+$0x0] =	vst.idx.add.f32.msk $0xffff, v3;
	v16 =	vand.u32 $0xFFFFFC00, v27;
	v20 =	vadd.s32 v5, v24;
	v24 =	vor.u32 v18, v30  }
0x6b1: {  	v61 =	vld.idx.msk [tilespmem:v13+s12+$0x0], $0xffff;
	v13 =	vor.u32 v14, v16;
	v14 =	vor.u32 v23, v22;
	v16 =	vshll.u32 v25, $0x3  }
0x6b2: {  	[tilespmem:v31+s9+$0x0] =	vst.idx.add.f32.msk $0xffff, v3;
	v22 =	vand.u32 $0x7F, v25;
	v42 =	vadd.s32 v5, v14;
	v23 =	vand.u32 $0xFFFFFC00, v16  }
0x6b3: {  	p2 =	slt.u32 s14, $0x2D;
	v29 =	vld.idx.msk [tilespmem:v40+s13+$0x0], $0xffff;
	v62 =	vadd.s32 v5, v13;
	v13 =	vor.u32 v18, v55;
	v22 =	vor.u32 v22, v23  }
.Ltmp45:
0x6b4: {  	v27 =	vld.idx.msk [tilespmem:v33+s12+$0x0], $0xffff;
	v16 =	vor.u32 v18, v12;
	v12 =	vor.u32 v18, v34;
	v34 =	vadd.s32 v2, v22;
	(pc) =	sbr.rel @!p2 .LBB2_92-.Ltmp45, $4  }
0x6b5: {  	v14 =	vld.idx.msk [tilespmem:v35+s12+$0x0], $0xffff;
	v31 =	vshll.u32 v58, $0x3;
	v30 =	vand.u32 $0x7F, v58;
	v23 =	vshll.u32 v59, $0x3  }
0x6b6: {  	v25 =	vand.u32 $0x7F, v57;
	v22 =	vand.u32 $0x7F, v59;
	v23 =	vand.u32 $0xFFFFFC00, v23;
	[tilespmem:v60+s9+$0x0] =	vst.idx.add.f32.msk $0xffff, v3  }
0x6b7: {  	v63 =	vshll.u32 v57, $0x3;
	v28 =	vor.u32 v22, v23;
	v22 =	vshll.u32 v61, $0x3;
	[tilespmem:v42+s9+$0x0] =	vst.idx.add.f32.msk $0xffff, v3  }
0x6b8: {  	s14 =	sadd.s32 $0x5, s14;
	p0 =	por $0x1, $0x1;
	v23 =	vand.u32 $0x7F, v61;
	v32 =	vadd.s32 v2, v28;
	v28 =	vand.u32 $0xFFFFFC00, v63;
	[tilespmem:v62+s9+$0x0] =	vst.idx.add.f32.msk $0xffff, v3  }
.LBB2_93:
0x6b9: {  	v33 =	vmov s14;
	s15 =	sadd.s32 $0x1, s14;
	s16 =	sadd.s32 $0x2, s14;
	s17 =	sadd.s32 $0x3, s14;
	v35 =	vshll.u32 v29, $0x3;
	[tilespmem:v34+s9+$0x0] =	vst.idx.add.f32.msk $0xffff, v3  }
0x6ba: {  	p2 =	slt.u32 s14, $0x2D;
	v29 =	vand.u32 $0x7F, v29;
	v34 =	vmov s15;
	v36 =	vmov s16;
	s15 =	sadd.s32 $0x4, s14;
	s14 =	sadd.s32 $0x5, s14;
	[tilespmem:v26+s9+$0x0] =	vst.idx.add.f32.msk $0xffff, v3  }
0x6bb: {  	v31 =	vand.u32 $0xFFFFFC00, v31;
	v26 =	vand.u32 $0x7F, v34;
	v34 =	vmov s15;
	v37 =	vld.idx.msk [tilespmem:v21+s12+$0x0], $0xffff;
	v21 =	vmovc v24;
	s12 =	smov.u32 s13  }
0x6bc: {  	v35 =	vand.u32 $0xFFFFFC00, v35;
	v24 =	vmov s17;
	v34 =	vand.u32 $0x7F, v34;
	[tilespmem:v20+s9+$0x0] =	vst.idx.add.f32.msk $0xffff, v3  }
0x6bd: {  	v29 =	vor.u32 v29, v35;
	v20 =	vand.u32 $0x7F, v36  }
0x6be: {  	v33 =	vand.u32 $0x7F, v33;
	v30 =	vor.u32 v30, v31;
	v34 =	vbroadcast v34, $0x0  }
0x6bf: {  	v31 =	vbroadcast v33, $0x0;
	v30 =	vadd.s32 v2, v30;
	v24 =	vand.u32 $0x7F, v24;
	[tilespmem:v32+s9+$0x0] =	vst.idx.add.f32.msk $0xffff, v3  }
0x6c0: {  	v35 =	vshll.u32 v27, $0x3;
	v32 =	vbroadcast v26, $0x0;
	v26 =	vor.u32 v17, v34;
	v33 =	vld.idx.msk [tilespmem:v15+s12+$0x0], $0xffff  }
0x6c1: {  	v24 =	vbroadcast v24, $0x0;
	v15 =	vbroadcast v20, $0x0;
	v20 =	vand.u32 $0x7F, v37  }
0x6c2: {  	v36 =	vor.u32 v17, v31;
	v37 =	vshll.u32 v37, $0x3;
	v38 =	vor.u32 v17, v32  }
0x6c3: {  	v25 =	vor.u32 v25, v28;
	v40 =	vor.u32 v17, v24;
	v39 =	vor.u32 v17, v15  }
0x6c4: {  	v28 =	vadd.s32 v2, v29;
	v29 =	vand.u32 $0xFFFFFC00, v37;
	v15 =	vor.u32 v18, v15  }
0x6c5: {  	v25 =	vadd.s32 v2, v25;
	v27 =	vand.u32 $0x7F, v27;
	v20 =	vor.u32 v20, v29;
	v37 =	vld.idx.msk [tilespmem:v19+s12+$0x0], $0xffff;
	v19 =	vmovc v40  }
0x6c6: {  	v29 =	vshll.u32 v33, $0x3;
	v40 =	vld.idx.msk [tilespmem:v26+s13+$0x0], $0xffff;
	v26 =	vadd.s32 v5, v20;
	v20 =	vand.u32 $0xFFFFFC00, v35  }
0x6c7: {  	v33 =	vand.u32 $0x7F, v33;
	v29 =	vand.u32 $0xFFFFFC00, v29;
	v35 =	vld.idx.msk [tilespmem:v36+s13+$0x0], $0xffff;
	v20 =	vor.u32 v27, v20  }
0x6c8: {  	v29 =	vor.u32 v33, v29;
	v33 =	vshll.u32 v14, $0x3;
	v27 =	vld.idx.msk [tilespmem:v39+s13+$0x0], $0xffff;
	v36 =	vadd.s32 v5, v20  }
0x6c9: {  	v22 =	vand.u32 $0xFFFFFC00, v22;
	v14 =	vand.u32 $0x7F, v14;
	[tilespmem:v28+s9+$0x0] =	vst.idx.add.f32.msk $0xffff, v3;
	v28 =	vand.u32 $0xFFFFFC00, v33  }
0x6ca: {  	v20 =	vadd.s32 v5, v29;
	v33 =	vld.idx.msk [tilespmem:v13+s12+$0x0], $0xffff;
	v13 =	vor.u32 v14, v28;
	v14 =	vor.u32 v23, v22  }
0x6cb: {  	v22 =	vshll.u32 v37, $0x3;
	v29 =	vld.idx.msk [tilespmem:v38+s13+$0x0], $0xffff;
	v38 =	vadd.s32 v5, v13;
	v28 =	vadd.s32 v5, v14  }
0x6cc: {  	v23 =	vand.u32 $0x7F, v37;
	v13 =	vor.u32 v18, v32;
	v22 =	vand.u32 $0xFFFFFC00, v22;
	[tilespmem:v30+s9+$0x0] =	vst.idx.add.f32.msk $0xffff, v3  }
0x6cd: {  	v30 =	vor.u32 v18, v34;
	v22 =	vor.u32 v23, v22;
	v14 =	vld.idx.msk [tilespmem:v16+s12+$0x0], $0xffff;
	v16 =	vor.u32 v18, v31  }
.Ltmp46:
0x6ce: {  	v24 =	vor.u32 v18, v24;
	v23 =	vshll.u32 v27, $0x3;
	v34 =	vadd.s32 v2, v22;
	[tilespmem:v25+s9+$0x0] =	vst.idx.add.f32.msk $0xffff, v3;
	(pc) =	sbr.rel @p2 .LBB2_93-.Ltmp46, $4  }
0x6cf: {  	v22 =	vand.u32 $0x7F, v27;
	v23 =	vand.u32 $0xFFFFFC00, v23;
	v27 =	vld.idx.msk [tilespmem:v12+s12+$0x0], $0xffff;
	v12 =	vmov v30  }
0x6d0: {  	v25 =	vand.u32 $0x7F, v40;
	v32 =	vor.u32 v22, v23;
	v22 =	vshll.u32 v33, $0x3;
	[tilespmem:v36+s9+$0x0] =	vst.idx.add.f32.msk $0xffff, v3  }
0x6d1: {  	v31 =	vshll.u32 v35, $0x3;
	v23 =	vand.u32 $0x7F, v33;
	v36 =	vshll.u32 v40, $0x3;
	[tilespmem:v28+s9+$0x0] =	vst.idx.add.f32.msk $0xffff, v3  }
0x6d2: {  	v30 =	vand.u32 $0x7F, v35;
	v32 =	vadd.s32 v2, v32;
	v28 =	vand.u32 $0xFFFFFC00, v36;
	[tilespmem:v38+s9+$0x0] =	vst.idx.add.f32.msk $0xffff, v3  }
0x6d3: {  	s14 =	smov.u32 s12;
	v17 =	vmov v21;
	s12 =	smov.u32 s13  }
.LBB2_95:
0x6d4: {  	_ =	sdelay $0x3  }
0x6d5: {  	v18 =	vld.idx.msk [tilespmem:v19+s12+$0x0], $0xffff  }
0x6d6: {  	v19 =	vshll.u32 v29, $0x3  }
0x6d7: {  	v21 =	vand.u32 $0x7F, v29;
	v19 =	vand.u32 $0xFFFFFC00, v19  }
0x6d8: {  	[tilespmem:v34+s9+$0x0] =	vst.idx.add.f32.msk @p1 $0xffff, v3;
	v19 =	vor.u32 v21, v19  }
0x6d9: {  	v17 =	vld.idx.msk @p1 [tilespmem:v17+s14+$0x0], $0xffff;
	v21 =	vor.u32 v25, v28;
	v19 =	vadd.s32 v2, v19  }
0x6da: {  	[tilespmem:v32+s9+$0x0] =	vst.idx.add.f32.msk $0xffff, v3;
	v21 =	vadd.s32 v2, v21;
	v25 =	vshll.u32 v18, $0x3  }
0x6db: {  	v15 =	vld.idx.msk [tilespmem:v15+s12+$0x0], $0xffff;
	v18 =	vand.u32 $0x7F, v18;
	v25 =	vand.u32 $0xFFFFFC00, v25  }
0x6dc: {  	v18 =	vor.u32 v18, v25  }
0x6dd: {  	v25 =	vand.u32 $0xFFFFFC00, v31;
	v18 =	vadd.s32 v2, v18  }
0x6de: {  	v22 =	vand.u32 @p1 $0xFFFFFC00, v22;
	v28 =	vshll.u32 @p1 v17, $0x3;
	v25 =	vor.u32 v30, v25;
	[tilespmem:v19+s9+$0x0] =	vst.idx.add.f32.msk $0xffff, v3  }
0x6df: {  	v17 =	vand.u32 @p1 $0x7F, v17;
	[tilespmem:v21+s9+$0x0] =	vst.idx.add.f32.msk $0xffff, v3;
	v19 =	vadd.s32 v2, v25;
	v25 =	vand.u32 @p1 $0xFFFFFC00, v28  }
0x6e0: {  	v21 =	vand.u32 @p1 $0x7F, v27;
	v12 =	vld.idx.msk [tilespmem:v12+s12+$0x0], $0xffff;
	v17 =	vor.u32 @p1 v17, v25;
	v25 =	vshll.u32 v15, $0x3  }
0x6e1: {  	v13 =	vld.idx.msk [tilespmem:v13+s12+$0x0], $0xffff;
	v28 =	vshll.u32 @p1 v27, $0x3;
	v15 =	vand.u32 $0x7F, v15;
	v25 =	vand.u32 $0xFFFFFC00, v25  }
0x6e2: {  	v27 =	vand.u32 @p1 $0xFFFFFC00, v28;
	v17 =	vadd.s32 @p1 v5, v17;
	v15 =	vor.u32 v15, v25;
	[tilespmem:v18+s9+$0x0] =	vst.idx.add.f32.msk $0xffff, v3  }
0x6e3: {  	v17 =	vpsel p1, v17, v0;
	v18 =	vor.u32 @p1 v21, v27;
	v21 =	vshll.u32 @p1 v14, $0x3;
	v24 =	vld.idx.msk [tilespmem:v24+s12+$0x0], $0xffff  }
0x6e4: {  	v14 =	vand.u32 @p1 $0x7F, v14;
	v15 =	vadd.s32 v5, v15;
	v21 =	vand.u32 @p1 $0xFFFFFC00, v21;
	[tilespmem:v19+s9+$0x0] =	vst.idx.add.f32.msk $0xffff, v3  }
0x6e5: {  	v18 =	vadd.s32 @p1 v5, v18;
	v19 =	vor.u32 @p1 v23, v22;
	v22 =	vshll.u32 v12, $0x3;
	v16 =	vld.idx.msk [tilespmem:v16+s12+$0x0], $0xffff  }
0x6e6: {  	v12 =	vand.u32 $0x7F, v12;
	v14 =	vor.u32 @p1 v14, v21;
	v19 =	vadd.s32 @p1 v5, v19  }
0x6e7: {  	v21 =	vshll.u32 v13, $0x3;
	v13 =	vand.u32 $0x7F, v13;
	v22 =	vand.u32 $0xFFFFFC00, v22  }
0x6e8: {  	v12 =	vor.u32 v12, v22;
	v23 =	vand.u32 $0x7F, v24;
	v24 =	vshll.u32 v24, $0x3  }
0x6e9: {  	[tilespmem:v20+s9+$0x0] =	vst.idx.add.f32.msk @p1 $0xffff, v3;
	v14 =	vadd.s32 @p1 v5, v14;
	v20 =	vadd.s32 v5, v12;
	v24 =	vand.u32 $0xFFFFFC00, v24  }
0x6ea: {  	v22 =	vshll.u32 v16, $0x3;
	v12 =	vand.u32 $0x7F, v16;
	v16 =	vand.u32 $0xFFFFFC00, v21  }
0x6eb: {  	s13 =	sadd.s32 $0x4, s12;
	[tilespmem:v18+s9+$0x0] =	vst.idx.add.f32.msk @p1 $0xffff, v3;
	v23 =	vor.u32 v23, v24;
	v13 =	vor.u32 v13, v16  }
0x6ec: {  	[tilespmem:v19+s9+$0x0] =	vst.idx.add.f32.msk @p1 $0xffff, v3;
	v18 =	vand.u32 $0xFFFFFC00, v22;
	v16 =	vmov s13;
	v19 =	vadd.s32 v5, v13  }
0x6ed: {  	s29 =	sadd.s32 $0x1, s12;
	[tilespmem:v17+s9+$0x0] =	vst.idx.add.f32.msk @p1 $0xffff, v3;
	v12 =	vor.u32 v12, v18;
	v13 =	vand.u32 $0x7F, v16;
	v17 =	vadd.s32 v5, v23  }
0x6ee: {  	s30 =	sadd.s32 $0x2, s12;
	[tilespmem:v14+s9+$0x0] =	vst.idx.add.f32.msk @p1 $0xffff, v3;
	v16 =	vmov s29;
	v14 =	vadd.s32 v5, v12;
	v12 =	vbroadcast v13, $0x0  }
0x6ef: {  	[tilespmem:v15+s9+$0x0] =	vst.idx.add.f32.msk $0xffff, v3;
	v15 =	vmov s30;
	v18 =	vor.u32 $0x10000, v0;
	v13 =	vand.u32 $0x7F, v16  }
0x6f0: {  	s31 =	sadd.s32 $0x3, s12;
	v15 =	vand.u32 $0x7F, v15;
	[tilespmem:v20+s9+$0x0] =	vst.idx.add.f32.msk $0xffff, v3;
	v13 =	vbroadcast v13, $0x0;
	v16 =	vor.u32 v18, v12  }
0x6f1: {  	v15 =	vbroadcast v15, $0x0;
	v20 =	vmov s31;
	[tilespmem:v19+s9+$0x0] =	vst.idx.add.f32.msk $0xffff, v3  }
0x6f2: {  	v19 =	vand.u32 $0x7F, v20;
	v20 =	vor.u32 v18, v13;
	[tilespmem:v17+s9+$0x0] =	vst.idx.add.f32.msk $0xffff, v3  }
0x6f3: {  	v17 =	vor.u32 v18, v15;
	[tilespmem:v14+s9+$0x0] =	vst.idx.add.f32.msk $0xffff, v3;
	v14 =	vbroadcast v19, $0x0  }
0x6f4: {  	[tilespmem:v26+s9+$0x0] =	vst.idx.add.f32.msk @p0 $0xffff, v3  }
0x6f5: {  	v19 =	vor.u32 v18, v14;
	v21 =	vld.idx.msk [tilespmem:v16+s12+$0x0], $0xffff  }
0x6f6: {  	v16 =	vmov s12  }
0x6f7: {  	v16 =	vand.u32 $0x7F, v16;
	v20 =	vld.idx.msk [tilespmem:v20+s12+$0x0], $0xffff  }
0x6f8: {  	v16 =	vbroadcast v16, $0x0;
	v22 =	vld.idx.msk [tilespmem:v17+s12+$0x0], $0xffff;
	_ =	sdelay $0x1  }
0x6f9: {  	p1 =	slt.u32 s12, $0x2D;
	v23 =	vor.u32 v18, v16;
	v19 =	vld.idx.msk [tilespmem:v19+s12+$0x0], $0xffff;
	v17 =	vshll.u32 v21, $0x3  }
.Ltmp47:
0x6fa: {  	v21 =	vand.u32 $0x7F, v21;
	v17 =	vand.u32 $0xFFFFFC00, v17;
	(pc) =	sbr.rel @!p1 .LBB2_96-.Ltmp47, $4  }
0x6fb: {  	v17 =	vor.u32 v21, v17;
	v21 =	vshll.u32 v20, $0x3  }
0x6fc: {  	v35 =	vand.u32 $0x7F, v20;
	v27 =	vand.u32 $0x7F, v22;
	v38 =	vshll.u32 v22, $0x3  }
0x6fd: {  	v30 =	vadd.s32 v2, v17;
	v17 =	vor.u32 $0x10800, v0;
	v33 =	vand.u32 $0xFFFFFC00, v21  }
0x6fe: {  	p2 =	por $0x0, $0x0;
	p0 =	por $0x0, $0x0;
	s13 =	sadd.s32 $0x5, s12;
	v23 =	vld.idx.msk [tilespmem:v23+s12+$0x0], $0xffff;
	v20 =	vor.u32 v17, v16;
	v34 =	vand.u32 $0x7F, v19;
	v41 =	vshll.u32 v19, $0x3  }
0x6ff: {  	s14 =	sadd.s32 $0x4, s13  }
0x700: {  	s31 =	sadd.s32 $0x1, s13;
	v19 =	vmov s14  }
0x701: {  	s16 =	sadd.s32 $0x3, s13;
	v22 =	vor.u32 v17, v12;
	v21 =	vmov s31;
	v19 =	vand.u32 $0x7F, v19  }
0x702: {  	s15 =	sadd.s32 $0x2, s13;
	v25 =	vmov s16;
	v21 =	vand.u32 $0x7F, v21;
	v19 =	vbroadcast v19, $0x0  }
0x703: {  	v24 =	vmov s15;
	v25 =	vand.u32 $0x7F, v25;
	v31 =	vbroadcast v21, $0x0  }
0x704: {  	v24 =	vand.u32 $0x7F, v24;
	v21 =	vbroadcast v25, $0x0;
	v26 =	vor.u32 v18, v19  }
0x705: {  	v32 =	vbroadcast v24, $0x0;
	v29 =	vor.u32 v18, v31  }
0x706: {  	v28 =	vmov s13;
	v25 =	vand.u32 $0xFFFFFC00, v41;
	v24 =	vor.u32 v18, v21  }
0x707: {  	[tilespmem:v30+s9+$0x0] =	vst.idx.add.f32.msk $0xffff, v3;
	v37 =	vand.u32 $0xFFFFFC00, v38;
	v25 =	vor.u32 v34, v25;
	v61 =	vor.u32 v18, v32  }
0x708: {  	v33 =	vor.u32 v35, v33;
	v28 =	vand.u32 $0x7F, v28;
	v22 =	vld.idx.msk [tilespmem:v22+s12+$0x0], $0xffff;
	v25 =	vadd.s32 v2, v25  }
0x709: {  	v27 =	vor.u32 v27, v37;
	v63 =	vadd.s32 v2, v33;
	v28 =	vbroadcast v28, $0x0;
	v26 =	vld.idx.msk [tilespmem:v26+s12+$0x0], $0xffff  }
0x70a: {  	v39 =	vadd.s32 v2, v27;
	v30 =	vshll.u32 v23, $0x3;
	v29 =	vld.idx.msk [tilespmem:v29+s12+$0x0], $0xffff  }
0x70b: {  	v23 =	vand.u32 $0x7F, v23;
	v36 =	vor.u32 v18, v28;
	v30 =	vand.u32 $0xFFFFFC00, v30;
	v24 =	vld.idx.msk [tilespmem:v24+s12+$0x0], $0xffff  }
0x70c: {  	v23 =	vor.u32 v23, v30;
	v30 =	vor.u32 v17, v14;
	v34 =	vld.idx.msk [tilespmem:v61+s12+$0x0], $0xffff  }
0x70d: {  	v62 =	vadd.s32 v2, v23;
	[tilespmem:v25+s9+$0x0] =	vst.idx.add.f32.msk $0xffff, v3;
	v25 =	vand.u32 $0x7F, v22;
	v22 =	vshll.u32 v22, $0x3  }
0x70e: {  	v40 =	vor.u32 v17, v13;
	p3 =	slt.u32 s13, $0x2D;
	v37 =	vor.u32 v17, v15;
	[tilespmem:v63+s9+$0x0] =	vst.idx.add.f32.msk $0xffff, v3;
	v22 =	vand.u32 $0xFFFFFC00, v22  }
.Ltmp48:
0x70f: {  	v42 =	vor.u32 v17, v28;
	[tilespmem:v39+s9+$0x0] =	vst.idx.add.f32.msk $0xffff, v3;
	v25 =	vor.u32 v25, v22;
	v27 =	vshll.u32 v26, $0x3;
	(pc) =	sbr.rel @!p3 .LBB2_98-.Ltmp48, $4  }
0x710: {  	v23 =	vld.idx.msk [tilespmem:v36+s12+$0x0], $0xffff;
	v25 =	vadd.s32 v5, v25;
	v26 =	vand.u32 $0x7F, v26;
	v27 =	vand.u32 $0xFFFFFC00, v27  }
0x711: {  	v22 =	vld.idx.msk [tilespmem:v30+s12+$0x0], $0xffff;
	v35 =	vand.u32 $0x7F, v29;
	v38 =	vshll.u32 v34, $0x3;
	v26 =	vor.u32 v26, v27  }
0x712: {  	[tilespmem:v62+s9+$0x0] =	vst.idx.add.f32.msk $0xffff, v3;
	v41 =	vshll.u32 v24, $0x3;
	v27 =	vshll.u32 v29, $0x3;
	v30 =	vadd.s32 v2, v26  }
0x713: {  	p2 =	por $0x1, $0x1;
	s14 =	sadd.s32 $0x5, s13;
	v33 =	vand.u32 $0xFFFFFC00, v27;
	v27 =	vand.u32 $0x7F, v34;
	v34 =	vand.u32 $0x7F, v24;
	v24 =	vld.idx.msk [tilespmem:v20+s12+$0x0], $0xffff  }
0x714: {  	v20 =	vmov s14;
	v26 =	vor.u32 v17, v19;
	v38 =	vand.u32 $0xFFFFFC00, v38  }
0x715: {  	s15 =	sadd.s32 $0x1, s14;
	s16 =	sadd.s32 $0x2, s14;
	v39 =	vor.u32 v17, v21;
	v33 =	vor.u32 v35, v33;
	v62 =	vand.u32 $0xFFFFFC00, v41  }
0x716: {  	s30 =	sadd.s32 $0x3, s14;
	v36 =	vand.u32 $0x7F, v23;
	v19 =	vmov s15;
	v28 =	vmov s16  }
0x717: {  	v21 =	vmov s30;
	v20 =	vand.u32 $0x7F, v20;
	v23 =	vshll.u32 v23, $0x3  }
0x718: {  	s31 =	sadd.s32 $0x4, s14;
	v27 =	vor.u32 v27, v38;
	v47 =	vadd.s32 v2, v33;
	v54 =	vor.u32 v34, v62  }
0x719: {  	v29 =	vand.u32 $0x7F, v19;
	v19 =	vmov s31;
	v28 =	vand.u32 $0x7F, v28  }
0x71a: {  	v21 =	vand.u32 $0x7F, v21;
	v44 =	vand.u32 $0x7F, v22;
	v20 =	vbroadcast v20, $0x0  }
0x71b: {  	v33 =	vadd.s32 v2, v54;
	v48 =	vadd.s32 v2, v27;
	v22 =	vshll.u32 v22, $0x3  }
0x71c: {  	v40 =	vld.idx.msk [tilespmem:v40+s12+$0x0], $0xffff;
	v19 =	vand.u32 $0x7F, v19;
	v28 =	vbroadcast v28, $0x0;
	v29 =	vbroadcast v29, $0x0  }
0x71d: {  	v37 =	vld.idx.msk [tilespmem:v37+s12+$0x0], $0xffff;
	v23 =	vand.u32 $0xFFFFFC00, v23;
	v21 =	vbroadcast v21, $0x0;
	v19 =	vbroadcast v19, $0x0  }
0x71e: {  	[tilespmem:v30+s9+$0x0] =	vst.idx.add.f32.msk $0xffff, v3;
	v22 =	vand.u32 $0xFFFFFC00, v22;
	v23 =	vor.u32 v36, v23;
	v45 =	vor.u32 v18, v29  }
0x71f: {  	[tilespmem:v25+s9+$0x0] =	vst.idx.add.f32.msk $0xffff, v3;
	v63 =	vand.u32 $0x7F, v24;
	v53 =	vor.u32 v18, v20;
	v30 =	vor.u32 v18, v19  }
0x720: {  	v22 =	vor.u32 v44, v22;
	v60 =	vadd.s32 v2, v23;
	v43 =	vld.idx.msk [tilespmem:v26+s12+$0x0], $0xffff;
	v55 =	vor.u32 v18, v28  }
0x721: {  	v23 =	vshll.u32 v24, $0x3;
	v20 =	vor.u32 v17, v20;
	v46 =	vor.u32 v18, v21;
	[tilespmem:v47+s9+$0x0] =	vst.idx.add.f32.msk $0xffff, v3  }
0x722: {  	v26 =	vshll.u32 v40, $0x3;
	v52 =	vand.u32 $0x7F, v40;
	v27 =	vand.u32 $0x7F, v37;
	[tilespmem:v33+s9+$0x0] =	vst.idx.add.f32.msk $0xffff, v3  }
0x723: {  	v56 =	vshll.u32 v37, $0x3;
	v59 =	vadd.s32 v5, v22;
	v62 =	vand.u32 $0xFFFFFC00, v23;
	v57 =	vld.idx.msk [tilespmem:v45+s12+$0x0], $0xffff  }
0x724: {  	v40 =	vor.u32 v17, v31;
	v37 =	vor.u32 v17, v32;
	v26 =	vand.u32 $0xFFFFFC00, v26;
	v30 =	vld.idx.msk [tilespmem:v30+s12+$0x0], $0xffff  }
0x725: {  	v35 =	vand.u32 $0xFFFFFC00, v56;
	v34 =	vor.u32 v63, v62;
	v22 =	vshll.u32 v43, $0x3;
	v24 =	vld.idx.msk [tilespmem:v55+s12+$0x0], $0xffff  }
0x726: {  	v26 =	vor.u32 v52, v26;
	v25 =	vand.u32 $0x7F, v43;
	v58 =	vld.idx.msk [tilespmem:v46+s12+$0x0], $0xffff;
	v22 =	vand.u32 $0xFFFFFC00, v22  }
0x727: {  	p4 =	slt.u32 s14, $0x2D;
	v36 =	vadd.s32 v5, v34;
	v27 =	vor.u32 v27, v35;
	v23 =	vld.idx.msk [tilespmem:v53+s12+$0x0], $0xffff;
	v25 =	vor.u32 v25, v22  }
.Ltmp49:
0x728: {  	v26 =	vadd.s32 v5, v26;
	v22 =	vld.idx.msk [tilespmem:v39+s12+$0x0], $0xffff;
	v39 =	vadd.s32 v5, v27;
	v25 =	vadd.s32 v5, v25;
	(pc) =	sbr.rel @!p4 .LBB2_100-.Ltmp49, $4  }
0x729: {  	[tilespmem:v48+s9+$0x0] =	vst.idx.add.f32.msk $0xffff, v3;
	v63 =	vshll.u32 v57, $0x3;
	v35 =	vand.u32 $0x7F, v57;
	v61 =	vshll.u32 v30, $0x3  }
0x72a: {  	[tilespmem:v60+s9+$0x0] =	vst.idx.add.f32.msk $0xffff, v3;
	v27 =	vand.u32 $0x7F, v24;
	v30 =	vand.u32 $0x7F, v30;
	v33 =	vand.u32 $0xFFFFFC00, v61  }
0x72b: {  	[tilespmem:v59+s9+$0x0] =	vst.idx.add.f32.msk $0xffff, v3;
	v38 =	vshll.u32 v24, $0x3;
	v34 =	vand.u32 $0x7F, v58;
	v30 =	vor.u32 v30, v33  }
0x72c: {  	s14 =	sadd.s32 $0x5, s14;
	p3 =	por $0x1, $0x1;
	v41 =	vshll.u32 v58, $0x3;
	v24 =	vld.idx.msk [tilespmem:v42+s12+$0x0], $0xffff;
	v33 =	vand.u32 $0xFFFFFC00, v63;
	v30 =	vadd.s32 v2, v30  }
.LBB2_101:
0x72d: {  	v31 =	vmov s14;
	s15 =	sadd.s32 $0x1, s14;
	s16 =	sadd.s32 $0x2, s14;
	s17 =	sadd.s32 $0x3, s14;
	v32 =	vand.u32 $0x7F, v23;
	v42 =	vor.u32 v17, v19;
	[tilespmem:v39+s9+$0x0] =	vst.idx.add.f32.msk $0xffff, v3  }
0x72e: {  	p4 =	slt.u32 s14, $0x2D;
	v38 =	vand.u32 $0xFFFFFC00, v38;
	v19 =	vmov s15;
	v39 =	vmov s16;
	s15 =	sadd.s32 $0x4, s14;
	s14 =	sadd.s32 $0x5, s14;
	[tilespmem:v26+s9+$0x0] =	vst.idx.add.f32.msk $0xffff, v3  }
0x72f: {  	v43 =	vor.u32 v17, v21;
	v26 =	vand.u32 $0x7F, v19;
	v19 =	vmov s15;
	v40 =	vld.idx.msk [tilespmem:v40+s12+$0x0], $0xffff  }
0x730: {  	v33 =	vor.u32 v35, v33;
	v21 =	vmov s17;
	v19 =	vand.u32 $0x7F, v19;
	[tilespmem:v36+s9+$0x0] =	vst.idx.add.f32.msk $0xffff, v3  }
0x731: {  	v35 =	vand.u32 $0x7F, v39;
	v36 =	vand.u32 $0xFFFFFC00, v41;
	[tilespmem:v25+s9+$0x0] =	vst.idx.add.f32.msk $0xffff, v3  }
0x732: {  	v21 =	vand.u32 $0x7F, v21;
	v19 =	vbroadcast v19, $0x0;
	v25 =	vand.u32 $0x7F, v24;
	[tilespmem:v30+s9+$0x0] =	vst.idx.add.f32.msk $0xffff, v3  }
0x733: {  	v23 =	vshll.u32 v23, $0x3;
	v30 =	vand.u32 $0x7F, v31;
	v31 =	vbroadcast v35, $0x0;
	v35 =	vld.idx.msk [tilespmem:v42+s12+$0x0], $0xffff  }
0x734: {  	v39 =	vand.u32 $0x7F, v22;
	v41 =	vbroadcast v26, $0x0;
	v26 =	vor.u32 v18, v19  }
0x735: {  	v21 =	vbroadcast v21, $0x0;
	v42 =	vbroadcast v30, $0x0;
	v30 =	vshll.u32 v40, $0x3;
	v37 =	vld.idx.msk [tilespmem:v37+s12+$0x0], $0xffff  }
0x736: {  	v27 =	vor.u32 v27, v38;
	v44 =	vor.u32 v18, v41;
	v38 =	vand.u32 $0x7F, v40  }
0x737: {  	v45 =	vor.u32 v18, v21;
	v40 =	vor.u32 v18, v42;
	v30 =	vand.u32 $0xFFFFFC00, v30  }
0x738: {  	v46 =	vadd.s32 v2, v33;
	v33 =	vor.u32 v34, v36;
	v30 =	vor.u32 v38, v30  }
0x739: {  	v33 =	vadd.s32 v2, v33;
	v34 =	vor.u32 v18, v31;
	v36 =	vld.idx.msk [tilespmem:v26+s12+$0x0], $0xffff;
	v26 =	vadd.s32 v5, v30  }
0x73a: {  	v47 =	vadd.s32 v2, v27;
	v22 =	vshll.u32 v22, $0x3;
	v27 =	vand.u32 $0x7F, v35  }
0x73b: {  	v22 =	vand.u32 $0xFFFFFC00, v22;
	v30 =	vand.u32 $0x7F, v37;
	v37 =	vshll.u32 v37, $0x3  }
0x73c: {  	v23 =	vand.u32 $0xFFFFFC00, v23;
	v22 =	vor.u32 v39, v22;
	v37 =	vand.u32 $0xFFFFFC00, v37;
	v38 =	vld.idx.msk [tilespmem:v44+s12+$0x0], $0xffff  }
0x73d: {  	v23 =	vor.u32 v32, v23;
	v32 =	vshll.u32 v35, $0x3;
	v35 =	vadd.s32 v5, v22;
	v44 =	vld.idx.msk [tilespmem:v45+s12+$0x0], $0xffff  }
0x73e: {  	v22 =	vand.u32 $0xFFFFFC00, v32;
	v45 =	vadd.s32 v2, v23;
	v23 =	vshll.u32 v24, $0x3;
	[tilespmem:v33+s9+$0x0] =	vst.idx.add.f32.msk $0xffff, v3  }
0x73f: {  	v27 =	vor.u32 v27, v22;
	v32 =	vshll.u32 v36, $0x3;
	v22 =	vand.u32 $0xFFFFFC00, v23;
	v24 =	vld.idx.msk [tilespmem:v34+s12+$0x0], $0xffff  }
0x740: {  	v33 =	vand.u32 $0x7F, v36;
	v32 =	vand.u32 $0xFFFFFC00, v32;
	v25 =	vor.u32 v25, v22;
	v23 =	vld.idx.msk [tilespmem:v40+s12+$0x0], $0xffff  }
0x741: {  	v32 =	vor.u32 v33, v32;
	v36 =	vadd.s32 v5, v25;
	v25 =	vor.u32 v30, v37;
	v22 =	vld.idx.msk [tilespmem:v43+s12+$0x0], $0xffff  }
.Ltmp50:
0x742: {  	v33 =	vshll.u32 v38, $0x3;
	v30 =	vadd.s32 v2, v32;
	v39 =	vadd.s32 v5, v25;
	[tilespmem:v35+s9+$0x0] =	vst.idx.add.f32.msk $0xffff, v3;
	(pc) =	sbr.rel @p4 .LBB2_101-.Ltmp50, $4  }
0x743: {  	v40 =	vor.u32 v17, v29;
	v29 =	vmov v41;
	v25 =	vadd.s32 v5, v27;
	[tilespmem:v45+s9+$0x0] =	vst.idx.add.f32.msk $0xffff, v3  }
0x744: {  	v37 =	vor.u32 v17, v28;
	v28 =	vmov v31;
	v33 =	vand.u32 $0xFFFFFC00, v33;
	[tilespmem:v46+s9+$0x0] =	vst.idx.add.f32.msk $0xffff, v3  }
0x745: {  	v35 =	vand.u32 $0x7F, v38;
	v27 =	vand.u32 $0x7F, v24;
	v38 =	vshll.u32 v24, $0x3;
	[tilespmem:v47+s9+$0x0] =	vst.idx.add.f32.msk $0xffff, v3  }
0x746: {  	v34 =	vand.u32 $0x7F, v44;
	v41 =	vshll.u32 v44, $0x3;
	v24 =	vld.idx.msk [tilespmem:v20+s12+$0x0], $0xffff;
	v20 =	vor.u32 v17, v42  }
0x747: {  	v31 =	vmov v29;
	v32 =	vmov v28  }
.LBB2_103:
0x748: {  	_ = 	snop  }
0x749: {  	v18 =	vor.u32 v17, v19;
	v19 =	vand.u32 $0xFFFFFC00, v41  }
0x74a: {  	v28 =	vshll.u32 v23, $0x3;
	v19 =	vor.u32 v34, v19  }
0x74b: {  	v58 =	vand.u32 $0x7F, v23;
	v28 =	vand.u32 $0xFFFFFC00, v28;
	v19 =	vadd.s32 v2, v19  }
0x74c: {  	v29 =	vld.idx.msk @p2 [tilespmem:v40+s12+$0x0], $0xffff;
	v21 =	vor.u32 v17, v21;
	v23 =	vor.u32 v58, v28  }
0x74d: {  	v33 =	vor.u32 v35, v33;
	[tilespmem:v30+s9+$0x0] =	vst.idx.add.f32.msk $0xffff, v3;
	v28 =	vand.u32 $0xFFFFFC00, v38;
	v23 =	vadd.s32 v2, v23  }
0x74e: {  	v30 =	vld.idx.msk @p2 [tilespmem:v37+s12+$0x0], $0xffff;
	v27 =	vor.u32 v27, v28;
	v28 =	vadd.s32 v2, v33  }
0x74f: {  	v27 =	vadd.s32 v2, v27;
	v18 =	vld.idx.msk [tilespmem:v18+s12+$0x0], $0xffff  }
0x750: {  	v33 =	vand.u32 @p2 $0x7F, v24;
	v24 =	vshll.u32 @p2 v24, $0x3;
	[tilespmem:v19+s9+$0x0] =	vst.idx.add.f32.msk $0xffff, v3  }
0x751: {  	v31 =	vor.u32 v17, v31;
	v17 =	vor.u32 v17, v32;
	v24 =	vand.u32 @p2 $0xFFFFFC00, v24;
	v21 =	vld.idx.msk [tilespmem:v21+s12+$0x0], $0xffff  }
0x752: {  	v34 =	vshll.u32 @p2 v29, $0x3;
	v24 =	vor.u32 @p2 v33, v24;
	v19 =	vand.u32 @p2 $0x7F, v29;
	[tilespmem:v23+s9+$0x0] =	vst.idx.add.f32.msk $0xffff, v3  }
0x753: {  	v29 =	vand.u32 @p2 $0xFFFFFC00, v34;
	v34 =	vand.u32 @p2 $0x7F, v22;
	v22 =	vshll.u32 @p2 v22, $0x3;
	[tilespmem:v28+s9+$0x0] =	vst.idx.add.f32.msk $0xffff, v3  }
0x754: {  	v19 =	vor.u32 @p2 v19, v29;
	v28 =	vand.u32 @p2 $0x7F, v30;
	v29 =	vshll.u32 @p2 v30, $0x3;
	[tilespmem:v27+s9+$0x0] =	vst.idx.add.f32.msk $0xffff, v3  }
0x755: {  	v22 =	vand.u32 @p2 $0xFFFFFC00, v22;
	v23 =	vadd.s32 @p2 v5, v24;
	v19 =	vadd.s32 @p2 v5, v19;
	v20 =	vld.idx.msk [tilespmem:v20+s12+$0x0], $0xffff  }
0x756: {  	v27 =	vand.u32 @p2 $0xFFFFFC00, v29;
	v22 =	vor.u32 @p2 v34, v22;
	v29 =	vld.idx.msk [tilespmem:v31+s12+$0x0], $0xffff;
	v23 =	vpsel p2, v23, v0  }
0x757: {  	v59 =	vand.u32 $0x7F, v18;
	v18 =	vshll.u32 v18, $0x3;
	v27 =	vor.u32 @p2 v28, v27  }
0x758: {  	v22 =	vadd.s32 @p2 v5, v22;
	v17 =	vld.idx.msk [tilespmem:v17+s12+$0x0], $0xffff;
	v18 =	vand.u32 $0xFFFFFC00, v18;
	v24 =	vadd.s32 @p2 v5, v27  }
0x759: {  	v19 =	vpsel p2, v19, v0;
	v18 =	vor.u32 v59, v18;
	v24 =	vpsel p2, v24, v0  }
0x75a: {  	[tilespmem:v39+s9+$0x0] =	vst.idx.add.f32.msk @p3 $0xffff, v3;
	v18 =	vadd.s32 v5, v18;
	v28 =	vand.u32 $0x7F, v21;
	v21 =	vshll.u32 v21, $0x3  }
0x75b: {  	[tilespmem:v26+s9+$0x0] =	vst.idx.add.f32.msk @p3 $0xffff, v3;
	v27 =	vand.u32 $0x7F, v20;
	v26 =	vshll.u32 v29, $0x3;
	v29 =	vand.u32 $0x7F, v29  }
0x75c: {  	[tilespmem:v36+s9+$0x0] =	vst.idx.add.f32.msk @p3 $0xffff, v3;
	v21 =	vand.u32 $0xFFFFFC00, v21;
	v20 =	vshll.u32 v20, $0x3;
	v26 =	vand.u32 $0xFFFFFC00, v26  }
0x75d: {  	[tilespmem:v25+s9+$0x0] =	vst.idx.add.f32.msk @p2 $0xffff, v3;
	v30 =	vshll.u32 v17, $0x3;
	v17 =	vand.u32 $0x7F, v17;
	v21 =	vor.u32 v28, v21  }
0x75e: {  	[tilespmem:v23+s9+$0x0] =	vst.idx.add.f32.msk @p2 $0xffff, v3;
	v25 =	vand.u32 $0xFFFFFC00, v30;
	v21 =	vadd.s32 v5, v21;
	v60 =	vor.u32 v29, v26  }
0x75f: {  	v20 =	vand.u32 $0xFFFFFC00, v20;
	[tilespmem:v19+s9+$0x0] =	vst.idx.add.f32.msk @p2 $0xffff, v3;
	v17 =	vor.u32 v17, v25;
	v19 =	vadd.s32 v5, v60  }
0x760: {  	[tilespmem:v24+s9+$0x0] =	vst.idx.add.f32.msk @p2 $0xffff, v3;
	v24 =	vadd.s32 v5, v17;
	v17 =	vor.u32 v27, v20  }
0x761: {  	[tilespmem:v22+s9+$0x0] =	vst.idx.add.f32.msk @p2 $0xffff, v3;
	v20 =	vadd.s32 v5, v17;
	v17 =	vor.u32 $0x11000, v0  }
0x762: {  	[tilespmem:v18+s9+$0x0] =	vst.idx.add.f32.msk $0xffff, v3;
	v18 =	vor.u32 v17, v15  }
0x763: {  	[tilespmem:v21+s9+$0x0] =	vst.idx.add.f32.msk $0xffff, v3  }
0x764: {  	v61 =	vor.u32 v17, v12;
	[tilespmem:v19+s9+$0x0] =	vst.idx.add.f32.msk $0xffff, v3  }
0x765: {  	v19 =	vor.u32 v17, v16;
	[tilespmem:v24+s9+$0x0] =	vst.idx.add.f32.msk $0xffff, v3  }
0x766: {  	s12 =	simm.s32 $0x0;
	[tilespmem:v20+s9+$0x0] =	vst.idx.add.f32.msk $0xffff, v3  }
0x767: {  	v20 =	vld.idx.msk [tilespmem:v18+s12+$0x0], $0xffff;
	_ =	sdelay $0x1  }
0x768: {  	v21 =	vld.idx.msk [tilespmem:v61+s12+$0x0], $0xffff  }
0x769: {  	v18 =	vor.u32 $0x11800, v0;
	v62 =	vld.idx.msk [tilespmem:v19+s12+$0x0], $0xffff  }
0x76a: {  	v63 =	vor.u32 v17, v13;
	v15 =	vor.u32 v18, v15  }
.Ltmp51:
0x76b: {  	v13 =	vor.u32 v18, v13;
	v16 =	vor.u32 v18, v16;
	v24 =	vshll.u32 v20, $0x3;
	(pc) =	sbr.rel @!p1 .LBB2_104-.Ltmp51, $4  }
0x76c: {  	v12 =	vor.u32 v18, v12;
	v20 =	vand.u32 $0x7F, v20;
	v25 =	vand.u32 $0xFFFFFC00, v24  }
0x76d: {  	v19 =	vor.u32 v17, v14;
	v24 =	vor.u32 v18, v14;
	v14 =	vor.u32 v20, v25  }
0x76e: {  	v25 =	vand.u32 $0x7F, v21;
	v31 =	vshll.u32 v62, $0x3;
	v20 =	vshll.u32 v21, $0x3  }
0x76f: {  	v29 =	vld.idx.msk [tilespmem:v63+s12+$0x0], $0xffff;
	v30 =	vand.u32 $0x7F, v62;
	v32 =	vadd.s32 v2, v14;
	v28 =	vand.u32 $0xFFFFFC00, v20  }
0x770: {  	s14 =	sadd.s32 $0x4, s13;
	s15 =	sadd.s32 $0x2, s13;
	v20 =	vmov s13  }
0x771: {  	s30 =	sadd.s32 $0x1, s13;
	v25 =	vor.u32 v25, v28;
	v14 =	vmov s14;
	v21 =	vmov s15  }
0x772: {  	v23 =	vmov s30;
	v20 =	vand.u32 $0x7F, v20;
	v14 =	vand.u32 $0x7F, v14  }
0x773: {  	v37 =	vadd.s32 v2, v25;
	v21 =	vand.u32 $0x7F, v21;
	v14 =	vbroadcast v14, $0x0  }
0x774: {  	[tilespmem:v32+s9+$0x0] =	vst.idx.add.f32.msk $0xffff, v3;
	v21 =	vbroadcast v21, $0x0;
	v22 =	vshll.u32 v29, $0x3;
	v26 =	vand.u32 $0x7F, v29  }
0x775: {  	v15 =	vld.idx.msk [tilespmem:v15+s12+$0x0], $0xffff;
	v29 =	vand.u32 $0xFFFFFC00, v31;
	v22 =	vand.u32 $0xFFFFFC00, v22;
	v27 =	vor.u32 v17, v14  }
0x776: {  	v31 =	vbroadcast v20, $0x0;
	v22 =	vor.u32 v26, v22;
	v26 =	vor.u32 v17, v21  }
0x777: {  	v23 =	vand.u32 $0x7F, v23;
	v29 =	vor.u32 v30, v29;
	v20 =	vadd.s32 v2, v22  }
0x778: {  	v19 =	vld.idx.msk [tilespmem:v19+s12+$0x0], $0xffff;
	v23 =	vbroadcast v23, $0x0;
	v30 =	vadd.s32 v2, v29;
	v29 =	vor.u32 v17, v31  }
0x779: {  	[tilespmem:v37+s9+$0x0] =	vst.idx.add.f32.msk $0xffff, v3  }
0x77a: {  	s31 =	sadd.s32 $0x3, s13;
	v63 =	vor.u32 v17, v23;
	v33 =	vshll.u32 v15, $0x3;
	v27 =	vld.idx.msk [tilespmem:v27+s12+$0x0], $0xffff  }
0x77b: {  	v15 =	vand.u32 $0x7F, v15;
	v22 =	vmov s31;
	v28 =	vand.u32 $0xFFFFFC00, v33;
	v26 =	vld.idx.msk [tilespmem:v26+s12+$0x0], $0xffff  }
0x77c: {  	v22 =	vand.u32 $0x7F, v22;
	v28 =	vor.u32 v15, v28;
	v15 =	vor.u32 v18, v21;
	[tilespmem:v20+s9+$0x0] =	vst.idx.add.f32.msk $0xffff, v3  }
0x77d: {  	v21 =	vshll.u32 v19, $0x3;
	v22 =	vbroadcast v22, $0x0;
	v20 =	vadd.s32 v5, v28;
	v28 =	vld.idx.msk [tilespmem:v29+s12+$0x0], $0xffff  }
0x77e: {  	v35 =	vor.u32 v18, v31;
	v19 =	vand.u32 $0x7F, v19;
	v21 =	vand.u32 $0xFFFFFC00, v21;
	v38 =	vld.idx.msk [tilespmem:v13+s12+$0x0], $0xffff  }
0x77f: {  	p2 =	slt.u32 s13, $0x2D;
	v33 =	vor.u32 v18, v14;
	v14 =	vor.u32 v19, v21;
	v36 =	vor.u32 v17, v22  }
.Ltmp52:
0x780: {  	v21 =	vor.u32 v18, v22;
	v34 =	vadd.s32 v2, v14;
	v13 =	vor.u32 v18, v23;
	(pc) =	sbr.rel @!p2 .LBB2_106-.Ltmp52, $4  }
0x781: {  	[tilespmem:v30+s9+$0x0] =	vst.idx.add.f32.msk $0xffff, v3;
	v25 =	vand.u32 $0x7F, v27;
	v19 =	vshll.u32 v26, $0x3;
	v22 =	vand.u32 $0x7F, v26  }
0x782: {  	v29 =	vld.idx.msk [tilespmem:v63+s12+$0x0], $0xffff;
	v19 =	vand.u32 $0xFFFFFC00, v19;
	v31 =	vshll.u32 v28, $0x3;
	v30 =	vand.u32 $0x7F, v28  }
0x783: {  	v14 =	vld.idx.msk [tilespmem:v16+s12+$0x0], $0xffff;
	v16 =	vor.u32 v22, v19;
	v22 =	vshll.u32 v38, $0x3;
	v19 =	vshll.u32 v27, $0x3  }
0x784: {  	p1 =	por $0x1, $0x1;
	s14 =	sadd.s32 $0x5, s13;
	v23 =	vand.u32 $0x7F, v38;
	v27 =	vld.idx.msk [tilespmem:v12+s12+$0x0], $0xffff;
	v32 =	vadd.s32 v2, v16;
	v28 =	vand.u32 $0xFFFFFC00, v19  }
0x785: {  	_ =	sdelay $0x3  }
0x786: {  	s13 =	sadd.s32 $0x1, s14;
	v12 =	vmov s14;
	s15 =	sadd.s32 $0x2, s14;
	v31 =	vand.u32 $0xFFFFFC00, v31;
	[tilespmem:v20+s9+$0x0] =	vst.idx.add.f32.msk $0xffff, v3;
	v20 =	vor.u32 v25, v28  }
0x787: {  	s30 =	sadd.s32 $0x3, s14;
	s31 =	sadd.s32 $0x4, s14;
	v22 =	vand.u32 $0xFFFFFC00, v22;
	v19 =	vmov s13;
	v26 =	vmov s15  }
0x788: {  	v54 =	vmov s31;
	v37 =	vmov s30;
	v12 =	vand.u32 $0x7F, v12  }
0x789: {  	[tilespmem:v34+s9+$0x0] =	vst.idx.add.f32.msk $0xffff, v3;
	v28 =	vadd.s32 v2, v20;
	v16 =	vshll.u32 v29, $0x3;
	v29 =	vand.u32 $0x7F, v29  }
0x78a: {  	v24 =	vld.idx.msk [tilespmem:v24+s12+$0x0], $0xffff;
	v19 =	vand.u32 $0x7F, v19;
	v34 =	vand.u32 $0x7F, v54;
	v26 =	vand.u32 $0x7F, v26  }
0x78b: {  	[tilespmem:v32+s9+$0x0] =	vst.idx.add.f32.msk $0xffff, v3;
	v12 =	vbroadcast v12, $0x0;
	v16 =	vand.u32 $0xFFFFFC00, v16;
	v34 =	vbroadcast v34, $0x0  }
0x78c: {  	v56 =	vld.idx.msk [tilespmem:v15+s12+$0x0], $0xffff;
	v55 =	vbroadcast v19, $0x0;
	v15 =	vbroadcast v26, $0x0;
	v16 =	vor.u32 v29, v16  }
0x78d: {  	v29 =	vor.u32 v30, v31;
	v30 =	vand.u32 $0x7F, v37;
	v38 =	vshll.u32 v27, $0x3  }
0x78e: {  	v39 =	vor.u32 v17, v12;
	v31 =	vadd.s32 v2, v29;
	v29 =	vor.u32 v17, v34  }
0x78f: {  	v30 =	vbroadcast v30, $0x0;
	v26 =	vand.u32 $0x7F, v24;
	v24 =	vshll.u32 v24, $0x3  }
0x790: {  	v40 =	vor.u32 v17, v55;
	v41 =	vor.u32 v17, v15;
	v24 =	vand.u32 $0xFFFFFC00, v24  }
0x791: {  	v25 =	vld.idx.msk [tilespmem:v36+s12+$0x0], $0xffff;
	v16 =	vadd.s32 v2, v16;
	v15 =	vor.u32 v18, v15;
	v20 =	vor.u32 v26, v24  }
0x792: {  	s13 =	simm.s32 $0x0;
	[tilespmem:v28+s9+$0x0] =	vst.idx.add.f32.msk $0xffff, v3;
	v24 =	vand.u32 $0x7F, v27;
	v27 =	vshll.u32 v56, $0x3;
	v26 =	vadd.s32 v5, v20  }
0x793: {  	v20 =	vand.u32 $0xFFFFFC00, v38;
	v27 =	vand.u32 $0xFFFFFC00, v27;
	v57 =	vld.idx.msk [tilespmem:v29+s13+$0x0], $0xffff;
	v29 =	vand.u32 $0x7F, v56  }
0x794: {  	v19 =	vor.u32 v17, v30;
	v58 =	vld.idx.msk [tilespmem:v39+s13+$0x0], $0xffff;
	v20 =	vor.u32 v24, v20;
	v24 =	vor.u32 v29, v27  }
0x795: {  	v59 =	vld.idx.msk [tilespmem:v41+s13+$0x0], $0xffff;
	v27 =	vshll.u32 v14, $0x3;
	v60 =	vadd.s32 v5, v20;
	v14 =	vand.u32 $0x7F, v14  }
0x796: {  	[tilespmem:v16+s9+$0x0] =	vst.idx.add.f32.msk $0xffff, v3;
	v16 =	vand.u32 $0xFFFFFC00, v27;
	v20 =	vadd.s32 v5, v24;
	v24 =	vor.u32 v18, v30  }
0x797: {  	v61 =	vld.idx.msk [tilespmem:v13+s12+$0x0], $0xffff;
	v13 =	vor.u32 v14, v16;
	v14 =	vor.u32 v23, v22;
	v16 =	vshll.u32 v25, $0x3  }
0x798: {  	[tilespmem:v31+s9+$0x0] =	vst.idx.add.f32.msk $0xffff, v3;
	v22 =	vand.u32 $0x7F, v25;
	v42 =	vadd.s32 v5, v14;
	v23 =	vand.u32 $0xFFFFFC00, v16  }
0x799: {  	p2 =	slt.u32 s14, $0x2D;
	v29 =	vld.idx.msk [tilespmem:v40+s13+$0x0], $0xffff;
	v62 =	vadd.s32 v5, v13;
	v13 =	vor.u32 v18, v55;
	v22 =	vor.u32 v22, v23  }
.Ltmp53:
0x79a: {  	v27 =	vld.idx.msk [tilespmem:v33+s12+$0x0], $0xffff;
	v16 =	vor.u32 v18, v12;
	v12 =	vor.u32 v18, v34;
	v34 =	vadd.s32 v2, v22;
	(pc) =	sbr.rel @!p2 .LBB2_108-.Ltmp53, $4  }
0x79b: {  	v14 =	vld.idx.msk [tilespmem:v35+s12+$0x0], $0xffff;
	v31 =	vshll.u32 v58, $0x3;
	v30 =	vand.u32 $0x7F, v58;
	v23 =	vshll.u32 v59, $0x3  }
0x79c: {  	v25 =	vand.u32 $0x7F, v57;
	v22 =	vand.u32 $0x7F, v59;
	v23 =	vand.u32 $0xFFFFFC00, v23;
	[tilespmem:v60+s9+$0x0] =	vst.idx.add.f32.msk $0xffff, v3  }
0x79d: {  	v63 =	vshll.u32 v57, $0x3;
	v28 =	vor.u32 v22, v23;
	v22 =	vshll.u32 v61, $0x3;
	[tilespmem:v42+s9+$0x0] =	vst.idx.add.f32.msk $0xffff, v3  }
0x79e: {  	s14 =	sadd.s32 $0x5, s14;
	p0 =	por $0x1, $0x1;
	v23 =	vand.u32 $0x7F, v61;
	v32 =	vadd.s32 v2, v28;
	v28 =	vand.u32 $0xFFFFFC00, v63;
	[tilespmem:v62+s9+$0x0] =	vst.idx.add.f32.msk $0xffff, v3  }
.LBB2_109:
0x79f: {  	v33 =	vmov s14;
	s15 =	sadd.s32 $0x1, s14;
	s16 =	sadd.s32 $0x2, s14;
	s17 =	sadd.s32 $0x3, s14;
	v35 =	vshll.u32 v29, $0x3;
	[tilespmem:v34+s9+$0x0] =	vst.idx.add.f32.msk $0xffff, v3  }
0x7a0: {  	p2 =	slt.u32 s14, $0x2D;
	v29 =	vand.u32 $0x7F, v29;
	v34 =	vmov s15;
	v36 =	vmov s16;
	s15 =	sadd.s32 $0x4, s14;
	s14 =	sadd.s32 $0x5, s14;
	[tilespmem:v26+s9+$0x0] =	vst.idx.add.f32.msk $0xffff, v3  }
0x7a1: {  	v31 =	vand.u32 $0xFFFFFC00, v31;
	v26 =	vand.u32 $0x7F, v34;
	v34 =	vmov s15;
	v37 =	vld.idx.msk [tilespmem:v21+s12+$0x0], $0xffff;
	v21 =	vmovc v24;
	s12 =	smov.u32 s13  }
0x7a2: {  	v35 =	vand.u32 $0xFFFFFC00, v35;
	v24 =	vmov s17;
	v34 =	vand.u32 $0x7F, v34;
	[tilespmem:v20+s9+$0x0] =	vst.idx.add.f32.msk $0xffff, v3  }
0x7a3: {  	v29 =	vor.u32 v29, v35;
	v20 =	vand.u32 $0x7F, v36  }
0x7a4: {  	v33 =	vand.u32 $0x7F, v33;
	v30 =	vor.u32 v30, v31;
	v34 =	vbroadcast v34, $0x0  }
0x7a5: {  	v31 =	vbroadcast v33, $0x0;
	v30 =	vadd.s32 v2, v30;
	v24 =	vand.u32 $0x7F, v24;
	[tilespmem:v32+s9+$0x0] =	vst.idx.add.f32.msk $0xffff, v3  }
0x7a6: {  	v35 =	vshll.u32 v27, $0x3;
	v32 =	vbroadcast v26, $0x0;
	v26 =	vor.u32 v17, v34;
	v33 =	vld.idx.msk [tilespmem:v15+s12+$0x0], $0xffff  }
0x7a7: {  	v24 =	vbroadcast v24, $0x0;
	v15 =	vbroadcast v20, $0x0;
	v20 =	vand.u32 $0x7F, v37  }
0x7a8: {  	v36 =	vor.u32 v17, v31;
	v37 =	vshll.u32 v37, $0x3;
	v38 =	vor.u32 v17, v32  }
0x7a9: {  	v25 =	vor.u32 v25, v28;
	v40 =	vor.u32 v17, v24;
	v39 =	vor.u32 v17, v15  }
0x7aa: {  	v28 =	vadd.s32 v2, v29;
	v29 =	vand.u32 $0xFFFFFC00, v37;
	v15 =	vor.u32 v18, v15  }
0x7ab: {  	v25 =	vadd.s32 v2, v25;
	v27 =	vand.u32 $0x7F, v27;
	v20 =	vor.u32 v20, v29;
	v37 =	vld.idx.msk [tilespmem:v19+s12+$0x0], $0xffff;
	v19 =	vmovc v40  }
0x7ac: {  	v29 =	vshll.u32 v33, $0x3;
	v40 =	vld.idx.msk [tilespmem:v26+s13+$0x0], $0xffff;
	v26 =	vadd.s32 v5, v20;
	v20 =	vand.u32 $0xFFFFFC00, v35  }
0x7ad: {  	v33 =	vand.u32 $0x7F, v33;
	v29 =	vand.u32 $0xFFFFFC00, v29;
	v35 =	vld.idx.msk [tilespmem:v36+s13+$0x0], $0xffff;
	v20 =	vor.u32 v27, v20  }
0x7ae: {  	v29 =	vor.u32 v33, v29;
	v33 =	vshll.u32 v14, $0x3;
	v27 =	vld.idx.msk [tilespmem:v39+s13+$0x0], $0xffff;
	v36 =	vadd.s32 v5, v20  }
0x7af: {  	v22 =	vand.u32 $0xFFFFFC00, v22;
	v14 =	vand.u32 $0x7F, v14;
	[tilespmem:v28+s9+$0x0] =	vst.idx.add.f32.msk $0xffff, v3;
	v28 =	vand.u32 $0xFFFFFC00, v33  }
0x7b0: {  	v20 =	vadd.s32 v5, v29;
	v33 =	vld.idx.msk [tilespmem:v13+s12+$0x0], $0xffff;
	v13 =	vor.u32 v14, v28;
	v14 =	vor.u32 v23, v22  }
0x7b1: {  	v22 =	vshll.u32 v37, $0x3;
	v29 =	vld.idx.msk [tilespmem:v38+s13+$0x0], $0xffff;
	v38 =	vadd.s32 v5, v13;
	v28 =	vadd.s32 v5, v14  }
0x7b2: {  	v23 =	vand.u32 $0x7F, v37;
	v13 =	vor.u32 v18, v32;
	v22 =	vand.u32 $0xFFFFFC00, v22;
	[tilespmem:v30+s9+$0x0] =	vst.idx.add.f32.msk $0xffff, v3  }
0x7b3: {  	v30 =	vor.u32 v18, v34;
	v22 =	vor.u32 v23, v22;
	v14 =	vld.idx.msk [tilespmem:v16+s12+$0x0], $0xffff;
	v16 =	vor.u32 v18, v31  }
.Ltmp54:
0x7b4: {  	v24 =	vor.u32 v18, v24;
	v23 =	vshll.u32 v27, $0x3;
	v34 =	vadd.s32 v2, v22;
	[tilespmem:v25+s9+$0x0] =	vst.idx.add.f32.msk $0xffff, v3;
	(pc) =	sbr.rel @p2 .LBB2_109-.Ltmp54, $4  }
0x7b5: {  	v22 =	vand.u32 $0x7F, v27;
	v23 =	vand.u32 $0xFFFFFC00, v23;
	v27 =	vld.idx.msk [tilespmem:v12+s12+$0x0], $0xffff;
	v12 =	vmov v30  }
0x7b6: {  	v25 =	vand.u32 $0x7F, v40;
	v32 =	vor.u32 v22, v23;
	v22 =	vshll.u32 v33, $0x3;
	[tilespmem:v36+s9+$0x0] =	vst.idx.add.f32.msk $0xffff, v3  }
0x7b7: {  	v31 =	vshll.u32 v35, $0x3;
	v23 =	vand.u32 $0x7F, v33;
	v36 =	vshll.u32 v40, $0x3;
	[tilespmem:v28+s9+$0x0] =	vst.idx.add.f32.msk $0xffff, v3  }
0x7b8: {  	v30 =	vand.u32 $0x7F, v35;
	v32 =	vadd.s32 v2, v32;
	v28 =	vand.u32 $0xFFFFFC00, v36;
	[tilespmem:v38+s9+$0x0] =	vst.idx.add.f32.msk $0xffff, v3  }
0x7b9: {  	s14 =	smov.u32 s12;
	v17 =	vmov v21;
	s12 =	smov.u32 s13  }
.LBB2_111:
0x7ba: {  	_ =	sdelay $0x3  }
0x7bb: {  	v18 =	vld.idx.msk [tilespmem:v19+s12+$0x0], $0xffff  }
0x7bc: {  	v19 =	vshll.u32 v29, $0x3  }
0x7bd: {  	v21 =	vand.u32 $0x7F, v29;
	v19 =	vand.u32 $0xFFFFFC00, v19  }
0x7be: {  	[tilespmem:v34+s9+$0x0] =	vst.idx.add.f32.msk @p1 $0xffff, v3;
	v19 =	vor.u32 v21, v19  }
0x7bf: {  	v17 =	vld.idx.msk @p1 [tilespmem:v17+s14+$0x0], $0xffff;
	v21 =	vor.u32 v25, v28;
	v19 =	vadd.s32 v2, v19  }
0x7c0: {  	[tilespmem:v32+s9+$0x0] =	vst.idx.add.f32.msk $0xffff, v3;
	v21 =	vadd.s32 v2, v21;
	v25 =	vshll.u32 v18, $0x3  }
0x7c1: {  	v15 =	vld.idx.msk [tilespmem:v15+s12+$0x0], $0xffff;
	v18 =	vand.u32 $0x7F, v18;
	v25 =	vand.u32 $0xFFFFFC00, v25  }
0x7c2: {  	v18 =	vor.u32 v18, v25  }
0x7c3: {  	v22 =	vand.u32 @p1 $0xFFFFFC00, v22;
	v25 =	vand.u32 $0xFFFFFC00, v31;
	v18 =	vadd.s32 v2, v18  }
0x7c4: {  	v28 =	vshll.u32 @p1 v17, $0x3;
	v17 =	vand.u32 @p1 $0x7F, v17;
	v25 =	vor.u32 v30, v25;
	[tilespmem:v19+s9+$0x0] =	vst.idx.add.f32.msk $0xffff, v3  }
0x7c5: {  	[tilespmem:v21+s9+$0x0] =	vst.idx.add.f32.msk $0xffff, v3;
	v21 =	vand.u32 @p1 $0x7F, v27;
	v19 =	vadd.s32 v2, v25;
	v25 =	vand.u32 @p1 $0xFFFFFC00, v28  }
0x7c6: {  	v28 =	vshll.u32 @p1 v27, $0x3;
	v12 =	vld.idx.msk [tilespmem:v12+s12+$0x0], $0xffff;
	v17 =	vor.u32 @p1 v17, v25;
	v25 =	vshll.u32 v15, $0x3  }
0x7c7: {  	v13 =	vld.idx.msk [tilespmem:v13+s12+$0x0], $0xffff;
	v15 =	vand.u32 $0x7F, v15;
	v17 =	vadd.s32 @p1 v5, v17;
	v25 =	vand.u32 $0xFFFFFC00, v25  }
0x7c8: {  	v27 =	vand.u32 @p1 $0xFFFFFC00, v28;
	v15 =	vor.u32 v15, v25;
	v17 =	vpsel p1, v17, v0;
	[tilespmem:v18+s9+$0x0] =	vst.idx.add.f32.msk $0xffff, v3  }
0x7c9: {  	v18 =	vor.u32 @p1 v21, v27;
	v21 =	vshll.u32 @p1 v14, $0x3;
	v14 =	vand.u32 @p1 $0x7F, v14;
	v24 =	vld.idx.msk [tilespmem:v24+s12+$0x0], $0xffff  }
0x7ca: {  	v15 =	vadd.s32 v5, v15;
	v21 =	vand.u32 @p1 $0xFFFFFC00, v21;
	[tilespmem:v19+s9+$0x0] =	vst.idx.add.f32.msk $0xffff, v3;
	v18 =	vadd.s32 @p1 v5, v18  }
0x7cb: {  	v19 =	vor.u32 @p1 v23, v22;
	v22 =	vshll.u32 v12, $0x3;
	v12 =	vand.u32 $0x7F, v12;
	v16 =	vld.idx.msk [tilespmem:v16+s12+$0x0], $0xffff  }
0x7cc: {  	v14 =	vor.u32 @p1 v14, v21;
	v19 =	vadd.s32 @p1 v5, v19;
	v22 =	vand.u32 $0xFFFFFC00, v22  }
0x7cd: {  	v21 =	vshll.u32 v13, $0x3;
	v14 =	vadd.s32 @p1 v5, v14;
	v12 =	vor.u32 v12, v22  }
0x7ce: {  	[tilespmem:v20+s9+$0x0] =	vst.idx.add.f32.msk @p1 $0xffff, v3;
	v13 =	vand.u32 $0x7F, v13;
	v20 =	vand.u32 $0xFFFFFC00, v21;
	v12 =	vadd.s32 v5, v12  }
0x7cf: {  	s13 =	sadd.s32 $0x4, s12;
	v13 =	vor.u32 v13, v20;
	v23 =	vand.u32 $0x7F, v24;
	v24 =	vshll.u32 v24, $0x3  }
0x7d0: {  	v20 =	vmov s13;
	[tilespmem:v18+s9+$0x0] =	vst.idx.add.f32.msk @p1 $0xffff, v3;
	v24 =	vand.u32 $0xFFFFFC00, v24;
	v22 =	vshll.u32 v16, $0x3  }
0x7d1: {  	v16 =	vand.u32 $0x7F, v16;
	[tilespmem:v19+s9+$0x0] =	vst.idx.add.f32.msk @p1 $0xffff, v3;
	v19 =	vadd.s32 v5, v13;
	v13 =	vand.u32 $0x7F, v20  }
0x7d2: {  	s29 =	sadd.s32 $0x1, s12;
	v23 =	vor.u32 v23, v24;
	v18 =	vand.u32 $0xFFFFFC00, v22;
	[tilespmem:v14+s9+$0x0] =	vst.idx.add.f32.msk @p1 $0xffff, v3;
	v14 =	vbroadcast v13, $0x0  }
0x7d3: {  	[tilespmem:v17+s9+$0x0] =	vst.idx.add.f32.msk @p1 $0xffff, v3;
	v16 =	vor.u32 v16, v18;
	v18 =	vmov s29;
	v17 =	vadd.s32 v5, v23  }
0x7d4: {  	[tilespmem:v26+s9+$0x0] =	vst.idx.add.f32.msk @p0 $0xffff, v3;
	s30 =	sadd.s32 $0x2, s12;
	v16 =	vadd.s32 v5, v16;
	v13 =	vand.u32 $0x7F, v18;
	v18 =	vor.u32 $0x12000, v0  }
0x7d5: {  	s31 =	sadd.s32 $0x3, s12;
	[tilespmem:v15+s9+$0x0] =	vst.idx.add.f32.msk $0xffff, v3;
	v15 =	vmov s30;
	v13 =	vbroadcast v13, $0x0;
	v20 =	vor.u32 v18, v14  }
0x7d6: {  	v15 =	vand.u32 $0x7F, v15;
	[tilespmem:v12+s9+$0x0] =	vst.idx.add.f32.msk $0xffff, v3;
	v12 =	vmov s31  }
0x7d7: {  	[tilespmem:v19+s9+$0x0] =	vst.idx.add.f32.msk $0xffff, v3;
	v19 =	vand.u32 $0x7F, v12;
	v12 =	vbroadcast v15, $0x0;
	v21 =	vor.u32 v18, v13  }
0x7d8: {  	v15 =	vbroadcast v19, $0x0;
	[tilespmem:v17+s9+$0x0] =	vst.idx.add.f32.msk $0xffff, v3  }
0x7d9: {  	v17 =	vor.u32 v18, v12;
	[tilespmem:v16+s9+$0x0] =	vst.idx.add.f32.msk $0xffff, v3  }
0x7da: {  	v19 =	vor.u32 v18, v15;
	v20 =	vld.idx.msk [tilespmem:v20+s12+$0x0], $0xffff  }
0x7db: {  	v16 =	vmov s12  }
0x7dc: {  	v16 =	vand.u32 $0x7F, v16;
	v21 =	vld.idx.msk [tilespmem:v21+s12+$0x0], $0xffff  }
0x7dd: {  	v16 =	vbroadcast v16, $0x0  }
0x7de: {  	v22 =	vld.idx.msk [tilespmem:v17+s12+$0x0], $0xffff  }
0x7df: {  	p1 =	slt.u32 s12, $0x2D;
	v23 =	vor.u32 v18, v16;
	v19 =	vld.idx.msk [tilespmem:v19+s12+$0x0], $0xffff;
	v17 =	vshll.u32 v20, $0x3  }
.Ltmp55:
0x7e0: {  	v20 =	vand.u32 $0x7F, v20;
	v17 =	vand.u32 $0xFFFFFC00, v17;
	(pc) =	sbr.rel @!p1 .LBB2_112-.Ltmp55, $4  }
0x7e1: {  	v17 =	vor.u32 v20, v17;
	v20 =	vshll.u32 v21, $0x3  }
0x7e2: {  	v35 =	vand.u32 $0x7F, v21;
	v30 =	vadd.s32 v2, v17;
	v17 =	vor.u32 $0x12800, v0  }
0x7e3: {  	v33 =	vand.u32 $0xFFFFFC00, v20;
	v27 =	vand.u32 $0x7F, v22;
	v38 =	vshll.u32 v22, $0x3  }
0x7e4: {  	p2 =	por $0x0, $0x0;
	p0 =	por $0x0, $0x0;
	s13 =	sadd.s32 $0x5, s12;
	v23 =	vld.idx.msk [tilespmem:v23+s12+$0x0], $0xffff;
	v20 =	vor.u32 v17, v16;
	v34 =	vand.u32 $0x7F, v19;
	v41 =	vshll.u32 v19, $0x3  }
0x7e5: {  	s14 =	sadd.s32 $0x4, s13  }
0x7e6: {  	s31 =	sadd.s32 $0x1, s13;
	v19 =	vmov s14  }
0x7e7: {  	s16 =	sadd.s32 $0x3, s13;
	v22 =	vor.u32 v17, v14;
	v21 =	vmov s31;
	v19 =	vand.u32 $0x7F, v19  }
0x7e8: {  	s15 =	sadd.s32 $0x2, s13;
	v25 =	vmov s16;
	v21 =	vand.u32 $0x7F, v21;
	v19 =	vbroadcast v19, $0x0  }
0x7e9: {  	v24 =	vmov s15;
	v25 =	vand.u32 $0x7F, v25;
	v31 =	vbroadcast v21, $0x0  }
0x7ea: {  	v24 =	vand.u32 $0x7F, v24;
	v21 =	vbroadcast v25, $0x0;
	v26 =	vor.u32 v18, v19  }
0x7eb: {  	v32 =	vbroadcast v24, $0x0;
	v29 =	vor.u32 v18, v31  }
0x7ec: {  	v28 =	vmov s13;
	v25 =	vand.u32 $0xFFFFFC00, v41;
	v24 =	vor.u32 v18, v21  }
0x7ed: {  	[tilespmem:v30+s9+$0x0] =	vst.idx.add.f32.msk $0xffff, v3;
	v37 =	vand.u32 $0xFFFFFC00, v38;
	v25 =	vor.u32 v34, v25;
	v61 =	vor.u32 v18, v32  }
0x7ee: {  	v33 =	vor.u32 v35, v33;
	v28 =	vand.u32 $0x7F, v28;
	v22 =	vld.idx.msk [tilespmem:v22+s12+$0x0], $0xffff;
	v25 =	vadd.s32 v2, v25  }
0x7ef: {  	v27 =	vor.u32 v27, v37;
	v63 =	vadd.s32 v2, v33;
	v28 =	vbroadcast v28, $0x0;
	v26 =	vld.idx.msk [tilespmem:v26+s12+$0x0], $0xffff  }
0x7f0: {  	v39 =	vadd.s32 v2, v27;
	v30 =	vshll.u32 v23, $0x3;
	v29 =	vld.idx.msk [tilespmem:v29+s12+$0x0], $0xffff  }
0x7f1: {  	v23 =	vand.u32 $0x7F, v23;
	v36 =	vor.u32 v18, v28;
	v30 =	vand.u32 $0xFFFFFC00, v30;
	v24 =	vld.idx.msk [tilespmem:v24+s12+$0x0], $0xffff  }
0x7f2: {  	v23 =	vor.u32 v23, v30;
	v30 =	vor.u32 v17, v15;
	v34 =	vld.idx.msk [tilespmem:v61+s12+$0x0], $0xffff  }
0x7f3: {  	v62 =	vadd.s32 v2, v23;
	[tilespmem:v25+s9+$0x0] =	vst.idx.add.f32.msk $0xffff, v3;
	v25 =	vand.u32 $0x7F, v22;
	v22 =	vshll.u32 v22, $0x3  }
0x7f4: {  	v40 =	vor.u32 v17, v13;
	p3 =	slt.u32 s13, $0x2D;
	v37 =	vor.u32 v17, v12;
	[tilespmem:v63+s9+$0x0] =	vst.idx.add.f32.msk $0xffff, v3;
	v22 =	vand.u32 $0xFFFFFC00, v22  }
.Ltmp56:
0x7f5: {  	v42 =	vor.u32 v17, v28;
	[tilespmem:v39+s9+$0x0] =	vst.idx.add.f32.msk $0xffff, v3;
	v25 =	vor.u32 v25, v22;
	v27 =	vshll.u32 v26, $0x3;
	(pc) =	sbr.rel @!p3 .LBB2_114-.Ltmp56, $4  }
0x7f6: {  	v23 =	vld.idx.msk [tilespmem:v36+s12+$0x0], $0xffff;
	v25 =	vadd.s32 v5, v25;
	v26 =	vand.u32 $0x7F, v26;
	v27 =	vand.u32 $0xFFFFFC00, v27  }
0x7f7: {  	v22 =	vld.idx.msk [tilespmem:v30+s12+$0x0], $0xffff;
	v35 =	vand.u32 $0x7F, v29;
	v38 =	vshll.u32 v34, $0x3;
	v26 =	vor.u32 v26, v27  }
0x7f8: {  	[tilespmem:v62+s9+$0x0] =	vst.idx.add.f32.msk $0xffff, v3;
	v41 =	vshll.u32 v24, $0x3;
	v27 =	vshll.u32 v29, $0x3;
	v30 =	vadd.s32 v2, v26  }
0x7f9: {  	p2 =	por $0x1, $0x1;
	s14 =	sadd.s32 $0x5, s13;
	v33 =	vand.u32 $0xFFFFFC00, v27;
	v27 =	vand.u32 $0x7F, v34;
	v34 =	vand.u32 $0x7F, v24;
	v24 =	vld.idx.msk [tilespmem:v20+s12+$0x0], $0xffff  }
0x7fa: {  	v20 =	vmov s14;
	v26 =	vor.u32 v17, v19;
	v38 =	vand.u32 $0xFFFFFC00, v38  }
0x7fb: {  	s15 =	sadd.s32 $0x1, s14;
	s16 =	sadd.s32 $0x2, s14;
	v39 =	vor.u32 v17, v21;
	v33 =	vor.u32 v35, v33;
	v62 =	vand.u32 $0xFFFFFC00, v41  }
0x7fc: {  	s30 =	sadd.s32 $0x3, s14;
	v36 =	vand.u32 $0x7F, v23;
	v19 =	vmov s15;
	v28 =	vmov s16  }
0x7fd: {  	v21 =	vmov s30;
	v20 =	vand.u32 $0x7F, v20;
	v23 =	vshll.u32 v23, $0x3  }
0x7fe: {  	s31 =	sadd.s32 $0x4, s14;
	v27 =	vor.u32 v27, v38;
	v47 =	vadd.s32 v2, v33;
	v54 =	vor.u32 v34, v62  }
0x7ff: {  	v29 =	vand.u32 $0x7F, v19;
	v19 =	vmov s31;
	v28 =	vand.u32 $0x7F, v28  }
0x800: {  	v21 =	vand.u32 $0x7F, v21;
	v44 =	vand.u32 $0x7F, v22;
	v20 =	vbroadcast v20, $0x0  }
0x801: {  	v33 =	vadd.s32 v2, v54;
	v48 =	vadd.s32 v2, v27;
	v22 =	vshll.u32 v22, $0x3  }
0x802: {  	v40 =	vld.idx.msk [tilespmem:v40+s12+$0x0], $0xffff;
	v19 =	vand.u32 $0x7F, v19;
	v28 =	vbroadcast v28, $0x0;
	v29 =	vbroadcast v29, $0x0  }
0x803: {  	v37 =	vld.idx.msk [tilespmem:v37+s12+$0x0], $0xffff;
	v23 =	vand.u32 $0xFFFFFC00, v23;
	v21 =	vbroadcast v21, $0x0;
	v19 =	vbroadcast v19, $0x0  }
0x804: {  	[tilespmem:v30+s9+$0x0] =	vst.idx.add.f32.msk $0xffff, v3;
	v22 =	vand.u32 $0xFFFFFC00, v22;
	v23 =	vor.u32 v36, v23;
	v45 =	vor.u32 v18, v29  }
0x805: {  	[tilespmem:v25+s9+$0x0] =	vst.idx.add.f32.msk $0xffff, v3;
	v63 =	vand.u32 $0x7F, v24;
	v53 =	vor.u32 v18, v20;
	v30 =	vor.u32 v18, v19  }
0x806: {  	v22 =	vor.u32 v44, v22;
	v60 =	vadd.s32 v2, v23;
	v43 =	vld.idx.msk [tilespmem:v26+s12+$0x0], $0xffff;
	v55 =	vor.u32 v18, v28  }
0x807: {  	v23 =	vshll.u32 v24, $0x3;
	v20 =	vor.u32 v17, v20;
	v46 =	vor.u32 v18, v21;
	[tilespmem:v47+s9+$0x0] =	vst.idx.add.f32.msk $0xffff, v3  }
0x808: {  	v26 =	vshll.u32 v40, $0x3;
	v52 =	vand.u32 $0x7F, v40;
	v27 =	vand.u32 $0x7F, v37;
	[tilespmem:v33+s9+$0x0] =	vst.idx.add.f32.msk $0xffff, v3  }
0x809: {  	v56 =	vshll.u32 v37, $0x3;
	v59 =	vadd.s32 v5, v22;
	v62 =	vand.u32 $0xFFFFFC00, v23;
	v57 =	vld.idx.msk [tilespmem:v45+s12+$0x0], $0xffff  }
0x80a: {  	v40 =	vor.u32 v17, v31;
	v37 =	vor.u32 v17, v32;
	v26 =	vand.u32 $0xFFFFFC00, v26;
	v30 =	vld.idx.msk [tilespmem:v30+s12+$0x0], $0xffff  }
0x80b: {  	v35 =	vand.u32 $0xFFFFFC00, v56;
	v34 =	vor.u32 v63, v62;
	v22 =	vshll.u32 v43, $0x3;
	v24 =	vld.idx.msk [tilespmem:v55+s12+$0x0], $0xffff  }
0x80c: {  	v26 =	vor.u32 v52, v26;
	v25 =	vand.u32 $0x7F, v43;
	v58 =	vld.idx.msk [tilespmem:v46+s12+$0x0], $0xffff;
	v22 =	vand.u32 $0xFFFFFC00, v22  }
0x80d: {  	p4 =	slt.u32 s14, $0x2D;
	v36 =	vadd.s32 v5, v34;
	v27 =	vor.u32 v27, v35;
	v23 =	vld.idx.msk [tilespmem:v53+s12+$0x0], $0xffff;
	v25 =	vor.u32 v25, v22  }
.Ltmp57:
0x80e: {  	v26 =	vadd.s32 v5, v26;
	v22 =	vld.idx.msk [tilespmem:v39+s12+$0x0], $0xffff;
	v39 =	vadd.s32 v5, v27;
	v25 =	vadd.s32 v5, v25;
	(pc) =	sbr.rel @!p4 .LBB2_116-.Ltmp57, $4  }
0x80f: {  	[tilespmem:v48+s9+$0x0] =	vst.idx.add.f32.msk $0xffff, v3;
	v63 =	vshll.u32 v57, $0x3;
	v35 =	vand.u32 $0x7F, v57;
	v61 =	vshll.u32 v30, $0x3  }
0x810: {  	[tilespmem:v60+s9+$0x0] =	vst.idx.add.f32.msk $0xffff, v3;
	v27 =	vand.u32 $0x7F, v24;
	v30 =	vand.u32 $0x7F, v30;
	v33 =	vand.u32 $0xFFFFFC00, v61  }
0x811: {  	[tilespmem:v59+s9+$0x0] =	vst.idx.add.f32.msk $0xffff, v3;
	v38 =	vshll.u32 v24, $0x3;
	v34 =	vand.u32 $0x7F, v58;
	v30 =	vor.u32 v30, v33  }
0x812: {  	s14 =	sadd.s32 $0x5, s14;
	p3 =	por $0x1, $0x1;
	v41 =	vshll.u32 v58, $0x3;
	v24 =	vld.idx.msk [tilespmem:v42+s12+$0x0], $0xffff;
	v33 =	vand.u32 $0xFFFFFC00, v63;
	v30 =	vadd.s32 v2, v30  }
.LBB2_117:
0x813: {  	v31 =	vmov s14;
	s15 =	sadd.s32 $0x1, s14;
	s16 =	sadd.s32 $0x2, s14;
	s17 =	sadd.s32 $0x3, s14;
	v32 =	vand.u32 $0x7F, v23;
	v42 =	vor.u32 v17, v19;
	[tilespmem:v39+s9+$0x0] =	vst.idx.add.f32.msk $0xffff, v3  }
0x814: {  	p4 =	slt.u32 s14, $0x2D;
	v38 =	vand.u32 $0xFFFFFC00, v38;
	v19 =	vmov s15;
	v39 =	vmov s16;
	s15 =	sadd.s32 $0x4, s14;
	s14 =	sadd.s32 $0x5, s14;
	[tilespmem:v26+s9+$0x0] =	vst.idx.add.f32.msk $0xffff, v3  }
0x815: {  	v43 =	vor.u32 v17, v21;
	v26 =	vand.u32 $0x7F, v19;
	v19 =	vmov s15;
	v40 =	vld.idx.msk [tilespmem:v40+s12+$0x0], $0xffff  }
0x816: {  	v33 =	vor.u32 v35, v33;
	v21 =	vmov s17;
	v19 =	vand.u32 $0x7F, v19;
	[tilespmem:v36+s9+$0x0] =	vst.idx.add.f32.msk $0xffff, v3  }
0x817: {  	v35 =	vand.u32 $0x7F, v39;
	v36 =	vand.u32 $0xFFFFFC00, v41;
	[tilespmem:v25+s9+$0x0] =	vst.idx.add.f32.msk $0xffff, v3  }
0x818: {  	v21 =	vand.u32 $0x7F, v21;
	v19 =	vbroadcast v19, $0x0;
	v25 =	vand.u32 $0x7F, v24;
	[tilespmem:v30+s9+$0x0] =	vst.idx.add.f32.msk $0xffff, v3  }
0x819: {  	v23 =	vshll.u32 v23, $0x3;
	v30 =	vand.u32 $0x7F, v31;
	v31 =	vbroadcast v35, $0x0;
	v35 =	vld.idx.msk [tilespmem:v42+s12+$0x0], $0xffff  }
0x81a: {  	v39 =	vand.u32 $0x7F, v22;
	v41 =	vbroadcast v26, $0x0;
	v26 =	vor.u32 v18, v19  }
0x81b: {  	v21 =	vbroadcast v21, $0x0;
	v42 =	vbroadcast v30, $0x0;
	v30 =	vshll.u32 v40, $0x3;
	v37 =	vld.idx.msk [tilespmem:v37+s12+$0x0], $0xffff  }
0x81c: {  	v27 =	vor.u32 v27, v38;
	v44 =	vor.u32 v18, v41;
	v38 =	vand.u32 $0x7F, v40  }
0x81d: {  	v45 =	vor.u32 v18, v21;
	v40 =	vor.u32 v18, v42;
	v30 =	vand.u32 $0xFFFFFC00, v30  }
0x81e: {  	v46 =	vadd.s32 v2, v33;
	v33 =	vor.u32 v34, v36;
	v30 =	vor.u32 v38, v30  }
0x81f: {  	v33 =	vadd.s32 v2, v33;
	v34 =	vor.u32 v18, v31;
	v36 =	vld.idx.msk [tilespmem:v26+s12+$0x0], $0xffff;
	v26 =	vadd.s32 v5, v30  }
0x820: {  	v47 =	vadd.s32 v2, v27;
	v22 =	vshll.u32 v22, $0x3;
	v27 =	vand.u32 $0x7F, v35  }
0x821: {  	v22 =	vand.u32 $0xFFFFFC00, v22;
	v30 =	vand.u32 $0x7F, v37;
	v37 =	vshll.u32 v37, $0x3  }
0x822: {  	v23 =	vand.u32 $0xFFFFFC00, v23;
	v22 =	vor.u32 v39, v22;
	v37 =	vand.u32 $0xFFFFFC00, v37;
	v38 =	vld.idx.msk [tilespmem:v44+s12+$0x0], $0xffff  }
0x823: {  	v23 =	vor.u32 v32, v23;
	v32 =	vshll.u32 v35, $0x3;
	v35 =	vadd.s32 v5, v22;
	v44 =	vld.idx.msk [tilespmem:v45+s12+$0x0], $0xffff  }
0x824: {  	v22 =	vand.u32 $0xFFFFFC00, v32;
	v45 =	vadd.s32 v2, v23;
	v23 =	vshll.u32 v24, $0x3;
	[tilespmem:v33+s9+$0x0] =	vst.idx.add.f32.msk $0xffff, v3  }
0x825: {  	v27 =	vor.u32 v27, v22;
	v32 =	vshll.u32 v36, $0x3;
	v22 =	vand.u32 $0xFFFFFC00, v23;
	v24 =	vld.idx.msk [tilespmem:v34+s12+$0x0], $0xffff  }
0x826: {  	v33 =	vand.u32 $0x7F, v36;
	v32 =	vand.u32 $0xFFFFFC00, v32;
	v25 =	vor.u32 v25, v22;
	v23 =	vld.idx.msk [tilespmem:v40+s12+$0x0], $0xffff  }
0x827: {  	v32 =	vor.u32 v33, v32;
	v36 =	vadd.s32 v5, v25;
	v25 =	vor.u32 v30, v37;
	v22 =	vld.idx.msk [tilespmem:v43+s12+$0x0], $0xffff  }
.Ltmp58:
0x828: {  	v33 =	vshll.u32 v38, $0x3;
	v30 =	vadd.s32 v2, v32;
	v39 =	vadd.s32 v5, v25;
	[tilespmem:v35+s9+$0x0] =	vst.idx.add.f32.msk $0xffff, v3;
	(pc) =	sbr.rel @p4 .LBB2_117-.Ltmp58, $4  }
0x829: {  	v40 =	vor.u32 v17, v29;
	v29 =	vmov v41;
	v25 =	vadd.s32 v5, v27;
	[tilespmem:v45+s9+$0x0] =	vst.idx.add.f32.msk $0xffff, v3  }
0x82a: {  	v37 =	vor.u32 v17, v28;
	v28 =	vmov v31;
	v33 =	vand.u32 $0xFFFFFC00, v33;
	[tilespmem:v46+s9+$0x0] =	vst.idx.add.f32.msk $0xffff, v3  }
0x82b: {  	v35 =	vand.u32 $0x7F, v38;
	v27 =	vand.u32 $0x7F, v24;
	v38 =	vshll.u32 v24, $0x3;
	[tilespmem:v47+s9+$0x0] =	vst.idx.add.f32.msk $0xffff, v3  }
0x82c: {  	v34 =	vand.u32 $0x7F, v44;
	v41 =	vshll.u32 v44, $0x3;
	v24 =	vld.idx.msk [tilespmem:v20+s12+$0x0], $0xffff;
	v20 =	vor.u32 v17, v42  }
0x82d: {  	v31 =	vmov v29;
	v32 =	vmov v28  }
.LBB2_119:
0x82e: {  	_ = 	snop  }
0x82f: {  	v18 =	vor.u32 v17, v19;
	v19 =	vand.u32 $0xFFFFFC00, v41  }
0x830: {  	v28 =	vshll.u32 v23, $0x3;
	v19 =	vor.u32 v34, v19  }
0x831: {  	v23 =	vand.u32 $0x7F, v23;
	v28 =	vand.u32 $0xFFFFFC00, v28;
	v19 =	vadd.s32 v2, v19  }
0x832: {  	v29 =	vld.idx.msk @p2 [tilespmem:v40+s12+$0x0], $0xffff;
	v21 =	vor.u32 v17, v21;
	v23 =	vor.u32 v23, v28  }
0x833: {  	v33 =	vor.u32 v35, v33;
	[tilespmem:v30+s9+$0x0] =	vst.idx.add.f32.msk $0xffff, v3;
	v28 =	vand.u32 $0xFFFFFC00, v38;
	v23 =	vadd.s32 v2, v23  }
0x834: {  	v30 =	vld.idx.msk @p2 [tilespmem:v37+s12+$0x0], $0xffff;
	v27 =	vor.u32 v27, v28;
	v28 =	vadd.s32 v2, v33  }
0x835: {  	v27 =	vadd.s32 v2, v27;
	v18 =	vld.idx.msk [tilespmem:v18+s12+$0x0], $0xffff  }
0x836: {  	v33 =	vand.u32 @p2 $0x7F, v24;
	v24 =	vshll.u32 @p2 v24, $0x3;
	[tilespmem:v19+s9+$0x0] =	vst.idx.add.f32.msk $0xffff, v3  }
0x837: {  	v31 =	vor.u32 v17, v31;
	v17 =	vor.u32 v17, v32;
	v24 =	vand.u32 @p2 $0xFFFFFC00, v24;
	v21 =	vld.idx.msk [tilespmem:v21+s12+$0x0], $0xffff  }
0x838: {  	v34 =	vshll.u32 @p2 v29, $0x3;
	v24 =	vor.u32 @p2 v33, v24;
	v19 =	vand.u32 @p2 $0x7F, v29;
	[tilespmem:v23+s9+$0x0] =	vst.idx.add.f32.msk $0xffff, v3  }
0x839: {  	v29 =	vand.u32 @p2 $0xFFFFFC00, v34;
	v34 =	vand.u32 @p2 $0x7F, v22;
	v22 =	vshll.u32 @p2 v22, $0x3;
	[tilespmem:v28+s9+$0x0] =	vst.idx.add.f32.msk $0xffff, v3  }
0x83a: {  	v19 =	vor.u32 @p2 v19, v29;
	v28 =	vand.u32 @p2 $0x7F, v30;
	v29 =	vshll.u32 @p2 v30, $0x3;
	[tilespmem:v27+s9+$0x0] =	vst.idx.add.f32.msk $0xffff, v3  }
0x83b: {  	v22 =	vand.u32 @p2 $0xFFFFFC00, v22;
	v19 =	vadd.s32 @p2 v5, v19;
	v27 =	vand.u32 @p2 $0xFFFFFC00, v29;
	v20 =	vld.idx.msk [tilespmem:v20+s12+$0x0], $0xffff  }
0x83c: {  	v22 =	vor.u32 @p2 v34, v22;
	v29 =	vld.idx.msk [tilespmem:v31+s12+$0x0], $0xffff;
	v23 =	vand.u32 $0x7F, v18;
	v18 =	vshll.u32 v18, $0x3  }
0x83d: {  	v22 =	vadd.s32 @p2 v5, v22;
	v27 =	vor.u32 @p2 v28, v27;
	v17 =	vld.idx.msk [tilespmem:v17+s12+$0x0], $0xffff;
	v18 =	vand.u32 $0xFFFFFC00, v18  }
0x83e: {  	v18 =	vor.u32 v23, v18;
	v23 =	vadd.s32 @p2 v5, v24;
	v24 =	vadd.s32 @p2 v5, v27  }
0x83f: {  	v19 =	vpsel p2, v19, v0;
	v27 =	vadd.s32 v5, v18;
	v18 =	vpsel p2, v24, v0  }
0x840: {  	[tilespmem:v39+s9+$0x0] =	vst.idx.add.f32.msk @p3 $0xffff, v3;
	v23 =	vpsel p2, v23, v0;
	v28 =	vand.u32 $0x7F, v21;
	v21 =	vshll.u32 v21, $0x3  }
0x841: {  	[tilespmem:v26+s9+$0x0] =	vst.idx.add.f32.msk @p3 $0xffff, v3;
	v24 =	vand.u32 $0x7F, v20;
	v26 =	vshll.u32 v29, $0x3;
	v29 =	vand.u32 $0x7F, v29  }
0x842: {  	[tilespmem:v36+s9+$0x0] =	vst.idx.add.f32.msk @p3 $0xffff, v3;
	v21 =	vand.u32 $0xFFFFFC00, v21;
	v20 =	vshll.u32 v20, $0x3;
	v30 =	vshll.u32 v17, $0x3  }
0x843: {  	[tilespmem:v25+s9+$0x0] =	vst.idx.add.f32.msk @p2 $0xffff, v3;
	v17 =	vand.u32 $0x7F, v17;
	v21 =	vor.u32 v28, v21;
	v25 =	vand.u32 $0xFFFFFC00, v30  }
0x844: {  	v26 =	vand.u32 $0xFFFFFC00, v26;
	[tilespmem:v22+s9+$0x0] =	vst.idx.add.f32.msk @p2 $0xffff, v3;
	v21 =	vadd.s32 v5, v21;
	v17 =	vor.u32 v17, v25  }
0x845: {  	v20 =	vand.u32 $0xFFFFFC00, v20;
	[tilespmem:v18+s9+$0x0] =	vst.idx.add.f32.msk @p2 $0xffff, v3;
	v18 =	vor.u32 v29, v26;
	v17 =	vadd.s32 v5, v17  }
0x846: {  	[tilespmem:v19+s9+$0x0] =	vst.idx.add.f32.msk @p2 $0xffff, v3;
	v19 =	vadd.s32 v5, v18;
	v18 =	vor.u32 v24, v20  }
0x847: {  	[tilespmem:v23+s9+$0x0] =	vst.idx.add.f32.msk @p2 $0xffff, v3;
	v20 =	vadd.s32 v5, v18;
	v18 =	vor.u32 $0x13000, v0  }
0x848: {  	[tilespmem:v27+s9+$0x0] =	vst.idx.add.f32.msk $0xffff, v3;
	v22 =	vor.u32 v18, v14  }
0x849: {  	[tilespmem:v21+s9+$0x0] =	vst.idx.add.f32.msk $0xffff, v3  }
0x84a: {  	[tilespmem:v17+s9+$0x0] =	vst.idx.add.f32.msk $0xffff, v3;
	v17 =	vor.u32 v18, v13  }
0x84b: {  	[tilespmem:v19+s9+$0x0] =	vst.idx.add.f32.msk $0xffff, v3  }
0x84c: {  	v19 =	vor.u32 v18, v12;
	[tilespmem:v20+s9+$0x0] =	vst.idx.add.f32.msk $0xffff, v3  }
0x84d: {  	v20 =	vor.u32 v18, v15;
	v21 =	vld.idx.msk [tilespmem:v22+s2+$0x0], $0xffff;
	_ =	sdelay $0x1  }
0x84e: {  	v22 =	vld.idx.msk [tilespmem:v17+s2+$0x0], $0xffff;
	_ =	sdelay $0x1  }
0x84f: {  	v19 =	vld.idx.msk [tilespmem:v19+s2+$0x0], $0xffff  }
0x850: {  	v23 =	vor.u32 v18, v16;
	v28 =	vld.idx.msk [tilespmem:v20+s2+$0x0], $0xffff;
	v17 =	vshll.u32 v21, $0x3  }
.Ltmp59:
0x851: {  	v20 =	vand.u32 $0x7F, v21;
	v17 =	vand.u32 $0xFFFFFC00, v17;
	(pc) =	sbr.rel @!p1 .LBB2_120-.Ltmp59, $4  }
0x852: {  	v17 =	vor.u32 v20, v17;
	v20 =	vshll.u32 v22, $0x3  }
0x853: {  	v29 =	vand.u32 $0x7F, v22;
	v25 =	vadd.s32 v2, v17;
	v17 =	vor.u32 $0x13800, v0  }
0x854: {  	v27 =	vand.u32 $0xFFFFFC00, v20;
	v24 =	vand.u32 $0x7F, v19;
	v33 =	vshll.u32 v19, $0x3  }
0x855: {  	v20 =	vld.idx.msk [tilespmem:v23+s2+$0x0], $0xffff;
	v16 =	vor.u32 v17, v16;
	v26 =	vand.u32 $0x7F, v28;
	v37 =	vshll.u32 v28, $0x3  }
0x856: {  	s12 =	sadd.s32 $0x4, s13;
	v21 =	vor.u32 v17, v14;
	v23 =	vor.u32 v17, v15;
	v28 =	vmov s13  }
0x857: {  	s14 =	sadd.s32 $0x2, s13;
	s15 =	sadd.s32 $0x3, s13;
	v30 =	vand.u32 $0xFFFFFC00, v37;
	v27 =	vor.u32 v29, v27;
	v19 =	vmov s12  }
0x858: {  	s31 =	sadd.s32 $0x1, s13;
	v22 =	vmov s14;
	v15 =	vmov s15;
	v14 =	vand.u32 $0x7F, v19  }
0x859: {  	v19 =	vmov s31;
	v15 =	vand.u32 $0x7F, v15;
	v14 =	vbroadcast v14, $0x0  }
0x85a: {  	v22 =	vand.u32 $0x7F, v22;
	v19 =	vand.u32 $0x7F, v19;
	v15 =	vbroadcast v15, $0x0  }
0x85b: {  	v32 =	vbroadcast v22, $0x0;
	v31 =	vbroadcast v19, $0x0;
	v19 =	vor.u32 v18, v14  }
0x85c: {  	[tilespmem:v25+s9+$0x0] =	vst.idx.add.f32.msk $0xffff, v3;
	v28 =	vand.u32 $0x7F, v28;
	v25 =	vor.u32 v26, v30;
	v22 =	vor.u32 v18, v15  }
0x85d: {  	v26 =	vbroadcast v28, $0x0;
	v28 =	vshll.u32 v20, $0x3;
	v21 =	vld.idx.msk [tilespmem:v21+s2+$0x0], $0xffff;
	v30 =	vor.u32 v18, v32  }
0x85e: {  	v29 =	vadd.s32 v2, v27;
	v20 =	vand.u32 $0x7F, v20;
	v28 =	vand.u32 $0xFFFFFC00, v28  }
0x85f: {  	v34 =	vor.u32 v18, v31;
	v20 =	vor.u32 v20, v28;
	v28 =	vand.u32 $0xFFFFFC00, v33  }
0x860: {  	v25 =	vadd.s32 v2, v25;
	v24 =	vor.u32 v24, v28;
	v19 =	vld.idx.msk [tilespmem:v19+s2+$0x0], $0xffff  }
0x861: {  	v35 =	vor.u32 v18, v26;
	v63 =	vadd.s32 v2, v24;
	v28 =	vld.idx.msk [tilespmem:v22+s2+$0x0], $0xffff  }
0x862: {  	v22 =	vadd.s32 v2, v20;
	v24 =	vand.u32 $0x7F, v21;
	v20 =	vshll.u32 v21, $0x3;
	v21 =	vld.idx.msk [tilespmem:v30+s2+$0x0], $0xffff  }
0x863: {  	[tilespmem:v29+s9+$0x0] =	vst.idx.add.f32.msk $0xffff, v3  }
0x864: {  	v62 =	vld.idx.msk [tilespmem:v34+s2+$0x0], $0xffff  }
0x865: {  	p2 =	slt.u32 s13, $0x2D;
	v36 =	vor.u32 v17, v26;
	[tilespmem:v25+s9+$0x0] =	vst.idx.add.f32.msk $0xffff, v3;
	v30 =	vor.u32 v17, v12;
	v27 =	vand.u32 $0xFFFFFC00, v20  }
.Ltmp60:
0x866: {  	v20 =	vld.idx.msk [tilespmem:v35+s2+$0x0], $0xffff;
	v35 =	vor.u32 v17, v13;
	v24 =	vor.u32 v24, v27;
	v25 =	vshll.u32 v19, $0x3;
	(pc) =	sbr.rel @!p2 .LBB2_122-.Ltmp60, $4  }
0x867: {  	v19 =	vand.u32 $0x7F, v19;
	[tilespmem:v22+s9+$0x0] =	vst.idx.add.f32.msk $0xffff, v3;
	v22 =	vadd.s32 v5, v24;
	v24 =	vand.u32 $0x7F, v21  }
0x868: {  	[tilespmem:v63+s9+$0x0] =	vst.idx.add.f32.msk $0xffff, v3;
	v33 =	vshll.u32 v21, $0x3;
	v26 =	vand.u32 $0x7F, v28;
	v25 =	vand.u32 $0xFFFFFC00, v25  }
0x869: {  	v37 =	vshll.u32 v28, $0x3;
	v25 =	vor.u32 v19, v25;
	v19 =	vld.idx.msk [tilespmem:v23+s2+$0x0], $0xffff;
	v23 =	vshll.u32 v62, $0x3  }
0x86a: {  	p1 =	por $0x1, $0x1;
	s12 =	sadd.s32 $0x5, s13;
	v29 =	vand.u32 $0x7F, v62;
	v21 =	vld.idx.msk [tilespmem:v16+s2+$0x0], $0xffff;
	v25 =	vadd.s32 v2, v25;
	v27 =	vand.u32 $0xFFFFFC00, v23  }
0x86b: {  	v12 =	vmov s12;
	v16 =	vand.u32 $0x7F, v20;
	v23 =	vor.u32 v17, v14  }
0x86c: {  	s13 =	sadd.s32 $0x1, s12;
	v28 =	vand.u32 $0xFFFFFC00, v33;
	v34 =	vor.u32 v17, v15;
	v27 =	vor.u32 v29, v27  }
0x86d: {  	s14 =	sadd.s32 $0x2, s12;
	s30 =	sadd.s32 $0x3, s12;
	s31 =	sadd.s32 $0x4, s12;
	v37 =	vand.u32 $0xFFFFFC00, v37;
	v20 =	vshll.u32 v20, $0x3;
	v13 =	vmov s13  }
0x86e: {  	v14 =	vmov s14;
	v58 =	vmov s31;
	v15 =	vmov s30  }
0x86f: {  	v38 =	vand.u32 $0x7F, v12;
	v24 =	vor.u32 v24, v28;
	v42 =	vadd.s32 v2, v27  }
0x870: {  	v26 =	vor.u32 v26, v37;
	v20 =	vand.u32 $0xFFFFFC00, v20;
	v13 =	vand.u32 $0x7F, v13  }
0x871: {  	v33 =	vand.u32 $0x7F, v58;
	v29 =	vand.u32 $0x7F, v14;
	v15 =	vand.u32 $0x7F, v15  }
0x872: {  	v38 =	vbroadcast v38, $0x0;
	v26 =	vadd.s32 v2, v26;
	v61 =	vadd.s32 v2, v24  }
0x873: {  	v35 =	vld.idx.msk [tilespmem:v35+s2+$0x0], $0xffff;
	v16 =	vor.u32 v16, v20;
	v14 =	vbroadcast v33, $0x0;
	v12 =	vbroadcast v29, $0x0  }
0x874: {  	v30 =	vld.idx.msk [tilespmem:v30+s2+$0x0], $0xffff;
	v13 =	vbroadcast v13, $0x0;
	v39 =	vand.u32 $0x7F, v19;
	v16 =	vadd.s32 v2, v16  }
0x875: {  	[tilespmem:v25+s9+$0x0] =	vst.idx.add.f32.msk $0xffff, v3;
	v15 =	vbroadcast v15, $0x0;
	v19 =	vshll.u32 v19, $0x3;
	v25 =	vor.u32 v18, v14  }
0x876: {  	[tilespmem:v22+s9+$0x0] =	vst.idx.add.f32.msk $0xffff, v3;
	v59 =	vand.u32 $0x7F, v21;
	v60 =	vor.u32 v18, v38;
	v40 =	vor.u32 v18, v13  }
0x877: {  	v19 =	vand.u32 $0xFFFFFC00, v19;
	v20 =	vshll.u32 v21, $0x3;
	v29 =	vld.idx.msk [tilespmem:v23+s2+$0x0], $0xffff;
	v27 =	vor.u32 v18, v12  }
0x878: {  	v23 =	vshll.u32 v35, $0x3;
	v28 =	vand.u32 $0x7F, v35;
	v41 =	vor.u32 v18, v15;
	[tilespmem:v26+s9+$0x0] =	vst.idx.add.f32.msk $0xffff, v3  }
0x879: {  	v24 =	vand.u32 $0x7F, v30;
	v19 =	vor.u32 v39, v19;
	v23 =	vand.u32 $0xFFFFFC00, v23;
	[tilespmem:v16+s9+$0x0] =	vst.idx.add.f32.msk $0xffff, v3  }
0x87a: {  	v35 =	vor.u32 v17, v31;
	v23 =	vor.u32 v28, v23;
	v28 =	vshll.u32 v30, $0x3;
	v25 =	vld.idx.msk [tilespmem:v25+s2+$0x0], $0xffff  }
0x87b: {  	v63 =	vadd.s32 v5, v19;
	v23 =	vadd.s32 v5, v23;
	v30 =	vand.u32 $0xFFFFFC00, v28;
	v40 =	vld.idx.msk [tilespmem:v40+s2+$0x0], $0xffff  }
0x87c: {  	v16 =	vor.u32 v17, v38;
	v24 =	vor.u32 v24, v30;
	v19 =	vshll.u32 v29, $0x3;
	v21 =	vld.idx.msk [tilespmem:v27+s2+$0x0], $0xffff  }
0x87d: {  	v22 =	vand.u32 $0x7F, v29;
	v62 =	vld.idx.msk [tilespmem:v41+s2+$0x0], $0xffff;
	v27 =	vand.u32 $0xFFFFFC00, v20;
	v19 =	vand.u32 $0xFFFFFC00, v19  }
0x87e: {  	p2 =	slt.u32 s12, $0x2D;
	v30 =	vor.u32 v17, v32;
	v20 =	vld.idx.msk [tilespmem:v60+s2+$0x0], $0xffff;
	v27 =	vor.u32 v59, v27;
	v22 =	vor.u32 v22, v19  }
.Ltmp61:
0x87f: {  	v19 =	vld.idx.msk [tilespmem:v34+s2+$0x0], $0xffff;
	v28 =	vadd.s32 v5, v27;
	v34 =	vadd.s32 v5, v24;
	v22 =	vadd.s32 v5, v22;
	(pc) =	sbr.rel @!p2 .LBB2_125-.Ltmp61, $4  }
0x880: {  	[tilespmem:v42+s9+$0x0] =	vst.idx.add.f32.msk $0xffff, v3;
	v26 =	vshll.u32 v25, $0x3;
	v25 =	vand.u32 $0x7F, v25;
	v29 =	vand.u32 $0x7F, v40  }
0x881: {  	[tilespmem:v61+s9+$0x0] =	vst.idx.add.f32.msk $0xffff, v3;
	v24 =	vand.u32 $0x7F, v21;
	v33 =	vshll.u32 v21, $0x3;
	v26 =	vand.u32 $0xFFFFFC00, v26  }
0x882: {  	[tilespmem:v63+s9+$0x0] =	vst.idx.add.f32.msk $0xffff, v3;
	v37 =	vshll.u32 v62, $0x3;
	v25 =	vor.u32 v25, v26;
	v26 =	vshll.u32 v40, $0x3  }
0x883: {  	s12 =	sadd.s32 $0x5, s12;
	p0 =	por $0x1, $0x1;
	v21 =	vld.idx.msk [tilespmem:v36+s2+$0x0], $0xffff;
	v25 =	vadd.s32 v2, v25;
	v27 =	vand.u32 $0xFFFFFC00, v26;
	v26 =	vand.u32 $0x7F, v62  }
.LBB2_124:
0x884: {  	v31 =	vmov s12;
	s13 =	sadd.s32 $0x1, s12;
	s14 =	sadd.s32 $0x2, s12;
	s15 =	sadd.s32 $0x3, s12;
	v32 =	vand.u32 $0x7F, v20;
	v36 =	vor.u32 v17, v14;
	[tilespmem:v34+s9+$0x0] =	vst.idx.add.f32.msk $0xffff, v3  }
0x885: {  	p2 =	slt.u32 s12, $0x2D;
	v33 =	vand.u32 $0xFFFFFC00, v33;
	v14 =	vmov s13;
	v34 =	vmov s14;
	s13 =	sadd.s32 $0x4, s12;
	s12 =	sadd.s32 $0x5, s12;
	[tilespmem:v23+s9+$0x0] =	vst.idx.add.f32.msk $0xffff, v3  }
0x886: {  	v38 =	vor.u32 v17, v15;
	v23 =	vand.u32 $0x7F, v14;
	v14 =	vmov s13;
	v35 =	vld.idx.msk [tilespmem:v35+s2+$0x0], $0xffff  }
0x887: {  	v27 =	vor.u32 v29, v27;
	v15 =	vmov s15;
	v14 =	vand.u32 $0x7F, v14;
	[tilespmem:v28+s9+$0x0] =	vst.idx.add.f32.msk $0xffff, v3  }
0x888: {  	v29 =	vand.u32 $0xFFFFFC00, v37;
	v28 =	vand.u32 $0x7F, v34;
	[tilespmem:v22+s9+$0x0] =	vst.idx.add.f32.msk $0xffff, v3  }
0x889: {  	v15 =	vand.u32 $0x7F, v15;
	v14 =	vbroadcast v14, $0x0;
	v22 =	vand.u32 $0x7F, v21;
	[tilespmem:v25+s9+$0x0] =	vst.idx.add.f32.msk $0xffff, v3  }
0x88a: {  	v20 =	vshll.u32 v20, $0x3;
	v25 =	vand.u32 $0x7F, v31;
	v31 =	vbroadcast v28, $0x0;
	v28 =	vld.idx.msk [tilespmem:v36+s2+$0x0], $0xffff  }
0x88b: {  	v34 =	vand.u32 $0x7F, v19;
	v36 =	vbroadcast v23, $0x0;
	v23 =	vor.u32 v18, v14  }
0x88c: {  	v15 =	vbroadcast v15, $0x0;
	v39 =	vbroadcast v25, $0x0;
	v25 =	vshll.u32 v35, $0x3;
	v30 =	vld.idx.msk [tilespmem:v30+s2+$0x0], $0xffff  }
0x88d: {  	v24 =	vor.u32 v24, v33;
	v33 =	vand.u32 $0x7F, v35;
	v37 =	vor.u32 v18, v36  }
0x88e: {  	v40 =	vor.u32 v18, v15;
	v35 =	vor.u32 v18, v39;
	v25 =	vand.u32 $0xFFFFFC00, v25  }
0x88f: {  	v41 =	vadd.s32 v2, v27;
	v26 =	vor.u32 v26, v29;
	v25 =	vor.u32 v33, v25  }
0x890: {  	v26 =	vadd.s32 v2, v26;
	v27 =	vor.u32 v18, v31;
	v29 =	vld.idx.msk [tilespmem:v23+s2+$0x0], $0xffff;
	v23 =	vadd.s32 v5, v25  }
0x891: {  	v42 =	vadd.s32 v2, v24;
	v19 =	vshll.u32 v19, $0x3;
	v24 =	vand.u32 $0x7F, v28  }
0x892: {  	v19 =	vand.u32 $0xFFFFFC00, v19;
	v25 =	vand.u32 $0x7F, v30;
	v30 =	vshll.u32 v30, $0x3  }
0x893: {  	v20 =	vand.u32 $0xFFFFFC00, v20;
	v19 =	vor.u32 v34, v19;
	v30 =	vand.u32 $0xFFFFFC00, v30;
	v33 =	vld.idx.msk [tilespmem:v37+s2+$0x0], $0xffff  }
0x894: {  	v20 =	vor.u32 v32, v20;
	v32 =	vadd.s32 v5, v19;
	v28 =	vshll.u32 v28, $0x3;
	v37 =	vld.idx.msk [tilespmem:v40+s2+$0x0], $0xffff  }
0x895: {  	v19 =	vand.u32 $0xFFFFFC00, v28;
	v40 =	vadd.s32 v2, v20;
	v20 =	vshll.u32 v21, $0x3;
	[tilespmem:v26+s9+$0x0] =	vst.idx.add.f32.msk $0xffff, v3  }
0x896: {  	v24 =	vor.u32 v24, v19;
	v26 =	vshll.u32 v29, $0x3;
	v19 =	vand.u32 $0xFFFFFC00, v20;
	v21 =	vld.idx.msk [tilespmem:v27+s2+$0x0], $0xffff  }
0x897: {  	v27 =	vand.u32 $0x7F, v29;
	v26 =	vand.u32 $0xFFFFFC00, v26;
	v22 =	vor.u32 v22, v19;
	v20 =	vld.idx.msk [tilespmem:v35+s2+$0x0], $0xffff  }
0x898: {  	v26 =	vor.u32 v27, v26;
	v28 =	vadd.s32 v5, v22;
	v22 =	vor.u32 v25, v30;
	v19 =	vld.idx.msk [tilespmem:v38+s2+$0x0], $0xffff  }
.Ltmp62:
0x899: {  	v27 =	vshll.u32 v33, $0x3;
	v25 =	vadd.s32 v2, v26;
	v34 =	vadd.s32 v5, v22;
	[tilespmem:v32+s9+$0x0] =	vst.idx.add.f32.msk $0xffff, v3;
	(pc) =	sbr.rel @p2 .LBB2_124-.Ltmp62, $4  }
0x89a: {  	v35 =	vor.u32 v17, v13;
	v13 =	vmov v36;
	v22 =	vadd.s32 v5, v24;
	[tilespmem:v40+s9+$0x0] =	vst.idx.add.f32.msk $0xffff, v3  }
0x89b: {  	v30 =	vor.u32 v17, v12;
	v12 =	vmov v31;
	v27 =	vand.u32 $0xFFFFFC00, v27;
	[tilespmem:v41+s9+$0x0] =	vst.idx.add.f32.msk $0xffff, v3  }
0x89c: {  	v29 =	vand.u32 $0x7F, v33;
	v24 =	vand.u32 $0x7F, v21;
	v33 =	vshll.u32 v21, $0x3;
	[tilespmem:v42+s9+$0x0] =	vst.idx.add.f32.msk $0xffff, v3  }
0x89d: {  	v26 =	vand.u32 $0x7F, v37;
	v37 =	vshll.u32 v37, $0x3;
	v21 =	vld.idx.msk [tilespmem:v16+s2+$0x0], $0xffff;
	v16 =	vor.u32 v17, v39  }
.LBB2_125:
0x89e: {  	_ =	sdelay $0x1  }
0x89f: {  	v14 =	vor.u32 v17, v14;
	v18 =	vand.u32 $0xFFFFFC00, v37;
	v27 =	vor.u32 v29, v27  }
0x8a0: {  	v56 =	vand.u32 $0xFFFFFC00, v33;
	v18 =	vor.u32 v26, v18;
	v57 =	vadd.s32 v2, v27  }
0x8a1: {  	v26 =	vld.idx.msk @p1 [tilespmem:v35+s2+$0x0], $0xffff;
	v24 =	vor.u32 v24, v56;
	v18 =	vadd.s32 v2, v18  }
0x8a2: {  	v31 =	vshll.u32 v20, $0x3;
	v27 =	vld.idx.msk @p1 [tilespmem:v30+s2+$0x0], $0xffff;
	v24 =	vadd.s32 v2, v24  }
0x8a3: {  	v55 =	vand.u32 $0x7F, v20;
	[tilespmem:v25+s9+$0x0] =	vst.idx.add.f32.msk $0xffff, v3;
	v13 =	vor.u32 v17, v13;
	v31 =	vand.u32 $0xFFFFFC00, v31  }
0x8a4: {  	v15 =	vor.u32 v17, v15;
	v20 =	vor.u32 v55, v31;
	v14 =	vld.idx.msk [tilespmem:v14+s2+$0x0], $0xffff  }
0x8a5: {  	v20 =	vadd.s32 v2, v20;
	v29 =	vand.u32 @p1 $0x7F, v21;
	v21 =	vshll.u32 @p1 v21, $0x3;
	[tilespmem:v57+s9+$0x0] =	vst.idx.add.f32.msk $0xffff, v3  }
0x8a6: {  	v12 =	vor.u32 v17, v12;
	v21 =	vand.u32 @p1 $0xFFFFFC00, v21;
	[tilespmem:v18+s9+$0x0] =	vst.idx.add.f32.msk $0xffff, v3  }
0x8a7: {  	v30 =	vshll.u32 @p1 v26, $0x3;
	v25 =	vshll.u32 @p1 v27, $0x3;
	v21 =	vor.u32 @p1 v29, v21;
	[tilespmem:v24+s9+$0x0] =	vst.idx.add.f32.msk $0xffff, v3  }
0x8a8: {  	v18 =	vand.u32 @p1 $0x7F, v26;
	v26 =	vand.u32 @p1 $0xFFFFFC00, v30;
	v30 =	vand.u32 @p1 $0x7F, v19;
	v13 =	vld.idx.msk [tilespmem:v13+s2+$0x0], $0xffff  }
0x8a9: {  	v19 =	vshll.u32 @p1 v19, $0x3;
	v24 =	vand.u32 @p1 $0xFFFFFC00, v25;
	v15 =	vld.idx.msk [tilespmem:v15+s2+$0x0], $0xffff;
	v18 =	vor.u32 @p1 v18, v26  }
0x8aa: {  	[tilespmem:v20+s9+$0x0] =	vst.idx.add.f32.msk $0xffff, v3;
	v20 =	vand.u32 @p1 $0x7F, v27;
	v19 =	vand.u32 @p1 $0xFFFFFC00, v19;
	v17 =	vadd.s32 @p1 v5, v18  }
0x8ab: {  	v12 =	vld.idx.msk [tilespmem:v12+s2+$0x0], $0xffff;
	v19 =	vor.u32 @p1 v30, v19;
	v20 =	vor.u32 @p1 v20, v24;
	v18 =	vadd.s32 @p1 v5, v21  }
0x8ac: {  	v16 =	vld.idx.msk [tilespmem:v16+s2+$0x0], $0xffff;
	v58 =	vand.u32 $0x7F, v14;
	v14 =	vshll.u32 v14, $0x3;
	v19 =	vadd.s32 @p1 v5, v19  }
0x8ad: {  	v20 =	vadd.s32 @p1 v5, v20;
	v17 =	vpsel p1, v17, v0;
	v14 =	vand.u32 $0xFFFFFC00, v14  }
0x8ae: {  	v18 =	vpsel p1, v18, v0;
	v20 =	vpsel p1, v20, v0;
	v14 =	vor.u32 v58, v14  }
0x8af: {  	[tilespmem:v34+s9+$0x0] =	vst.idx.add.f32.msk @p0 $0xffff, v3;
	v61 =	vshll.u32 v13, $0x3;
	v13 =	vand.u32 $0x7F, v13;
	v14 =	vadd.s32 v5, v14  }
0x8b0: {  	[tilespmem:v23+s9+$0x0] =	vst.idx.add.f32.msk @p0 $0xffff, v3;
	v60 =	vand.u32 $0x7F, v15;
	v15 =	vshll.u32 v15, $0x3;
	v23 =	vand.u32 $0xFFFFFC00, v61  }
0x8b1: {  	[tilespmem:v28+s9+$0x0] =	vst.idx.add.f32.msk @p0 $0xffff, v3;
	v62 =	vshll.u32 v12, $0x3;
	v12 =	vand.u32 $0x7F, v12;
	v59 =	vand.u32 $0x7F, v16  }
0x8b2: {  	[tilespmem:v22+s9+$0x0] =	vst.idx.add.f32.msk @p1 $0xffff, v3;
	v15 =	vand.u32 $0xFFFFFC00, v15;
	v63 =	vand.u32 $0xFFFFFC00, v62;
	v13 =	vor.u32 v13, v23  }
0x8b3: {  	v16 =	vshll.u32 v16, $0x3;
	v15 =	vor.u32 v60, v15;
	[tilespmem:v19+s9+$0x0] =	vst.idx.add.f32.msk @p1 $0xffff, v3;
	v13 =	vadd.s32 v5, v13  }
0x8b4: {  	v12 =	vor.u32 v12, v63;
	v16 =	vand.u32 $0xFFFFFC00, v16;
	[tilespmem:v17+s9+$0x0] =	vst.idx.add.f32.msk @p1 $0xffff, v3;
	v15 =	vadd.s32 v5, v15  }
0x8b5: {  	[tilespmem:v18+s9+$0x0] =	vst.idx.add.f32.msk @p1 $0xffff, v3;
	v12 =	vadd.s32 v5, v12;
	v16 =	vor.u32 v59, v16  }
0x8b6: {  	[tilespmem:v20+s9+$0x0] =	vst.idx.add.f32.msk @p1 $0xffff, v3;
	v16 =	vadd.s32 v5, v16  }
0x8b7: {  	[tilespmem:v14+s9+$0x0] =	vst.idx.add.f32.msk $0xffff, v3  }
0x8b8: {  	[tilespmem:v13+s9+$0x0] =	vst.idx.add.f32.msk $0xffff, v3  }
0x8b9: {  	[tilespmem:v15+s9+$0x0] =	vst.idx.add.f32.msk $0xffff, v3  }
0x8ba: {  	s11 =	sadd.s32 $0x1, s11;
	[tilespmem:v12+s9+$0x0] =	vst.idx.add.f32.msk $0xffff, v3  }
0x8bb: {  	p0 =	sne.s32 s11, s5;
	[tilespmem:v16+s9+$0x0] =	vst.idx.add.f32.msk $0xffff, v3  }
0x8bc: {  	[hbm4b:s4+s2] =	stream.linear.scatter [tilespmem:s9], [sflag:$0x2], $0x8000, $0x38;
	[tilespmem:$0x1C000] =	vst v63  }
.Ltmp63:
0x8bd: {  	_ = 	snop;
	(pc) =	sbr.rel @p0 .LBB2_1-.Ltmp63, $4  }
.Ltmp64:
0x8be: {  	_ = 	snop;
	(pc) =	sbr.rel @!p0 .LBB2_126-.Ltmp64, $4  }
0x8bf: {  	_ =	swait.ge [sflag:s10], $0x8000  }
0x8c0: {  	[sflag:s10] =	ssyncset.done $0x0  }
0x8c1: {  	[sflag:s10] =	ssyncadd.s32 $0xFFFF8000  }
0x8c2: {  	_ = 	snop  }
.LBB2_16:
.Ltmp65:
0x8c3: {  	(pc) =	sbr.rel .LBB2_23-.Ltmp65, $2  }
0x8c4: {  	_ =	sdelay $0x2  }
0x8c5: {  	v19 =	vmovc v12;
	v21 =	vmov v14;
	v31 =	vmov v13;
	v32 =	vmov v15;
	p3 =	por $0x0, $0x0  }
.LBB2_24:
.Ltmp66:
0x8c6: {  	(pc) =	sbr.rel .LBB2_31-.Ltmp66, $2  }
0x8c7: {  	_ =	sdelay $0x2  }
0x8c8: {  	p1 =	por $0x0, $0x0  }
.LBB2_32:
.Ltmp67:
0x8c9: {  	(pc) =	sbr.rel .LBB2_39-.Ltmp67, $2  }
0x8ca: {  	_ =	sdelay $0x2  }
0x8cb: {  	v19 =	vmovc v12;
	v21 =	vmov v14;
	v31 =	vmov v13;
	v32 =	vmov v15;
	p3 =	por $0x0, $0x0  }
.LBB2_40:
.Ltmp68:
0x8cc: {  	(pc) =	sbr.rel .LBB2_47-.Ltmp68, $2  }
0x8cd: {  	_ =	sdelay $0x2  }
0x8ce: {  	p1 =	por $0x0, $0x0  }
.LBB2_48:
.Ltmp69:
0x8cf: {  	(pc) =	sbr.rel .LBB2_55-.Ltmp69, $2  }
0x8d0: {  	_ =	sdelay $0x2  }
0x8d1: {  	v19 =	vmovc v12;
	v21 =	vmov v14;
	v31 =	vmov v13;
	v32 =	vmov v15;
	p3 =	por $0x0, $0x0  }
.LBB2_56:
.Ltmp70:
0x8d2: {  	(pc) =	sbr.rel .LBB2_63-.Ltmp70, $2  }
0x8d3: {  	_ =	sdelay $0x2  }
0x8d4: {  	p1 =	por $0x0, $0x0  }
.LBB2_64:
.Ltmp71:
0x8d5: {  	(pc) =	sbr.rel .LBB2_71-.Ltmp71, $2  }
0x8d6: {  	_ =	sdelay $0x2  }
0x8d7: {  	v19 =	vmovc v12;
	v21 =	vmov v14;
	v31 =	vmov v13;
	v32 =	vmov v15;
	p3 =	por $0x0, $0x0  }
.LBB2_72:
.Ltmp72:
0x8d8: {  	(pc) =	sbr.rel .LBB2_79-.Ltmp72, $2  }
0x8d9: {  	_ =	sdelay $0x2  }
0x8da: {  	p1 =	por $0x0, $0x0  }
.LBB2_80:
.Ltmp73:
0x8db: {  	(pc) =	sbr.rel .LBB2_87-.Ltmp73, $2  }
0x8dc: {  	_ =	sdelay $0x2  }
0x8dd: {  	v19 =	vmovc v12;
	v21 =	vmov v14;
	v31 =	vmov v13;
	v32 =	vmov v15;
	p3 =	por $0x0, $0x0  }
.LBB2_88:
.Ltmp74:
0x8de: {  	(pc) =	sbr.rel .LBB2_95-.Ltmp74, $2  }
0x8df: {  	_ =	sdelay $0x2  }
0x8e0: {  	p1 =	por $0x0, $0x0  }
.LBB2_96:
.Ltmp75:
0x8e1: {  	(pc) =	sbr.rel .LBB2_103-.Ltmp75, $2  }
0x8e2: {  	_ =	sdelay $0x2  }
0x8e3: {  	v19 =	vmovc v12;
	v21 =	vmov v14;
	v31 =	vmov v13;
	v32 =	vmov v15;
	p3 =	por $0x0, $0x0  }
.LBB2_104:
.Ltmp76:
0x8e4: {  	(pc) =	sbr.rel .LBB2_111-.Ltmp76, $2  }
0x8e5: {  	_ =	sdelay $0x2  }
0x8e6: {  	p1 =	por $0x0, $0x0  }
.LBB2_112:
.Ltmp77:
0x8e7: {  	(pc) =	sbr.rel .LBB2_119-.Ltmp77, $2  }
0x8e8: {  	_ =	sdelay $0x2  }
0x8e9: {  	v19 =	vmovc v14;
	v21 =	vmov v15;
	v31 =	vmov v13;
	v32 =	vmov v12;
	p3 =	por $0x0, $0x0  }
.LBB2_120:
.Ltmp78:
0x8ea: {  	(pc) =	sbr.rel .LBB2_125-.Ltmp78, $2  }
0x8eb: {  	_ =	sdelay $0x2  }
0x8ec: {  	p1 =	por $0x0, $0x0  }
.LBB2_18:
.Ltmp79:
0x8ed: {  	(pc) =	sbr.rel .LBB2_23-.Ltmp79, $2  }
0x8ee: {  	_ =	sdelay $0x2  }
0x8ef: {  	v20 =	vmov v42;
	p3 =	por $0x0, $0x0  }
.LBB2_26:
.Ltmp80:
0x8f0: {  	(pc) =	sbr.rel .LBB2_31-.Ltmp80, $2  }
0x8f1: {  	_ =	sdelay $0x2  }
0x8f2: {  	v17 =	vmovc v24;
	s14 =	simm.s32 $0x0;
	v24 =	vmovc v21;
	v19 =	vmov v36;
	v16 =	vmov v35;
	v12 =	vmov v33  }
.LBB2_34:
.Ltmp81:
0x8f3: {  	(pc) =	sbr.rel .LBB2_39-.Ltmp81, $2  }
0x8f4: {  	_ =	sdelay $0x2  }
0x8f5: {  	v20 =	vmov v42;
	p3 =	por $0x0, $0x0  }
.LBB2_42:
.Ltmp82:
0x8f6: {  	(pc) =	sbr.rel .LBB2_47-.Ltmp82, $2  }
0x8f7: {  	_ =	sdelay $0x2  }
0x8f8: {  	v17 =	vmovc v24;
	s14 =	simm.s32 $0x0;
	v24 =	vmovc v21;
	v19 =	vmov v36;
	v16 =	vmov v35;
	v12 =	vmov v33  }
.LBB2_50:
.Ltmp83:
0x8f9: {  	(pc) =	sbr.rel .LBB2_55-.Ltmp83, $2  }
0x8fa: {  	_ =	sdelay $0x2  }
0x8fb: {  	v20 =	vmov v42;
	p3 =	por $0x0, $0x0  }
.LBB2_58:
.Ltmp84:
0x8fc: {  	(pc) =	sbr.rel .LBB2_63-.Ltmp84, $2  }
0x8fd: {  	_ =	sdelay $0x2  }
0x8fe: {  	v17 =	vmovc v24;
	s14 =	simm.s32 $0x0;
	v24 =	vmovc v21;
	v19 =	vmov v36;
	v16 =	vmov v35;
	v12 =	vmov v33  }
.LBB2_66:
.Ltmp85:
0x8ff: {  	(pc) =	sbr.rel .LBB2_71-.Ltmp85, $2  }
0x900: {  	_ =	sdelay $0x2  }
0x901: {  	v20 =	vmov v42;
	p3 =	por $0x0, $0x0  }
.LBB2_74:
.Ltmp86:
0x902: {  	(pc) =	sbr.rel .LBB2_79-.Ltmp86, $2  }
0x903: {  	_ =	sdelay $0x2  }
0x904: {  	v17 =	vmovc v24;
	s14 =	simm.s32 $0x0;
	v24 =	vmovc v21;
	v19 =	vmov v36;
	v16 =	vmov v35;
	v12 =	vmov v33  }
.LBB2_82:
.Ltmp87:
0x905: {  	(pc) =	sbr.rel .LBB2_87-.Ltmp87, $2  }
0x906: {  	_ =	sdelay $0x2  }
0x907: {  	v20 =	vmov v42;
	p3 =	por $0x0, $0x0  }
.LBB2_90:
.Ltmp88:
0x908: {  	(pc) =	sbr.rel .LBB2_95-.Ltmp88, $2  }
0x909: {  	_ =	sdelay $0x2  }
0x90a: {  	v17 =	vmovc v24;
	s14 =	simm.s32 $0x0;
	v24 =	vmovc v21;
	v19 =	vmov v36;
	v16 =	vmov v35;
	v12 =	vmov v33  }
.LBB2_98:
.Ltmp89:
0x90b: {  	(pc) =	sbr.rel .LBB2_103-.Ltmp89, $2  }
0x90c: {  	_ =	sdelay $0x2  }
0x90d: {  	v20 =	vmov v42;
	p3 =	por $0x0, $0x0  }
.LBB2_106:
.Ltmp90:
0x90e: {  	(pc) =	sbr.rel .LBB2_111-.Ltmp90, $2  }
0x90f: {  	_ =	sdelay $0x2  }
0x910: {  	v17 =	vmovc v24;
	s14 =	simm.s32 $0x0;
	v24 =	vmovc v21;
	v19 =	vmov v36;
	v16 =	vmov v35;
	v12 =	vmov v33  }
.LBB2_114:
.Ltmp91:
0x911: {  	(pc) =	sbr.rel .LBB2_119-.Ltmp91, $2  }
0x912: {  	_ =	sdelay $0x2  }
0x913: {  	v20 =	vmov v42;
	p3 =	por $0x0, $0x0  }
.LBB2_122:
.Ltmp92:
0x914: {  	(pc) =	sbr.rel .LBB2_125-.Ltmp92, $2  }
0x915: {  	_ =	sdelay $0x2  }
0x916: {  	v13 =	vmov v31;
	v12 =	vmov v32;
	v16 =	vmov v36  }
.LBB2_20:
.Ltmp93:
0x917: {  	(pc) =	sbr.rel .LBB2_23-.Ltmp93, $2  }
0x918: {  	_ =	sdelay $0x2  }
0x919: {  	v31 =	vmov v29;
	v32 =	vmov v28  }
.LBB2_28:
.Ltmp94:
0x91a: {  	(pc) =	sbr.rel .LBB2_31-.Ltmp94, $2  }
0x91b: {  	_ =	sdelay $0x2  }
0x91c: {  	v17 =	vmov v21;
	s14 =	simm.s32 $0x0;
	s12 =	simm.s32 $0x0  }
.LBB2_36:
.Ltmp95:
0x91d: {  	(pc) =	sbr.rel .LBB2_39-.Ltmp95, $2  }
0x91e: {  	_ =	sdelay $0x2  }
0x91f: {  	v31 =	vmov v29;
	v32 =	vmov v28  }
.LBB2_44:
.Ltmp96:
0x920: {  	(pc) =	sbr.rel .LBB2_47-.Ltmp96, $2  }
0x921: {  	_ =	sdelay $0x2  }
0x922: {  	v17 =	vmov v21;
	s14 =	simm.s32 $0x0;
	s12 =	simm.s32 $0x0  }
.LBB2_52:
.Ltmp97:
0x923: {  	(pc) =	sbr.rel .LBB2_55-.Ltmp97, $2  }
0x924: {  	_ =	sdelay $0x2  }
0x925: {  	v31 =	vmov v29;
	v32 =	vmov v28  }
.LBB2_60:
.Ltmp98:
0x926: {  	(pc) =	sbr.rel .LBB2_63-.Ltmp98, $2  }
0x927: {  	_ =	sdelay $0x2  }
0x928: {  	v17 =	vmov v21;
	s14 =	simm.s32 $0x0;
	s12 =	simm.s32 $0x0  }
.LBB2_68:
.Ltmp99:
0x929: {  	(pc) =	sbr.rel .LBB2_71-.Ltmp99, $2  }
0x92a: {  	_ =	sdelay $0x2  }
0x92b: {  	v31 =	vmov v29;
	v32 =	vmov v28  }
.LBB2_76:
.Ltmp100:
0x92c: {  	(pc) =	sbr.rel .LBB2_79-.Ltmp100, $2  }
0x92d: {  	_ =	sdelay $0x2  }
0x92e: {  	v17 =	vmov v21;
	s14 =	simm.s32 $0x0;
	s12 =	simm.s32 $0x0  }
.LBB2_84:
.Ltmp101:
0x92f: {  	(pc) =	sbr.rel .LBB2_87-.Ltmp101, $2  }
0x930: {  	_ =	sdelay $0x2  }
0x931: {  	v31 =	vmov v29;
	v32 =	vmov v28  }
.LBB2_92:
.Ltmp102:
0x932: {  	(pc) =	sbr.rel .LBB2_95-.Ltmp102, $2  }
0x933: {  	_ =	sdelay $0x2  }
0x934: {  	v17 =	vmov v21;
	s14 =	simm.s32 $0x0;
	s12 =	simm.s32 $0x0  }
.LBB2_100:
.Ltmp103:
0x935: {  	(pc) =	sbr.rel .LBB2_103-.Ltmp103, $2  }
0x936: {  	_ =	sdelay $0x2  }
0x937: {  	v31 =	vmov v29;
	v32 =	vmov v28  }
.LBB2_108:
.Ltmp104:
0x938: {  	(pc) =	sbr.rel .LBB2_111-.Ltmp104, $2  }
0x939: {  	_ =	sdelay $0x2  }
0x93a: {  	v17 =	vmov v21;
	s14 =	simm.s32 $0x0;
	s12 =	simm.s32 $0x0  }
.LBB2_116:
.Ltmp105:
0x93b: {  	(pc) =	sbr.rel .LBB2_119-.Ltmp105, $2  }
0x93c: {  	_ =	sdelay $0x2  }
0x93d: {  	v31 =	vmov v29;
	v32 =	vmov v28  }
.LBB2_126:
0x93e: {  	_ =	sfence.sel $0x180000  }
0x93f: {  	[bflag:$0x0] =	sbarrier.arrive $0xFFFF  }
0x940: {  	p0 =	sne.s32 s1, $0x0;
	_ =	strace $0x90000047  }
0x941: {  	s0 =	sadd.s32 @!p0 $0x100000, s0;
	[bflag:$0x2] =	sbarrier.arrive $0xFFFF  }
0x942: {  	[sflag:s0] =	ssyncadd.tile.s32 @!p0 $0x1;
	_ =	shalt  }
.Lfunc_end2:
_tile_overlayer_lowered:
.L_overlay_start_2:
0x943: {  	(tag) =	ssettag $0x2  }
0x944: {  	s0 =	rddreg [dreg:$0x0];
	s2 =	stileid.u32  }
0x945: {  	s1 =	rddreg [dreg:$0x1];
	p0 =	sne.s32 s2, $0x0  }
0x946: {  	s3 =	rddreg [dreg:$0x2];
	[bflag:$0x3] =	sbarrier.arrive $0xFFFF;
	s2 =	simm.s32 @!p0 $0x1C02  }
0x947: {  	[timem:s3], [sflag:s2] =	dma.local @!p0 [hbm:s0], s1  }
0x948: {  	s0 =	simm.s32 @!p0 $0x2  }
0x949: {  	_ =	swait.ge @!p0 [sflag:s0], s1  }
0x94a: {  	s1 =	ssub.s32 @!p0 $0x0, s1;
	[sflag:s0] =	ssyncset.done @!p0 $0x0  }
0x94b: {  	[sflag:s0] =	ssyncadd.s32 @!p0 s1  }
0x94c: {  	[bflag:$0x3] =	sbarrier.arrive $0xFFFF  }
0x94d: {  	_ =	shalt  }

</sc_bundles>
